<compile_context>
chip_gen: v7x
topology: tpu7x:2x2x1
jax: 0.10.2.dev20260603
libtpu: 0.0.44.dev20260713+nightly
codegen_flags: <defaults>
</compile_context>

<pallas_src>
import functools

import jax
import jax.numpy as jnp
from jax import lax
from jax.experimental import pallas as pl
from jax.experimental.pallas import tpu as pltpu
from jax.experimental.pallas import tpu_sc as plsc

VOCAB = 100000
D = 1024
BATCH = 4
SEQ = 8192

NC = 2
NS = 16
NW = NC * NS

POS_PER_W = SEQ // NW
CHUNK = 16
NCHUNK = POS_PER_W // CHUNK
NITEM = BATCH * NCHUNK
RING = 5
LOOKAHEAD = 3
LANES = 16
SLICES = D // LANES


def _make_sc_kernel():
    mesh = plsc.VectorSubcoreMesh(core_axis_name="c", subcore_axis_name="s")

    @functools.partial(
        pl.kernel,
        mesh=mesh,
        out_type=jax.ShapeDtypeStruct((BATCH * SEQ, D), jnp.float32),
        scratch_types=[
            pltpu.VMEM((BATCH * NCHUNK, CHUNK), jnp.int32),
            pltpu.VMEM((RING, CHUNK, D), jnp.float32),
            pltpu.VMEM((2, CHUNK, D), jnp.float32),
            pltpu.SemaphoreType.DMA((RING,)),
            pltpu.SemaphoreType.DMA((RING,)),
            pltpu.SemaphoreType.DMA((2,)),
        ],
    )
    def emb_kernel(x2d_hbm, table_hbm, pe_hbm, out_hbm,
                   idx_v, rows_v, pe_v, gsem, ssem, psem):
        wid = lax.axis_index("s") * NC + lax.axis_index("c")
        pos0 = wid * POS_PER_W

        for b in range(BATCH):
            pltpu.sync_copy(
                x2d_hbm.at[pl.ds(b * (SEQ // CHUNK) + wid * NCHUNK, NCHUNK)],
                idx_v.at[pl.ds(b * NCHUNK, NCHUNK)],
            )

        def g_copy(t):
            c, b, slot = t // BATCH, lax.rem(t, BATCH), lax.rem(t, RING)
            return pltpu.make_async_copy(
                table_hbm.at[idx_v.at[b * NCHUNK + c]], rows_v.at[slot],
                gsem.at[slot])

        def s_copy(t):
            c, b, slot = t // BATCH, lax.rem(t, BATCH), lax.rem(t, RING)
            return pltpu.make_async_copy(
                rows_v.at[slot],
                out_hbm.at[pl.ds(b * SEQ + pos0 + c * CHUNK, CHUNK)],
                ssem.at[slot])

        def pe_copy(c):
            return pltpu.make_async_copy(
                pe_hbm.at[pl.ds(pos0 + c * CHUNK, CHUNK)],
                pe_v.at[lax.rem(c, 2)], psem.at[lax.rem(c, 2)])

        pe_copy(0).start()
        for tp in range(LOOKAHEAD):
            g_copy(tp).start()

        def item(t, carry):
            c = t // BATCH
            b = lax.rem(t, BATCH)

            @pl.when(b == 0)
            def _():
                pe_copy(c).wait()

                @pl.when(c < NCHUNK - 1)
                def _():
                    pe_copy(c + 1).start()

            @pl.when(t >= RING - LOOKAHEAD)
            def _():
                s_copy(t - (RING - LOOKAHEAD)).wait()

            @pl.when(t < NITEM - LOOKAHEAD)
            def _():
                g_copy(t + LOOKAHEAD).start()

            g_copy(t).wait()

            slot = lax.rem(t, RING)
            rows_ref = rows_v.at[slot]
            pe_ref = pe_v.at[lax.rem(c, 2)]

            @plsc.parallel_loop(0, CHUNK, 1, unroll=2)
            def _(r):
                for j in range(SLICES):
                    sl = pl.ds(j * LANES, LANES)
                    plsc.addupdate(rows_ref.at[r, sl], pe_ref[r, sl])

            s_copy(t).start()
            return carry

        lax.fori_loop(0, NITEM, item, 0, unroll=False)

        for dt in range(NITEM - (RING - LOOKAHEAD), NITEM):
            s_copy(dt).wait()

    return emb_kernel


_emb_kernel = _make_sc_kernel()


def kernel(x, table, pe):
    x2d = x.reshape(BATCH * SEQ // CHUNK, CHUNK)
    out = _emb_kernel(x2d, table, pe)
    return out.reshape(BATCH, SEQ, D)

# --- scband reference (transcript-rebuilt; emitter-appended) ---
"""Pipeline reference for scband-transformer-embedding-20804821581977 (READ-ONLY COPY).

The authoritative reference and input builder live on the scoring server;
editing this copy changes nothing except your own understanding.
"""

import jax, jax.numpy as jnp
import numpy as np

VOCAB = 100000
D_MODEL = 1024
BATCH = 4
SEQ_LEN = 8192


def _sinusoidal_pe(max_len, d_model):
    pos = np.arange(max_len, dtype=np.float32)[:, None]
    div = np.exp(np.arange(0, d_model, 2, dtype=np.float32) * (-np.log(10000.0) / d_model))
    pe = np.zeros((max_len, d_model), dtype=np.float32)
    pe[:, 0::2] = np.sin(pos * div)
    pe[:, 1::2] = np.cos(pos * div)
    return jnp.asarray(pe)


def setup_inputs(seed: int = 0) -> dict:
    key = jax.random.key(seed)
    k1, k2 = jax.random.split(key)
    x = jax.random.randint(k1, (BATCH, SEQ_LEN), 0, VOCAB, dtype=jnp.int32)
    table = jax.random.normal(k2, (VOCAB, D_MODEL), dtype=jnp.float32)
    pe = _sinusoidal_pe(SEQ_LEN, D_MODEL)
    return {"x": x, "table": table, "pe": pe}


def reference(x, table, pe):
    # nn.Sequential(embedding, positional_encoding):
    # 1) embedding lookup: table[x]  -> [B, S, d_model]
    emb = jnp.take(table, x, axis=0)
    # 2) positional encoding: add sinusoidal PE for positions 0..S-1
    out = emb + pe[: x.shape[1]][None, :, :]
    return out

if __name__ == "__main__":
    import jax
    _d = setup_inputs()
    print(jax.jit(kernel)(*tuple(_d.values())))

</pallas_src>

<mosaic_0001>
#map = affine_map<(d0, d1) -> (0, 0)>
module attributes {stable_mosaic.version = 14 : i64} {
  func.func @emb_kernel(%arg0: i32, %arg1: i32, %arg2: memref<2048x16xi32, #tpu.memory_space<hbm>>, %arg3: memref<100000x1024xf32, #tpu.memory_space<hbm>>, %arg4: memref<8192x1024xf32, #tpu.memory_space<hbm>>, %arg5: memref<32768x1024xf32, #tpu.memory_space<hbm>>, %arg6: memref<64x16xi32, #tpu.memory_space<vmem>>, %arg7: memref<5x16x1024xf32, #tpu.memory_space<vmem>>, %arg8: memref<2x16x1024xf32, #tpu.memory_space<vmem>>, %arg9: memref<5x!tpu.dma_semaphore, #tpu.memory_space<semaphore_mem>>, %arg10: memref<5x!tpu.dma_semaphore, #tpu.memory_space<semaphore_mem>>, %arg11: memref<2x!tpu.dma_semaphore, #tpu.memory_space<semaphore_mem>>) attributes {dimension_semantics = [#tpu.dimension_semantics<core_parallel>, #tpu.dimension_semantics<subcore_parallel>], iteration_bounds = array<i64: 2, 16>, scalar_prefetch = 0 : i64, scratch_operands = 6 : i64, tpu.core_type = #tpu.core_type<sc_vector_subcore>, window_params = [{transform_indices = #map}, {transform_indices = #map}, {transform_indices = #map}, {transform_indices = #map}]} {
    %mul3A = arith.constant 2 : i32
    %mul3A_0 = arith.muli %arg1, %mul3A : i32
    %add3A = arith.addi %mul3A_0, %arg0 : i32
    %mul3A_1 = arith.constant 256 : i32
    %mul3A_2 = arith.muli %add3A, %mul3A_1 : i32
    %mul3A_3 = arith.constant 16 : i32
    %mul3A_4 = arith.muli %add3A, %mul3A_3 : i32
    %add3A_5 = arith.constant 0 : i32
    %add3A_6 = arith.addi %add3A_5, %mul3A_4 : i32
    "tpu.region"() ({
      %run_scoped3A = tpu.sem_alloc : memref<!tpu.dma_semaphore, #tpu.memory_space<semaphore_mem>>
      %dma_start3A_159 = arith.constant 0 : i32
      %dma_start3A_160 = arith.constant 0 : i32
      %dma_start3A_161 = tpu.memref_slice %arg6[%dma_start3A_159, %dma_start3A_160] : memref<64x16xi32, #tpu.memory_space<vmem>> -> memref<16x16xi32, #tpu.memory_space<vmem>>
      %dma_start3A_162 = arith.constant 0 : i32
      %dma_start3A_163 = tpu.memref_slice %arg2[%add3A_6, %dma_start3A_162] : memref<2048x16xi32, #tpu.memory_space<hbm>> -> memref<16x16xi32, #tpu.memory_space<hbm>>
      %dma_start3A_164 = arith.constant 0 : i32
      %dma_start3A_165 = arith.constant 0 : i32
      %dma_start3A_166 = tpu.memref_slice %arg6[%dma_start3A_164, %dma_start3A_165] : memref<64x16xi32, #tpu.memory_space<vmem>> -> memref<16x16xi32, #tpu.memory_space<vmem>>
      %dma_start3A_167 = arith.constant 0 : i32
      %dma_start3A_168 = tpu.memref_slice %arg2[%add3A_6, %dma_start3A_167] : memref<2048x16xi32, #tpu.memory_space<hbm>> -> memref<16x16xi32, #tpu.memory_space<hbm>>
      tpu.enqueue_dma source(%dma_start3A_168 : memref<16x16xi32, #tpu.memory_space<hbm>>) target(%dma_start3A_166 : memref<16x16xi32, #tpu.memory_space<vmem>>) target_semaphore(%run_scoped3A : memref<!tpu.dma_semaphore, #tpu.memory_space<semaphore_mem>>)
      %dma_wait3A_169 = arith.constant 0 : i32
      %dma_wait3A_170 = arith.constant 0 : i32
      %dma_wait3A_171 = tpu.memref_slice %arg6[%dma_wait3A_169, %dma_wait3A_170] : memref<64x16xi32, #tpu.memory_space<vmem>> -> memref<16x16xi32, #tpu.memory_space<vmem>>
      %dma_wait3A_172 = arith.constant 0 : i32
      %dma_wait3A_173 = tpu.memref_slice %arg2[%add3A_6, %dma_wait3A_172] : memref<2048x16xi32, #tpu.memory_space<hbm>> -> memref<16x16xi32, #tpu.memory_space<hbm>>
      %dma_wait3A_174 = arith.constant 0 : i32
      %dma_wait3A_175 = arith.constant 0 : i32
      %dma_wait3A_176 = tpu.memref_slice %arg6[%dma_wait3A_174, %dma_wait3A_175] : memref<64x16xi32, #tpu.memory_space<vmem>> -> memref<16x16xi32, #tpu.memory_space<vmem>>
      %dma_wait3A_177 = arith.constant 0 : i32
      %dma_wait3A_178 = tpu.memref_slice %arg2[%add3A_6, %dma_wait3A_177] : memref<2048x16xi32, #tpu.memory_space<hbm>> -> memref<16x16xi32, #tpu.memory_space<hbm>>
      tpu.wait_dma2 semaphore(%run_scoped3A : memref<!tpu.dma_semaphore, #tpu.memory_space<semaphore_mem>>) src(%dma_wait3A_178 : memref<16x16xi32, #tpu.memory_space<hbm>>) dst(%dma_wait3A_176 : memref<16x16xi32, #tpu.memory_space<vmem>>)
      tpu.yield
    }) : () -> ()
    %mul3A_7 = arith.constant 16 : i32
    %mul3A_8 = arith.muli %add3A, %mul3A_7 : i32
    %add3A_9 = arith.constant 512 : i32
    %add3A_10 = arith.addi %add3A_9, %mul3A_8 : i32
    "tpu.region"() ({
      %run_scoped3A = tpu.sem_alloc : memref<!tpu.dma_semaphore, #tpu.memory_space<semaphore_mem>>
      %dma_start3A_159 = arith.constant 16 : i32
      %dma_start3A_160 = arith.constant 0 : i32
      %dma_start3A_161 = tpu.memref_slice %arg6[%dma_start3A_159, %dma_start3A_160] : memref<64x16xi32, #tpu.memory_space<vmem>> -> memref<16x16xi32, #tpu.memory_space<vmem>>
      %dma_start3A_162 = arith.constant 0 : i32
      %dma_start3A_163 = tpu.memref_slice %arg2[%add3A_10, %dma_start3A_162] : memref<2048x16xi32, #tpu.memory_space<hbm>> -> memref<16x16xi32, #tpu.memory_space<hbm>>
      %dma_start3A_164 = arith.constant 16 : i32
      %dma_start3A_165 = arith.constant 0 : i32
      %dma_start3A_166 = tpu.memref_slice %arg6[%dma_start3A_164, %dma_start3A_165] : memref<64x16xi32, #tpu.memory_space<vmem>> -> memref<16x16xi32, #tpu.memory_space<vmem>>
      %dma_start3A_167 = arith.constant 0 : i32
      %dma_start3A_168 = tpu.memref_slice %arg2[%add3A_10, %dma_start3A_167] : memref<2048x16xi32, #tpu.memory_space<hbm>> -> memref<16x16xi32, #tpu.memory_space<hbm>>
      tpu.enqueue_dma source(%dma_start3A_168 : memref<16x16xi32, #tpu.memory_space<hbm>>) target(%dma_start3A_166 : memref<16x16xi32, #tpu.memory_space<vmem>>) target_semaphore(%run_scoped3A : memref<!tpu.dma_semaphore, #tpu.memory_space<semaphore_mem>>)
      %dma_wait3A_169 = arith.constant 16 : i32
      %dma_wait3A_170 = arith.constant 0 : i32
      %dma_wait3A_171 = tpu.memref_slice %arg6[%dma_wait3A_169, %dma_wait3A_170] : memref<64x16xi32, #tpu.memory_space<vmem>> -> memref<16x16xi32, #tpu.memory_space<vmem>>
      %dma_wait3A_172 = arith.constant 0 : i32
      %dma_wait3A_173 = tpu.memref_slice %arg2[%add3A_10, %dma_wait3A_172] : memref<2048x16xi32, #tpu.memory_space<hbm>> -> memref<16x16xi32, #tpu.memory_space<hbm>>
      %dma_wait3A_174 = arith.constant 16 : i32
      %dma_wait3A_175 = arith.constant 0 : i32
      %dma_wait3A_176 = tpu.memref_slice %arg6[%dma_wait3A_174, %dma_wait3A_175] : memref<64x16xi32, #tpu.memory_space<vmem>> -> memref<16x16xi32, #tpu.memory_space<vmem>>
      %dma_wait3A_177 = arith.constant 0 : i32
      %dma_wait3A_178 = tpu.memref_slice %arg2[%add3A_10, %dma_wait3A_177] : memref<2048x16xi32, #tpu.memory_space<hbm>> -> memref<16x16xi32, #tpu.memory_space<hbm>>
      tpu.wait_dma2 semaphore(%run_scoped3A : memref<!tpu.dma_semaphore, #tpu.memory_space<semaphore_mem>>) src(%dma_wait3A_178 : memref<16x16xi32, #tpu.memory_space<hbm>>) dst(%dma_wait3A_176 : memref<16x16xi32, #tpu.memory_space<vmem>>)
      tpu.yield
    }) : () -> ()
    %mul3A_11 = arith.constant 16 : i32
    %mul3A_12 = arith.muli %add3A, %mul3A_11 : i32
    %add3A_13 = arith.constant 1024 : i32
    %add3A_14 = arith.addi %add3A_13, %mul3A_12 : i32
    "tpu.region"() ({
      %run_scoped3A = tpu.sem_alloc : memref<!tpu.dma_semaphore, #tpu.memory_space<semaphore_mem>>
      %dma_start3A_159 = arith.constant 32 : i32
      %dma_start3A_160 = arith.constant 0 : i32
      %dma_start3A_161 = tpu.memref_slice %arg6[%dma_start3A_159, %dma_start3A_160] : memref<64x16xi32, #tpu.memory_space<vmem>> -> memref<16x16xi32, #tpu.memory_space<vmem>>
      %dma_start3A_162 = arith.constant 0 : i32
      %dma_start3A_163 = tpu.memref_slice %arg2[%add3A_14, %dma_start3A_162] : memref<2048x16xi32, #tpu.memory_space<hbm>> -> memref<16x16xi32, #tpu.memory_space<hbm>>
      %dma_start3A_164 = arith.constant 32 : i32
      %dma_start3A_165 = arith.constant 0 : i32
      %dma_start3A_166 = tpu.memref_slice %arg6[%dma_start3A_164, %dma_start3A_165] : memref<64x16xi32, #tpu.memory_space<vmem>> -> memref<16x16xi32, #tpu.memory_space<vmem>>
      %dma_start3A_167 = arith.constant 0 : i32
      %dma_start3A_168 = tpu.memref_slice %arg2[%add3A_14, %dma_start3A_167] : memref<2048x16xi32, #tpu.memory_space<hbm>> -> memref<16x16xi32, #tpu.memory_space<hbm>>
      tpu.enqueue_dma source(%dma_start3A_168 : memref<16x16xi32, #tpu.memory_space<hbm>>) target(%dma_start3A_166 : memref<16x16xi32, #tpu.memory_space<vmem>>) target_semaphore(%run_scoped3A : memref<!tpu.dma_semaphore, #tpu.memory_space<semaphore_mem>>)
      %dma_wait3A_169 = arith.constant 32 : i32
      %dma_wait3A_170 = arith.constant 0 : i32
      %dma_wait3A_171 = tpu.memref_slice %arg6[%dma_wait3A_169, %dma_wait3A_170] : memref<64x16xi32, #tpu.memory_space<vmem>> -> memref<16x16xi32, #tpu.memory_space<vmem>>
      %dma_wait3A_172 = arith.constant 0 : i32
      %dma_wait3A_173 = tpu.memref_slice %arg2[%add3A_14, %dma_wait3A_172] : memref<2048x16xi32, #tpu.memory_space<hbm>> -> memref<16x16xi32, #tpu.memory_space<hbm>>
      %dma_wait3A_174 = arith.constant 32 : i32
      %dma_wait3A_175 = arith.constant 0 : i32
      %dma_wait3A_176 = tpu.memref_slice %arg6[%dma_wait3A_174, %dma_wait3A_175] : memref<64x16xi32, #tpu.memory_space<vmem>> -> memref<16x16xi32, #tpu.memory_space<vmem>>
      %dma_wait3A_177 = arith.constant 0 : i32
      %dma_wait3A_178 = tpu.memref_slice %arg2[%add3A_14, %dma_wait3A_177] : memref<2048x16xi32, #tpu.memory_space<hbm>> -> memref<16x16xi32, #tpu.memory_space<hbm>>
      tpu.wait_dma2 semaphore(%run_scoped3A : memref<!tpu.dma_semaphore, #tpu.memory_space<semaphore_mem>>) src(%dma_wait3A_178 : memref<16x16xi32, #tpu.memory_space<hbm>>) dst(%dma_wait3A_176 : memref<16x16xi32, #tpu.memory_space<vmem>>)
      tpu.yield
    }) : () -> ()
    %mul3A_15 = arith.constant 16 : i32
    %mul3A_16 = arith.muli %add3A, %mul3A_15 : i32
    %add3A_17 = arith.constant 1536 : i32
    %add3A_18 = arith.addi %add3A_17, %mul3A_16 : i32
    "tpu.region"() ({
      %run_scoped3A = tpu.sem_alloc : memref<!tpu.dma_semaphore, #tpu.memory_space<semaphore_mem>>
      %dma_start3A_159 = arith.constant 48 : i32
      %dma_start3A_160 = arith.constant 0 : i32
      %dma_start3A_161 = tpu.memref_slice %arg6[%dma_start3A_159, %dma_start3A_160] : memref<64x16xi32, #tpu.memory_space<vmem>> -> memref<16x16xi32, #tpu.memory_space<vmem>>
      %dma_start3A_162 = arith.constant 0 : i32
      %dma_start3A_163 = tpu.memref_slice %arg2[%add3A_18, %dma_start3A_162] : memref<2048x16xi32, #tpu.memory_space<hbm>> -> memref<16x16xi32, #tpu.memory_space<hbm>>
      %dma_start3A_164 = arith.constant 48 : i32
      %dma_start3A_165 = arith.constant 0 : i32
      %dma_start3A_166 = tpu.memref_slice %arg6[%dma_start3A_164, %dma_start3A_165] : memref<64x16xi32, #tpu.memory_space<vmem>> -> memref<16x16xi32, #tpu.memory_space<vmem>>
      %dma_start3A_167 = arith.constant 0 : i32
      %dma_start3A_168 = tpu.memref_slice %arg2[%add3A_18, %dma_start3A_167] : memref<2048x16xi32, #tpu.memory_space<hbm>> -> memref<16x16xi32, #tpu.memory_space<hbm>>
      tpu.enqueue_dma source(%dma_start3A_168 : memref<16x16xi32, #tpu.memory_space<hbm>>) target(%dma_start3A_166 : memref<16x16xi32, #tpu.memory_space<vmem>>) target_semaphore(%run_scoped3A : memref<!tpu.dma_semaphore, #tpu.memory_space<semaphore_mem>>)
      %dma_wait3A_169 = arith.constant 48 : i32
      %dma_wait3A_170 = arith.constant 0 : i32
      %dma_wait3A_171 = tpu.memref_slice %arg6[%dma_wait3A_169, %dma_wait3A_170] : memref<64x16xi32, #tpu.memory_space<vmem>> -> memref<16x16xi32, #tpu.memory_space<vmem>>
      %dma_wait3A_172 = arith.constant 0 : i32
      %dma_wait3A_173 = tpu.memref_slice %arg2[%add3A_18, %dma_wait3A_172] : memref<2048x16xi32, #tpu.memory_space<hbm>> -> memref<16x16xi32, #tpu.memory_space<hbm>>
      %dma_wait3A_174 = arith.constant 48 : i32
      %dma_wait3A_175 = arith.constant 0 : i32
      %dma_wait3A_176 = tpu.memref_slice %arg6[%dma_wait3A_174, %dma_wait3A_175] : memref<64x16xi32, #tpu.memory_space<vmem>> -> memref<16x16xi32, #tpu.memory_space<vmem>>
      %dma_wait3A_177 = arith.constant 0 : i32
      %dma_wait3A_178 = tpu.memref_slice %arg2[%add3A_18, %dma_wait3A_177] : memref<2048x16xi32, #tpu.memory_space<hbm>> -> memref<16x16xi32, #tpu.memory_space<hbm>>
      tpu.wait_dma2 semaphore(%run_scoped3A : memref<!tpu.dma_semaphore, #tpu.memory_space<semaphore_mem>>) src(%dma_wait3A_178 : memref<16x16xi32, #tpu.memory_space<hbm>>) dst(%dma_wait3A_176 : memref<16x16xi32, #tpu.memory_space<vmem>>)
      tpu.yield
    }) : () -> ()
    %add3A_19 = arith.constant 0 : i32
    %add3A_20 = arith.addi %mul3A_2, %add3A_19 : i32
    %rem3A = arith.constant 0 : i32
    %rem3A_21 = arith.constant 2 : i32
    %rem3A_22 = arith.remsi %rem3A, %rem3A_21 : i32
    %rem3A_23 = arith.constant 0 : i32
    %rem3A_24 = arith.constant 2 : i32
    %rem3A_25 = arith.remsi %rem3A_23, %rem3A_24 : i32
    %dma_start3A = arith.constant 0 : i32
    %dma_start3A_26 = arith.constant 0 : i32
    %dma_start3A_27 = tpu.memref_slice %arg8[%rem3A_22, %dma_start3A, %dma_start3A_26] : memref<2x16x1024xf32, #tpu.memory_space<vmem>> -> memref<1x16x1024xf32, #tpu.memory_space<vmem>>
    %dma_start3A_28 = tpu.memref_squeeze %dma_start3A_27 : memref<1x16x1024xf32, #tpu.memory_space<vmem>> -> memref<16x1024xf32, #tpu.memory_space<vmem>>
    %dma_start3A_29 = arith.constant 0 : i32
    %dma_start3A_30 = tpu.memref_slice %arg4[%add3A_20, %dma_start3A_29] : memref<8192x1024xf32, #tpu.memory_space<hbm>> -> memref<16x1024xf32, #tpu.memory_space<hbm>>
    %dma_start3A_31 = tpu.memref_slice %arg11[%rem3A_25] : memref<2x!tpu.dma_semaphore, #tpu.memory_space<semaphore_mem>> -> memref<1x!tpu.dma_semaphore, #tpu.memory_space<semaphore_mem>>
    %dma_start3A_32 = tpu.memref_squeeze %dma_start3A_31 : memref<1x!tpu.dma_semaphore, #tpu.memory_space<semaphore_mem>> -> memref<!tpu.dma_semaphore, #tpu.memory_space<semaphore_mem>>
    %dma_start3A_33 = arith.constant 0 : i32
    %dma_start3A_34 = arith.constant 0 : i32
    %dma_start3A_35 = tpu.memref_slice %arg8[%rem3A_22, %dma_start3A_33, %dma_start3A_34] : memref<2x16x1024xf32, #tpu.memory_space<vmem>> -> memref<1x16x1024xf32, #tpu.memory_space<vmem>>
    %dma_start3A_36 = tpu.memref_squeeze %dma_start3A_35 : memref<1x16x1024xf32, #tpu.memory_space<vmem>> -> memref<16x1024xf32, #tpu.memory_space<vmem>>
    %dma_start3A_37 = arith.constant 0 : i32
    %dma_start3A_38 = tpu.memref_slice %arg4[%add3A_20, %dma_start3A_37] : memref<8192x1024xf32, #tpu.memory_space<hbm>> -> memref<16x1024xf32, #tpu.memory_space<hbm>>
    tpu.enqueue_dma source(%dma_start3A_38 : memref<16x1024xf32, #tpu.memory_space<hbm>>) target(%dma_start3A_36 : memref<16x1024xf32, #tpu.memory_space<vmem>>) target_semaphore(%dma_start3A_32 : memref<!tpu.dma_semaphore, #tpu.memory_space<semaphore_mem>>)
    %rem3A_39 = arith.constant 0 : i32
    %rem3A_40 = arith.constant 4 : i32
    %rem3A_41 = arith.remsi %rem3A_39, %rem3A_40 : i32
    %rem3A_42 = arith.constant 0 : i32
    %rem3A_43 = arith.constant 5 : i32
    %rem3A_44 = arith.remsi %rem3A_42, %rem3A_43 : i32
    %mul3A_45 = arith.constant 16 : i32
    %mul3A_46 = arith.muli %rem3A_41, %mul3A_45 : i32
    %add3A_47 = arith.constant 0 : i32
    %add3A_48 = arith.addi %mul3A_46, %add3A_47 : i32
    %dma_start3A_49 = arith.constant 0 : i32
    %dma_start3A_50 = arith.constant 0 : i32
    %dma_start3A_51 = tpu.memref_slice %arg7[%rem3A_44, %dma_start3A_49, %dma_start3A_50] : memref<5x16x1024xf32, #tpu.memory_space<vmem>> -> memref<1x16x1024xf32, #tpu.memory_space<vmem>>
    %dma_start3A_52 = tpu.memref_squeeze %dma_start3A_51 : memref<1x16x1024xf32, #tpu.memory_space<vmem>> -> memref<16x1024xf32, #tpu.memory_space<vmem>>
    %dma_start3A_53 = arith.constant 0 : i32
    %dma_start3A_54 = tpu.memref_slice %arg6[%add3A_48, %dma_start3A_53] : memref<64x16xi32, #tpu.memory_space<vmem>> -> memref<1x16xi32, #tpu.memory_space<vmem>>
    %dma_start3A_55 = tpu.memref_squeeze %dma_start3A_54 : memref<1x16xi32, #tpu.memory_space<vmem>> -> memref<16xi32, #tpu.memory_space<vmem>>
    %dma_start3A_56 = arith.constant 0 : i32
    %dma_start3A_57 = arith.constant 0 : i32
    %dma_start3A_58 = tpu.memref_slice %arg3[%dma_start3A_56, %dma_start3A_57] : memref<100000x1024xf32, #tpu.memory_space<hbm>> -> memref<100000x1024xf32, #tpu.memory_space<hbm>>
    %dma_start3A_59 = tpu.memref_slice %arg9[%rem3A_44] : memref<5x!tpu.dma_semaphore, #tpu.memory_space<semaphore_mem>> -> memref<1x!tpu.dma_semaphore, #tpu.memory_space<semaphore_mem>>
    %dma_start3A_60 = tpu.memref_squeeze %dma_start3A_59 : memref<1x!tpu.dma_semaphore, #tpu.memory_space<semaphore_mem>> -> memref<!tpu.dma_semaphore, #tpu.memory_space<semaphore_mem>>
    tpu.enqueue_indirect_dma source(%dma_start3A_58 : memref<100000x1024xf32, #tpu.memory_space<hbm>>) target(%dma_start3A_52 : memref<16x1024xf32, #tpu.memory_space<vmem>>) offsets(%dma_start3A_55 : memref<16xi32, #tpu.memory_space<vmem>>) semaphore(%dma_start3A_60 : memref<!tpu.dma_semaphore, #tpu.memory_space<semaphore_mem>>)
    %rem3A_61 = arith.constant 1 : i32
    %rem3A_62 = arith.constant 4 : i32
    %rem3A_63 = arith.remsi %rem3A_61, %rem3A_62 : i32
    %rem3A_64 = arith.constant 1 : i32
    %rem3A_65 = arith.constant 5 : i32
    %rem3A_66 = arith.remsi %rem3A_64, %rem3A_65 : i32
    %mul3A_67 = arith.constant 16 : i32
    %mul3A_68 = arith.muli %rem3A_63, %mul3A_67 : i32
    %add3A_69 = arith.constant 0 : i32
    %add3A_70 = arith.addi %mul3A_68, %add3A_69 : i32
    %dma_start3A_71 = arith.constant 0 : i32
    %dma_start3A_72 = arith.constant 0 : i32
    %dma_start3A_73 = tpu.memref_slice %arg7[%rem3A_66, %dma_start3A_71, %dma_start3A_72] : memref<5x16x1024xf32, #tpu.memory_space<vmem>> -> memref<1x16x1024xf32, #tpu.memory_space<vmem>>
    %dma_start3A_74 = tpu.memref_squeeze %dma_start3A_73 : memref<1x16x1024xf32, #tpu.memory_space<vmem>> -> memref<16x1024xf32, #tpu.memory_space<vmem>>
    %dma_start3A_75 = arith.constant 0 : i32
    %dma_start3A_76 = tpu.memref_slice %arg6[%add3A_70, %dma_start3A_75] : memref<64x16xi32, #tpu.memory_space<vmem>> -> memref<1x16xi32, #tpu.memory_space<vmem>>
    %dma_start3A_77 = tpu.memref_squeeze %dma_start3A_76 : memref<1x16xi32, #tpu.memory_space<vmem>> -> memref<16xi32, #tpu.memory_space<vmem>>
    %dma_start3A_78 = arith.constant 0 : i32
    %dma_start3A_79 = arith.constant 0 : i32
    %dma_start3A_80 = tpu.memref_slice %arg3[%dma_start3A_78, %dma_start3A_79] : memref<100000x1024xf32, #tpu.memory_space<hbm>> -> memref<100000x1024xf32, #tpu.memory_space<hbm>>
    %dma_start3A_81 = tpu.memref_slice %arg9[%rem3A_66] : memref<5x!tpu.dma_semaphore, #tpu.memory_space<semaphore_mem>> -> memref<1x!tpu.dma_semaphore, #tpu.memory_space<semaphore_mem>>
    %dma_start3A_82 = tpu.memref_squeeze %dma_start3A_81 : memref<1x!tpu.dma_semaphore, #tpu.memory_space<semaphore_mem>> -> memref<!tpu.dma_semaphore, #tpu.memory_space<semaphore_mem>>
    tpu.enqueue_indirect_dma source(%dma_start3A_80 : memref<100000x1024xf32, #tpu.memory_space<hbm>>) target(%dma_start3A_74 : memref<16x1024xf32, #tpu.memory_space<vmem>>) offsets(%dma_start3A_77 : memref<16xi32, #tpu.memory_space<vmem>>) semaphore(%dma_start3A_82 : memref<!tpu.dma_semaphore, #tpu.memory_space<semaphore_mem>>)
    %rem3A_83 = arith.constant 2 : i32
    %rem3A_84 = arith.constant 4 : i32
    %rem3A_85 = arith.remsi %rem3A_83, %rem3A_84 : i32
    %rem3A_86 = arith.constant 2 : i32
    %rem3A_87 = arith.constant 5 : i32
    %rem3A_88 = arith.remsi %rem3A_86, %rem3A_87 : i32
    %mul3A_89 = arith.constant 16 : i32
    %mul3A_90 = arith.muli %rem3A_85, %mul3A_89 : i32
    %add3A_91 = arith.constant 0 : i32
    %add3A_92 = arith.addi %mul3A_90, %add3A_91 : i32
    %dma_start3A_93 = arith.constant 0 : i32
    %dma_start3A_94 = arith.constant 0 : i32
    %dma_start3A_95 = tpu.memref_slice %arg7[%rem3A_88, %dma_start3A_93, %dma_start3A_94] : memref<5x16x1024xf32, #tpu.memory_space<vmem>> -> memref<1x16x1024xf32, #tpu.memory_space<vmem>>
    %dma_start3A_96 = tpu.memref_squeeze %dma_start3A_95 : memref<1x16x1024xf32, #tpu.memory_space<vmem>> -> memref<16x1024xf32, #tpu.memory_space<vmem>>
    %dma_start3A_97 = arith.constant 0 : i32
    %dma_start3A_98 = tpu.memref_slice %arg6[%add3A_92, %dma_start3A_97] : memref<64x16xi32, #tpu.memory_space<vmem>> -> memref<1x16xi32, #tpu.memory_space<vmem>>
    %dma_start3A_99 = tpu.memref_squeeze %dma_start3A_98 : memref<1x16xi32, #tpu.memory_space<vmem>> -> memref<16xi32, #tpu.memory_space<vmem>>
    %dma_start3A_100 = arith.constant 0 : i32
    %dma_start3A_101 = arith.constant 0 : i32
    %dma_start3A_102 = tpu.memref_slice %arg3[%dma_start3A_100, %dma_start3A_101] : memref<100000x1024xf32, #tpu.memory_space<hbm>> -> memref<100000x1024xf32, #tpu.memory_space<hbm>>
    %dma_start3A_103 = tpu.memref_slice %arg9[%rem3A_88] : memref<5x!tpu.dma_semaphore, #tpu.memory_space<semaphore_mem>> -> memref<1x!tpu.dma_semaphore, #tpu.memory_space<semaphore_mem>>
    %dma_start3A_104 = tpu.memref_squeeze %dma_start3A_103 : memref<1x!tpu.dma_semaphore, #tpu.memory_space<semaphore_mem>> -> memref<!tpu.dma_semaphore, #tpu.memory_space<semaphore_mem>>
    tpu.enqueue_indirect_dma source(%dma_start3A_102 : memref<100000x1024xf32, #tpu.memory_space<hbm>>) target(%dma_start3A_96 : memref<16x1024xf32, #tpu.memory_space<vmem>>) offsets(%dma_start3A_99 : memref<16xi32, #tpu.memory_space<vmem>>) semaphore(%dma_start3A_104 : memref<!tpu.dma_semaphore, #tpu.memory_space<semaphore_mem>>)
    %scan3A = arith.constant 0 : i32
    %scan3A_105 = arith.constant 0 : i32
    %scan3A_106 = arith.constant 64 : i32
    %scan3A_107 = arith.addi %scan3A_105, %scan3A_106 : i32
    %scan3A_108 = arith.constant 1 : i32
    scf.for %scan3A_159 = %scan3A_105 to %scan3A_107 step %scan3A_108  : i32 {
      %jit3A = arith.constant 4 : i32
      %div3A = arith.divsi %scan3A_159, %jit3A : i32
      %sign3A = arith.constant 0 : i32
      %sign3A_160 = arith.cmpi sgt, %scan3A_159, %sign3A : i32
      %sign3A_161 = arith.extui %sign3A_160 : i1 to i32
      %sign3A_162 = arith.constant 0 : i32
      %sign3A_163 = arith.cmpi slt, %scan3A_159, %sign3A_162 : i32
      %sign3A_164 = arith.extui %sign3A_163 : i1 to i32
      %sign3A_165 = arith.subi %sign3A_161, %sign3A_164 : i32
      %sign3A_166 = arith.constant 0 : i32
      %sign3A_167 = arith.cmpi sgt, %jit3A, %sign3A_166 : i32
      %sign3A_168 = arith.extui %sign3A_167 : i1 to i32
      %sign3A_169 = arith.constant 0 : i32
      %sign3A_170 = arith.cmpi slt, %jit3A, %sign3A_169 : i32
      %sign3A_171 = arith.extui %sign3A_170 : i1 to i32
      %sign3A_172 = arith.subi %sign3A_168, %sign3A_171 : i32
      %ne3A = arith.cmpi ne, %sign3A_165, %sign3A_172 : i32
      %rem3A_173 = arith.remsi %scan3A_159, %jit3A : i32
      %ne3A_174 = arith.constant 0 : i32
      %ne3A_175 = arith.cmpi ne, %rem3A_173, %ne3A_174 : i32
      %and3A = arith.andi %ne3A, %ne3A_175 : i1
      %sub3A = arith.constant 1 : i32
      %sub3A_176 = arith.subi %div3A, %sub3A : i32
      %select_n3A = arith.select %and3A, %sub3A_176, %div3A : i32
      %rem3A_177 = arith.constant 4 : i32
      %rem3A_178 = arith.remsi %scan3A_159, %rem3A_177 : i32
      %eq3A = arith.constant 0 : i32
      %eq3A_179 = arith.cmpi eq, %rem3A_178, %eq3A : i32
      %convert_element_type3A = arith.extui %eq3A_179 : i1 to i32
      %cond3A = arith.constant 0 : i32
      %cond3A_180 = arith.cmpi ne, %convert_element_type3A, %cond3A : i32
      scf.if %cond3A_180 {
        %mul3A_286 = arith.constant 16 : i32
        %mul3A_287 = arith.muli %select_n3A, %mul3A_286 : i32
        %add3A_288 = arith.addi %mul3A_2, %mul3A_287 : i32
        %rem3A_289 = arith.constant 2 : i32
        %rem3A_290 = arith.remsi %select_n3A, %rem3A_289 : i32
        %rem3A_291 = arith.constant 2 : i32
        %rem3A_292 = arith.remsi %select_n3A, %rem3A_291 : i32
        %dma_wait3A_293 = arith.constant 0 : i32
        %dma_wait3A_294 = arith.constant 0 : i32
        %dma_wait3A_295 = tpu.memref_slice %arg8[%rem3A_290, %dma_wait3A_293, %dma_wait3A_294] : memref<2x16x1024xf32, #tpu.memory_space<vmem>> -> memref<1x16x1024xf32, #tpu.memory_space<vmem>>
        %dma_wait3A_296 = tpu.memref_squeeze %dma_wait3A_295 : memref<1x16x1024xf32, #tpu.memory_space<vmem>> -> memref<16x1024xf32, #tpu.memory_space<vmem>>
        %dma_wait3A_297 = arith.constant 0 : i32
        %dma_wait3A_298 = tpu.memref_slice %arg4[%add3A_288, %dma_wait3A_297] : memref<8192x1024xf32, #tpu.memory_space<hbm>> -> memref<16x1024xf32, #tpu.memory_space<hbm>>
        %dma_wait3A_299 = tpu.memref_slice %arg11[%rem3A_292] : memref<2x!tpu.dma_semaphore, #tpu.memory_space<semaphore_mem>> -> memref<1x!tpu.dma_semaphore, #tpu.memory_space<semaphore_mem>>
        %dma_wait3A_300 = tpu.memref_squeeze %dma_wait3A_299 : memref<1x!tpu.dma_semaphore, #tpu.memory_space<semaphore_mem>> -> memref<!tpu.dma_semaphore, #tpu.memory_space<semaphore_mem>>
        %dma_wait3A_301 = arith.constant 0 : i32
        %dma_wait3A_302 = arith.constant 0 : i32
        %dma_wait3A_303 = tpu.memref_slice %arg8[%rem3A_290, %dma_wait3A_301, %dma_wait3A_302] : memref<2x16x1024xf32, #tpu.memory_space<vmem>> -> memref<1x16x1024xf32, #tpu.memory_space<vmem>>
        %dma_wait3A_304 = tpu.memref_squeeze %dma_wait3A_303 : memref<1x16x1024xf32, #tpu.memory_space<vmem>> -> memref<16x1024xf32, #tpu.memory_space<vmem>>
        %dma_wait3A_305 = arith.constant 0 : i32
        %dma_wait3A_306 = tpu.memref_slice %arg4[%add3A_288, %dma_wait3A_305] : memref<8192x1024xf32, #tpu.memory_space<hbm>> -> memref<16x1024xf32, #tpu.memory_space<hbm>>
        tpu.wait_dma2 semaphore(%dma_wait3A_300 : memref<!tpu.dma_semaphore, #tpu.memory_space<semaphore_mem>>) src(%dma_wait3A_306 : memref<16x1024xf32, #tpu.memory_space<hbm>>) dst(%dma_wait3A_304 : memref<16x1024xf32, #tpu.memory_space<vmem>>)
        %lt3A_307 = arith.constant 15 : i32
        %lt3A_308 = arith.cmpi slt, %select_n3A, %lt3A_307 : i32
        %convert_element_type3A_309 = arith.extui %lt3A_308 : i1 to i32
        %cond3A_310 = arith.constant 0 : i32
        %cond3A_311 = arith.cmpi ne, %convert_element_type3A_309, %cond3A_310 : i32
        scf.if %cond3A_311 {
          %add3A_312 = arith.constant 1 : i32
          %add3A_313 = arith.addi %select_n3A, %add3A_312 : i32
          %mul3A_314 = arith.constant 16 : i32
          %mul3A_315 = arith.muli %add3A_313, %mul3A_314 : i32
          %add3A_316 = arith.addi %mul3A_2, %mul3A_315 : i32
          %rem3A_317 = arith.constant 2 : i32
          %rem3A_318 = arith.remsi %add3A_313, %rem3A_317 : i32
          %rem3A_319 = arith.constant 2 : i32
          %rem3A_320 = arith.remsi %add3A_313, %rem3A_319 : i32
          %dma_start3A_321 = arith.constant 0 : i32
          %dma_start3A_322 = arith.constant 0 : i32
          %dma_start3A_323 = tpu.memref_slice %arg8[%rem3A_318, %dma_start3A_321, %dma_start3A_322] : memref<2x16x1024xf32, #tpu.memory_space<vmem>> -> memref<1x16x1024xf32, #tpu.memory_space<vmem>>
          %dma_start3A_324 = tpu.memref_squeeze %dma_start3A_323 : memref<1x16x1024xf32, #tpu.memory_space<vmem>> -> memref<16x1024xf32, #tpu.memory_space<vmem>>
          %dma_start3A_325 = arith.constant 0 : i32
          %dma_start3A_326 = tpu.memref_slice %arg4[%add3A_316, %dma_start3A_325] : memref<8192x1024xf32, #tpu.memory_space<hbm>> -> memref<16x1024xf32, #tpu.memory_space<hbm>>
          %dma_start3A_327 = tpu.memref_slice %arg11[%rem3A_320] : memref<2x!tpu.dma_semaphore, #tpu.memory_space<semaphore_mem>> -> memref<1x!tpu.dma_semaphore, #tpu.memory_space<semaphore_mem>>
          %dma_start3A_328 = tpu.memref_squeeze %dma_start3A_327 : memref<1x!tpu.dma_semaphore, #tpu.memory_space<semaphore_mem>> -> memref<!tpu.dma_semaphore, #tpu.memory_space<semaphore_mem>>
          %dma_start3A_329 = arith.constant 0 : i32
          %dma_start3A_330 = arith.constant 0 : i32
          %dma_start3A_331 = tpu.memref_slice %arg8[%rem3A_318, %dma_start3A_329, %dma_start3A_330] : memref<2x16x1024xf32, #tpu.memory_space<vmem>> -> memref<1x16x1024xf32, #tpu.memory_space<vmem>>
          %dma_start3A_332 = tpu.memref_squeeze %dma_start3A_331 : memref<1x16x1024xf32, #tpu.memory_space<vmem>> -> memref<16x1024xf32, #tpu.memory_space<vmem>>
          %dma_start3A_333 = arith.constant 0 : i32
          %dma_start3A_334 = tpu.memref_slice %arg4[%add3A_316, %dma_start3A_333] : memref<8192x1024xf32, #tpu.memory_space<hbm>> -> memref<16x1024xf32, #tpu.memory_space<hbm>>
          tpu.enqueue_dma source(%dma_start3A_334 : memref<16x1024xf32, #tpu.memory_space<hbm>>) target(%dma_start3A_332 : memref<16x1024xf32, #tpu.memory_space<vmem>>) target_semaphore(%dma_start3A_328 : memref<!tpu.dma_semaphore, #tpu.memory_space<semaphore_mem>>)
        } else {
        }
      } else {
      }
      %ge3A = arith.constant 2 : i32
      %ge3A_181 = arith.cmpi sge, %scan3A_159, %ge3A : i32
      %convert_element_type3A_182 = arith.extui %ge3A_181 : i1 to i32
      %cond3A_183 = arith.constant 0 : i32
      %cond3A_184 = arith.cmpi ne, %convert_element_type3A_182, %cond3A_183 : i32
      scf.if %cond3A_184 {
        %sub3A_286 = arith.constant 2 : i32
        %sub3A_287 = arith.subi %scan3A_159, %sub3A_286 : i32
        %jit3A_288 = arith.constant 4 : i32
        %div3A_289 = arith.divsi %sub3A_287, %jit3A_288 : i32
        %sign3A_290 = arith.constant 0 : i32
        %sign3A_291 = arith.cmpi sgt, %sub3A_287, %sign3A_290 : i32
        %sign3A_292 = arith.extui %sign3A_291 : i1 to i32
        %sign3A_293 = arith.constant 0 : i32
        %sign3A_294 = arith.cmpi slt, %sub3A_287, %sign3A_293 : i32
        %sign3A_295 = arith.extui %sign3A_294 : i1 to i32
        %sign3A_296 = arith.subi %sign3A_292, %sign3A_295 : i32
        %sign3A_297 = arith.constant 0 : i32
        %sign3A_298 = arith.cmpi sgt, %jit3A_288, %sign3A_297 : i32
        %sign3A_299 = arith.extui %sign3A_298 : i1 to i32
        %sign3A_300 = arith.constant 0 : i32
        %sign3A_301 = arith.cmpi slt, %jit3A_288, %sign3A_300 : i32
        %sign3A_302 = arith.extui %sign3A_301 : i1 to i32
        %sign3A_303 = arith.subi %sign3A_299, %sign3A_302 : i32
        %ne3A_304 = arith.cmpi ne, %sign3A_296, %sign3A_303 : i32
        %rem3A_305 = arith.remsi %sub3A_287, %jit3A_288 : i32
        %ne3A_306 = arith.constant 0 : i32
        %ne3A_307 = arith.cmpi ne, %rem3A_305, %ne3A_306 : i32
        %and3A_308 = arith.andi %ne3A_304, %ne3A_307 : i1
        %sub3A_309 = arith.constant 1 : i32
        %sub3A_310 = arith.subi %div3A_289, %sub3A_309 : i32
        %select_n3A_311 = arith.select %and3A_308, %sub3A_310, %div3A_289 : i32
        %rem3A_312 = arith.constant 4 : i32
        %rem3A_313 = arith.remsi %sub3A_287, %rem3A_312 : i32
        %rem3A_314 = arith.constant 5 : i32
        %rem3A_315 = arith.remsi %sub3A_287, %rem3A_314 : i32
        %mul3A_316 = arith.constant 8192 : i32
        %mul3A_317 = arith.muli %rem3A_313, %mul3A_316 : i32
        %add3A_318 = arith.addi %mul3A_317, %mul3A_2 : i32
        %mul3A_319 = arith.constant 16 : i32
        %mul3A_320 = arith.muli %select_n3A_311, %mul3A_319 : i32
        %add3A_321 = arith.addi %add3A_318, %mul3A_320 : i32
        %dma_wait3A_322 = arith.constant 0 : i32
        %dma_wait3A_323 = arith.constant 0 : i32
        %dma_wait3A_324 = tpu.memref_slice %arg7[%rem3A_315, %dma_wait3A_322, %dma_wait3A_323] : memref<5x16x1024xf32, #tpu.memory_space<vmem>> -> memref<1x16x1024xf32, #tpu.memory_space<vmem>>
        %dma_wait3A_325 = tpu.memref_squeeze %dma_wait3A_324 : memref<1x16x1024xf32, #tpu.memory_space<vmem>> -> memref<16x1024xf32, #tpu.memory_space<vmem>>
        %dma_wait3A_326 = arith.constant 0 : i32
        %dma_wait3A_327 = tpu.memref_slice %arg5[%add3A_321, %dma_wait3A_326] : memref<32768x1024xf32, #tpu.memory_space<hbm>> -> memref<16x1024xf32, #tpu.memory_space<hbm>>
        %dma_wait3A_328 = tpu.memref_slice %arg10[%rem3A_315] : memref<5x!tpu.dma_semaphore, #tpu.memory_space<semaphore_mem>> -> memref<1x!tpu.dma_semaphore, #tpu.memory_space<semaphore_mem>>
        %dma_wait3A_329 = tpu.memref_squeeze %dma_wait3A_328 : memref<1x!tpu.dma_semaphore, #tpu.memory_space<semaphore_mem>> -> memref<!tpu.dma_semaphore, #tpu.memory_space<semaphore_mem>>
        %dma_wait3A_330 = arith.constant 0 : i32
        %dma_wait3A_331 = tpu.memref_slice %arg5[%add3A_321, %dma_wait3A_330] : memref<32768x1024xf32, #tpu.memory_space<hbm>> -> memref<16x1024xf32, #tpu.memory_space<hbm>>
        %dma_wait3A_332 = arith.constant 0 : i32
        %dma_wait3A_333 = arith.constant 0 : i32
        %dma_wait3A_334 = tpu.memref_slice %arg7[%rem3A_315, %dma_wait3A_332, %dma_wait3A_333] : memref<5x16x1024xf32, #tpu.memory_space<vmem>> -> memref<1x16x1024xf32, #tpu.memory_space<vmem>>
        %dma_wait3A_335 = tpu.memref_squeeze %dma_wait3A_334 : memref<1x16x1024xf32, #tpu.memory_space<vmem>> -> memref<16x1024xf32, #tpu.memory_space<vmem>>
        tpu.wait_dma2 semaphore(%dma_wait3A_329 : memref<!tpu.dma_semaphore, #tpu.memory_space<semaphore_mem>>) src(%dma_wait3A_335 : memref<16x1024xf32, #tpu.memory_space<vmem>>) dst(%dma_wait3A_331 : memref<16x1024xf32, #tpu.memory_space<hbm>>)
      } else {
      }
      %lt3A = arith.constant 61 : i32
      %lt3A_185 = arith.cmpi slt, %scan3A_159, %lt3A : i32
      %convert_element_type3A_186 = arith.extui %lt3A_185 : i1 to i32
      %cond3A_187 = arith.constant 0 : i32
      %cond3A_188 = arith.cmpi ne, %convert_element_type3A_186, %cond3A_187 : i32
      scf.if %cond3A_188 {
        %add3A_286 = arith.constant 3 : i32
        %add3A_287 = arith.addi %scan3A_159, %add3A_286 : i32
        %jit3A_288 = arith.constant 4 : i32
        %div3A_289 = arith.divsi %add3A_287, %jit3A_288 : i32
        %sign3A_290 = arith.constant 0 : i32
        %sign3A_291 = arith.cmpi sgt, %add3A_287, %sign3A_290 : i32
        %sign3A_292 = arith.extui %sign3A_291 : i1 to i32
        %sign3A_293 = arith.constant 0 : i32
        %sign3A_294 = arith.cmpi slt, %add3A_287, %sign3A_293 : i32
        %sign3A_295 = arith.extui %sign3A_294 : i1 to i32
        %sign3A_296 = arith.subi %sign3A_292, %sign3A_295 : i32
        %sign3A_297 = arith.constant 0 : i32
        %sign3A_298 = arith.cmpi sgt, %jit3A_288, %sign3A_297 : i32
        %sign3A_299 = arith.extui %sign3A_298 : i1 to i32
        %sign3A_300 = arith.constant 0 : i32
        %sign3A_301 = arith.cmpi slt, %jit3A_288, %sign3A_300 : i32
        %sign3A_302 = arith.extui %sign3A_301 : i1 to i32
        %sign3A_303 = arith.subi %sign3A_299, %sign3A_302 : i32
        %ne3A_304 = arith.cmpi ne, %sign3A_296, %sign3A_303 : i32
        %rem3A_305 = arith.remsi %add3A_287, %jit3A_288 : i32
        %ne3A_306 = arith.constant 0 : i32
        %ne3A_307 = arith.cmpi ne, %rem3A_305, %ne3A_306 : i32
        %and3A_308 = arith.andi %ne3A_304, %ne3A_307 : i1
        %sub3A_309 = arith.constant 1 : i32
        %sub3A_310 = arith.subi %div3A_289, %sub3A_309 : i32
        %select_n3A_311 = arith.select %and3A_308, %sub3A_310, %div3A_289 : i32
        %rem3A_312 = arith.constant 4 : i32
        %rem3A_313 = arith.remsi %add3A_287, %rem3A_312 : i32
        %rem3A_314 = arith.constant 5 : i32
        %rem3A_315 = arith.remsi %add3A_287, %rem3A_314 : i32
        %mul3A_316 = arith.constant 16 : i32
        %mul3A_317 = arith.muli %rem3A_313, %mul3A_316 : i32
        %add3A_318 = arith.addi %mul3A_317, %select_n3A_311 : i32
        %dma_start3A_319 = arith.constant 0 : i32
        %dma_start3A_320 = arith.constant 0 : i32
        %dma_start3A_321 = tpu.memref_slice %arg7[%rem3A_315, %dma_start3A_319, %dma_start3A_320] : memref<5x16x1024xf32, #tpu.memory_space<vmem>> -> memref<1x16x1024xf32, #tpu.memory_space<vmem>>
        %dma_start3A_322 = tpu.memref_squeeze %dma_start3A_321 : memref<1x16x1024xf32, #tpu.memory_space<vmem>> -> memref<16x1024xf32, #tpu.memory_space<vmem>>
        %dma_start3A_323 = arith.constant 0 : i32
        %dma_start3A_324 = tpu.memref_slice %arg6[%add3A_318, %dma_start3A_323] : memref<64x16xi32, #tpu.memory_space<vmem>> -> memref<1x16xi32, #tpu.memory_space<vmem>>
        %dma_start3A_325 = tpu.memref_squeeze %dma_start3A_324 : memref<1x16xi32, #tpu.memory_space<vmem>> -> memref<16xi32, #tpu.memory_space<vmem>>
        %dma_start3A_326 = arith.constant 0 : i32
        %dma_start3A_327 = arith.constant 0 : i32
        %dma_start3A_328 = tpu.memref_slice %arg3[%dma_start3A_326, %dma_start3A_327] : memref<100000x1024xf32, #tpu.memory_space<hbm>> -> memref<100000x1024xf32, #tpu.memory_space<hbm>>
        %dma_start3A_329 = tpu.memref_slice %arg9[%rem3A_315] : memref<5x!tpu.dma_semaphore, #tpu.memory_space<semaphore_mem>> -> memref<1x!tpu.dma_semaphore, #tpu.memory_space<semaphore_mem>>
        %dma_start3A_330 = tpu.memref_squeeze %dma_start3A_329 : memref<1x!tpu.dma_semaphore, #tpu.memory_space<semaphore_mem>> -> memref<!tpu.dma_semaphore, #tpu.memory_space<semaphore_mem>>
        tpu.enqueue_indirect_dma source(%dma_start3A_328 : memref<100000x1024xf32, #tpu.memory_space<hbm>>) target(%dma_start3A_322 : memref<16x1024xf32, #tpu.memory_space<vmem>>) offsets(%dma_start3A_325 : memref<16xi32, #tpu.memory_space<vmem>>) semaphore(%dma_start3A_330 : memref<!tpu.dma_semaphore, #tpu.memory_space<semaphore_mem>>)
      } else {
      }
      %jit3A_189 = arith.constant 4 : i32
      %div3A_190 = arith.divsi %scan3A_159, %jit3A_189 : i32
      %sign3A_191 = arith.constant 0 : i32
      %sign3A_192 = arith.cmpi sgt, %scan3A_159, %sign3A_191 : i32
      %sign3A_193 = arith.extui %sign3A_192 : i1 to i32
      %sign3A_194 = arith.constant 0 : i32
      %sign3A_195 = arith.cmpi slt, %scan3A_159, %sign3A_194 : i32
      %sign3A_196 = arith.extui %sign3A_195 : i1 to i32
      %sign3A_197 = arith.subi %sign3A_193, %sign3A_196 : i32
      %sign3A_198 = arith.constant 0 : i32
      %sign3A_199 = arith.cmpi sgt, %jit3A_189, %sign3A_198 : i32
      %sign3A_200 = arith.extui %sign3A_199 : i1 to i32
      %sign3A_201 = arith.constant 0 : i32
      %sign3A_202 = arith.cmpi slt, %jit3A_189, %sign3A_201 : i32
      %sign3A_203 = arith.extui %sign3A_202 : i1 to i32
      %sign3A_204 = arith.subi %sign3A_200, %sign3A_203 : i32
      %ne3A_205 = arith.cmpi ne, %sign3A_197, %sign3A_204 : i32
      %rem3A_206 = arith.remsi %scan3A_159, %jit3A_189 : i32
      %ne3A_207 = arith.constant 0 : i32
      %ne3A_208 = arith.cmpi ne, %rem3A_206, %ne3A_207 : i32
      %and3A_209 = arith.andi %ne3A_205, %ne3A_208 : i1
      %sub3A_210 = arith.constant 1 : i32
      %sub3A_211 = arith.subi %div3A_190, %sub3A_210 : i32
      %select_n3A_212 = arith.select %and3A_209, %sub3A_211, %div3A_190 : i32
      %rem3A_213 = arith.constant 4 : i32
      %rem3A_214 = arith.remsi %scan3A_159, %rem3A_213 : i32
      %rem3A_215 = arith.constant 5 : i32
      %rem3A_216 = arith.remsi %scan3A_159, %rem3A_215 : i32
      %mul3A_217 = arith.constant 16 : i32
      %mul3A_218 = arith.muli %rem3A_214, %mul3A_217 : i32
      %add3A_219 = arith.addi %mul3A_218, %select_n3A_212 : i32
      %dma_wait3A_220 = arith.constant 0 : i32
      %dma_wait3A_221 = arith.constant 0 : i32
      %dma_wait3A_222 = tpu.memref_slice %arg7[%rem3A_216, %dma_wait3A_220, %dma_wait3A_221] : memref<5x16x1024xf32, #tpu.memory_space<vmem>> -> memref<1x16x1024xf32, #tpu.memory_space<vmem>>
      %dma_wait3A_223 = tpu.memref_squeeze %dma_wait3A_222 : memref<1x16x1024xf32, #tpu.memory_space<vmem>> -> memref<16x1024xf32, #tpu.memory_space<vmem>>
      %dma_wait3A_224 = arith.constant 0 : i32
      %dma_wait3A_225 = tpu.memref_slice %arg6[%add3A_219, %dma_wait3A_224] : memref<64x16xi32, #tpu.memory_space<vmem>> -> memref<1x16xi32, #tpu.memory_space<vmem>>
      %dma_wait3A_226 = tpu.memref_squeeze %dma_wait3A_225 : memref<1x16xi32, #tpu.memory_space<vmem>> -> memref<16xi32, #tpu.memory_space<vmem>>
      %dma_wait3A_227 = arith.constant 0 : i32
      %dma_wait3A_228 = arith.constant 0 : i32
      %dma_wait3A_229 = tpu.memref_slice %arg3[%dma_wait3A_227, %dma_wait3A_228] : memref<100000x1024xf32, #tpu.memory_space<hbm>> -> memref<100000x1024xf32, #tpu.memory_space<hbm>>
      %dma_wait3A_230 = tpu.memref_slice %arg9[%rem3A_216] : memref<5x!tpu.dma_semaphore, #tpu.memory_space<semaphore_mem>> -> memref<1x!tpu.dma_semaphore, #tpu.memory_space<semaphore_mem>>
      %dma_wait3A_231 = tpu.memref_squeeze %dma_wait3A_230 : memref<1x!tpu.dma_semaphore, #tpu.memory_space<semaphore_mem>> -> memref<!tpu.dma_semaphore, #tpu.memory_space<semaphore_mem>>
      tpu.wait_indirect_dma semaphore(%dma_wait3A_231 : memref<!tpu.dma_semaphore, #tpu.memory_space<semaphore_mem>>) src(%dma_wait3A_229 : memref<100000x1024xf32, #tpu.memory_space<hbm>>) dst(%dma_wait3A_223 : memref<16x1024xf32, #tpu.memory_space<vmem>>)
      %rem3A_232 = arith.constant 5 : i32
      %rem3A_233 = arith.remsi %scan3A_159, %rem3A_232 : i32
      %rem3A_234 = arith.constant 2 : i32
      %rem3A_235 = arith.remsi %select_n3A, %rem3A_234 : i32
      %parallel_loop3A = arith.constant 0 : i32
      %parallel_loop3A_236 = arith.constant 16 : i32
      %parallel_loop3A_237 = arith.constant 1 : i32
      scf.for %parallel_loop3A_286 = %parallel_loop3A to %parallel_loop3A_236 step %parallel_loop3A_237  : i32 {
        %parallel_loop3A_287 = arith.constant 0 : i32
        %parallel_loop3A_288 = arith.constant 0 : i32
        %parallel_loop3A_289 = tpu.memref_slice %arg8[%rem3A_235, %parallel_loop3A_287, %parallel_loop3A_288] : memref<2x16x1024xf32, #tpu.memory_space<vmem>> -> memref<1x16x1024xf32, #tpu.memory_space<vmem>>
        %parallel_loop3A_290 = tpu.memref_squeeze %parallel_loop3A_289 : memref<1x16x1024xf32, #tpu.memory_space<vmem>> -> memref<16x1024xf32, #tpu.memory_space<vmem>>
        %parallel_loop3A_291 = arith.index_cast %parallel_loop3A_286 : i32 to index
        %parallel_loop3A_292 = arith.constant 0 : index
        %parallel_loop3A_293 = tpu.vector_load %parallel_loop3A_290[%parallel_loop3A_291, %parallel_loop3A_292] {strides = array<i32>} : memref<16x1024xf32, #tpu.memory_space<vmem>>, vector<1x16xf32>,
        %parallel_loop3A_294 = vector.shape_cast %parallel_loop3A_293 : vector<1x16xf32> to vector<16xf32>
        %parallel_loop3A_295 = arith.constant 0 : i32
        %parallel_loop3A_296 = arith.constant 0 : i32
        %parallel_loop3A_297 = tpu.memref_slice %arg7[%rem3A_233, %parallel_loop3A_295, %parallel_loop3A_296] : memref<5x16x1024xf32, #tpu.memory_space<vmem>> -> memref<1x16x1024xf32, #tpu.memory_space<vmem>>
        %parallel_loop3A_298 = tpu.memref_squeeze %parallel_loop3A_297 : memref<1x16x1024xf32, #tpu.memory_space<vmem>> -> memref<16x1024xf32, #tpu.memory_space<vmem>>
        %parallel_loop3A_299 = arith.index_cast %parallel_loop3A_286 : i32 to index
        %parallel_loop3A_300 = arith.constant 0 : index
        %parallel_loop3A_301 = tpu.vector_load %parallel_loop3A_298[%parallel_loop3A_299, %parallel_loop3A_300] {strides = array<i32>} : memref<16x1024xf32, #tpu.memory_space<vmem>>, vector<1x16xf32>,
        %parallel_loop3A_302 = vector.shape_cast %parallel_loop3A_301 : vector<1x16xf32> to vector<16xf32>
        %parallel_loop3A_303 = vector.shape_cast %parallel_loop3A_294 : vector<16xf32> to vector<1x16xf32>
        tpu.vector_store %parallel_loop3A_298[%parallel_loop3A_299, %parallel_loop3A_300], %parallel_loop3A_303 {add = true, strides = array<i32>} : memref<16x1024xf32, #tpu.memory_space<vmem>>, vector<1x16xf32>,
        %parallel_loop3A_304 = arith.constant 0 : i32
        %parallel_loop3A_305 = arith.constant 0 : i32
        %parallel_loop3A_306 = tpu.memref_slice %arg8[%rem3A_235, %parallel_loop3A_304, %parallel_loop3A_305] : memref<2x16x1024xf32, #tpu.memory_space<vmem>> -> memref<1x16x1024xf32, #tpu.memory_space<vmem>>
        %parallel_loop3A_307 = tpu.memref_squeeze %parallel_loop3A_306 : memref<1x16x1024xf32, #tpu.memory_space<vmem>> -> memref<16x1024xf32, #tpu.memory_space<vmem>>
        %parallel_loop3A_308 = arith.index_cast %parallel_loop3A_286 : i32 to index
        %parallel_loop3A_309 = arith.constant 16 : index
        %parallel_loop3A_310 = tpu.vector_load %parallel_loop3A_307[%parallel_loop3A_308, %parallel_loop3A_309] {strides = array<i32>} : memref<16x1024xf32, #tpu.memory_space<vmem>>, vector<1x16xf32>,
        %parallel_loop3A_311 = vector.shape_cast %parallel_loop3A_310 : vector<1x16xf32> to vector<16xf32>
        %parallel_loop3A_312 = arith.constant 0 : i32
        %parallel_loop3A_313 = arith.constant 0 : i32
        %parallel_loop3A_314 = tpu.memref_slice %arg7[%rem3A_233, %parallel_loop3A_312, %parallel_loop3A_313] : memref<5x16x1024xf32, #tpu.memory_space<vmem>> -> memref<1x16x1024xf32, #tpu.memory_space<vmem>>
        %parallel_loop3A_315 = tpu.memref_squeeze %parallel_loop3A_314 : memref<1x16x1024xf32, #tpu.memory_space<vmem>> -> memref<16x1024xf32, #tpu.memory_space<vmem>>
        %parallel_loop3A_316 = arith.index_cast %parallel_loop3A_286 : i32 to index
        %parallel_loop3A_317 = arith.constant 16 : index
        %parallel_loop3A_318 = tpu.vector_load %parallel_loop3A_315[%parallel_loop3A_316, %parallel_loop3A_317] {strides = array<i32>} : memref<16x1024xf32, #tpu.memory_space<vmem>>, vector<1x16xf32>,
        %parallel_loop3A_319 = vector.shape_cast %parallel_loop3A_318 : vector<1x16xf32> to vector<16xf32>
        %parallel_loop3A_320 = vector.shape_cast %parallel_loop3A_311 : vector<16xf32> to vector<1x16xf32>
        tpu.vector_store %parallel_loop3A_315[%parallel_loop3A_316, %parallel_loop3A_317], %parallel_loop3A_320 {add = true, strides = array<i32>} : memref<16x1024xf32, #tpu.memory_space<vmem>>, vector<1x16xf32>,
        %parallel_loop3A_321 = arith.constant 0 : i32
        %parallel_loop3A_322 = arith.constant 0 : i32
        %parallel_loop3A_323 = tpu.memref_slice %arg8[%rem3A_235, %parallel_loop3A_321, %parallel_loop3A_322] : memref<2x16x1024xf32, #tpu.memory_space<vmem>> -> memref<1x16x1024xf32, #tpu.memory_space<vmem>>
        %parallel_loop3A_324 = tpu.memref_squeeze %parallel_loop3A_323 : memref<1x16x1024xf32, #tpu.memory_space<vmem>> -> memref<16x1024xf32, #tpu.memory_space<vmem>>
        %parallel_loop3A_325 = arith.index_cast %parallel_loop3A_286 : i32 to index
        %parallel_loop3A_326 = arith.constant 32 : index
        %parallel_loop3A_327 = tpu.vector_load %parallel_loop3A_324[%parallel_loop3A_325, %parallel_loop3A_326] {strides = array<i32>} : memref<16x1024xf32, #tpu.memory_space<vmem>>, vector<1x16xf32>,
        %parallel_loop3A_328 = vector.shape_cast %parallel_loop3A_327 : vector<1x16xf32> to vector<16xf32>
        %parallel_loop3A_329 = arith.constant 0 : i32
        %parallel_loop3A_330 = arith.constant 0 : i32
        %parallel_loop3A_331 = tpu.memref_slice %arg7[%rem3A_233, %parallel_loop3A_329, %parallel_loop3A_330] : memref<5x16x1024xf32, #tpu.memory_space<vmem>> -> memref<1x16x1024xf32, #tpu.memory_space<vmem>>
        %parallel_loop3A_332 = tpu.memref_squeeze %parallel_loop3A_331 : memref<1x16x1024xf32, #tpu.memory_space<vmem>> -> memref<16x1024xf32, #tpu.memory_space<vmem>>
        %parallel_loop3A_333 = arith.index_cast %parallel_loop3A_286 : i32 to index
        %parallel_loop3A_334 = arith.constant 32 : index
        %parallel_loop3A_335 = tpu.vector_load %parallel_loop3A_332[%parallel_loop3A_333, %parallel_loop3A_334] {strides = array<i32>} : memref<16x1024xf32, #tpu.memory_space<vmem>>, vector<1x16xf32>,
        %parallel_loop3A_336 = vector.shape_cast %parallel_loop3A_335 : vector<1x16xf32> to vector<16xf32>
        %parallel_loop3A_337 = vector.shape_cast %parallel_loop3A_328 : vector<16xf32> to vector<1x16xf32>
        tpu.vector_store %parallel_loop3A_332[%parallel_loop3A_333, %parallel_loop3A_334], %parallel_loop3A_337 {add = true, strides = array<i32>} : memref<16x1024xf32, #tpu.memory_space<vmem>>, vector<1x16xf32>,
        %parallel_loop3A_338 = arith.constant 0 : i32
        %parallel_loop3A_339 = arith.constant 0 : i32
        %parallel_loop3A_340 = tpu.memref_slice %arg8[%rem3A_235, %parallel_loop3A_338, %parallel_loop3A_339] : memref<2x16x1024xf32, #tpu.memory_space<vmem>> -> memref<1x16x1024xf32, #tpu.memory_space<vmem>>
        %parallel_loop3A_341 = tpu.memref_squeeze %parallel_loop3A_340 : memref<1x16x1024xf32, #tpu.memory_space<vmem>> -> memref<16x1024xf32, #tpu.memory_space<vmem>>
        %parallel_loop3A_342 = arith.index_cast %parallel_loop3A_286 : i32 to index
        %parallel_loop3A_343 = arith.constant 48 : index
        %parallel_loop3A_344 = tpu.vector_load %parallel_loop3A_341[%parallel_loop3A_342, %parallel_loop3A_343] {strides = array<i32>} : memref<16x1024xf32, #tpu.memory_space<vmem>>, vector<1x16xf32>,
        %parallel_loop3A_345 = vector.shape_cast %parallel_loop3A_344 : vector<1x16xf32> to vector<16xf32>
        %parallel_loop3A_346 = arith.constant 0 : i32
        %parallel_loop3A_347 = arith.constant 0 : i32
        %parallel_loop3A_348 = tpu.memref_slice %arg7[%rem3A_233, %parallel_loop3A_346, %parallel_loop3A_347] : memref<5x16x1024xf32, #tpu.memory_space<vmem>> -> memref<1x16x1024xf32, #tpu.memory_space<vmem>>
        %parallel_loop3A_349 = tpu.memref_squeeze %parallel_loop3A_348 : memref<1x16x1024xf32, #tpu.memory_space<vmem>> -> memref<16x1024xf32, #tpu.memory_space<vmem>>
        %parallel_loop3A_350 = arith.index_cast %parallel_loop3A_286 : i32 to index
        %parallel_loop3A_351 = arith.constant 48 : index
        %parallel_loop3A_352 = tpu.vector_load %parallel_loop3A_349[%parallel_loop3A_350, %parallel_loop3A_351] {strides = array<i32>} : memref<16x1024xf32, #tpu.memory_space<vmem>>, vector<1x16xf32>,
        %parallel_loop3A_353 = vector.shape_cast %parallel_loop3A_352 : vector<1x16xf32> to vector<16xf32>
        %parallel_loop3A_354 = vector.shape_cast %parallel_loop3A_345 : vector<16xf32> to vector<1x16xf32>
        tpu.vector_store %parallel_loop3A_349[%parallel_loop3A_350, %parallel_loop3A_351], %parallel_loop3A_354 {add = true, strides = array<i32>} : memref<16x1024xf32, #tpu.memory_space<vmem>>, vector<1x16xf32>,
        %parallel_loop3A_355 = arith.constant 0 : i32
        %parallel_loop3A_356 = arith.constant 0 : i32
        %parallel_loop3A_357 = tpu.memref_slice %arg8[%rem3A_235, %parallel_loop3A_355, %parallel_loop3A_356] : memref<2x16x1024xf32, #tpu.memory_space<vmem>> -> memref<1x16x1024xf32, #tpu.memory_space<vmem>>
        %parallel_loop3A_358 = tpu.memref_squeeze %parallel_loop3A_357 : memref<1x16x1024xf32, #tpu.memory_space<vmem>> -> memref<16x1024xf32, #tpu.memory_space<vmem>>
        %parallel_loop3A_359 = arith.index_cast %parallel_loop3A_286 : i32 to index
        %parallel_loop3A_360 = arith.constant 64 : index
        %parallel_loop3A_361 = tpu.vector_load %parallel_loop3A_358[%parallel_loop3A_359, %parallel_loop3A_360] {strides = array<i32>} : memref<16x1024xf32, #tpu.memory_space<vmem>>, vector<1x16xf32>,
        %parallel_loop3A_362 = vector.shape_cast %parallel_loop3A_361 : vector<1x16xf32> to vector<16xf32>
        %parallel_loop3A_363 = arith.constant 0 : i32
        %parallel_loop3A_364 = arith.constant 0 : i32
        %parallel_loop3A_365 = tpu.memref_slice %arg7[%rem3A_233, %parallel_loop3A_363, %parallel_loop3A_364] : memref<5x16x1024xf32, #tpu.memory_space<vmem>> -> memref<1x16x1024xf32, #tpu.memory_space<vmem>>
        %parallel_loop3A_366 = tpu.memref_squeeze %parallel_loop3A_365 : memref<1x16x1024xf32, #tpu.memory_space<vmem>> -> memref<16x1024xf32, #tpu.memory_space<vmem>>
        %parallel_loop3A_367 = arith.index_cast %parallel_loop3A_286 : i32 to index
        %parallel_loop3A_368 = arith.constant 64 : index
        %parallel_loop3A_369 = tpu.vector_load %parallel_loop3A_366[%parallel_loop3A_367, %parallel_loop3A_368] {strides = array<i32>} : memref<16x1024xf32, #tpu.memory_space<vmem>>, vector<1x16xf32>,
        %parallel_loop3A_370 = vector.shape_cast %parallel_loop3A_369 : vector<1x16xf32> to vector<16xf32>
        %parallel_loop3A_371 = vector.shape_cast %parallel_loop3A_362 : vector<16xf32> to vector<1x16xf32>
        tpu.vector_store %parallel_loop3A_366[%parallel_loop3A_367, %parallel_loop3A_368], %parallel_loop3A_371 {add = true, strides = array<i32>} : memref<16x1024xf32, #tpu.memory_space<vmem>>, vector<1x16xf32>,
        %parallel_loop3A_372 = arith.constant 0 : i32
        %parallel_loop3A_373 = arith.constant 0 : i32
        %parallel_loop3A_374 = tpu.memref_slice %arg8[%rem3A_235, %parallel_loop3A_372, %parallel_loop3A_373] : memref<2x16x1024xf32, #tpu.memory_space<vmem>> -> memref<1x16x1024xf32, #tpu.memory_space<vmem>>
        %parallel_loop3A_375 = tpu.memref_squeeze %parallel_loop3A_374 : memref<1x16x1024xf32, #tpu.memory_space<vmem>> -> memref<16x1024xf32, #tpu.memory_space<vmem>>
        %parallel_loop3A_376 = arith.index_cast %parallel_loop3A_286 : i32 to index
        %parallel_loop3A_377 = arith.constant 80 : index
        %parallel_loop3A_378 = tpu.vector_load %parallel_loop3A_375[%parallel_loop3A_376, %parallel_loop3A_377] {strides = array<i32>} : memref<16x1024xf32, #tpu.memory_space<vmem>>, vector<1x16xf32>,
        %parallel_loop3A_379 = vector.shape_cast %parallel_loop3A_378 : vector<1x16xf32> to vector<16xf32>
        %parallel_loop3A_380 = arith.constant 0 : i32
        %parallel_loop3A_381 = arith.constant 0 : i32
        %parallel_loop3A_382 = tpu.memref_slice %arg7[%rem3A_233, %parallel_loop3A_380, %parallel_loop3A_381] : memref<5x16x1024xf32, #tpu.memory_space<vmem>> -> memref<1x16x1024xf32, #tpu.memory_space<vmem>>
        %parallel_loop3A_383 = tpu.memref_squeeze %parallel_loop3A_382 : memref<1x16x1024xf32, #tpu.memory_space<vmem>> -> memref<16x1024xf32, #tpu.memory_space<vmem>>
        %parallel_loop3A_384 = arith.index_cast %parallel_loop3A_286 : i32 to index
        %parallel_loop3A_385 = arith.constant 80 : index
        %parallel_loop3A_386 = tpu.vector_load %parallel_loop3A_383[%parallel_loop3A_384, %parallel_loop3A_385] {strides = array<i32>} : memref<16x1024xf32, #tpu.memory_space<vmem>>, vector<1x16xf32>,
        %parallel_loop3A_387 = vector.shape_cast %parallel_loop3A_386 : vector<1x16xf32> to vector<16xf32>
        %parallel_loop3A_388 = vector.shape_cast %parallel_loop3A_379 : vector<16xf32> to vector<1x16xf32>
        tpu.vector_store %parallel_loop3A_383[%parallel_loop3A_384, %parallel_loop3A_385], %parallel_loop3A_388 {add = true, strides = array<i32>} : memref<16x1024xf32, #tpu.memory_space<vmem>>, vector<1x16xf32>,
        %parallel_loop3A_389 = arith.constant 0 : i32
        %parallel_loop3A_390 = arith.constant 0 : i32
        %parallel_loop3A_391 = tpu.memref_slice %arg8[%rem3A_235, %parallel_loop3A_389, %parallel_loop3A_390] : memref<2x16x1024xf32, #tpu.memory_space<vmem>> -> memref<1x16x1024xf32, #tpu.memory_space<vmem>>
        %parallel_loop3A_392 = tpu.memref_squeeze %parallel_loop3A_391 : memref<1x16x1024xf32, #tpu.memory_space<vmem>> -> memref<16x1024xf32, #tpu.memory_space<vmem>>
        %parallel_loop3A_393 = arith.index_cast %parallel_loop3A_286 : i32 to index
        %parallel_loop3A_394 = arith.constant 96 : index
        %parallel_loop3A_395 = tpu.vector_load %parallel_loop3A_392[%parallel_loop3A_393, %parallel_loop3A_394] {strides = array<i32>} : memref<16x1024xf32, #tpu.memory_space<vmem>>, vector<1x16xf32>,
        %parallel_loop3A_396 = vector.shape_cast %parallel_loop3A_395 : vector<1x16xf32> to vector<16xf32>
        %parallel_loop3A_397 = arith.constant 0 : i32
        %parallel_loop3A_398 = arith.constant 0 : i32
        %parallel_loop3A_399 = tpu.memref_slice %arg7[%rem3A_233, %parallel_loop3A_397, %parallel_loop3A_398] : memref<5x16x1024xf32, #tpu.memory_space<vmem>> -> memref<1x16x1024xf32, #tpu.memory_space<vmem>>
        %parallel_loop3A_400 = tpu.memref_squeeze %parallel_loop3A_399 : memref<1x16x1024xf32, #tpu.memory_space<vmem>> -> memref<16x1024xf32, #tpu.memory_space<vmem>>
        %parallel_loop3A_401 = arith.index_cast %parallel_loop3A_286 : i32 to index
        %parallel_loop3A_402 = arith.constant 96 : index
        %parallel_loop3A_403 = tpu.vector_load %parallel_loop3A_400[%parallel_loop3A_401, %parallel_loop3A_402] {strides = array<i32>} : memref<16x1024xf32, #tpu.memory_space<vmem>>, vector<1x16xf32>,
        %parallel_loop3A_404 = vector.shape_cast %parallel_loop3A_403 : vector<1x16xf32> to vector<16xf32>
        %parallel_loop3A_405 = vector.shape_cast %parallel_loop3A_396 : vector<16xf32> to vector<1x16xf32>
        tpu.vector_store %parallel_loop3A_400[%parallel_loop3A_401, %parallel_loop3A_402], %parallel_loop3A_405 {add = true, strides = array<i32>} : memref<16x1024xf32, #tpu.memory_space<vmem>>, vector<1x16xf32>,
        %parallel_loop3A_406 = arith.constant 0 : i32
        %parallel_loop3A_407 = arith.constant 0 : i32
        %parallel_loop3A_408 = tpu.memref_slice %arg8[%rem3A_235, %parallel_loop3A_406, %parallel_loop3A_407] : memref<2x16x1024xf32, #tpu.memory_space<vmem>> -> memref<1x16x1024xf32, #tpu.memory_space<vmem>>
        %parallel_loop3A_409 = tpu.memref_squeeze %parallel_loop3A_408 : memref<1x16x1024xf32, #tpu.memory_space<vmem>> -> memref<16x1024xf32, #tpu.memory_space<vmem>>
        %parallel_loop3A_410 = arith.index_cast %parallel_loop3A_286 : i32 to index
        %parallel_loop3A_411 = arith.constant 112 : index
        %parallel_loop3A_412 = tpu.vector_load %parallel_loop3A_409[%parallel_loop3A_410, %parallel_loop3A_411] {strides = array<i32>} : memref<16x1024xf32, #tpu.memory_space<vmem>>, vector<1x16xf32>,
        %parallel_loop3A_413 = vector.shape_cast %parallel_loop3A_412 : vector<1x16xf32> to vector<16xf32>
        %parallel_loop3A_414 = arith.constant 0 : i32
        %parallel_loop3A_415 = arith.constant 0 : i32
        %parallel_loop3A_416 = tpu.memref_slice %arg7[%rem3A_233, %parallel_loop3A_414, %parallel_loop3A_415] : memref<5x16x1024xf32, #tpu.memory_space<vmem>> -> memref<1x16x1024xf32, #tpu.memory_space<vmem>>
        %parallel_loop3A_417 = tpu.memref_squeeze %parallel_loop3A_416 : memref<1x16x1024xf32, #tpu.memory_space<vmem>> -> memref<16x1024xf32, #tpu.memory_space<vmem>>
        %parallel_loop3A_418 = arith.index_cast %parallel_loop3A_286 : i32 to index
        %parallel_loop3A_419 = arith.constant 112 : index
        %parallel_loop3A_420 = tpu.vector_load %parallel_loop3A_417[%parallel_loop3A_418, %parallel_loop3A_419] {strides = array<i32>} : memref<16x1024xf32, #tpu.memory_space<vmem>>, vector<1x16xf32>,
        %parallel_loop3A_421 = vector.shape_cast %parallel_loop3A_420 : vector<1x16xf32> to vector<16xf32>
        %parallel_loop3A_422 = vector.shape_cast %parallel_loop3A_413 : vector<16xf32> to vector<1x16xf32>
        tpu.vector_store %parallel_loop3A_417[%parallel_loop3A_418, %parallel_loop3A_419], %parallel_loop3A_422 {add = true, strides = array<i32>} : memref<16x1024xf32, #tpu.memory_space<vmem>>, vector<1x16xf32>,
        %parallel_loop3A_423 = arith.constant 0 : i32
        %parallel_loop3A_424 = arith.constant 0 : i32
        %parallel_loop3A_425 = tpu.memref_slice %arg8[%rem3A_235, %parallel_loop3A_423, %parallel_loop3A_424] : memref<2x16x1024xf32, #tpu.memory_space<vmem>> -> memref<1x16x1024xf32, #tpu.memory_space<vmem>>
        %parallel_loop3A_426 = tpu.memref_squeeze %parallel_loop3A_425 : memref<1x16x1024xf32, #tpu.memory_space<vmem>> -> memref<16x1024xf32, #tpu.memory_space<vmem>>
        %parallel_loop3A_427 = arith.index_cast %parallel_loop3A_286 : i32 to index
        %parallel_loop3A_428 = arith.constant 128 : index
        %parallel_loop3A_429 = tpu.vector_load %parallel_loop3A_426[%parallel_loop3A_427, %parallel_loop3A_428] {strides = array<i32>} : memref<16x1024xf32, #tpu.memory_space<vmem>>, vector<1x16xf32>,
        %parallel_loop3A_430 = vector.shape_cast %parallel_loop3A_429 : vector<1x16xf32> to vector<16xf32>
        %parallel_loop3A_431 = arith.constant 0 : i32
        %parallel_loop3A_432 = arith.constant 0 : i32
        %parallel_loop3A_433 = tpu.memref_slice %arg7[%rem3A_233, %parallel_loop3A_431, %parallel_loop3A_432] : memref<5x16x1024xf32, #tpu.memory_space<vmem>> -> memref<1x16x1024xf32, #tpu.memory_space<vmem>>
        %parallel_loop3A_434 = tpu.memref_squeeze %parallel_loop3A_433 : memref<1x16x1024xf32, #tpu.memory_space<vmem>> -> memref<16x1024xf32, #tpu.memory_space<vmem>>
        %parallel_loop3A_435 = arith.index_cast %parallel_loop3A_286 : i32 to index
        %parallel_loop3A_436 = arith.constant 128 : index
        %parallel_loop3A_437 = tpu.vector_load %parallel_loop3A_434[%parallel_loop3A_435, %parallel_loop3A_436] {strides = array<i32>} : memref<16x1024xf32, #tpu.memory_space<vmem>>, vector<1x16xf32>,
        %parallel_loop3A_438 = vector.shape_cast %parallel_loop3A_437 : vector<1x16xf32> to vector<16xf32>
        %parallel_loop3A_439 = vector.shape_cast %parallel_loop3A_430 : vector<16xf32> to vector<1x16xf32>
        tpu.vector_store %parallel_loop3A_434[%parallel_loop3A_435, %parallel_loop3A_436], %parallel_loop3A_439 {add = true, strides = array<i32>} : memref<16x1024xf32, #tpu.memory_space<vmem>>, vector<1x16xf32>,
        %parallel_loop3A_440 = arith.constant 0 : i32
        %parallel_loop3A_441 = arith.constant 0 : i32
        %parallel_loop3A_442 = tpu.memref_slice %arg8[%rem3A_235, %parallel_loop3A_440, %parallel_loop3A_441] : memref<2x16x1024xf32, #tpu.memory_space<vmem>> -> memref<1x16x1024xf32, #tpu.memory_space<vmem>>
        %parallel_loop3A_443 = tpu.memref_squeeze %parallel_loop3A_442 : memref<1x16x1024xf32, #tpu.memory_space<vmem>> -> memref<16x1024xf32, #tpu.memory_space<vmem>>
        %parallel_loop3A_444 = arith.index_cast %parallel_loop3A_286 : i32 to index
        %parallel_loop3A_445 = arith.constant 144 : index
        %parallel_loop3A_446 = tpu.vector_load %parallel_loop3A_443[%parallel_loop3A_444, %parallel_loop3A_445] {strides = array<i32>} : memref<16x1024xf32, #tpu.memory_space<vmem>>, vector<1x16xf32>,
        %parallel_loop3A_447 = vector.shape_cast %parallel_loop3A_446 : vector<1x16xf32> to vector<16xf32>
        %parallel_loop3A_448 = arith.constant 0 : i32
        %parallel_loop3A_449 = arith.constant 0 : i32
        %parallel_loop3A_450 = tpu.memref_slice %arg7[%rem3A_233, %parallel_loop3A_448, %parallel_loop3A_449] : memref<5x16x1024xf32, #tpu.memory_space<vmem>> -> memref<1x16x1024xf32, #tpu.memory_space<vmem>>
        %parallel_loop3A_451 = tpu.memref_squeeze %parallel_loop3A_450 : memref<1x16x1024xf32, #tpu.memory_space<vmem>> -> memref<16x1024xf32, #tpu.memory_space<vmem>>
        %parallel_loop3A_452 = arith.index_cast %parallel_loop3A_286 : i32 to index
        %parallel_loop3A_453 = arith.constant 144 : index
        %parallel_loop3A_454 = tpu.vector_load %parallel_loop3A_451[%parallel_loop3A_452, %parallel_loop3A_453] {strides = array<i32>} : memref<16x1024xf32, #tpu.memory_space<vmem>>, vector<1x16xf32>,
        %parallel_loop3A_455 = vector.shape_cast %parallel_loop3A_454 : vector<1x16xf32> to vector<16xf32>
        %parallel_loop3A_456 = vector.shape_cast %parallel_loop3A_447 : vector<16xf32> to vector<1x16xf32>
        tpu.vector_store %parallel_loop3A_451[%parallel_loop3A_452, %parallel_loop3A_453], %parallel_loop3A_456 {add = true, strides = array<i32>} : memref<16x1024xf32, #tpu.memory_space<vmem>>, vector<1x16xf32>,
        %parallel_loop3A_457 = arith.constant 0 : i32
        %parallel_loop3A_458 = arith.constant 0 : i32
        %parallel_loop3A_459 = tpu.memref_slice %arg8[%rem3A_235, %parallel_loop3A_457, %parallel_loop3A_458] : memref<2x16x1024xf32, #tpu.memory_space<vmem>> -> memref<1x16x1024xf32, #tpu.memory_space<vmem>>
        %parallel_loop3A_460 = tpu.memref_squeeze %parallel_loop3A_459 : memref<1x16x1024xf32, #tpu.memory_space<vmem>> -> memref<16x1024xf32, #tpu.memory_space<vmem>>
        %parallel_loop3A_461 = arith.index_cast %parallel_loop3A_286 : i32 to index
        %parallel_loop3A_462 = arith.constant 160 : index
        %parallel_loop3A_463 = tpu.vector_load %parallel_loop3A_460[%parallel_loop3A_461, %parallel_loop3A_462] {strides = array<i32>} : memref<16x1024xf32, #tpu.memory_space<vmem>>, vector<1x16xf32>,
        %parallel_loop3A_464 = vector.shape_cast %parallel_loop3A_463 : vector<1x16xf32> to vector<16xf32>
        %parallel_loop3A_465 = arith.constant 0 : i32
        %parallel_loop3A_466 = arith.constant 0 : i32
        %parallel_loop3A_467 = tpu.memref_slice %arg7[%rem3A_233, %parallel_loop3A_465, %parallel_loop3A_466] : memref<5x16x1024xf32, #tpu.memory_space<vmem>> -> memref<1x16x1024xf32, #tpu.memory_space<vmem>>
        %parallel_loop3A_468 = tpu.memref_squeeze %parallel_loop3A_467 : memref<1x16x1024xf32, #tpu.memory_space<vmem>> -> memref<16x1024xf32, #tpu.memory_space<vmem>>
        %parallel_loop3A_469 = arith.index_cast %parallel_loop3A_286 : i32 to index
        %parallel_loop3A_470 = arith.constant 160 : index
        %parallel_loop3A_471 = tpu.vector_load %parallel_loop3A_468[%parallel_loop3A_469, %parallel_loop3A_470] {strides = array<i32>} : memref<16x1024xf32, #tpu.memory_space<vmem>>, vector<1x16xf32>,
        %parallel_loop3A_472 = vector.shape_cast %parallel_loop3A_471 : vector<1x16xf32> to vector<16xf32>
        %parallel_loop3A_473 = vector.shape_cast %parallel_loop3A_464 : vector<16xf32> to vector<1x16xf32>
        tpu.vector_store %parallel_loop3A_468[%parallel_loop3A_469, %parallel_loop3A_470], %parallel_loop3A_473 {add = true, strides = array<i32>} : memref<16x1024xf32, #tpu.memory_space<vmem>>, vector<1x16xf32>,
        %parallel_loop3A_474 = arith.constant 0 : i32
        %parallel_loop3A_475 = arith.constant 0 : i32
        %parallel_loop3A_476 = tpu.memref_slice %arg8[%rem3A_235, %parallel_loop3A_474, %parallel_loop3A_475] : memref<2x16x1024xf32, #tpu.memory_space<vmem>> -> memref<1x16x1024xf32, #tpu.memory_space<vmem>>
        %parallel_loop3A_477 = tpu.memref_squeeze %parallel_loop3A_476 : memref<1x16x1024xf32, #tpu.memory_space<vmem>> -> memref<16x1024xf32, #tpu.memory_space<vmem>>
        %parallel_loop3A_478 = arith.index_cast %parallel_loop3A_286 : i32 to index
        %parallel_loop3A_479 = arith.constant 176 : index
        %parallel_loop3A_480 = tpu.vector_load %parallel_loop3A_477[%parallel_loop3A_478, %parallel_loop3A_479] {strides = array<i32>} : memref<16x1024xf32, #tpu.memory_space<vmem>>, vector<1x16xf32>,
        %parallel_loop3A_481 = vector.shape_cast %parallel_loop3A_480 : vector<1x16xf32> to vector<16xf32>
        %parallel_loop3A_482 = arith.constant 0 : i32
        %parallel_loop3A_483 = arith.constant 0 : i32
        %parallel_loop3A_484 = tpu.memref_slice %arg7[%rem3A_233, %parallel_loop3A_482, %parallel_loop3A_483] : memref<5x16x1024xf32, #tpu.memory_space<vmem>> -> memref<1x16x1024xf32, #tpu.memory_space<vmem>>
        %parallel_loop3A_485 = tpu.memref_squeeze %parallel_loop3A_484 : memref<1x16x1024xf32, #tpu.memory_space<vmem>> -> memref<16x1024xf32, #tpu.memory_space<vmem>>
        %parallel_loop3A_486 = arith.index_cast %parallel_loop3A_286 : i32 to index
        %parallel_loop3A_487 = arith.constant 176 : index
        %parallel_loop3A_488 = tpu.vector_load %parallel_loop3A_485[%parallel_loop3A_486, %parallel_loop3A_487] {strides = array<i32>} : memref<16x1024xf32, #tpu.memory_space<vmem>>, vector<1x16xf32>,
        %parallel_loop3A_489 = vector.shape_cast %parallel_loop3A_488 : vector<1x16xf32> to vector<16xf32>
        %parallel_loop3A_490 = vector.shape_cast %parallel_loop3A_481 : vector<16xf32> to vector<1x16xf32>
        tpu.vector_store %parallel_loop3A_485[%parallel_loop3A_486, %parallel_loop3A_487], %parallel_loop3A_490 {add = true, strides = array<i32>} : memref<16x1024xf32, #tpu.memory_space<vmem>>, vector<1x16xf32>,
        %parallel_loop3A_491 = arith.constant 0 : i32
        %parallel_loop3A_492 = arith.constant 0 : i32
        %parallel_loop3A_493 = tpu.memref_slice %arg8[%rem3A_235, %parallel_loop3A_491, %parallel_loop3A_492] : memref<2x16x1024xf32, #tpu.memory_space<vmem>> -> memref<1x16x1024xf32, #tpu.memory_space<vmem>>
        %parallel_loop3A_494 = tpu.memref_squeeze %parallel_loop3A_493 : memref<1x16x1024xf32, #tpu.memory_space<vmem>> -> memref<16x1024xf32, #tpu.memory_space<vmem>>
        %parallel_loop3A_495 = arith.index_cast %parallel_loop3A_286 : i32 to index
        %parallel_loop3A_496 = arith.constant 192 : index
        %parallel_loop3A_497 = tpu.vector_load %parallel_loop3A_494[%parallel_loop3A_495, %parallel_loop3A_496] {strides = array<i32>} : memref<16x1024xf32, #tpu.memory_space<vmem>>, vector<1x16xf32>,
        %parallel_loop3A_498 = vector.shape_cast %parallel_loop3A_497 : vector<1x16xf32> to vector<16xf32>
        %parallel_loop3A_499 = arith.constant 0 : i32
        %parallel_loop3A_500 = arith.constant 0 : i32
        %parallel_loop3A_501 = tpu.memref_slice %arg7[%rem3A_233, %parallel_loop3A_499, %parallel_loop3A_500] : memref<5x16x1024xf32, #tpu.memory_space<vmem>> -> memref<1x16x1024xf32, #tpu.memory_space<vmem>>
        %parallel_loop3A_502 = tpu.memref_squeeze %parallel_loop3A_501 : memref<1x16x1024xf32, #tpu.memory_space<vmem>> -> memref<16x1024xf32, #tpu.memory_space<vmem>>
        %parallel_loop3A_503 = arith.index_cast %parallel_loop3A_286 : i32 to index
        %parallel_loop3A_504 = arith.constant 192 : index
        %parallel_loop3A_505 = tpu.vector_load %parallel_loop3A_502[%parallel_loop3A_503, %parallel_loop3A_504] {strides = array<i32>} : memref<16x1024xf32, #tpu.memory_space<vmem>>, vector<1x16xf32>,
        %parallel_loop3A_506 = vector.shape_cast %parallel_loop3A_505 : vector<1x16xf32> to vector<16xf32>
        %parallel_loop3A_507 = vector.shape_cast %parallel_loop3A_498 : vector<16xf32> to vector<1x16xf32>
        tpu.vector_store %parallel_loop3A_502[%parallel_loop3A_503, %parallel_loop3A_504], %parallel_loop3A_507 {add = true, strides = array<i32>} : memref<16x1024xf32, #tpu.memory_space<vmem>>, vector<1x16xf32>,
        %parallel_loop3A_508 = arith.constant 0 : i32
        %parallel_loop3A_509 = arith.constant 0 : i32
        %parallel_loop3A_510 = tpu.memref_slice %arg8[%rem3A_235, %parallel_loop3A_508, %parallel_loop3A_509] : memref<2x16x1024xf32, #tpu.memory_space<vmem>> -> memref<1x16x1024xf32, #tpu.memory_space<vmem>>
        %parallel_loop3A_511 = tpu.memref_squeeze %parallel_loop3A_510 : memref<1x16x1024xf32, #tpu.memory_space<vmem>> -> memref<16x1024xf32, #tpu.memory_space<vmem>>
        %parallel_loop3A_512 = arith.index_cast %parallel_loop3A_286 : i32 to index
        %parallel_loop3A_513 = arith.constant 208 : index
        %parallel_loop3A_514 = tpu.vector_load %parallel_loop3A_511[%parallel_loop3A_512, %parallel_loop3A_513] {strides = array<i32>} : memref<16x1024xf32, #tpu.memory_space<vmem>>, vector<1x16xf32>,
        %parallel_loop3A_515 = vector.shape_cast %parallel_loop3A_514 : vector<1x16xf32> to vector<16xf32>
        %parallel_loop3A_516 = arith.constant 0 : i32
        %parallel_loop3A_517 = arith.constant 0 : i32
        %parallel_loop3A_518 = tpu.memref_slice %arg7[%rem3A_233, %parallel_loop3A_516, %parallel_loop3A_517] : memref<5x16x1024xf32, #tpu.memory_space<vmem>> -> memref<1x16x1024xf32, #tpu.memory_space<vmem>>
        %parallel_loop3A_519 = tpu.memref_squeeze %parallel_loop3A_518 : memref<1x16x1024xf32, #tpu.memory_space<vmem>> -> memref<16x1024xf32, #tpu.memory_space<vmem>>
        %parallel_loop3A_520 = arith.index_cast %parallel_loop3A_286 : i32 to index
        %parallel_loop3A_521 = arith.constant 208 : index
        %parallel_loop3A_522 = tpu.vector_load %parallel_loop3A_519[%parallel_loop3A_520, %parallel_loop3A_521] {strides = array<i32>} : memref<16x1024xf32, #tpu.memory_space<vmem>>, vector<1x16xf32>,
        %parallel_loop3A_523 = vector.shape_cast %parallel_loop3A_522 : vector<1x16xf32> to vector<16xf32>
        %parallel_loop3A_524 = vector.shape_cast %parallel_loop3A_515 : vector<16xf32> to vector<1x16xf32>
        tpu.vector_store %parallel_loop3A_519[%parallel_loop3A_520, %parallel_loop3A_521], %parallel_loop3A_524 {add = true, strides = array<i32>} : memref<16x1024xf32, #tpu.memory_space<vmem>>, vector<1x16xf32>,
        %parallel_loop3A_525 = arith.constant 0 : i32
        %parallel_loop3A_526 = arith.constant 0 : i32
        %parallel_loop3A_527 = tpu.memref_slice %arg8[%rem3A_235, %parallel_loop3A_525, %parallel_loop3A_526] : memref<2x16x1024xf32, #tpu.memory_space<vmem>> -> memref<1x16x1024xf32, #tpu.memory_space<vmem>>
        %parallel_loop3A_528 = tpu.memref_squeeze %parallel_loop3A_527 : memref<1x16x1024xf32, #tpu.memory_space<vmem>> -> memref<16x1024xf32, #tpu.memory_space<vmem>>
        %parallel_loop3A_529 = arith.index_cast %parallel_loop3A_286 : i32 to index
        %parallel_loop3A_530 = arith.constant 224 : index
        %parallel_loop3A_531 = tpu.vector_load %parallel_loop3A_528[%parallel_loop3A_529, %parallel_loop3A_530] {strides = array<i32>} : memref<16x1024xf32, #tpu.memory_space<vmem>>, vector<1x16xf32>,
        %parallel_loop3A_532 = vector.shape_cast %parallel_loop3A_531 : vector<1x16xf32> to vector<16xf32>
        %parallel_loop3A_533 = arith.constant 0 : i32
        %parallel_loop3A_534 = arith.constant 0 : i32
        %parallel_loop3A_535 = tpu.memref_slice %arg7[%rem3A_233, %parallel_loop3A_533, %parallel_loop3A_534] : memref<5x16x1024xf32, #tpu.memory_space<vmem>> -> memref<1x16x1024xf32, #tpu.memory_space<vmem>>
        %parallel_loop3A_536 = tpu.memref_squeeze %parallel_loop3A_535 : memref<1x16x1024xf32, #tpu.memory_space<vmem>> -> memref<16x1024xf32, #tpu.memory_space<vmem>>
        %parallel_loop3A_537 = arith.index_cast %parallel_loop3A_286 : i32 to index
        %parallel_loop3A_538 = arith.constant 224 : index
        %parallel_loop3A_539 = tpu.vector_load %parallel_loop3A_536[%parallel_loop3A_537, %parallel_loop3A_538] {strides = array<i32>} : memref<16x1024xf32, #tpu.memory_space<vmem>>, vector<1x16xf32>,
        %parallel_loop3A_540 = vector.shape_cast %parallel_loop3A_539 : vector<1x16xf32> to vector<16xf32>
        %parallel_loop3A_541 = vector.shape_cast %parallel_loop3A_532 : vector<16xf32> to vector<1x16xf32>
        tpu.vector_store %parallel_loop3A_536[%parallel_loop3A_537, %parallel_loop3A_538], %parallel_loop3A_541 {add = true, strides = array<i32>} : memref<16x1024xf32, #tpu.memory_space<vmem>>, vector<1x16xf32>,
        %parallel_loop3A_542 = arith.constant 0 : i32
        %parallel_loop3A_543 = arith.constant 0 : i32
        %parallel_loop3A_544 = tpu.memref_slice %arg8[%rem3A_235, %parallel_loop3A_542, %parallel_loop3A_543] : memref<2x16x1024xf32, #tpu.memory_space<vmem>> -> memref<1x16x1024xf32, #tpu.memory_space<vmem>>
        %parallel_loop3A_545 = tpu.memref_squeeze %parallel_loop3A_544 : memref<1x16x1024xf32, #tpu.memory_space<vmem>> -> memref<16x1024xf32, #tpu.memory_space<vmem>>
        %parallel_loop3A_546 = arith.index_cast %parallel_loop3A_286 : i32 to index
        %parallel_loop3A_547 = arith.constant 240 : index
        %parallel_loop3A_548 = tpu.vector_load %parallel_loop3A_545[%parallel_loop3A_546, %parallel_loop3A_547] {strides = array<i32>} : memref<16x1024xf32, #tpu.memory_space<vmem>>, vector<1x16xf32>,
        %parallel_loop3A_549 = vector.shape_cast %parallel_loop3A_548 : vector<1x16xf32> to vector<16xf32>
        %parallel_loop3A_550 = arith.constant 0 : i32
        %parallel_loop3A_551 = arith.constant 0 : i32
        %parallel_loop3A_552 = tpu.memref_slice %arg7[%rem3A_233, %parallel_loop3A_550, %parallel_loop3A_551] : memref<5x16x1024xf32, #tpu.memory_space<vmem>> -> memref<1x16x1024xf32, #tpu.memory_space<vmem>>
        %parallel_loop3A_553 = tpu.memref_squeeze %parallel_loop3A_552 : memref<1x16x1024xf32, #tpu.memory_space<vmem>> -> memref<16x1024xf32, #tpu.memory_space<vmem>>
        %parallel_loop3A_554 = arith.index_cast %parallel_loop3A_286 : i32 to index
        %parallel_loop3A_555 = arith.constant 240 : index
        %parallel_loop3A_556 = tpu.vector_load %parallel_loop3A_553[%parallel_loop3A_554, %parallel_loop3A_555] {strides = array<i32>} : memref<16x1024xf32, #tpu.memory_space<vmem>>, vector<1x16xf32>,
        %parallel_loop3A_557 = vector.shape_cast %parallel_loop3A_556 : vector<1x16xf32> to vector<16xf32>
        %parallel_loop3A_558 = vector.shape_cast %parallel_loop3A_549 : vector<16xf32> to vector<1x16xf32>
        tpu.vector_store %parallel_loop3A_553[%parallel_loop3A_554, %parallel_loop3A_555], %parallel_loop3A_558 {add = true, strides = array<i32>} : memref<16x1024xf32, #tpu.memory_space<vmem>>, vector<1x16xf32>,
        %parallel_loop3A_559 = arith.constant 0 : i32
        %parallel_loop3A_560 = arith.constant 0 : i32
        %parallel_loop3A_561 = tpu.memref_slice %arg8[%rem3A_235, %parallel_loop3A_559, %parallel_loop3A_560] : memref<2x16x1024xf32, #tpu.memory_space<vmem>> -> memref<1x16x1024xf32, #tpu.memory_space<vmem>>
        %parallel_loop3A_562 = tpu.memref_squeeze %parallel_loop3A_561 : memref<1x16x1024xf32, #tpu.memory_space<vmem>> -> memref<16x1024xf32, #tpu.memory_space<vmem>>
        %parallel_loop3A_563 = arith.index_cast %parallel_loop3A_286 : i32 to index
        %parallel_loop3A_564 = arith.constant 256 : index
        %parallel_loop3A_565 = tpu.vector_load %parallel_loop3A_562[%parallel_loop3A_563, %parallel_loop3A_564] {strides = array<i32>} : memref<16x1024xf32, #tpu.memory_space<vmem>>, vector<1x16xf32>,
        %parallel_loop3A_566 = vector.shape_cast %parallel_loop3A_565 : vector<1x16xf32> to vector<16xf32>
        %parallel_loop3A_567 = arith.constant 0 : i32
        %parallel_loop3A_568 = arith.constant 0 : i32
        %parallel_loop3A_569 = tpu.memref_slice %arg7[%rem3A_233, %parallel_loop3A_567, %parallel_loop3A_568] : memref<5x16x1024xf32, #tpu.memory_space<vmem>> -> memref<1x16x1024xf32, #tpu.memory_space<vmem>>
        %parallel_loop3A_570 = tpu.memref_squeeze %parallel_loop3A_569 : memref<1x16x1024xf32, #tpu.memory_space<vmem>> -> memref<16x1024xf32, #tpu.memory_space<vmem>>
        %parallel_loop3A_571 = arith.index_cast %parallel_loop3A_286 : i32 to index
        %parallel_loop3A_572 = arith.constant 256 : index
        %parallel_loop3A_573 = tpu.vector_load %parallel_loop3A_570[%parallel_loop3A_571, %parallel_loop3A_572] {strides = array<i32>} : memref<16x1024xf32, #tpu.memory_space<vmem>>, vector<1x16xf32>,
        %parallel_loop3A_574 = vector.shape_cast %parallel_loop3A_573 : vector<1x16xf32> to vector<16xf32>
        %parallel_loop3A_575 = vector.shape_cast %parallel_loop3A_566 : vector<16xf32> to vector<1x16xf32>
        tpu.vector_store %parallel_loop3A_570[%parallel_loop3A_571, %parallel_loop3A_572], %parallel_loop3A_575 {add = true, strides = array<i32>} : memref<16x1024xf32, #tpu.memory_space<vmem>>, vector<1x16xf32>,
        %parallel_loop3A_576 = arith.constant 0 : i32
        %parallel_loop3A_577 = arith.constant 0 : i32
        %parallel_loop3A_578 = tpu.memref_slice %arg8[%rem3A_235, %parallel_loop3A_576, %parallel_loop3A_577] : memref<2x16x1024xf32, #tpu.memory_space<vmem>> -> memref<1x16x1024xf32, #tpu.memory_space<vmem>>
        %parallel_loop3A_579 = tpu.memref_squeeze %parallel_loop3A_578 : memref<1x16x1024xf32, #tpu.memory_space<vmem>> -> memref<16x1024xf32, #tpu.memory_space<vmem>>
        %parallel_loop3A_580 = arith.index_cast %parallel_loop3A_286 : i32 to index
        %parallel_loop3A_581 = arith.constant 272 : index
        %parallel_loop3A_582 = tpu.vector_load %parallel_loop3A_579[%parallel_loop3A_580, %parallel_loop3A_581] {strides = array<i32>} : memref<16x1024xf32, #tpu.memory_space<vmem>>, vector<1x16xf32>,
        %parallel_loop3A_583 = vector.shape_cast %parallel_loop3A_582 : vector<1x16xf32> to vector<16xf32>
        %parallel_loop3A_584 = arith.constant 0 : i32
        %parallel_loop3A_585 = arith.constant 0 : i32
        %parallel_loop3A_586 = tpu.memref_slice %arg7[%rem3A_233, %parallel_loop3A_584, %parallel_loop3A_585] : memref<5x16x1024xf32, #tpu.memory_space<vmem>> -> memref<1x16x1024xf32, #tpu.memory_space<vmem>>
        %parallel_loop3A_587 = tpu.memref_squeeze %parallel_loop3A_586 : memref<1x16x1024xf32, #tpu.memory_space<vmem>> -> memref<16x1024xf32, #tpu.memory_space<vmem>>
        %parallel_loop3A_588 = arith.index_cast %parallel_loop3A_286 : i32 to index
        %parallel_loop3A_589 = arith.constant 272 : index
        %parallel_loop3A_590 = tpu.vector_load %parallel_loop3A_587[%parallel_loop3A_588, %parallel_loop3A_589] {strides = array<i32>} : memref<16x1024xf32, #tpu.memory_space<vmem>>, vector<1x16xf32>,
        %parallel_loop3A_591 = vector.shape_cast %parallel_loop3A_590 : vector<1x16xf32> to vector<16xf32>
        %parallel_loop3A_592 = vector.shape_cast %parallel_loop3A_583 : vector<16xf32> to vector<1x16xf32>
        tpu.vector_store %parallel_loop3A_587[%parallel_loop3A_588, %parallel_loop3A_589], %parallel_loop3A_592 {add = true, strides = array<i32>} : memref<16x1024xf32, #tpu.memory_space<vmem>>, vector<1x16xf32>,
        %parallel_loop3A_593 = arith.constant 0 : i32
        %parallel_loop3A_594 = arith.constant 0 : i32
        %parallel_loop3A_595 = tpu.memref_slice %arg8[%rem3A_235, %parallel_loop3A_593, %parallel_loop3A_594] : memref<2x16x1024xf32, #tpu.memory_space<vmem>> -> memref<1x16x1024xf32, #tpu.memory_space<vmem>>
        %parallel_loop3A_596 = tpu.memref_squeeze %parallel_loop3A_595 : memref<1x16x1024xf32, #tpu.memory_space<vmem>> -> memref<16x1024xf32, #tpu.memory_space<vmem>>
        %parallel_loop3A_597 = arith.index_cast %parallel_loop3A_286 : i32 to index
        %parallel_loop3A_598 = arith.constant 288 : index
        %parallel_loop3A_599 = tpu.vector_load %parallel_loop3A_596[%parallel_loop3A_597, %parallel_loop3A_598] {strides = array<i32>} : memref<16x1024xf32, #tpu.memory_space<vmem>>, vector<1x16xf32>,
        %parallel_loop3A_600 = vector.shape_cast %parallel_loop3A_599 : vector<1x16xf32> to vector<16xf32>
        %parallel_loop3A_601 = arith.constant 0 : i32
        %parallel_loop3A_602 = arith.constant 0 : i32
        %parallel_loop3A_603 = tpu.memref_slice %arg7[%rem3A_233, %parallel_loop3A_601, %parallel_loop3A_602] : memref<5x16x1024xf32, #tpu.memory_space<vmem>> -> memref<1x16x1024xf32, #tpu.memory_space<vmem>>
        %parallel_loop3A_604 = tpu.memref_squeeze %parallel_loop3A_603 : memref<1x16x1024xf32, #tpu.memory_space<vmem>> -> memref<16x1024xf32, #tpu.memory_space<vmem>>
        %parallel_loop3A_605 = arith.index_cast %parallel_loop3A_286 : i32 to index
        %parallel_loop3A_606 = arith.constant 288 : index
        %parallel_loop3A_607 = tpu.vector_load %parallel_loop3A_604[%parallel_loop3A_605, %parallel_loop3A_606] {strides = array<i32>} : memref<16x1024xf32, #tpu.memory_space<vmem>>, vector<1x16xf32>,
        %parallel_loop3A_608 = vector.shape_cast %parallel_loop3A_607 : vector<1x16xf32> to vector<16xf32>
        %parallel_loop3A_609 = vector.shape_cast %parallel_loop3A_600 : vector<16xf32> to vector<1x16xf32>
        tpu.vector_store %parallel_loop3A_604[%parallel_loop3A_605, %parallel_loop3A_606], %parallel_loop3A_609 {add = true, strides = array<i32>} : memref<16x1024xf32, #tpu.memory_space<vmem>>, vector<1x16xf32>,
        %parallel_loop3A_610 = arith.constant 0 : i32
        %parallel_loop3A_611 = arith.constant 0 : i32
        %parallel_loop3A_612 = tpu.memref_slice %arg8[%rem3A_235, %parallel_loop3A_610, %parallel_loop3A_611] : memref<2x16x1024xf32, #tpu.memory_space<vmem>> -> memref<1x16x1024xf32, #tpu.memory_space<vmem>>
        %parallel_loop3A_613 = tpu.memref_squeeze %parallel_loop3A_612 : memref<1x16x1024xf32, #tpu.memory_space<vmem>> -> memref<16x1024xf32, #tpu.memory_space<vmem>>
        %parallel_loop3A_614 = arith.index_cast %parallel_loop3A_286 : i32 to index
        %parallel_loop3A_615 = arith.constant 304 : index
        %parallel_loop3A_616 = tpu.vector_load %parallel_loop3A_613[%parallel_loop3A_614, %parallel_loop3A_615] {strides = array<i32>} : memref<16x1024xf32, #tpu.memory_space<vmem>>, vector<1x16xf32>,
        %parallel_loop3A_617 = vector.shape_cast %parallel_loop3A_616 : vector<1x16xf32> to vector<16xf32>
        %parallel_loop3A_618 = arith.constant 0 : i32
        %parallel_loop3A_619 = arith.constant 0 : i32
        %parallel_loop3A_620 = tpu.memref_slice %arg7[%rem3A_233, %parallel_loop3A_618, %parallel_loop3A_619] : memref<5x16x1024xf32, #tpu.memory_space<vmem>> -> memref<1x16x1024xf32, #tpu.memory_space<vmem>>
        %parallel_loop3A_621 = tpu.memref_squeeze %parallel_loop3A_620 : memref<1x16x1024xf32, #tpu.memory_space<vmem>> -> memref<16x1024xf32, #tpu.memory_space<vmem>>
        %parallel_loop3A_622 = arith.index_cast %parallel_loop3A_286 : i32 to index
        %parallel_loop3A_623 = arith.constant 304 : index
        %parallel_loop3A_624 = tpu.vector_load %parallel_loop3A_621[%parallel_loop3A_622, %parallel_loop3A_623] {strides = array<i32>} : memref<16x1024xf32, #tpu.memory_space<vmem>>, vector<1x16xf32>,
        %parallel_loop3A_625 = vector.shape_cast %parallel_loop3A_624 : vector<1x16xf32> to vector<16xf32>
        %parallel_loop3A_626 = vector.shape_cast %parallel_loop3A_617 : vector<16xf32> to vector<1x16xf32>
        tpu.vector_store %parallel_loop3A_621[%parallel_loop3A_622, %parallel_loop3A_623], %parallel_loop3A_626 {add = true, strides = array<i32>} : memref<16x1024xf32, #tpu.memory_space<vmem>>, vector<1x16xf32>,
        %parallel_loop3A_627 = arith.constant 0 : i32
        %parallel_loop3A_628 = arith.constant 0 : i32
        %parallel_loop3A_629 = tpu.memref_slice %arg8[%rem3A_235, %parallel_loop3A_627, %parallel_loop3A_628] : memref<2x16x1024xf32, #tpu.memory_space<vmem>> -> memref<1x16x1024xf32, #tpu.memory_space<vmem>>
        %parallel_loop3A_630 = tpu.memref_squeeze %parallel_loop3A_629 : memref<1x16x1024xf32, #tpu.memory_space<vmem>> -> memref<16x1024xf32, #tpu.memory_space<vmem>>
        %parallel_loop3A_631 = arith.index_cast %parallel_loop3A_286 : i32 to index
        %parallel_loop3A_632 = arith.constant 320 : index
        %parallel_loop3A_633 = tpu.vector_load %parallel_loop3A_630[%parallel_loop3A_631, %parallel_loop3A_632] {strides = array<i32>} : memref<16x1024xf32, #tpu.memory_space<vmem>>, vector<1x16xf32>,
        %parallel_loop3A_634 = vector.shape_cast %parallel_loop3A_633 : vector<1x16xf32> to vector<16xf32>
        %parallel_loop3A_635 = arith.constant 0 : i32
        %parallel_loop3A_636 = arith.constant 0 : i32
        %parallel_loop3A_637 = tpu.memref_slice %arg7[%rem3A_233, %parallel_loop3A_635, %parallel_loop3A_636] : memref<5x16x1024xf32, #tpu.memory_space<vmem>> -> memref<1x16x1024xf32, #tpu.memory_space<vmem>>
        %parallel_loop3A_638 = tpu.memref_squeeze %parallel_loop3A_637 : memref<1x16x1024xf32, #tpu.memory_space<vmem>> -> memref<16x1024xf32, #tpu.memory_space<vmem>>
        %parallel_loop3A_639 = arith.index_cast %parallel_loop3A_286 : i32 to index
        %parallel_loop3A_640 = arith.constant 320 : index
        %parallel_loop3A_641 = tpu.vector_load %parallel_loop3A_638[%parallel_loop3A_639, %parallel_loop3A_640] {strides = array<i32>} : memref<16x1024xf32, #tpu.memory_space<vmem>>, vector<1x16xf32>,
        %parallel_loop3A_642 = vector.shape_cast %parallel_loop3A_641 : vector<1x16xf32> to vector<16xf32>
        %parallel_loop3A_643 = vector.shape_cast %parallel_loop3A_634 : vector<16xf32> to vector<1x16xf32>
        tpu.vector_store %parallel_loop3A_638[%parallel_loop3A_639, %parallel_loop3A_640], %parallel_loop3A_643 {add = true, strides = array<i32>} : memref<16x1024xf32, #tpu.memory_space<vmem>>, vector<1x16xf32>,
        %parallel_loop3A_644 = arith.constant 0 : i32
        %parallel_loop3A_645 = arith.constant 0 : i32
        %parallel_loop3A_646 = tpu.memref_slice %arg8[%rem3A_235, %parallel_loop3A_644, %parallel_loop3A_645] : memref<2x16x1024xf32, #tpu.memory_space<vmem>> -> memref<1x16x1024xf32, #tpu.memory_space<vmem>>
        %parallel_loop3A_647 = tpu.memref_squeeze %parallel_loop3A_646 : memref<1x16x1024xf32, #tpu.memory_space<vmem>> -> memref<16x1024xf32, #tpu.memory_space<vmem>>
        %parallel_loop3A_648 = arith.index_cast %parallel_loop3A_286 : i32 to index
        %parallel_loop3A_649 = arith.constant 336 : index
        %parallel_loop3A_650 = tpu.vector_load %parallel_loop3A_647[%parallel_loop3A_648, %parallel_loop3A_649] {strides = array<i32>} : memref<16x1024xf32, #tpu.memory_space<vmem>>, vector<1x16xf32>,
        %parallel_loop3A_651 = vector.shape_cast %parallel_loop3A_650 : vector<1x16xf32> to vector<16xf32>
        %parallel_loop3A_652 = arith.constant 0 : i32
        %parallel_loop3A_653 = arith.constant 0 : i32
        %parallel_loop3A_654 = tpu.memref_slice %arg7[%rem3A_233, %parallel_loop3A_652, %parallel_loop3A_653] : memref<5x16x1024xf32, #tpu.memory_space<vmem>> -> memref<1x16x1024xf32, #tpu.memory_space<vmem>>
        %parallel_loop3A_655 = tpu.memref_squeeze %parallel_loop3A_654 : memref<1x16x1024xf32, #tpu.memory_space<vmem>> -> memref<16x1024xf32, #tpu.memory_space<vmem>>
        %parallel_loop3A_656 = arith.index_cast %parallel_loop3A_286 : i32 to index
        %parallel_loop3A_657 = arith.constant 336 : index
        %parallel_loop3A_658 = tpu.vector_load %parallel_loop3A_655[%parallel_loop3A_656, %parallel_loop3A_657] {strides = array<i32>} : memref<16x1024xf32, #tpu.memory_space<vmem>>, vector<1x16xf32>,
        %parallel_loop3A_659 = vector.shape_cast %parallel_loop3A_658 : vector<1x16xf32> to vector<16xf32>
        %parallel_loop3A_660 = vector.shape_cast %parallel_loop3A_651 : vector<16xf32> to vector<1x16xf32>
        tpu.vector_store %parallel_loop3A_655[%parallel_loop3A_656, %parallel_loop3A_657], %parallel_loop3A_660 {add = true, strides = array<i32>} : memref<16x1024xf32, #tpu.memory_space<vmem>>, vector<1x16xf32>,
        %parallel_loop3A_661 = arith.constant 0 : i32
        %parallel_loop3A_662 = arith.constant 0 : i32
        %parallel_loop3A_663 = tpu.memref_slice %arg8[%rem3A_235, %parallel_loop3A_661, %parallel_loop3A_662] : memref<2x16x1024xf32, #tpu.memory_space<vmem>> -> memref<1x16x1024xf32, #tpu.memory_space<vmem>>
        %parallel_loop3A_664 = tpu.memref_squeeze %parallel_loop3A_663 : memref<1x16x1024xf32, #tpu.memory_space<vmem>> -> memref<16x1024xf32, #tpu.memory_space<vmem>>
        %parallel_loop3A_665 = arith.index_cast %parallel_loop3A_286 : i32 to index
        %parallel_loop3A_666 = arith.constant 352 : index
        %parallel_loop3A_667 = tpu.vector_load %parallel_loop3A_664[%parallel_loop3A_665, %parallel_loop3A_666] {strides = array<i32>} : memref<16x1024xf32, #tpu.memory_space<vmem>>, vector<1x16xf32>,
        %parallel_loop3A_668 = vector.shape_cast %parallel_loop3A_667 : vector<1x16xf32> to vector<16xf32>
        %parallel_loop3A_669 = arith.constant 0 : i32
        %parallel_loop3A_670 = arith.constant 0 : i32
        %parallel_loop3A_671 = tpu.memref_slice %arg7[%rem3A_233, %parallel_loop3A_669, %parallel_loop3A_670] : memref<5x16x1024xf32, #tpu.memory_space<vmem>> -> memref<1x16x1024xf32, #tpu.memory_space<vmem>>
        %parallel_loop3A_672 = tpu.memref_squeeze %parallel_loop3A_671 : memref<1x16x1024xf32, #tpu.memory_space<vmem>> -> memref<16x1024xf32, #tpu.memory_space<vmem>>
        %parallel_loop3A_673 = arith.index_cast %parallel_loop3A_286 : i32 to index
        %parallel_loop3A_674 = arith.constant 352 : index
        %parallel_loop3A_675 = tpu.vector_load %parallel_loop3A_672[%parallel_loop3A_673, %parallel_loop3A_674] {strides = array<i32>} : memref<16x1024xf32, #tpu.memory_space<vmem>>, vector<1x16xf32>,
        %parallel_loop3A_676 = vector.shape_cast %parallel_loop3A_675 : vector<1x16xf32> to vector<16xf32>
        %parallel_loop3A_677 = vector.shape_cast %parallel_loop3A_668 : vector<16xf32> to vector<1x16xf32>
        tpu.vector_store %parallel_loop3A_672[%parallel_loop3A_673, %parallel_loop3A_674], %parallel_loop3A_677 {add = true, strides = array<i32>} : memref<16x1024xf32, #tpu.memory_space<vmem>>, vector<1x16xf32>,
        %parallel_loop3A_678 = arith.constant 0 : i32
        %parallel_loop3A_679 = arith.constant 0 : i32
        %parallel_loop3A_680 = tpu.memref_slice %arg8[%rem3A_235, %parallel_loop3A_678, %parallel_loop3A_679] : memref<2x16x1024xf32, #tpu.memory_space<vmem>> -> memref<1x16x1024xf32, #tpu.memory_space<vmem>>
        %parallel_loop3A_681 = tpu.memref_squeeze %parallel_loop3A_680 : memref<1x16x1024xf32, #tpu.memory_space<vmem>> -> memref<16x1024xf32, #tpu.memory_space<vmem>>
        %parallel_loop3A_682 = arith.index_cast %parallel_loop3A_286 : i32 to index
        %parallel_loop3A_683 = arith.constant 368 : index
        %parallel_loop3A_684 = tpu.vector_load %parallel_loop3A_681[%parallel_loop3A_682, %parallel_loop3A_683] {strides = array<i32>} : memref<16x1024xf32, #tpu.memory_space<vmem>>, vector<1x16xf32>,
        %parallel_loop3A_685 = vector.shape_cast %parallel_loop3A_684 : vector<1x16xf32> to vector<16xf32>
        %parallel_loop3A_686 = arith.constant 0 : i32
        %parallel_loop3A_687 = arith.constant 0 : i32
        %parallel_loop3A_688 = tpu.memref_slice %arg7[%rem3A_233, %parallel_loop3A_686, %parallel_loop3A_687] : memref<5x16x1024xf32, #tpu.memory_space<vmem>> -> memref<1x16x1024xf32, #tpu.memory_space<vmem>>
        %parallel_loop3A_689 = tpu.memref_squeeze %parallel_loop3A_688 : memref<1x16x1024xf32, #tpu.memory_space<vmem>> -> memref<16x1024xf32, #tpu.memory_space<vmem>>
        %parallel_loop3A_690 = arith.index_cast %parallel_loop3A_286 : i32 to index
        %parallel_loop3A_691 = arith.constant 368 : index
        %parallel_loop3A_692 = tpu.vector_load %parallel_loop3A_689[%parallel_loop3A_690, %parallel_loop3A_691] {strides = array<i32>} : memref<16x1024xf32, #tpu.memory_space<vmem>>, vector<1x16xf32>,
        %parallel_loop3A_693 = vector.shape_cast %parallel_loop3A_692 : vector<1x16xf32> to vector<16xf32>
        %parallel_loop3A_694 = vector.shape_cast %parallel_loop3A_685 : vector<16xf32> to vector<1x16xf32>
        tpu.vector_store %parallel_loop3A_689[%parallel_loop3A_690, %parallel_loop3A_691], %parallel_loop3A_694 {add = true, strides = array<i32>} : memref<16x1024xf32, #tpu.memory_space<vmem>>, vector<1x16xf32>,
        %parallel_loop3A_695 = arith.constant 0 : i32
        %parallel_loop3A_696 = arith.constant 0 : i32
        %parallel_loop3A_697 = tpu.memref_slice %arg8[%rem3A_235, %parallel_loop3A_695, %parallel_loop3A_696] : memref<2x16x1024xf32, #tpu.memory_space<vmem>> -> memref<1x16x1024xf32, #tpu.memory_space<vmem>>
        %parallel_loop3A_698 = tpu.memref_squeeze %parallel_loop3A_697 : memref<1x16x1024xf32, #tpu.memory_space<vmem>> -> memref<16x1024xf32, #tpu.memory_space<vmem>>
        %parallel_loop3A_699 = arith.index_cast %parallel_loop3A_286 : i32 to index
        %parallel_loop3A_700 = arith.constant 384 : index
        %parallel_loop3A_701 = tpu.vector_load %parallel_loop3A_698[%parallel_loop3A_699, %parallel_loop3A_700] {strides = array<i32>} : memref<16x1024xf32, #tpu.memory_space<vmem>>, vector<1x16xf32>,
        %parallel_loop3A_702 = vector.shape_cast %parallel_loop3A_701 : vector<1x16xf32> to vector<16xf32>
        %parallel_loop3A_703 = arith.constant 0 : i32
        %parallel_loop3A_704 = arith.constant 0 : i32
        %parallel_loop3A_705 = tpu.memref_slice %arg7[%rem3A_233, %parallel_loop3A_703, %parallel_loop3A_704] : memref<5x16x1024xf32, #tpu.memory_space<vmem>> -> memref<1x16x1024xf32, #tpu.memory_space<vmem>>
        %parallel_loop3A_706 = tpu.memref_squeeze %parallel_loop3A_705 : memref<1x16x1024xf32, #tpu.memory_space<vmem>> -> memref<16x1024xf32, #tpu.memory_space<vmem>>
        %parallel_loop3A_707 = arith.index_cast %parallel_loop3A_286 : i32 to index
        %parallel_loop3A_708 = arith.constant 384 : index
        %parallel_loop3A_709 = tpu.vector_load %parallel_loop3A_706[%parallel_loop3A_707, %parallel_loop3A_708] {strides = array<i32>} : memref<16x1024xf32, #tpu.memory_space<vmem>>, vector<1x16xf32>,
        %parallel_loop3A_710 = vector.shape_cast %parallel_loop3A_709 : vector<1x16xf32> to vector<16xf32>
        %parallel_loop3A_711 = vector.shape_cast %parallel_loop3A_702 : vector<16xf32> to vector<1x16xf32>
        tpu.vector_store %parallel_loop3A_706[%parallel_loop3A_707, %parallel_loop3A_708], %parallel_loop3A_711 {add = true, strides = array<i32>} : memref<16x1024xf32, #tpu.memory_space<vmem>>, vector<1x16xf32>,
        %parallel_loop3A_712 = arith.constant 0 : i32
        %parallel_loop3A_713 = arith.constant 0 : i32
        %parallel_loop3A_714 = tpu.memref_slice %arg8[%rem3A_235, %parallel_loop3A_712, %parallel_loop3A_713] : memref<2x16x1024xf32, #tpu.memory_space<vmem>> -> memref<1x16x1024xf32, #tpu.memory_space<vmem>>
        %parallel_loop3A_715 = tpu.memref_squeeze %parallel_loop3A_714 : memref<1x16x1024xf32, #tpu.memory_space<vmem>> -> memref<16x1024xf32, #tpu.memory_space<vmem>>
        %parallel_loop3A_716 = arith.index_cast %parallel_loop3A_286 : i32 to index
        %parallel_loop3A_717 = arith.constant 400 : index
        %parallel_loop3A_718 = tpu.vector_load %parallel_loop3A_715[%parallel_loop3A_716, %parallel_loop3A_717] {strides = array<i32>} : memref<16x1024xf32, #tpu.memory_space<vmem>>, vector<1x16xf32>,
        %parallel_loop3A_719 = vector.shape_cast %parallel_loop3A_718 : vector<1x16xf32> to vector<16xf32>
        %parallel_loop3A_720 = arith.constant 0 : i32
        %parallel_loop3A_721 = arith.constant 0 : i32
        %parallel_loop3A_722 = tpu.memref_slice %arg7[%rem3A_233, %parallel_loop3A_720, %parallel_loop3A_721] : memref<5x16x1024xf32, #tpu.memory_space<vmem>> -> memref<1x16x1024xf32, #tpu.memory_space<vmem>>
        %parallel_loop3A_723 = tpu.memref_squeeze %parallel_loop3A_722 : memref<1x16x1024xf32, #tpu.memory_space<vmem>> -> memref<16x1024xf32, #tpu.memory_space<vmem>>
        %parallel_loop3A_724 = arith.index_cast %parallel_loop3A_286 : i32 to index
        %parallel_loop3A_725 = arith.constant 400 : index
        %parallel_loop3A_726 = tpu.vector_load %parallel_loop3A_723[%parallel_loop3A_724, %parallel_loop3A_725] {strides = array<i32>} : memref<16x1024xf32, #tpu.memory_space<vmem>>, vector<1x16xf32>,
        %parallel_loop3A_727 = vector.shape_cast %parallel_loop3A_726 : vector<1x16xf32> to vector<16xf32>
        %parallel_loop3A_728 = vector.shape_cast %parallel_loop3A_719 : vector<16xf32> to vector<1x16xf32>
        tpu.vector_store %parallel_loop3A_723[%parallel_loop3A_724, %parallel_loop3A_725], %parallel_loop3A_728 {add = true, strides = array<i32>} : memref<16x1024xf32, #tpu.memory_space<vmem>>, vector<1x16xf32>,
        %parallel_loop3A_729 = arith.constant 0 : i32
        %parallel_loop3A_730 = arith.constant 0 : i32
        %parallel_loop3A_731 = tpu.memref_slice %arg8[%rem3A_235, %parallel_loop3A_729, %parallel_loop3A_730] : memref<2x16x1024xf32, #tpu.memory_space<vmem>> -> memref<1x16x1024xf32, #tpu.memory_space<vmem>>
        %parallel_loop3A_732 = tpu.memref_squeeze %parallel_loop3A_731 : memref<1x16x1024xf32, #tpu.memory_space<vmem>> -> memref<16x1024xf32, #tpu.memory_space<vmem>>
        %parallel_loop3A_733 = arith.index_cast %parallel_loop3A_286 : i32 to index
        %parallel_loop3A_734 = arith.constant 416 : index
        %parallel_loop3A_735 = tpu.vector_load %parallel_loop3A_732[%parallel_loop3A_733, %parallel_loop3A_734] {strides = array<i32>} : memref<16x1024xf32, #tpu.memory_space<vmem>>, vector<1x16xf32>,
        %parallel_loop3A_736 = vector.shape_cast %parallel_loop3A_735 : vector<1x16xf32> to vector<16xf32>
        %parallel_loop3A_737 = arith.constant 0 : i32
        %parallel_loop3A_738 = arith.constant 0 : i32
        %parallel_loop3A_739 = tpu.memref_slice %arg7[%rem3A_233, %parallel_loop3A_737, %parallel_loop3A_738] : memref<5x16x1024xf32, #tpu.memory_space<vmem>> -> memref<1x16x1024xf32, #tpu.memory_space<vmem>>
        %parallel_loop3A_740 = tpu.memref_squeeze %parallel_loop3A_739 : memref<1x16x1024xf32, #tpu.memory_space<vmem>> -> memref<16x1024xf32, #tpu.memory_space<vmem>>
        %parallel_loop3A_741 = arith.index_cast %parallel_loop3A_286 : i32 to index
        %parallel_loop3A_742 = arith.constant 416 : index
        %parallel_loop3A_743 = tpu.vector_load %parallel_loop3A_740[%parallel_loop3A_741, %parallel_loop3A_742] {strides = array<i32>} : memref<16x1024xf32, #tpu.memory_space<vmem>>, vector<1x16xf32>,
        %parallel_loop3A_744 = vector.shape_cast %parallel_loop3A_743 : vector<1x16xf32> to vector<16xf32>
        %parallel_loop3A_745 = vector.shape_cast %parallel_loop3A_736 : vector<16xf32> to vector<1x16xf32>
        tpu.vector_store %parallel_loop3A_740[%parallel_loop3A_741, %parallel_loop3A_742], %parallel_loop3A_745 {add = true, strides = array<i32>} : memref<16x1024xf32, #tpu.memory_space<vmem>>, vector<1x16xf32>,
        %parallel_loop3A_746 = arith.constant 0 : i32
        %parallel_loop3A_747 = arith.constant 0 : i32
        %parallel_loop3A_748 = tpu.memref_slice %arg8[%rem3A_235, %parallel_loop3A_746, %parallel_loop3A_747] : memref<2x16x1024xf32, #tpu.memory_space<vmem>> -> memref<1x16x1024xf32, #tpu.memory_space<vmem>>
        %parallel_loop3A_749 = tpu.memref_squeeze %parallel_loop3A_748 : memref<1x16x1024xf32, #tpu.memory_space<vmem>> -> memref<16x1024xf32, #tpu.memory_space<vmem>>
        %parallel_loop3A_750 = arith.index_cast %parallel_loop3A_286 : i32 to index
        %parallel_loop3A_751 = arith.constant 432 : index
        %parallel_loop3A_752 = tpu.vector_load %parallel_loop3A_749[%parallel_loop3A_750, %parallel_loop3A_751] {strides = array<i32>} : memref<16x1024xf32, #tpu.memory_space<vmem>>, vector<1x16xf32>,
        %parallel_loop3A_753 = vector.shape_cast %parallel_loop3A_752 : vector<1x16xf32> to vector<16xf32>
        %parallel_loop3A_754 = arith.constant 0 : i32
        %parallel_loop3A_755 = arith.constant 0 : i32
        %parallel_loop3A_756 = tpu.memref_slice %arg7[%rem3A_233, %parallel_loop3A_754, %parallel_loop3A_755] : memref<5x16x1024xf32, #tpu.memory_space<vmem>> -> memref<1x16x1024xf32, #tpu.memory_space<vmem>>
        %parallel_loop3A_757 = tpu.memref_squeeze %parallel_loop3A_756 : memref<1x16x1024xf32, #tpu.memory_space<vmem>> -> memref<16x1024xf32, #tpu.memory_space<vmem>>
        %parallel_loop3A_758 = arith.index_cast %parallel_loop3A_286 : i32 to index
        %parallel_loop3A_759 = arith.constant 432 : index
        %parallel_loop3A_760 = tpu.vector_load %parallel_loop3A_757[%parallel_loop3A_758, %parallel_loop3A_759] {strides = array<i32>} : memref<16x1024xf32, #tpu.memory_space<vmem>>, vector<1x16xf32>,
        %parallel_loop3A_761 = vector.shape_cast %parallel_loop3A_760 : vector<1x16xf32> to vector<16xf32>
        %parallel_loop3A_762 = vector.shape_cast %parallel_loop3A_753 : vector<16xf32> to vector<1x16xf32>
        tpu.vector_store %parallel_loop3A_757[%parallel_loop3A_758, %parallel_loop3A_759], %parallel_loop3A_762 {add = true, strides = array<i32>} : memref<16x1024xf32, #tpu.memory_space<vmem>>, vector<1x16xf32>,
        %parallel_loop3A_763 = arith.constant 0 : i32
        %parallel_loop3A_764 = arith.constant 0 : i32
        %parallel_loop3A_765 = tpu.memref_slice %arg8[%rem3A_235, %parallel_loop3A_763, %parallel_loop3A_764] : memref<2x16x1024xf32, #tpu.memory_space<vmem>> -> memref<1x16x1024xf32, #tpu.memory_space<vmem>>
        %parallel_loop3A_766 = tpu.memref_squeeze %parallel_loop3A_765 : memref<1x16x1024xf32, #tpu.memory_space<vmem>> -> memref<16x1024xf32, #tpu.memory_space<vmem>>
        %parallel_loop3A_767 = arith.index_cast %parallel_loop3A_286 : i32 to index
        %parallel_loop3A_768 = arith.constant 448 : index
        %parallel_loop3A_769 = tpu.vector_load %parallel_loop3A_766[%parallel_loop3A_767, %parallel_loop3A_768] {strides = array<i32>} : memref<16x1024xf32, #tpu.memory_space<vmem>>, vector<1x16xf32>,
        %parallel_loop3A_770 = vector.shape_cast %parallel_loop3A_769 : vector<1x16xf32> to vector<16xf32>
        %parallel_loop3A_771 = arith.constant 0 : i32
        %parallel_loop3A_772 = arith.constant 0 : i32
        %parallel_loop3A_773 = tpu.memref_slice %arg7[%rem3A_233, %parallel_loop3A_771, %parallel_loop3A_772] : memref<5x16x1024xf32, #tpu.memory_space<vmem>> -> memref<1x16x1024xf32, #tpu.memory_space<vmem>>
        %parallel_loop3A_774 = tpu.memref_squeeze %parallel_loop3A_773 : memref<1x16x1024xf32, #tpu.memory_space<vmem>> -> memref<16x1024xf32, #tpu.memory_space<vmem>>
        %parallel_loop3A_775 = arith.index_cast %parallel_loop3A_286 : i32 to index
        %parallel_loop3A_776 = arith.constant 448 : index
        %parallel_loop3A_777 = tpu.vector_load %parallel_loop3A_774[%parallel_loop3A_775, %parallel_loop3A_776] {strides = array<i32>} : memref<16x1024xf32, #tpu.memory_space<vmem>>, vector<1x16xf32>,
        %parallel_loop3A_778 = vector.shape_cast %parallel_loop3A_777 : vector<1x16xf32> to vector<16xf32>
        %parallel_loop3A_779 = vector.shape_cast %parallel_loop3A_770 : vector<16xf32> to vector<1x16xf32>
        tpu.vector_store %parallel_loop3A_774[%parallel_loop3A_775, %parallel_loop3A_776], %parallel_loop3A_779 {add = true, strides = array<i32>} : memref<16x1024xf32, #tpu.memory_space<vmem>>, vector<1x16xf32>,
        %parallel_loop3A_780 = arith.constant 0 : i32
        %parallel_loop3A_781 = arith.constant 0 : i32
        %parallel_loop3A_782 = tpu.memref_slice %arg8[%rem3A_235, %parallel_loop3A_780, %parallel_loop3A_781] : memref<2x16x1024xf32, #tpu.memory_space<vmem>> -> memref<1x16x1024xf32, #tpu.memory_space<vmem>>
        %parallel_loop3A_783 = tpu.memref_squeeze %parallel_loop3A_782 : memref<1x16x1024xf32, #tpu.memory_space<vmem>> -> memref<16x1024xf32, #tpu.memory_space<vmem>>
        %parallel_loop3A_784 = arith.index_cast %parallel_loop3A_286 : i32 to index
        %parallel_loop3A_785 = arith.constant 464 : index
        %parallel_loop3A_786 = tpu.vector_load %parallel_loop3A_783[%parallel_loop3A_784, %parallel_loop3A_785] {strides = array<i32>} : memref<16x1024xf32, #tpu.memory_space<vmem>>, vector<1x16xf32>,
        %parallel_loop3A_787 = vector.shape_cast %parallel_loop3A_786 : vector<1x16xf32> to vector<16xf32>
        %parallel_loop3A_788 = arith.constant 0 : i32
        %parallel_loop3A_789 = arith.constant 0 : i32
        %parallel_loop3A_790 = tpu.memref_slice %arg7[%rem3A_233, %parallel_loop3A_788, %parallel_loop3A_789] : memref<5x16x1024xf32, #tpu.memory_space<vmem>> -> memref<1x16x1024xf32, #tpu.memory_space<vmem>>
        %parallel_loop3A_791 = tpu.memref_squeeze %parallel_loop3A_790 : memref<1x16x1024xf32, #tpu.memory_space<vmem>> -> memref<16x1024xf32, #tpu.memory_space<vmem>>
        %parallel_loop3A_792 = arith.index_cast %parallel_loop3A_286 : i32 to index
        %parallel_loop3A_793 = arith.constant 464 : index
        %parallel_loop3A_794 = tpu.vector_load %parallel_loop3A_791[%parallel_loop3A_792, %parallel_loop3A_793] {strides = array<i32>} : memref<16x1024xf32, #tpu.memory_space<vmem>>, vector<1x16xf32>,
        %parallel_loop3A_795 = vector.shape_cast %parallel_loop3A_794 : vector<1x16xf32> to vector<16xf32>
        %parallel_loop3A_796 = vector.shape_cast %parallel_loop3A_787 : vector<16xf32> to vector<1x16xf32>
        tpu.vector_store %parallel_loop3A_791[%parallel_loop3A_792, %parallel_loop3A_793], %parallel_loop3A_796 {add = true, strides = array<i32>} : memref<16x1024xf32, #tpu.memory_space<vmem>>, vector<1x16xf32>,
        %parallel_loop3A_797 = arith.constant 0 : i32
        %parallel_loop3A_798 = arith.constant 0 : i32
        %parallel_loop3A_799 = tpu.memref_slice %arg8[%rem3A_235, %parallel_loop3A_797, %parallel_loop3A_798] : memref<2x16x1024xf32, #tpu.memory_space<vmem>> -> memref<1x16x1024xf32, #tpu.memory_space<vmem>>
        %parallel_loop3A_800 = tpu.memref_squeeze %parallel_loop3A_799 : memref<1x16x1024xf32, #tpu.memory_space<vmem>> -> memref<16x1024xf32, #tpu.memory_space<vmem>>
        %parallel_loop3A_801 = arith.index_cast %parallel_loop3A_286 : i32 to index
        %parallel_loop3A_802 = arith.constant 480 : index
        %parallel_loop3A_803 = tpu.vector_load %parallel_loop3A_800[%parallel_loop3A_801, %parallel_loop3A_802] {strides = array<i32>} : memref<16x1024xf32, #tpu.memory_space<vmem>>, vector<1x16xf32>,
        %parallel_loop3A_804 = vector.shape_cast %parallel_loop3A_803 : vector<1x16xf32> to vector<16xf32>
        %parallel_loop3A_805 = arith.constant 0 : i32
        %parallel_loop3A_806 = arith.constant 0 : i32
        %parallel_loop3A_807 = tpu.memref_slice %arg7[%rem3A_233, %parallel_loop3A_805, %parallel_loop3A_806] : memref<5x16x1024xf32, #tpu.memory_space<vmem>> -> memref<1x16x1024xf32, #tpu.memory_space<vmem>>
        %parallel_loop3A_808 = tpu.memref_squeeze %parallel_loop3A_807 : memref<1x16x1024xf32, #tpu.memory_space<vmem>> -> memref<16x1024xf32, #tpu.memory_space<vmem>>
        %parallel_loop3A_809 = arith.index_cast %parallel_loop3A_286 : i32 to index
        %parallel_loop3A_810 = arith.constant 480 : index
        %parallel_loop3A_811 = tpu.vector_load %parallel_loop3A_808[%parallel_loop3A_809, %parallel_loop3A_810] {strides = array<i32>} : memref<16x1024xf32, #tpu.memory_space<vmem>>, vector<1x16xf32>,
        %parallel_loop3A_812 = vector.shape_cast %parallel_loop3A_811 : vector<1x16xf32> to vector<16xf32>
        %parallel_loop3A_813 = vector.shape_cast %parallel_loop3A_804 : vector<16xf32> to vector<1x16xf32>
        tpu.vector_store %parallel_loop3A_808[%parallel_loop3A_809, %parallel_loop3A_810], %parallel_loop3A_813 {add = true, strides = array<i32>} : memref<16x1024xf32, #tpu.memory_space<vmem>>, vector<1x16xf32>,
        %parallel_loop3A_814 = arith.constant 0 : i32
        %parallel_loop3A_815 = arith.constant 0 : i32
        %parallel_loop3A_816 = tpu.memref_slice %arg8[%rem3A_235, %parallel_loop3A_814, %parallel_loop3A_815] : memref<2x16x1024xf32, #tpu.memory_space<vmem>> -> memref<1x16x1024xf32, #tpu.memory_space<vmem>>
        %parallel_loop3A_817 = tpu.memref_squeeze %parallel_loop3A_816 : memref<1x16x1024xf32, #tpu.memory_space<vmem>> -> memref<16x1024xf32, #tpu.memory_space<vmem>>
        %parallel_loop3A_818 = arith.index_cast %parallel_loop3A_286 : i32 to index
        %parallel_loop3A_819 = arith.constant 496 : index
        %parallel_loop3A_820 = tpu.vector_load %parallel_loop3A_817[%parallel_loop3A_818, %parallel_loop3A_819] {strides = array<i32>} : memref<16x1024xf32, #tpu.memory_space<vmem>>, vector<1x16xf32>,
        %parallel_loop3A_821 = vector.shape_cast %parallel_loop3A_820 : vector<1x16xf32> to vector<16xf32>
        %parallel_loop3A_822 = arith.constant 0 : i32
        %parallel_loop3A_823 = arith.constant 0 : i32
        %parallel_loop3A_824 = tpu.memref_slice %arg7[%rem3A_233, %parallel_loop3A_822, %parallel_loop3A_823] : memref<5x16x1024xf32, #tpu.memory_space<vmem>> -> memref<1x16x1024xf32, #tpu.memory_space<vmem>>
        %parallel_loop3A_825 = tpu.memref_squeeze %parallel_loop3A_824 : memref<1x16x1024xf32, #tpu.memory_space<vmem>> -> memref<16x1024xf32, #tpu.memory_space<vmem>>
        %parallel_loop3A_826 = arith.index_cast %parallel_loop3A_286 : i32 to index
        %parallel_loop3A_827 = arith.constant 496 : index
        %parallel_loop3A_828 = tpu.vector_load %parallel_loop3A_825[%parallel_loop3A_826, %parallel_loop3A_827] {strides = array<i32>} : memref<16x1024xf32, #tpu.memory_space<vmem>>, vector<1x16xf32>,
        %parallel_loop3A_829 = vector.shape_cast %parallel_loop3A_828 : vector<1x16xf32> to vector<16xf32>
        %parallel_loop3A_830 = vector.shape_cast %parallel_loop3A_821 : vector<16xf32> to vector<1x16xf32>
        tpu.vector_store %parallel_loop3A_825[%parallel_loop3A_826, %parallel_loop3A_827], %parallel_loop3A_830 {add = true, strides = array<i32>} : memref<16x1024xf32, #tpu.memory_space<vmem>>, vector<1x16xf32>,
        %parallel_loop3A_831 = arith.constant 0 : i32
        %parallel_loop3A_832 = arith.constant 0 : i32
        %parallel_loop3A_833 = tpu.memref_slice %arg8[%rem3A_235, %parallel_loop3A_831, %parallel_loop3A_832] : memref<2x16x1024xf32, #tpu.memory_space<vmem>> -> memref<1x16x1024xf32, #tpu.memory_space<vmem>>
        %parallel_loop3A_834 = tpu.memref_squeeze %parallel_loop3A_833 : memref<1x16x1024xf32, #tpu.memory_space<vmem>> -> memref<16x1024xf32, #tpu.memory_space<vmem>>
        %parallel_loop3A_835 = arith.index_cast %parallel_loop3A_286 : i32 to index
        %parallel_loop3A_836 = arith.constant 512 : index
        %parallel_loop3A_837 = tpu.vector_load %parallel_loop3A_834[%parallel_loop3A_835, %parallel_loop3A_836] {strides = array<i32>} : memref<16x1024xf32, #tpu.memory_space<vmem>>, vector<1x16xf32>,
        %parallel_loop3A_838 = vector.shape_cast %parallel_loop3A_837 : vector<1x16xf32> to vector<16xf32>
        %parallel_loop3A_839 = arith.constant 0 : i32
        %parallel_loop3A_840 = arith.constant 0 : i32
        %parallel_loop3A_841 = tpu.memref_slice %arg7[%rem3A_233, %parallel_loop3A_839, %parallel_loop3A_840] : memref<5x16x1024xf32, #tpu.memory_space<vmem>> -> memref<1x16x1024xf32, #tpu.memory_space<vmem>>
        %parallel_loop3A_842 = tpu.memref_squeeze %parallel_loop3A_841 : memref<1x16x1024xf32, #tpu.memory_space<vmem>> -> memref<16x1024xf32, #tpu.memory_space<vmem>>
        %parallel_loop3A_843 = arith.index_cast %parallel_loop3A_286 : i32 to index
        %parallel_loop3A_844 = arith.constant 512 : index
        %parallel_loop3A_845 = tpu.vector_load %parallel_loop3A_842[%parallel_loop3A_843, %parallel_loop3A_844] {strides = array<i32>} : memref<16x1024xf32, #tpu.memory_space<vmem>>, vector<1x16xf32>,
        %parallel_loop3A_846 = vector.shape_cast %parallel_loop3A_845 : vector<1x16xf32> to vector<16xf32>
        %parallel_loop3A_847 = vector.shape_cast %parallel_loop3A_838 : vector<16xf32> to vector<1x16xf32>
        tpu.vector_store %parallel_loop3A_842[%parallel_loop3A_843, %parallel_loop3A_844], %parallel_loop3A_847 {add = true, strides = array<i32>} : memref<16x1024xf32, #tpu.memory_space<vmem>>, vector<1x16xf32>,
        %parallel_loop3A_848 = arith.constant 0 : i32
        %parallel_loop3A_849 = arith.constant 0 : i32
        %parallel_loop3A_850 = tpu.memref_slice %arg8[%rem3A_235, %parallel_loop3A_848, %parallel_loop3A_849] : memref<2x16x1024xf32, #tpu.memory_space<vmem>> -> memref<1x16x1024xf32, #tpu.memory_space<vmem>>
        %parallel_loop3A_851 = tpu.memref_squeeze %parallel_loop3A_850 : memref<1x16x1024xf32, #tpu.memory_space<vmem>> -> memref<16x1024xf32, #tpu.memory_space<vmem>>
        %parallel_loop3A_852 = arith.index_cast %parallel_loop3A_286 : i32 to index
        %parallel_loop3A_853 = arith.constant 528 : index
        %parallel_loop3A_854 = tpu.vector_load %parallel_loop3A_851[%parallel_loop3A_852, %parallel_loop3A_853] {strides = array<i32>} : memref<16x1024xf32, #tpu.memory_space<vmem>>, vector<1x16xf32>,
        %parallel_loop3A_855 = vector.shape_cast %parallel_loop3A_854 : vector<1x16xf32> to vector<16xf32>
        %parallel_loop3A_856 = arith.constant 0 : i32
        %parallel_loop3A_857 = arith.constant 0 : i32
        %parallel_loop3A_858 = tpu.memref_slice %arg7[%rem3A_233, %parallel_loop3A_856, %parallel_loop3A_857] : memref<5x16x1024xf32, #tpu.memory_space<vmem>> -> memref<1x16x1024xf32, #tpu.memory_space<vmem>>
        %parallel_loop3A_859 = tpu.memref_squeeze %parallel_loop3A_858 : memref<1x16x1024xf32, #tpu.memory_space<vmem>> -> memref<16x1024xf32, #tpu.memory_space<vmem>>
        %parallel_loop3A_860 = arith.index_cast %parallel_loop3A_286 : i32 to index
        %parallel_loop3A_861 = arith.constant 528 : index
        %parallel_loop3A_862 = tpu.vector_load %parallel_loop3A_859[%parallel_loop3A_860, %parallel_loop3A_861] {strides = array<i32>} : memref<16x1024xf32, #tpu.memory_space<vmem>>, vector<1x16xf32>,
        %parallel_loop3A_863 = vector.shape_cast %parallel_loop3A_862 : vector<1x16xf32> to vector<16xf32>
        %parallel_loop3A_864 = vector.shape_cast %parallel_loop3A_855 : vector<16xf32> to vector<1x16xf32>
        tpu.vector_store %parallel_loop3A_859[%parallel_loop3A_860, %parallel_loop3A_861], %parallel_loop3A_864 {add = true, strides = array<i32>} : memref<16x1024xf32, #tpu.memory_space<vmem>>, vector<1x16xf32>,
        %parallel_loop3A_865 = arith.constant 0 : i32
        %parallel_loop3A_866 = arith.constant 0 : i32
        %parallel_loop3A_867 = tpu.memref_slice %arg8[%rem3A_235, %parallel_loop3A_865, %parallel_loop3A_866] : memref<2x16x1024xf32, #tpu.memory_space<vmem>> -> memref<1x16x1024xf32, #tpu.memory_space<vmem>>
        %parallel_loop3A_868 = tpu.memref_squeeze %parallel_loop3A_867 : memref<1x16x1024xf32, #tpu.memory_space<vmem>> -> memref<16x1024xf32, #tpu.memory_space<vmem>>
        %parallel_loop3A_869 = arith.index_cast %parallel_loop3A_286 : i32 to index
        %parallel_loop3A_870 = arith.constant 544 : index
        %parallel_loop3A_871 = tpu.vector_load %parallel_loop3A_868[%parallel_loop3A_869, %parallel_loop3A_870] {strides = array<i32>} : memref<16x1024xf32, #tpu.memory_space<vmem>>, vector<1x16xf32>,
        %parallel_loop3A_872 = vector.shape_cast %parallel_loop3A_871 : vector<1x16xf32> to vector<16xf32>
        %parallel_loop3A_873 = arith.constant 0 : i32
        %parallel_loop3A_874 = arith.constant 0 : i32
        %parallel_loop3A_875 = tpu.memref_slice %arg7[%rem3A_233, %parallel_loop3A_873, %parallel_loop3A_874] : memref<5x16x1024xf32, #tpu.memory_space<vmem>> -> memref<1x16x1024xf32, #tpu.memory_space<vmem>>
        %parallel_loop3A_876 = tpu.memref_squeeze %parallel_loop3A_875 : memref<1x16x1024xf32, #tpu.memory_space<vmem>> -> memref<16x1024xf32, #tpu.memory_space<vmem>>
        %parallel_loop3A_877 = arith.index_cast %parallel_loop3A_286 : i32 to index
        %parallel_loop3A_878 = arith.constant 544 : index
        %parallel_loop3A_879 = tpu.vector_load %parallel_loop3A_876[%parallel_loop3A_877, %parallel_loop3A_878] {strides = array<i32>} : memref<16x1024xf32, #tpu.memory_space<vmem>>, vector<1x16xf32>,
        %parallel_loop3A_880 = vector.shape_cast %parallel_loop3A_879 : vector<1x16xf32> to vector<16xf32>
        %parallel_loop3A_881 = vector.shape_cast %parallel_loop3A_872 : vector<16xf32> to vector<1x16xf32>
        tpu.vector_store %parallel_loop3A_876[%parallel_loop3A_877, %parallel_loop3A_878], %parallel_loop3A_881 {add = true, strides = array<i32>} : memref<16x1024xf32, #tpu.memory_space<vmem>>, vector<1x16xf32>,
        %parallel_loop3A_882 = arith.constant 0 : i32
        %parallel_loop3A_883 = arith.constant 0 : i32
        %parallel_loop3A_884 = tpu.memref_slice %arg8[%rem3A_235, %parallel_loop3A_882, %parallel_loop3A_883] : memref<2x16x1024xf32, #tpu.memory_space<vmem>> -> memref<1x16x1024xf32, #tpu.memory_space<vmem>>
        %parallel_loop3A_885 = tpu.memref_squeeze %parallel_loop3A_884 : memref<1x16x1024xf32, #tpu.memory_space<vmem>> -> memref<16x1024xf32, #tpu.memory_space<vmem>>
        %parallel_loop3A_886 = arith.index_cast %parallel_loop3A_286 : i32 to index
        %parallel_loop3A_887 = arith.constant 560 : index
        %parallel_loop3A_888 = tpu.vector_load %parallel_loop3A_885[%parallel_loop3A_886, %parallel_loop3A_887] {strides = array<i32>} : memref<16x1024xf32, #tpu.memory_space<vmem>>, vector<1x16xf32>,
        %parallel_loop3A_889 = vector.shape_cast %parallel_loop3A_888 : vector<1x16xf32> to vector<16xf32>
        %parallel_loop3A_890 = arith.constant 0 : i32
        %parallel_loop3A_891 = arith.constant 0 : i32
        %parallel_loop3A_892 = tpu.memref_slice %arg7[%rem3A_233, %parallel_loop3A_890, %parallel_loop3A_891] : memref<5x16x1024xf32, #tpu.memory_space<vmem>> -> memref<1x16x1024xf32, #tpu.memory_space<vmem>>
        %parallel_loop3A_893 = tpu.memref_squeeze %parallel_loop3A_892 : memref<1x16x1024xf32, #tpu.memory_space<vmem>> -> memref<16x1024xf32, #tpu.memory_space<vmem>>
        %parallel_loop3A_894 = arith.index_cast %parallel_loop3A_286 : i32 to index
        %parallel_loop3A_895 = arith.constant 560 : index
        %parallel_loop3A_896 = tpu.vector_load %parallel_loop3A_893[%parallel_loop3A_894, %parallel_loop3A_895] {strides = array<i32>} : memref<16x1024xf32, #tpu.memory_space<vmem>>, vector<1x16xf32>,
        %parallel_loop3A_897 = vector.shape_cast %parallel_loop3A_896 : vector<1x16xf32> to vector<16xf32>
        %parallel_loop3A_898 = vector.shape_cast %parallel_loop3A_889 : vector<16xf32> to vector<1x16xf32>
        tpu.vector_store %parallel_loop3A_893[%parallel_loop3A_894, %parallel_loop3A_895], %parallel_loop3A_898 {add = true, strides = array<i32>} : memref<16x1024xf32, #tpu.memory_space<vmem>>, vector<1x16xf32>,
        %parallel_loop3A_899 = arith.constant 0 : i32
        %parallel_loop3A_900 = arith.constant 0 : i32
        %parallel_loop3A_901 = tpu.memref_slice %arg8[%rem3A_235, %parallel_loop3A_899, %parallel_loop3A_900] : memref<2x16x1024xf32, #tpu.memory_space<vmem>> -> memref<1x16x1024xf32, #tpu.memory_space<vmem>>
        %parallel_loop3A_902 = tpu.memref_squeeze %parallel_loop3A_901 : memref<1x16x1024xf32, #tpu.memory_space<vmem>> -> memref<16x1024xf32, #tpu.memory_space<vmem>>
        %parallel_loop3A_903 = arith.index_cast %parallel_loop3A_286 : i32 to index
        %parallel_loop3A_904 = arith.constant 576 : index
        %parallel_loop3A_905 = tpu.vector_load %parallel_loop3A_902[%parallel_loop3A_903, %parallel_loop3A_904] {strides = array<i32>} : memref<16x1024xf32, #tpu.memory_space<vmem>>, vector<1x16xf32>,
        %parallel_loop3A_906 = vector.shape_cast %parallel_loop3A_905 : vector<1x16xf32> to vector<16xf32>
        %parallel_loop3A_907 = arith.constant 0 : i32
        %parallel_loop3A_908 = arith.constant 0 : i32
        %parallel_loop3A_909 = tpu.memref_slice %arg7[%rem3A_233, %parallel_loop3A_907, %parallel_loop3A_908] : memref<5x16x1024xf32, #tpu.memory_space<vmem>> -> memref<1x16x1024xf32, #tpu.memory_space<vmem>>
        %parallel_loop3A_910 = tpu.memref_squeeze %parallel_loop3A_909 : memref<1x16x1024xf32, #tpu.memory_space<vmem>> -> memref<16x1024xf32, #tpu.memory_space<vmem>>
        %parallel_loop3A_911 = arith.index_cast %parallel_loop3A_286 : i32 to index
        %parallel_loop3A_912 = arith.constant 576 : index
        %parallel_loop3A_913 = tpu.vector_load %parallel_loop3A_910[%parallel_loop3A_911, %parallel_loop3A_912] {strides = array<i32>} : memref<16x1024xf32, #tpu.memory_space<vmem>>, vector<1x16xf32>,
        %parallel_loop3A_914 = vector.shape_cast %parallel_loop3A_913 : vector<1x16xf32> to vector<16xf32>
        %parallel_loop3A_915 = vector.shape_cast %parallel_loop3A_906 : vector<16xf32> to vector<1x16xf32>
        tpu.vector_store %parallel_loop3A_910[%parallel_loop3A_911, %parallel_loop3A_912], %parallel_loop3A_915 {add = true, strides = array<i32>} : memref<16x1024xf32, #tpu.memory_space<vmem>>, vector<1x16xf32>,
        %parallel_loop3A_916 = arith.constant 0 : i32
        %parallel_loop3A_917 = arith.constant 0 : i32
        %parallel_loop3A_918 = tpu.memref_slice %arg8[%rem3A_235, %parallel_loop3A_916, %parallel_loop3A_917] : memref<2x16x1024xf32, #tpu.memory_space<vmem>> -> memref<1x16x1024xf32, #tpu.memory_space<vmem>>
        %parallel_loop3A_919 = tpu.memref_squeeze %parallel_loop3A_918 : memref<1x16x1024xf32, #tpu.memory_space<vmem>> -> memref<16x1024xf32, #tpu.memory_space<vmem>>
        %parallel_loop3A_920 = arith.index_cast %parallel_loop3A_286 : i32 to index
        %parallel_loop3A_921 = arith.constant 592 : index
        %parallel_loop3A_922 = tpu.vector_load %parallel_loop3A_919[%parallel_loop3A_920, %parallel_loop3A_921] {strides = array<i32>} : memref<16x1024xf32, #tpu.memory_space<vmem>>, vector<1x16xf32>,
        %parallel_loop3A_923 = vector.shape_cast %parallel_loop3A_922 : vector<1x16xf32> to vector<16xf32>
        %parallel_loop3A_924 = arith.constant 0 : i32
        %parallel_loop3A_925 = arith.constant 0 : i32
        %parallel_loop3A_926 = tpu.memref_slice %arg7[%rem3A_233, %parallel_loop3A_924, %parallel_loop3A_925] : memref<5x16x1024xf32, #tpu.memory_space<vmem>> -> memref<1x16x1024xf32, #tpu.memory_space<vmem>>
        %parallel_loop3A_927 = tpu.memref_squeeze %parallel_loop3A_926 : memref<1x16x1024xf32, #tpu.memory_space<vmem>> -> memref<16x1024xf32, #tpu.memory_space<vmem>>
        %parallel_loop3A_928 = arith.index_cast %parallel_loop3A_286 : i32 to index
        %parallel_loop3A_929 = arith.constant 592 : index
        %parallel_loop3A_930 = tpu.vector_load %parallel_loop3A_927[%parallel_loop3A_928, %parallel_loop3A_929] {strides = array<i32>} : memref<16x1024xf32, #tpu.memory_space<vmem>>, vector<1x16xf32>,
        %parallel_loop3A_931 = vector.shape_cast %parallel_loop3A_930 : vector<1x16xf32> to vector<16xf32>
        %parallel_loop3A_932 = vector.shape_cast %parallel_loop3A_923 : vector<16xf32> to vector<1x16xf32>
        tpu.vector_store %parallel_loop3A_927[%parallel_loop3A_928, %parallel_loop3A_929], %parallel_loop3A_932 {add = true, strides = array<i32>} : memref<16x1024xf32, #tpu.memory_space<vmem>>, vector<1x16xf32>,
        %parallel_loop3A_933 = arith.constant 0 : i32
        %parallel_loop3A_934 = arith.constant 0 : i32
        %parallel_loop3A_935 = tpu.memref_slice %arg8[%rem3A_235, %parallel_loop3A_933, %parallel_loop3A_934] : memref<2x16x1024xf32, #tpu.memory_space<vmem>> -> memref<1x16x1024xf32, #tpu.memory_space<vmem>>
        %parallel_loop3A_936 = tpu.memref_squeeze %parallel_loop3A_935 : memref<1x16x1024xf32, #tpu.memory_space<vmem>> -> memref<16x1024xf32, #tpu.memory_space<vmem>>
        %parallel_loop3A_937 = arith.index_cast %parallel_loop3A_286 : i32 to index
        %parallel_loop3A_938 = arith.constant 608 : index
        %parallel_loop3A_939 = tpu.vector_load %parallel_loop3A_936[%parallel_loop3A_937, %parallel_loop3A_938] {strides = array<i32>} : memref<16x1024xf32, #tpu.memory_space<vmem>>, vector<1x16xf32>,
        %parallel_loop3A_940 = vector.shape_cast %parallel_loop3A_939 : vector<1x16xf32> to vector<16xf32>
        %parallel_loop3A_941 = arith.constant 0 : i32
        %parallel_loop3A_942 = arith.constant 0 : i32
        %parallel_loop3A_943 = tpu.memref_slice %arg7[%rem3A_233, %parallel_loop3A_941, %parallel_loop3A_942] : memref<5x16x1024xf32, #tpu.memory_space<vmem>> -> memref<1x16x1024xf32, #tpu.memory_space<vmem>>
        %parallel_loop3A_944 = tpu.memref_squeeze %parallel_loop3A_943 : memref<1x16x1024xf32, #tpu.memory_space<vmem>> -> memref<16x1024xf32, #tpu.memory_space<vmem>>
        %parallel_loop3A_945 = arith.index_cast %parallel_loop3A_286 : i32 to index
        %parallel_loop3A_946 = arith.constant 608 : index
        %parallel_loop3A_947 = tpu.vector_load %parallel_loop3A_944[%parallel_loop3A_945, %parallel_loop3A_946] {strides = array<i32>} : memref<16x1024xf32, #tpu.memory_space<vmem>>, vector<1x16xf32>,
        %parallel_loop3A_948 = vector.shape_cast %parallel_loop3A_947 : vector<1x16xf32> to vector<16xf32>
        %parallel_loop3A_949 = vector.shape_cast %parallel_loop3A_940 : vector<16xf32> to vector<1x16xf32>
        tpu.vector_store %parallel_loop3A_944[%parallel_loop3A_945, %parallel_loop3A_946], %parallel_loop3A_949 {add = true, strides = array<i32>} : memref<16x1024xf32, #tpu.memory_space<vmem>>, vector<1x16xf32>,
        %parallel_loop3A_950 = arith.constant 0 : i32
        %parallel_loop3A_951 = arith.constant 0 : i32
        %parallel_loop3A_952 = tpu.memref_slice %arg8[%rem3A_235, %parallel_loop3A_950, %parallel_loop3A_951] : memref<2x16x1024xf32, #tpu.memory_space<vmem>> -> memref<1x16x1024xf32, #tpu.memory_space<vmem>>
        %parallel_loop3A_953 = tpu.memref_squeeze %parallel_loop3A_952 : memref<1x16x1024xf32, #tpu.memory_space<vmem>> -> memref<16x1024xf32, #tpu.memory_space<vmem>>
        %parallel_loop3A_954 = arith.index_cast %parallel_loop3A_286 : i32 to index
        %parallel_loop3A_955 = arith.constant 624 : index
        %parallel_loop3A_956 = tpu.vector_load %parallel_loop3A_953[%parallel_loop3A_954, %parallel_loop3A_955] {strides = array<i32>} : memref<16x1024xf32, #tpu.memory_space<vmem>>, vector<1x16xf32>,
        %parallel_loop3A_957 = vector.shape_cast %parallel_loop3A_956 : vector<1x16xf32> to vector<16xf32>
        %parallel_loop3A_958 = arith.constant 0 : i32
        %parallel_loop3A_959 = arith.constant 0 : i32
        %parallel_loop3A_960 = tpu.memref_slice %arg7[%rem3A_233, %parallel_loop3A_958, %parallel_loop3A_959] : memref<5x16x1024xf32, #tpu.memory_space<vmem>> -> memref<1x16x1024xf32, #tpu.memory_space<vmem>>
        %parallel_loop3A_961 = tpu.memref_squeeze %parallel_loop3A_960 : memref<1x16x1024xf32, #tpu.memory_space<vmem>> -> memref<16x1024xf32, #tpu.memory_space<vmem>>
        %parallel_loop3A_962 = arith.index_cast %parallel_loop3A_286 : i32 to index
        %parallel_loop3A_963 = arith.constant 624 : index
        %parallel_loop3A_964 = tpu.vector_load %parallel_loop3A_961[%parallel_loop3A_962, %parallel_loop3A_963] {strides = array<i32>} : memref<16x1024xf32, #tpu.memory_space<vmem>>, vector<1x16xf32>,
        %parallel_loop3A_965 = vector.shape_cast %parallel_loop3A_964 : vector<1x16xf32> to vector<16xf32>
        %parallel_loop3A_966 = vector.shape_cast %parallel_loop3A_957 : vector<16xf32> to vector<1x16xf32>
        tpu.vector_store %parallel_loop3A_961[%parallel_loop3A_962, %parallel_loop3A_963], %parallel_loop3A_966 {add = true, strides = array<i32>} : memref<16x1024xf32, #tpu.memory_space<vmem>>, vector<1x16xf32>,
        %parallel_loop3A_967 = arith.constant 0 : i32
        %parallel_loop3A_968 = arith.constant 0 : i32
        %parallel_loop3A_969 = tpu.memref_slice %arg8[%rem3A_235, %parallel_loop3A_967, %parallel_loop3A_968] : memref<2x16x1024xf32, #tpu.memory_space<vmem>> -> memref<1x16x1024xf32, #tpu.memory_space<vmem>>
        %parallel_loop3A_970 = tpu.memref_squeeze %parallel_loop3A_969 : memref<1x16x1024xf32, #tpu.memory_space<vmem>> -> memref<16x1024xf32, #tpu.memory_space<vmem>>
        %parallel_loop3A_971 = arith.index_cast %parallel_loop3A_286 : i32 to index
        %parallel_loop3A_972 = arith.constant 640 : index
        %parallel_loop3A_973 = tpu.vector_load %parallel_loop3A_970[%parallel_loop3A_971, %parallel_loop3A_972] {strides = array<i32>} : memref<16x1024xf32, #tpu.memory_space<vmem>>, vector<1x16xf32>,
        %parallel_loop3A_974 = vector.shape_cast %parallel_loop3A_973 : vector<1x16xf32> to vector<16xf32>
        %parallel_loop3A_975 = arith.constant 0 : i32
        %parallel_loop3A_976 = arith.constant 0 : i32
        %parallel_loop3A_977 = tpu.memref_slice %arg7[%rem3A_233, %parallel_loop3A_975, %parallel_loop3A_976] : memref<5x16x1024xf32, #tpu.memory_space<vmem>> -> memref<1x16x1024xf32, #tpu.memory_space<vmem>>
        %parallel_loop3A_978 = tpu.memref_squeeze %parallel_loop3A_977 : memref<1x16x1024xf32, #tpu.memory_space<vmem>> -> memref<16x1024xf32, #tpu.memory_space<vmem>>
        %parallel_loop3A_979 = arith.index_cast %parallel_loop3A_286 : i32 to index
        %parallel_loop3A_980 = arith.constant 640 : index
        %parallel_loop3A_981 = tpu.vector_load %parallel_loop3A_978[%parallel_loop3A_979, %parallel_loop3A_980] {strides = array<i32>} : memref<16x1024xf32, #tpu.memory_space<vmem>>, vector<1x16xf32>,
        %parallel_loop3A_982 = vector.shape_cast %parallel_loop3A_981 : vector<1x16xf32> to vector<16xf32>
        %parallel_loop3A_983 = vector.shape_cast %parallel_loop3A_974 : vector<16xf32> to vector<1x16xf32>
        tpu.vector_store %parallel_loop3A_978[%parallel_loop3A_979, %parallel_loop3A_980], %parallel_loop3A_983 {add = true, strides = array<i32>} : memref<16x1024xf32, #tpu.memory_space<vmem>>, vector<1x16xf32>,
        %parallel_loop3A_984 = arith.constant 0 : i32
        %parallel_loop3A_985 = arith.constant 0 : i32
        %parallel_loop3A_986 = tpu.memref_slice %arg8[%rem3A_235, %parallel_loop3A_984, %parallel_loop3A_985] : memref<2x16x1024xf32, #tpu.memory_space<vmem>> -> memref<1x16x1024xf32, #tpu.memory_space<vmem>>
        %parallel_loop3A_987 = tpu.memref_squeeze %parallel_loop3A_986 : memref<1x16x1024xf32, #tpu.memory_space<vmem>> -> memref<16x1024xf32, #tpu.memory_space<vmem>>
        %parallel_loop3A_988 = arith.index_cast %parallel_loop3A_286 : i32 to index
        %parallel_loop3A_989 = arith.constant 656 : index
        %parallel_loop3A_990 = tpu.vector_load %parallel_loop3A_987[%parallel_loop3A_988, %parallel_loop3A_989] {strides = array<i32>} : memref<16x1024xf32, #tpu.memory_space<vmem>>, vector<1x16xf32>,
        %parallel_loop3A_991 = vector.shape_cast %parallel_loop3A_990 : vector<1x16xf32> to vector<16xf32>
        %parallel_loop3A_992 = arith.constant 0 : i32
        %parallel_loop3A_993 = arith.constant 0 : i32
        %parallel_loop3A_994 = tpu.memref_slice %arg7[%rem3A_233, %parallel_loop3A_992, %parallel_loop3A_993] : memref<5x16x1024xf32, #tpu.memory_space<vmem>> -> memref<1x16x1024xf32, #tpu.memory_space<vmem>>
        %parallel_loop3A_995 = tpu.memref_squeeze %parallel_loop3A_994 : memref<1x16x1024xf32, #tpu.memory_space<vmem>> -> memref<16x1024xf32, #tpu.memory_space<vmem>>
        %parallel_loop3A_996 = arith.index_cast %parallel_loop3A_286 : i32 to index
        %parallel_loop3A_997 = arith.constant 656 : index
        %parallel_loop3A_998 = tpu.vector_load %parallel_loop3A_995[%parallel_loop3A_996, %parallel_loop3A_997] {strides = array<i32>} : memref<16x1024xf32, #tpu.memory_space<vmem>>, vector<1x16xf32>,
        %parallel_loop3A_999 = vector.shape_cast %parallel_loop3A_998 : vector<1x16xf32> to vector<16xf32>
        %parallel_loop3A_1000 = vector.shape_cast %parallel_loop3A_991 : vector<16xf32> to vector<1x16xf32>
        tpu.vector_store %parallel_loop3A_995[%parallel_loop3A_996, %parallel_loop3A_997], %parallel_loop3A_1000 {add = true, strides = array<i32>} : memref<16x1024xf32, #tpu.memory_space<vmem>>, vector<1x16xf32>,
        %parallel_loop3A_1001 = arith.constant 0 : i32
        %parallel_loop3A_1002 = arith.constant 0 : i32
        %parallel_loop3A_1003 = tpu.memref_slice %arg8[%rem3A_235, %parallel_loop3A_1001, %parallel_loop3A_1002] : memref<2x16x1024xf32, #tpu.memory_space<vmem>> -> memref<1x16x1024xf32, #tpu.memory_space<vmem>>
        %parallel_loop3A_1004 = tpu.memref_squeeze %parallel_loop3A_1003 : memref<1x16x1024xf32, #tpu.memory_space<vmem>> -> memref<16x1024xf32, #tpu.memory_space<vmem>>
        %parallel_loop3A_1005 = arith.index_cast %parallel_loop3A_286 : i32 to index
        %parallel_loop3A_1006 = arith.constant 672 : index
        %parallel_loop3A_1007 = tpu.vector_load %parallel_loop3A_1004[%parallel_loop3A_1005, %parallel_loop3A_1006] {strides = array<i32>} : memref<16x1024xf32, #tpu.memory_space<vmem>>, vector<1x16xf32>,
        %parallel_loop3A_1008 = vector.shape_cast %parallel_loop3A_1007 : vector<1x16xf32> to vector<16xf32>
        %parallel_loop3A_1009 = arith.constant 0 : i32
        %parallel_loop3A_1010 = arith.constant 0 : i32
        %parallel_loop3A_1011 = tpu.memref_slice %arg7[%rem3A_233, %parallel_loop3A_1009, %parallel_loop3A_1010] : memref<5x16x1024xf32, #tpu.memory_space<vmem>> -> memref<1x16x1024xf32, #tpu.memory_space<vmem>>
        %parallel_loop3A_1012 = tpu.memref_squeeze %parallel_loop3A_1011 : memref<1x16x1024xf32, #tpu.memory_space<vmem>> -> memref<16x1024xf32, #tpu.memory_space<vmem>>
        %parallel_loop3A_1013 = arith.index_cast %parallel_loop3A_286 : i32 to index
        %parallel_loop3A_1014 = arith.constant 672 : index
        %parallel_loop3A_1015 = tpu.vector_load %parallel_loop3A_1012[%parallel_loop3A_1013, %parallel_loop3A_1014] {strides = array<i32>} : memref<16x1024xf32, #tpu.memory_space<vmem>>, vector<1x16xf32>,
        %parallel_loop3A_1016 = vector.shape_cast %parallel_loop3A_1015 : vector<1x16xf32> to vector<16xf32>
        %parallel_loop3A_1017 = vector.shape_cast %parallel_loop3A_1008 : vector<16xf32> to vector<1x16xf32>
        tpu.vector_store %parallel_loop3A_1012[%parallel_loop3A_1013, %parallel_loop3A_1014], %parallel_loop3A_1017 {add = true, strides = array<i32>} : memref<16x1024xf32, #tpu.memory_space<vmem>>, vector<1x16xf32>,
        %parallel_loop3A_1018 = arith.constant 0 : i32
        %parallel_loop3A_1019 = arith.constant 0 : i32
        %parallel_loop3A_1020 = tpu.memref_slice %arg8[%rem3A_235, %parallel_loop3A_1018, %parallel_loop3A_1019] : memref<2x16x1024xf32, #tpu.memory_space<vmem>> -> memref<1x16x1024xf32, #tpu.memory_space<vmem>>
        %parallel_loop3A_1021 = tpu.memref_squeeze %parallel_loop3A_1020 : memref<1x16x1024xf32, #tpu.memory_space<vmem>> -> memref<16x1024xf32, #tpu.memory_space<vmem>>
        %parallel_loop3A_1022 = arith.index_cast %parallel_loop3A_286 : i32 to index
        %parallel_loop3A_1023 = arith.constant 688 : index
        %parallel_loop3A_1024 = tpu.vector_load %parallel_loop3A_1021[%parallel_loop3A_1022, %parallel_loop3A_1023] {strides = array<i32>} : memref<16x1024xf32, #tpu.memory_space<vmem>>, vector<1x16xf32>,
        %parallel_loop3A_1025 = vector.shape_cast %parallel_loop3A_1024 : vector<1x16xf32> to vector<16xf32>
        %parallel_loop3A_1026 = arith.constant 0 : i32
        %parallel_loop3A_1027 = arith.constant 0 : i32
        %parallel_loop3A_1028 = tpu.memref_slice %arg7[%rem3A_233, %parallel_loop3A_1026, %parallel_loop3A_1027] : memref<5x16x1024xf32, #tpu.memory_space<vmem>> -> memref<1x16x1024xf32, #tpu.memory_space<vmem>>
        %parallel_loop3A_1029 = tpu.memref_squeeze %parallel_loop3A_1028 : memref<1x16x1024xf32, #tpu.memory_space<vmem>> -> memref<16x1024xf32, #tpu.memory_space<vmem>>
        %parallel_loop3A_1030 = arith.index_cast %parallel_loop3A_286 : i32 to index
        %parallel_loop3A_1031 = arith.constant 688 : index
        %parallel_loop3A_1032 = tpu.vector_load %parallel_loop3A_1029[%parallel_loop3A_1030, %parallel_loop3A_1031] {strides = array<i32>} : memref<16x1024xf32, #tpu.memory_space<vmem>>, vector<1x16xf32>,
        %parallel_loop3A_1033 = vector.shape_cast %parallel_loop3A_1032 : vector<1x16xf32> to vector<16xf32>
        %parallel_loop3A_1034 = vector.shape_cast %parallel_loop3A_1025 : vector<16xf32> to vector<1x16xf32>
        tpu.vector_store %parallel_loop3A_1029[%parallel_loop3A_1030, %parallel_loop3A_1031], %parallel_loop3A_1034 {add = true, strides = array<i32>} : memref<16x1024xf32, #tpu.memory_space<vmem>>, vector<1x16xf32>,
        %parallel_loop3A_1035 = arith.constant 0 : i32
        %parallel_loop3A_1036 = arith.constant 0 : i32
        %parallel_loop3A_1037 = tpu.memref_slice %arg8[%rem3A_235, %parallel_loop3A_1035, %parallel_loop3A_1036] : memref<2x16x1024xf32, #tpu.memory_space<vmem>> -> memref<1x16x1024xf32, #tpu.memory_space<vmem>>
        %parallel_loop3A_1038 = tpu.memref_squeeze %parallel_loop3A_1037 : memref<1x16x1024xf32, #tpu.memory_space<vmem>> -> memref<16x1024xf32, #tpu.memory_space<vmem>>
        %parallel_loop3A_1039 = arith.index_cast %parallel_loop3A_286 : i32 to index
        %parallel_loop3A_1040 = arith.constant 704 : index
        %parallel_loop3A_1041 = tpu.vector_load %parallel_loop3A_1038[%parallel_loop3A_1039, %parallel_loop3A_1040] {strides = array<i32>} : memref<16x1024xf32, #tpu.memory_space<vmem>>, vector<1x16xf32>,
        %parallel_loop3A_1042 = vector.shape_cast %parallel_loop3A_1041 : vector<1x16xf32> to vector<16xf32>
        %parallel_loop3A_1043 = arith.constant 0 : i32
        %parallel_loop3A_1044 = arith.constant 0 : i32
        %parallel_loop3A_1045 = tpu.memref_slice %arg7[%rem3A_233, %parallel_loop3A_1043, %parallel_loop3A_1044] : memref<5x16x1024xf32, #tpu.memory_space<vmem>> -> memref<1x16x1024xf32, #tpu.memory_space<vmem>>
        %parallel_loop3A_1046 = tpu.memref_squeeze %parallel_loop3A_1045 : memref<1x16x1024xf32, #tpu.memory_space<vmem>> -> memref<16x1024xf32, #tpu.memory_space<vmem>>
        %parallel_loop3A_1047 = arith.index_cast %parallel_loop3A_286 : i32 to index
        %parallel_loop3A_1048 = arith.constant 704 : index
        %parallel_loop3A_1049 = tpu.vector_load %parallel_loop3A_1046[%parallel_loop3A_1047, %parallel_loop3A_1048] {strides = array<i32>} : memref<16x1024xf32, #tpu.memory_space<vmem>>, vector<1x16xf32>,
        %parallel_loop3A_1050 = vector.shape_cast %parallel_loop3A_1049 : vector<1x16xf32> to vector<16xf32>
        %parallel_loop3A_1051 = vector.shape_cast %parallel_loop3A_1042 : vector<16xf32> to vector<1x16xf32>
        tpu.vector_store %parallel_loop3A_1046[%parallel_loop3A_1047, %parallel_loop3A_1048], %parallel_loop3A_1051 {add = true, strides = array<i32>} : memref<16x1024xf32, #tpu.memory_space<vmem>>, vector<1x16xf32>,
        %parallel_loop3A_1052 = arith.constant 0 : i32
        %parallel_loop3A_1053 = arith.constant 0 : i32
        %parallel_loop3A_1054 = tpu.memref_slice %arg8[%rem3A_235, %parallel_loop3A_1052, %parallel_loop3A_1053] : memref<2x16x1024xf32, #tpu.memory_space<vmem>> -> memref<1x16x1024xf32, #tpu.memory_space<vmem>>
        %parallel_loop3A_1055 = tpu.memref_squeeze %parallel_loop3A_1054 : memref<1x16x1024xf32, #tpu.memory_space<vmem>> -> memref<16x1024xf32, #tpu.memory_space<vmem>>
        %parallel_loop3A_1056 = arith.index_cast %parallel_loop3A_286 : i32 to index
        %parallel_loop3A_1057 = arith.constant 720 : index
        %parallel_loop3A_1058 = tpu.vector_load %parallel_loop3A_1055[%parallel_loop3A_1056, %parallel_loop3A_1057] {strides = array<i32>} : memref<16x1024xf32, #tpu.memory_space<vmem>>, vector<1x16xf32>,
        %parallel_loop3A_1059 = vector.shape_cast %parallel_loop3A_1058 : vector<1x16xf32> to vector<16xf32>
        %parallel_loop3A_1060 = arith.constant 0 : i32
        %parallel_loop3A_1061 = arith.constant 0 : i32
        %parallel_loop3A_1062 = tpu.memref_slice %arg7[%rem3A_233, %parallel_loop3A_1060, %parallel_loop3A_1061] : memref<5x16x1024xf32, #tpu.memory_space<vmem>> -> memref<1x16x1024xf32, #tpu.memory_space<vmem>>
        %parallel_loop3A_1063 = tpu.memref_squeeze %parallel_loop3A_1062 : memref<1x16x1024xf32, #tpu.memory_space<vmem>> -> memref<16x1024xf32, #tpu.memory_space<vmem>>
        %parallel_loop3A_1064 = arith.index_cast %parallel_loop3A_286 : i32 to index
        %parallel_loop3A_1065 = arith.constant 720 : index
        %parallel_loop3A_1066 = tpu.vector_load %parallel_loop3A_1063[%parallel_loop3A_1064, %parallel_loop3A_1065] {strides = array<i32>} : memref<16x1024xf32, #tpu.memory_space<vmem>>, vector<1x16xf32>,
        %parallel_loop3A_1067 = vector.shape_cast %parallel_loop3A_1066 : vector<1x16xf32> to vector<16xf32>
        %parallel_loop3A_1068 = vector.shape_cast %parallel_loop3A_1059 : vector<16xf32> to vector<1x16xf32>
        tpu.vector_store %parallel_loop3A_1063[%parallel_loop3A_1064, %parallel_loop3A_1065], %parallel_loop3A_1068 {add = true, strides = array<i32>} : memref<16x1024xf32, #tpu.memory_space<vmem>>, vector<1x16xf32>,
        %parallel_loop3A_1069 = arith.constant 0 : i32
        %parallel_loop3A_1070 = arith.constant 0 : i32
        %parallel_loop3A_1071 = tpu.memref_slice %arg8[%rem3A_235, %parallel_loop3A_1069, %parallel_loop3A_1070] : memref<2x16x1024xf32, #tpu.memory_space<vmem>> -> memref<1x16x1024xf32, #tpu.memory_space<vmem>>
        %parallel_loop3A_1072 = tpu.memref_squeeze %parallel_loop3A_1071 : memref<1x16x1024xf32, #tpu.memory_space<vmem>> -> memref<16x1024xf32, #tpu.memory_space<vmem>>
        %parallel_loop3A_1073 = arith.index_cast %parallel_loop3A_286 : i32 to index
        %parallel_loop3A_1074 = arith.constant 736 : index
        %parallel_loop3A_1075 = tpu.vector_load %parallel_loop3A_1072[%parallel_loop3A_1073, %parallel_loop3A_1074] {strides = array<i32>} : memref<16x1024xf32, #tpu.memory_space<vmem>>, vector<1x16xf32>,
        %parallel_loop3A_1076 = vector.shape_cast %parallel_loop3A_1075 : vector<1x16xf32> to vector<16xf32>
        %parallel_loop3A_1077 = arith.constant 0 : i32
        %parallel_loop3A_1078 = arith.constant 0 : i32
        %parallel_loop3A_1079 = tpu.memref_slice %arg7[%rem3A_233, %parallel_loop3A_1077, %parallel_loop3A_1078] : memref<5x16x1024xf32, #tpu.memory_space<vmem>> -> memref<1x16x1024xf32, #tpu.memory_space<vmem>>
        %parallel_loop3A_1080 = tpu.memref_squeeze %parallel_loop3A_1079 : memref<1x16x1024xf32, #tpu.memory_space<vmem>> -> memref<16x1024xf32, #tpu.memory_space<vmem>>
        %parallel_loop3A_1081 = arith.index_cast %parallel_loop3A_286 : i32 to index
        %parallel_loop3A_1082 = arith.constant 736 : index
        %parallel_loop3A_1083 = tpu.vector_load %parallel_loop3A_1080[%parallel_loop3A_1081, %parallel_loop3A_1082] {strides = array<i32>} : memref<16x1024xf32, #tpu.memory_space<vmem>>, vector<1x16xf32>,
        %parallel_loop3A_1084 = vector.shape_cast %parallel_loop3A_1083 : vector<1x16xf32> to vector<16xf32>
        %parallel_loop3A_1085 = vector.shape_cast %parallel_loop3A_1076 : vector<16xf32> to vector<1x16xf32>
        tpu.vector_store %parallel_loop3A_1080[%parallel_loop3A_1081, %parallel_loop3A_1082], %parallel_loop3A_1085 {add = true, strides = array<i32>} : memref<16x1024xf32, #tpu.memory_space<vmem>>, vector<1x16xf32>,
        %parallel_loop3A_1086 = arith.constant 0 : i32
        %parallel_loop3A_1087 = arith.constant 0 : i32
        %parallel_loop3A_1088 = tpu.memref_slice %arg8[%rem3A_235, %parallel_loop3A_1086, %parallel_loop3A_1087] : memref<2x16x1024xf32, #tpu.memory_space<vmem>> -> memref<1x16x1024xf32, #tpu.memory_space<vmem>>
        %parallel_loop3A_1089 = tpu.memref_squeeze %parallel_loop3A_1088 : memref<1x16x1024xf32, #tpu.memory_space<vmem>> -> memref<16x1024xf32, #tpu.memory_space<vmem>>
        %parallel_loop3A_1090 = arith.index_cast %parallel_loop3A_286 : i32 to index
        %parallel_loop3A_1091 = arith.constant 752 : index
        %parallel_loop3A_1092 = tpu.vector_load %parallel_loop3A_1089[%parallel_loop3A_1090, %parallel_loop3A_1091] {strides = array<i32>} : memref<16x1024xf32, #tpu.memory_space<vmem>>, vector<1x16xf32>,
        %parallel_loop3A_1093 = vector.shape_cast %parallel_loop3A_1092 : vector<1x16xf32> to vector<16xf32>
        %parallel_loop3A_1094 = arith.constant 0 : i32
        %parallel_loop3A_1095 = arith.constant 0 : i32
        %parallel_loop3A_1096 = tpu.memref_slice %arg7[%rem3A_233, %parallel_loop3A_1094, %parallel_loop3A_1095] : memref<5x16x1024xf32, #tpu.memory_space<vmem>> -> memref<1x16x1024xf32, #tpu.memory_space<vmem>>
        %parallel_loop3A_1097 = tpu.memref_squeeze %parallel_loop3A_1096 : memref<1x16x1024xf32, #tpu.memory_space<vmem>> -> memref<16x1024xf32, #tpu.memory_space<vmem>>
        %parallel_loop3A_1098 = arith.index_cast %parallel_loop3A_286 : i32 to index
        %parallel_loop3A_1099 = arith.constant 752 : index
        %parallel_loop3A_1100 = tpu.vector_load %parallel_loop3A_1097[%parallel_loop3A_1098, %parallel_loop3A_1099] {strides = array<i32>} : memref<16x1024xf32, #tpu.memory_space<vmem>>, vector<1x16xf32>,
        %parallel_loop3A_1101 = vector.shape_cast %parallel_loop3A_1100 : vector<1x16xf32> to vector<16xf32>
        %parallel_loop3A_1102 = vector.shape_cast %parallel_loop3A_1093 : vector<16xf32> to vector<1x16xf32>
        tpu.vector_store %parallel_loop3A_1097[%parallel_loop3A_1098, %parallel_loop3A_1099], %parallel_loop3A_1102 {add = true, strides = array<i32>} : memref<16x1024xf32, #tpu.memory_space<vmem>>, vector<1x16xf32>,
        %parallel_loop3A_1103 = arith.constant 0 : i32
        %parallel_loop3A_1104 = arith.constant 0 : i32
        %parallel_loop3A_1105 = tpu.memref_slice %arg8[%rem3A_235, %parallel_loop3A_1103, %parallel_loop3A_1104] : memref<2x16x1024xf32, #tpu.memory_space<vmem>> -> memref<1x16x1024xf32, #tpu.memory_space<vmem>>
        %parallel_loop3A_1106 = tpu.memref_squeeze %parallel_loop3A_1105 : memref<1x16x1024xf32, #tpu.memory_space<vmem>> -> memref<16x1024xf32, #tpu.memory_space<vmem>>
        %parallel_loop3A_1107 = arith.index_cast %parallel_loop3A_286 : i32 to index
        %parallel_loop3A_1108 = arith.constant 768 : index
        %parallel_loop3A_1109 = tpu.vector_load %parallel_loop3A_1106[%parallel_loop3A_1107, %parallel_loop3A_1108] {strides = array<i32>} : memref<16x1024xf32, #tpu.memory_space<vmem>>, vector<1x16xf32>,
        %parallel_loop3A_1110 = vector.shape_cast %parallel_loop3A_1109 : vector<1x16xf32> to vector<16xf32>
        %parallel_loop3A_1111 = arith.constant 0 : i32
        %parallel_loop3A_1112 = arith.constant 0 : i32
        %parallel_loop3A_1113 = tpu.memref_slice %arg7[%rem3A_233, %parallel_loop3A_1111, %parallel_loop3A_1112] : memref<5x16x1024xf32, #tpu.memory_space<vmem>> -> memref<1x16x1024xf32, #tpu.memory_space<vmem>>
        %parallel_loop3A_1114 = tpu.memref_squeeze %parallel_loop3A_1113 : memref<1x16x1024xf32, #tpu.memory_space<vmem>> -> memref<16x1024xf32, #tpu.memory_space<vmem>>
        %parallel_loop3A_1115 = arith.index_cast %parallel_loop3A_286 : i32 to index
        %parallel_loop3A_1116 = arith.constant 768 : index
        %parallel_loop3A_1117 = tpu.vector_load %parallel_loop3A_1114[%parallel_loop3A_1115, %parallel_loop3A_1116] {strides = array<i32>} : memref<16x1024xf32, #tpu.memory_space<vmem>>, vector<1x16xf32>,
        %parallel_loop3A_1118 = vector.shape_cast %parallel_loop3A_1117 : vector<1x16xf32> to vector<16xf32>
        %parallel_loop3A_1119 = vector.shape_cast %parallel_loop3A_1110 : vector<16xf32> to vector<1x16xf32>
        tpu.vector_store %parallel_loop3A_1114[%parallel_loop3A_1115, %parallel_loop3A_1116], %parallel_loop3A_1119 {add = true, strides = array<i32>} : memref<16x1024xf32, #tpu.memory_space<vmem>>, vector<1x16xf32>,
        %parallel_loop3A_1120 = arith.constant 0 : i32
        %parallel_loop3A_1121 = arith.constant 0 : i32
        %parallel_loop3A_1122 = tpu.memref_slice %arg8[%rem3A_235, %parallel_loop3A_1120, %parallel_loop3A_1121] : memref<2x16x1024xf32, #tpu.memory_space<vmem>> -> memref<1x16x1024xf32, #tpu.memory_space<vmem>>
        %parallel_loop3A_1123 = tpu.memref_squeeze %parallel_loop3A_1122 : memref<1x16x1024xf32, #tpu.memory_space<vmem>> -> memref<16x1024xf32, #tpu.memory_space<vmem>>
        %parallel_loop3A_1124 = arith.index_cast %parallel_loop3A_286 : i32 to index
        %parallel_loop3A_1125 = arith.constant 784 : index
        %parallel_loop3A_1126 = tpu.vector_load %parallel_loop3A_1123[%parallel_loop3A_1124, %parallel_loop3A_1125] {strides = array<i32>} : memref<16x1024xf32, #tpu.memory_space<vmem>>, vector<1x16xf32>,
        %parallel_loop3A_1127 = vector.shape_cast %parallel_loop3A_1126 : vector<1x16xf32> to vector<16xf32>
        %parallel_loop3A_1128 = arith.constant 0 : i32
        %parallel_loop3A_1129 = arith.constant 0 : i32
        %parallel_loop3A_1130 = tpu.memref_slice %arg7[%rem3A_233, %parallel_loop3A_1128, %parallel_loop3A_1129] : memref<5x16x1024xf32, #tpu.memory_space<vmem>> -> memref<1x16x1024xf32, #tpu.memory_space<vmem>>
        %parallel_loop3A_1131 = tpu.memref_squeeze %parallel_loop3A_1130 : memref<1x16x1024xf32, #tpu.memory_space<vmem>> -> memref<16x1024xf32, #tpu.memory_space<vmem>>
        %parallel_loop3A_1132 = arith.index_cast %parallel_loop3A_286 : i32 to index
        %parallel_loop3A_1133 = arith.constant 784 : index
        %parallel_loop3A_1134 = tpu.vector_load %parallel_loop3A_1131[%parallel_loop3A_1132, %parallel_loop3A_1133] {strides = array<i32>} : memref<16x1024xf32, #tpu.memory_space<vmem>>, vector<1x16xf32>,
        %parallel_loop3A_1135 = vector.shape_cast %parallel_loop3A_1134 : vector<1x16xf32> to vector<16xf32>
        %parallel_loop3A_1136 = vector.shape_cast %parallel_loop3A_1127 : vector<16xf32> to vector<1x16xf32>
        tpu.vector_store %parallel_loop3A_1131[%parallel_loop3A_1132, %parallel_loop3A_1133], %parallel_loop3A_1136 {add = true, strides = array<i32>} : memref<16x1024xf32, #tpu.memory_space<vmem>>, vector<1x16xf32>,
        %parallel_loop3A_1137 = arith.constant 0 : i32
        %parallel_loop3A_1138 = arith.constant 0 : i32
        %parallel_loop3A_1139 = tpu.memref_slice %arg8[%rem3A_235, %parallel_loop3A_1137, %parallel_loop3A_1138] : memref<2x16x1024xf32, #tpu.memory_space<vmem>> -> memref<1x16x1024xf32, #tpu.memory_space<vmem>>
        %parallel_loop3A_1140 = tpu.memref_squeeze %parallel_loop3A_1139 : memref<1x16x1024xf32, #tpu.memory_space<vmem>> -> memref<16x1024xf32, #tpu.memory_space<vmem>>
        %parallel_loop3A_1141 = arith.index_cast %parallel_loop3A_286 : i32 to index
        %parallel_loop3A_1142 = arith.constant 800 : index
        %parallel_loop3A_1143 = tpu.vector_load %parallel_loop3A_1140[%parallel_loop3A_1141, %parallel_loop3A_1142] {strides = array<i32>} : memref<16x1024xf32, #tpu.memory_space<vmem>>, vector<1x16xf32>,
        %parallel_loop3A_1144 = vector.shape_cast %parallel_loop3A_1143 : vector<1x16xf32> to vector<16xf32>
        %parallel_loop3A_1145 = arith.constant 0 : i32
        %parallel_loop3A_1146 = arith.constant 0 : i32
        %parallel_loop3A_1147 = tpu.memref_slice %arg7[%rem3A_233, %parallel_loop3A_1145, %parallel_loop3A_1146] : memref<5x16x1024xf32, #tpu.memory_space<vmem>> -> memref<1x16x1024xf32, #tpu.memory_space<vmem>>
        %parallel_loop3A_1148 = tpu.memref_squeeze %parallel_loop3A_1147 : memref<1x16x1024xf32, #tpu.memory_space<vmem>> -> memref<16x1024xf32, #tpu.memory_space<vmem>>
        %parallel_loop3A_1149 = arith.index_cast %parallel_loop3A_286 : i32 to index
        %parallel_loop3A_1150 = arith.constant 800 : index
        %parallel_loop3A_1151 = tpu.vector_load %parallel_loop3A_1148[%parallel_loop3A_1149, %parallel_loop3A_1150] {strides = array<i32>} : memref<16x1024xf32, #tpu.memory_space<vmem>>, vector<1x16xf32>,
        %parallel_loop3A_1152 = vector.shape_cast %parallel_loop3A_1151 : vector<1x16xf32> to vector<16xf32>
        %parallel_loop3A_1153 = vector.shape_cast %parallel_loop3A_1144 : vector<16xf32> to vector<1x16xf32>
        tpu.vector_store %parallel_loop3A_1148[%parallel_loop3A_1149, %parallel_loop3A_1150], %parallel_loop3A_1153 {add = true, strides = array<i32>} : memref<16x1024xf32, #tpu.memory_space<vmem>>, vector<1x16xf32>,
        %parallel_loop3A_1154 = arith.constant 0 : i32
        %parallel_loop3A_1155 = arith.constant 0 : i32
        %parallel_loop3A_1156 = tpu.memref_slice %arg8[%rem3A_235, %parallel_loop3A_1154, %parallel_loop3A_1155] : memref<2x16x1024xf32, #tpu.memory_space<vmem>> -> memref<1x16x1024xf32, #tpu.memory_space<vmem>>
        %parallel_loop3A_1157 = tpu.memref_squeeze %parallel_loop3A_1156 : memref<1x16x1024xf32, #tpu.memory_space<vmem>> -> memref<16x1024xf32, #tpu.memory_space<vmem>>
        %parallel_loop3A_1158 = arith.index_cast %parallel_loop3A_286 : i32 to index
        %parallel_loop3A_1159 = arith.constant 816 : index
        %parallel_loop3A_1160 = tpu.vector_load %parallel_loop3A_1157[%parallel_loop3A_1158, %parallel_loop3A_1159] {strides = array<i32>} : memref<16x1024xf32, #tpu.memory_space<vmem>>, vector<1x16xf32>,
        %parallel_loop3A_1161 = vector.shape_cast %parallel_loop3A_1160 : vector<1x16xf32> to vector<16xf32>
        %parallel_loop3A_1162 = arith.constant 0 : i32
        %parallel_loop3A_1163 = arith.constant 0 : i32
        %parallel_loop3A_1164 = tpu.memref_slice %arg7[%rem3A_233, %parallel_loop3A_1162, %parallel_loop3A_1163] : memref<5x16x1024xf32, #tpu.memory_space<vmem>> -> memref<1x16x1024xf32, #tpu.memory_space<vmem>>
        %parallel_loop3A_1165 = tpu.memref_squeeze %parallel_loop3A_1164 : memref<1x16x1024xf32, #tpu.memory_space<vmem>> -> memref<16x1024xf32, #tpu.memory_space<vmem>>
        %parallel_loop3A_1166 = arith.index_cast %parallel_loop3A_286 : i32 to index
        %parallel_loop3A_1167 = arith.constant 816 : index
        %parallel_loop3A_1168 = tpu.vector_load %parallel_loop3A_1165[%parallel_loop3A_1166, %parallel_loop3A_1167] {strides = array<i32>} : memref<16x1024xf32, #tpu.memory_space<vmem>>, vector<1x16xf32>,
        %parallel_loop3A_1169 = vector.shape_cast %parallel_loop3A_1168 : vector<1x16xf32> to vector<16xf32>
        %parallel_loop3A_1170 = vector.shape_cast %parallel_loop3A_1161 : vector<16xf32> to vector<1x16xf32>
        tpu.vector_store %parallel_loop3A_1165[%parallel_loop3A_1166, %parallel_loop3A_1167], %parallel_loop3A_1170 {add = true, strides = array<i32>} : memref<16x1024xf32, #tpu.memory_space<vmem>>, vector<1x16xf32>,
        %parallel_loop3A_1171 = arith.constant 0 : i32
        %parallel_loop3A_1172 = arith.constant 0 : i32
        %parallel_loop3A_1173 = tpu.memref_slice %arg8[%rem3A_235, %parallel_loop3A_1171, %parallel_loop3A_1172] : memref<2x16x1024xf32, #tpu.memory_space<vmem>> -> memref<1x16x1024xf32, #tpu.memory_space<vmem>>
        %parallel_loop3A_1174 = tpu.memref_squeeze %parallel_loop3A_1173 : memref<1x16x1024xf32, #tpu.memory_space<vmem>> -> memref<16x1024xf32, #tpu.memory_space<vmem>>
        %parallel_loop3A_1175 = arith.index_cast %parallel_loop3A_286 : i32 to index
        %parallel_loop3A_1176 = arith.constant 832 : index
        %parallel_loop3A_1177 = tpu.vector_load %parallel_loop3A_1174[%parallel_loop3A_1175, %parallel_loop3A_1176] {strides = array<i32>} : memref<16x1024xf32, #tpu.memory_space<vmem>>, vector<1x16xf32>,
        %parallel_loop3A_1178 = vector.shape_cast %parallel_loop3A_1177 : vector<1x16xf32> to vector<16xf32>
        %parallel_loop3A_1179 = arith.constant 0 : i32
        %parallel_loop3A_1180 = arith.constant 0 : i32
        %parallel_loop3A_1181 = tpu.memref_slice %arg7[%rem3A_233, %parallel_loop3A_1179, %parallel_loop3A_1180] : memref<5x16x1024xf32, #tpu.memory_space<vmem>> -> memref<1x16x1024xf32, #tpu.memory_space<vmem>>
        %parallel_loop3A_1182 = tpu.memref_squeeze %parallel_loop3A_1181 : memref<1x16x1024xf32, #tpu.memory_space<vmem>> -> memref<16x1024xf32, #tpu.memory_space<vmem>>
        %parallel_loop3A_1183 = arith.index_cast %parallel_loop3A_286 : i32 to index
        %parallel_loop3A_1184 = arith.constant 832 : index
        %parallel_loop3A_1185 = tpu.vector_load %parallel_loop3A_1182[%parallel_loop3A_1183, %parallel_loop3A_1184] {strides = array<i32>} : memref<16x1024xf32, #tpu.memory_space<vmem>>, vector<1x16xf32>,
        %parallel_loop3A_1186 = vector.shape_cast %parallel_loop3A_1185 : vector<1x16xf32> to vector<16xf32>
        %parallel_loop3A_1187 = vector.shape_cast %parallel_loop3A_1178 : vector<16xf32> to vector<1x16xf32>
        tpu.vector_store %parallel_loop3A_1182[%parallel_loop3A_1183, %parallel_loop3A_1184], %parallel_loop3A_1187 {add = true, strides = array<i32>} : memref<16x1024xf32, #tpu.memory_space<vmem>>, vector<1x16xf32>,
        %parallel_loop3A_1188 = arith.constant 0 : i32
        %parallel_loop3A_1189 = arith.constant 0 : i32
        %parallel_loop3A_1190 = tpu.memref_slice %arg8[%rem3A_235, %parallel_loop3A_1188, %parallel_loop3A_1189] : memref<2x16x1024xf32, #tpu.memory_space<vmem>> -> memref<1x16x1024xf32, #tpu.memory_space<vmem>>
        %parallel_loop3A_1191 = tpu.memref_squeeze %parallel_loop3A_1190 : memref<1x16x1024xf32, #tpu.memory_space<vmem>> -> memref<16x1024xf32, #tpu.memory_space<vmem>>
        %parallel_loop3A_1192 = arith.index_cast %parallel_loop3A_286 : i32 to index
        %parallel_loop3A_1193 = arith.constant 848 : index
        %parallel_loop3A_1194 = tpu.vector_load %parallel_loop3A_1191[%parallel_loop3A_1192, %parallel_loop3A_1193] {strides = array<i32>} : memref<16x1024xf32, #tpu.memory_space<vmem>>, vector<1x16xf32>,
        %parallel_loop3A_1195 = vector.shape_cast %parallel_loop3A_1194 : vector<1x16xf32> to vector<16xf32>
        %parallel_loop3A_1196 = arith.constant 0 : i32
        %parallel_loop3A_1197 = arith.constant 0 : i32
        %parallel_loop3A_1198 = tpu.memref_slice %arg7[%rem3A_233, %parallel_loop3A_1196, %parallel_loop3A_1197] : memref<5x16x1024xf32, #tpu.memory_space<vmem>> -> memref<1x16x1024xf32, #tpu.memory_space<vmem>>
        %parallel_loop3A_1199 = tpu.memref_squeeze %parallel_loop3A_1198 : memref<1x16x1024xf32, #tpu.memory_space<vmem>> -> memref<16x1024xf32, #tpu.memory_space<vmem>>
        %parallel_loop3A_1200 = arith.index_cast %parallel_loop3A_286 : i32 to index
        %parallel_loop3A_1201 = arith.constant 848 : index
        %parallel_loop3A_1202 = tpu.vector_load %parallel_loop3A_1199[%parallel_loop3A_1200, %parallel_loop3A_1201] {strides = array<i32>} : memref<16x1024xf32, #tpu.memory_space<vmem>>, vector<1x16xf32>,
        %parallel_loop3A_1203 = vector.shape_cast %parallel_loop3A_1202 : vector<1x16xf32> to vector<16xf32>
        %parallel_loop3A_1204 = vector.shape_cast %parallel_loop3A_1195 : vector<16xf32> to vector<1x16xf32>
        tpu.vector_store %parallel_loop3A_1199[%parallel_loop3A_1200, %parallel_loop3A_1201], %parallel_loop3A_1204 {add = true, strides = array<i32>} : memref<16x1024xf32, #tpu.memory_space<vmem>>, vector<1x16xf32>,
        %parallel_loop3A_1205 = arith.constant 0 : i32
        %parallel_loop3A_1206 = arith.constant 0 : i32
        %parallel_loop3A_1207 = tpu.memref_slice %arg8[%rem3A_235, %parallel_loop3A_1205, %parallel_loop3A_1206] : memref<2x16x1024xf32, #tpu.memory_space<vmem>> -> memref<1x16x1024xf32, #tpu.memory_space<vmem>>
        %parallel_loop3A_1208 = tpu.memref_squeeze %parallel_loop3A_1207 : memref<1x16x1024xf32, #tpu.memory_space<vmem>> -> memref<16x1024xf32, #tpu.memory_space<vmem>>
        %parallel_loop3A_1209 = arith.index_cast %parallel_loop3A_286 : i32 to index
        %parallel_loop3A_1210 = arith.constant 864 : index
        %parallel_loop3A_1211 = tpu.vector_load %parallel_loop3A_1208[%parallel_loop3A_1209, %parallel_loop3A_1210] {strides = array<i32>} : memref<16x1024xf32, #tpu.memory_space<vmem>>, vector<1x16xf32>,
        %parallel_loop3A_1212 = vector.shape_cast %parallel_loop3A_1211 : vector<1x16xf32> to vector<16xf32>
        %parallel_loop3A_1213 = arith.constant 0 : i32
        %parallel_loop3A_1214 = arith.constant 0 : i32
        %parallel_loop3A_1215 = tpu.memref_slice %arg7[%rem3A_233, %parallel_loop3A_1213, %parallel_loop3A_1214] : memref<5x16x1024xf32, #tpu.memory_space<vmem>> -> memref<1x16x1024xf32, #tpu.memory_space<vmem>>
        %parallel_loop3A_1216 = tpu.memref_squeeze %parallel_loop3A_1215 : memref<1x16x1024xf32, #tpu.memory_space<vmem>> -> memref<16x1024xf32, #tpu.memory_space<vmem>>
        %parallel_loop3A_1217 = arith.index_cast %parallel_loop3A_286 : i32 to index
        %parallel_loop3A_1218 = arith.constant 864 : index
        %parallel_loop3A_1219 = tpu.vector_load %parallel_loop3A_1216[%parallel_loop3A_1217, %parallel_loop3A_1218] {strides = array<i32>} : memref<16x1024xf32, #tpu.memory_space<vmem>>, vector<1x16xf32>,
        %parallel_loop3A_1220 = vector.shape_cast %parallel_loop3A_1219 : vector<1x16xf32> to vector<16xf32>
        %parallel_loop3A_1221 = vector.shape_cast %parallel_loop3A_1212 : vector<16xf32> to vector<1x16xf32>
        tpu.vector_store %parallel_loop3A_1216[%parallel_loop3A_1217, %parallel_loop3A_1218], %parallel_loop3A_1221 {add = true, strides = array<i32>} : memref<16x1024xf32, #tpu.memory_space<vmem>>, vector<1x16xf32>,
        %parallel_loop3A_1222 = arith.constant 0 : i32
        %parallel_loop3A_1223 = arith.constant 0 : i32
        %parallel_loop3A_1224 = tpu.memref_slice %arg8[%rem3A_235, %parallel_loop3A_1222, %parallel_loop3A_1223] : memref<2x16x1024xf32, #tpu.memory_space<vmem>> -> memref<1x16x1024xf32, #tpu.memory_space<vmem>>
        %parallel_loop3A_1225 = tpu.memref_squeeze %parallel_loop3A_1224 : memref<1x16x1024xf32, #tpu.memory_space<vmem>> -> memref<16x1024xf32, #tpu.memory_space<vmem>>
        %parallel_loop3A_1226 = arith.index_cast %parallel_loop3A_286 : i32 to index
        %parallel_loop3A_1227 = arith.constant 880 : index
        %parallel_loop3A_1228 = tpu.vector_load %parallel_loop3A_1225[%parallel_loop3A_1226, %parallel_loop3A_1227] {strides = array<i32>} : memref<16x1024xf32, #tpu.memory_space<vmem>>, vector<1x16xf32>,
        %parallel_loop3A_1229 = vector.shape_cast %parallel_loop3A_1228 : vector<1x16xf32> to vector<16xf32>
        %parallel_loop3A_1230 = arith.constant 0 : i32
        %parallel_loop3A_1231 = arith.constant 0 : i32
        %parallel_loop3A_1232 = tpu.memref_slice %arg7[%rem3A_233, %parallel_loop3A_1230, %parallel_loop3A_1231] : memref<5x16x1024xf32, #tpu.memory_space<vmem>> -> memref<1x16x1024xf32, #tpu.memory_space<vmem>>
        %parallel_loop3A_1233 = tpu.memref_squeeze %parallel_loop3A_1232 : memref<1x16x1024xf32, #tpu.memory_space<vmem>> -> memref<16x1024xf32, #tpu.memory_space<vmem>>
        %parallel_loop3A_1234 = arith.index_cast %parallel_loop3A_286 : i32 to index
        %parallel_loop3A_1235 = arith.constant 880 : index
        %parallel_loop3A_1236 = tpu.vector_load %parallel_loop3A_1233[%parallel_loop3A_1234, %parallel_loop3A_1235] {strides = array<i32>} : memref<16x1024xf32, #tpu.memory_space<vmem>>, vector<1x16xf32>,
        %parallel_loop3A_1237 = vector.shape_cast %parallel_loop3A_1236 : vector<1x16xf32> to vector<16xf32>
        %parallel_loop3A_1238 = vector.shape_cast %parallel_loop3A_1229 : vector<16xf32> to vector<1x16xf32>
        tpu.vector_store %parallel_loop3A_1233[%parallel_loop3A_1234, %parallel_loop3A_1235], %parallel_loop3A_1238 {add = true, strides = array<i32>} : memref<16x1024xf32, #tpu.memory_space<vmem>>, vector<1x16xf32>,
        %parallel_loop3A_1239 = arith.constant 0 : i32
        %parallel_loop3A_1240 = arith.constant 0 : i32
        %parallel_loop3A_1241 = tpu.memref_slice %arg8[%rem3A_235, %parallel_loop3A_1239, %parallel_loop3A_1240] : memref<2x16x1024xf32, #tpu.memory_space<vmem>> -> memref<1x16x1024xf32, #tpu.memory_space<vmem>>
        %parallel_loop3A_1242 = tpu.memref_squeeze %parallel_loop3A_1241 : memref<1x16x1024xf32, #tpu.memory_space<vmem>> -> memref<16x1024xf32, #tpu.memory_space<vmem>>
        %parallel_loop3A_1243 = arith.index_cast %parallel_loop3A_286 : i32 to index
        %parallel_loop3A_1244 = arith.constant 896 : index
        %parallel_loop3A_1245 = tpu.vector_load %parallel_loop3A_1242[%parallel_loop3A_1243, %parallel_loop3A_1244] {strides = array<i32>} : memref<16x1024xf32, #tpu.memory_space<vmem>>, vector<1x16xf32>,
        %parallel_loop3A_1246 = vector.shape_cast %parallel_loop3A_1245 : vector<1x16xf32> to vector<16xf32>
        %parallel_loop3A_1247 = arith.constant 0 : i32
        %parallel_loop3A_1248 = arith.constant 0 : i32
        %parallel_loop3A_1249 = tpu.memref_slice %arg7[%rem3A_233, %parallel_loop3A_1247, %parallel_loop3A_1248] : memref<5x16x1024xf32, #tpu.memory_space<vmem>> -> memref<1x16x1024xf32, #tpu.memory_space<vmem>>
        %parallel_loop3A_1250 = tpu.memref_squeeze %parallel_loop3A_1249 : memref<1x16x1024xf32, #tpu.memory_space<vmem>> -> memref<16x1024xf32, #tpu.memory_space<vmem>>
        %parallel_loop3A_1251 = arith.index_cast %parallel_loop3A_286 : i32 to index
        %parallel_loop3A_1252 = arith.constant 896 : index
        %parallel_loop3A_1253 = tpu.vector_load %parallel_loop3A_1250[%parallel_loop3A_1251, %parallel_loop3A_1252] {strides = array<i32>} : memref<16x1024xf32, #tpu.memory_space<vmem>>, vector<1x16xf32>,
        %parallel_loop3A_1254 = vector.shape_cast %parallel_loop3A_1253 : vector<1x16xf32> to vector<16xf32>
        %parallel_loop3A_1255 = vector.shape_cast %parallel_loop3A_1246 : vector<16xf32> to vector<1x16xf32>
        tpu.vector_store %parallel_loop3A_1250[%parallel_loop3A_1251, %parallel_loop3A_1252], %parallel_loop3A_1255 {add = true, strides = array<i32>} : memref<16x1024xf32, #tpu.memory_space<vmem>>, vector<1x16xf32>,
        %parallel_loop3A_1256 = arith.constant 0 : i32
        %parallel_loop3A_1257 = arith.constant 0 : i32
        %parallel_loop3A_1258 = tpu.memref_slice %arg8[%rem3A_235, %parallel_loop3A_1256, %parallel_loop3A_1257] : memref<2x16x1024xf32, #tpu.memory_space<vmem>> -> memref<1x16x1024xf32, #tpu.memory_space<vmem>>
        %parallel_loop3A_1259 = tpu.memref_squeeze %parallel_loop3A_1258 : memref<1x16x1024xf32, #tpu.memory_space<vmem>> -> memref<16x1024xf32, #tpu.memory_space<vmem>>
        %parallel_loop3A_1260 = arith.index_cast %parallel_loop3A_286 : i32 to index
        %parallel_loop3A_1261 = arith.constant 912 : index
        %parallel_loop3A_1262 = tpu.vector_load %parallel_loop3A_1259[%parallel_loop3A_1260, %parallel_loop3A_1261] {strides = array<i32>} : memref<16x1024xf32, #tpu.memory_space<vmem>>, vector<1x16xf32>,
        %parallel_loop3A_1263 = vector.shape_cast %parallel_loop3A_1262 : vector<1x16xf32> to vector<16xf32>
        %parallel_loop3A_1264 = arith.constant 0 : i32
        %parallel_loop3A_1265 = arith.constant 0 : i32
        %parallel_loop3A_1266 = tpu.memref_slice %arg7[%rem3A_233, %parallel_loop3A_1264, %parallel_loop3A_1265] : memref<5x16x1024xf32, #tpu.memory_space<vmem>> -> memref<1x16x1024xf32, #tpu.memory_space<vmem>>
        %parallel_loop3A_1267 = tpu.memref_squeeze %parallel_loop3A_1266 : memref<1x16x1024xf32, #tpu.memory_space<vmem>> -> memref<16x1024xf32, #tpu.memory_space<vmem>>
        %parallel_loop3A_1268 = arith.index_cast %parallel_loop3A_286 : i32 to index
        %parallel_loop3A_1269 = arith.constant 912 : index
        %parallel_loop3A_1270 = tpu.vector_load %parallel_loop3A_1267[%parallel_loop3A_1268, %parallel_loop3A_1269] {strides = array<i32>} : memref<16x1024xf32, #tpu.memory_space<vmem>>, vector<1x16xf32>,
        %parallel_loop3A_1271 = vector.shape_cast %parallel_loop3A_1270 : vector<1x16xf32> to vector<16xf32>
        %parallel_loop3A_1272 = vector.shape_cast %parallel_loop3A_1263 : vector<16xf32> to vector<1x16xf32>
        tpu.vector_store %parallel_loop3A_1267[%parallel_loop3A_1268, %parallel_loop3A_1269], %parallel_loop3A_1272 {add = true, strides = array<i32>} : memref<16x1024xf32, #tpu.memory_space<vmem>>, vector<1x16xf32>,
        %parallel_loop3A_1273 = arith.constant 0 : i32
        %parallel_loop3A_1274 = arith.constant 0 : i32
        %parallel_loop3A_1275 = tpu.memref_slice %arg8[%rem3A_235, %parallel_loop3A_1273, %parallel_loop3A_1274] : memref<2x16x1024xf32, #tpu.memory_space<vmem>> -> memref<1x16x1024xf32, #tpu.memory_space<vmem>>
        %parallel_loop3A_1276 = tpu.memref_squeeze %parallel_loop3A_1275 : memref<1x16x1024xf32, #tpu.memory_space<vmem>> -> memref<16x1024xf32, #tpu.memory_space<vmem>>
        %parallel_loop3A_1277 = arith.index_cast %parallel_loop3A_286 : i32 to index
        %parallel_loop3A_1278 = arith.constant 928 : index
        %parallel_loop3A_1279 = tpu.vector_load %parallel_loop3A_1276[%parallel_loop3A_1277, %parallel_loop3A_1278] {strides = array<i32>} : memref<16x1024xf32, #tpu.memory_space<vmem>>, vector<1x16xf32>,
        %parallel_loop3A_1280 = vector.shape_cast %parallel_loop3A_1279 : vector<1x16xf32> to vector<16xf32>
        %parallel_loop3A_1281 = arith.constant 0 : i32
        %parallel_loop3A_1282 = arith.constant 0 : i32
        %parallel_loop3A_1283 = tpu.memref_slice %arg7[%rem3A_233, %parallel_loop3A_1281, %parallel_loop3A_1282] : memref<5x16x1024xf32, #tpu.memory_space<vmem>> -> memref<1x16x1024xf32, #tpu.memory_space<vmem>>
        %parallel_loop3A_1284 = tpu.memref_squeeze %parallel_loop3A_1283 : memref<1x16x1024xf32, #tpu.memory_space<vmem>> -> memref<16x1024xf32, #tpu.memory_space<vmem>>
        %parallel_loop3A_1285 = arith.index_cast %parallel_loop3A_286 : i32 to index
        %parallel_loop3A_1286 = arith.constant 928 : index
        %parallel_loop3A_1287 = tpu.vector_load %parallel_loop3A_1284[%parallel_loop3A_1285, %parallel_loop3A_1286] {strides = array<i32>} : memref<16x1024xf32, #tpu.memory_space<vmem>>, vector<1x16xf32>,
        %parallel_loop3A_1288 = vector.shape_cast %parallel_loop3A_1287 : vector<1x16xf32> to vector<16xf32>
        %parallel_loop3A_1289 = vector.shape_cast %parallel_loop3A_1280 : vector<16xf32> to vector<1x16xf32>
        tpu.vector_store %parallel_loop3A_1284[%parallel_loop3A_1285, %parallel_loop3A_1286], %parallel_loop3A_1289 {add = true, strides = array<i32>} : memref<16x1024xf32, #tpu.memory_space<vmem>>, vector<1x16xf32>,
        %parallel_loop3A_1290 = arith.constant 0 : i32
        %parallel_loop3A_1291 = arith.constant 0 : i32
        %parallel_loop3A_1292 = tpu.memref_slice %arg8[%rem3A_235, %parallel_loop3A_1290, %parallel_loop3A_1291] : memref<2x16x1024xf32, #tpu.memory_space<vmem>> -> memref<1x16x1024xf32, #tpu.memory_space<vmem>>
        %parallel_loop3A_1293 = tpu.memref_squeeze %parallel_loop3A_1292 : memref<1x16x1024xf32, #tpu.memory_space<vmem>> -> memref<16x1024xf32, #tpu.memory_space<vmem>>
        %parallel_loop3A_1294 = arith.index_cast %parallel_loop3A_286 : i32 to index
        %parallel_loop3A_1295 = arith.constant 944 : index
        %parallel_loop3A_1296 = tpu.vector_load %parallel_loop3A_1293[%parallel_loop3A_1294, %parallel_loop3A_1295] {strides = array<i32>} : memref<16x1024xf32, #tpu.memory_space<vmem>>, vector<1x16xf32>,
        %parallel_loop3A_1297 = vector.shape_cast %parallel_loop3A_1296 : vector<1x16xf32> to vector<16xf32>
        %parallel_loop3A_1298 = arith.constant 0 : i32
        %parallel_loop3A_1299 = arith.constant 0 : i32
        %parallel_loop3A_1300 = tpu.memref_slice %arg7[%rem3A_233, %parallel_loop3A_1298, %parallel_loop3A_1299] : memref<5x16x1024xf32, #tpu.memory_space<vmem>> -> memref<1x16x1024xf32, #tpu.memory_space<vmem>>
        %parallel_loop3A_1301 = tpu.memref_squeeze %parallel_loop3A_1300 : memref<1x16x1024xf32, #tpu.memory_space<vmem>> -> memref<16x1024xf32, #tpu.memory_space<vmem>>
        %parallel_loop3A_1302 = arith.index_cast %parallel_loop3A_286 : i32 to index
        %parallel_loop3A_1303 = arith.constant 944 : index
        %parallel_loop3A_1304 = tpu.vector_load %parallel_loop3A_1301[%parallel_loop3A_1302, %parallel_loop3A_1303] {strides = array<i32>} : memref<16x1024xf32, #tpu.memory_space<vmem>>, vector<1x16xf32>,
        %parallel_loop3A_1305 = vector.shape_cast %parallel_loop3A_1304 : vector<1x16xf32> to vector<16xf32>
        %parallel_loop3A_1306 = vector.shape_cast %parallel_loop3A_1297 : vector<16xf32> to vector<1x16xf32>
        tpu.vector_store %parallel_loop3A_1301[%parallel_loop3A_1302, %parallel_loop3A_1303], %parallel_loop3A_1306 {add = true, strides = array<i32>} : memref<16x1024xf32, #tpu.memory_space<vmem>>, vector<1x16xf32>,
        %parallel_loop3A_1307 = arith.constant 0 : i32
        %parallel_loop3A_1308 = arith.constant 0 : i32
        %parallel_loop3A_1309 = tpu.memref_slice %arg8[%rem3A_235, %parallel_loop3A_1307, %parallel_loop3A_1308] : memref<2x16x1024xf32, #tpu.memory_space<vmem>> -> memref<1x16x1024xf32, #tpu.memory_space<vmem>>
        %parallel_loop3A_1310 = tpu.memref_squeeze %parallel_loop3A_1309 : memref<1x16x1024xf32, #tpu.memory_space<vmem>> -> memref<16x1024xf32, #tpu.memory_space<vmem>>
        %parallel_loop3A_1311 = arith.index_cast %parallel_loop3A_286 : i32 to index
        %parallel_loop3A_1312 = arith.constant 960 : index
        %parallel_loop3A_1313 = tpu.vector_load %parallel_loop3A_1310[%parallel_loop3A_1311, %parallel_loop3A_1312] {strides = array<i32>} : memref<16x1024xf32, #tpu.memory_space<vmem>>, vector<1x16xf32>,
        %parallel_loop3A_1314 = vector.shape_cast %parallel_loop3A_1313 : vector<1x16xf32> to vector<16xf32>
        %parallel_loop3A_1315 = arith.constant 0 : i32
        %parallel_loop3A_1316 = arith.constant 0 : i32
        %parallel_loop3A_1317 = tpu.memref_slice %arg7[%rem3A_233, %parallel_loop3A_1315, %parallel_loop3A_1316] : memref<5x16x1024xf32, #tpu.memory_space<vmem>> -> memref<1x16x1024xf32, #tpu.memory_space<vmem>>
        %parallel_loop3A_1318 = tpu.memref_squeeze %parallel_loop3A_1317 : memref<1x16x1024xf32, #tpu.memory_space<vmem>> -> memref<16x1024xf32, #tpu.memory_space<vmem>>
        %parallel_loop3A_1319 = arith.index_cast %parallel_loop3A_286 : i32 to index
        %parallel_loop3A_1320 = arith.constant 960 : index
        %parallel_loop3A_1321 = tpu.vector_load %parallel_loop3A_1318[%parallel_loop3A_1319, %parallel_loop3A_1320] {strides = array<i32>} : memref<16x1024xf32, #tpu.memory_space<vmem>>, vector<1x16xf32>,
        %parallel_loop3A_1322 = vector.shape_cast %parallel_loop3A_1321 : vector<1x16xf32> to vector<16xf32>
        %parallel_loop3A_1323 = vector.shape_cast %parallel_loop3A_1314 : vector<16xf32> to vector<1x16xf32>
        tpu.vector_store %parallel_loop3A_1318[%parallel_loop3A_1319, %parallel_loop3A_1320], %parallel_loop3A_1323 {add = true, strides = array<i32>} : memref<16x1024xf32, #tpu.memory_space<vmem>>, vector<1x16xf32>,
        %parallel_loop3A_1324 = arith.constant 0 : i32
        %parallel_loop3A_1325 = arith.constant 0 : i32
        %parallel_loop3A_1326 = tpu.memref_slice %arg8[%rem3A_235, %parallel_loop3A_1324, %parallel_loop3A_1325] : memref<2x16x1024xf32, #tpu.memory_space<vmem>> -> memref<1x16x1024xf32, #tpu.memory_space<vmem>>
        %parallel_loop3A_1327 = tpu.memref_squeeze %parallel_loop3A_1326 : memref<1x16x1024xf32, #tpu.memory_space<vmem>> -> memref<16x1024xf32, #tpu.memory_space<vmem>>
        %parallel_loop3A_1328 = arith.index_cast %parallel_loop3A_286 : i32 to index
        %parallel_loop3A_1329 = arith.constant 976 : index
        %parallel_loop3A_1330 = tpu.vector_load %parallel_loop3A_1327[%parallel_loop3A_1328, %parallel_loop3A_1329] {strides = array<i32>} : memref<16x1024xf32, #tpu.memory_space<vmem>>, vector<1x16xf32>,
        %parallel_loop3A_1331 = vector.shape_cast %parallel_loop3A_1330 : vector<1x16xf32> to vector<16xf32>
        %parallel_loop3A_1332 = arith.constant 0 : i32
        %parallel_loop3A_1333 = arith.constant 0 : i32
        %parallel_loop3A_1334 = tpu.memref_slice %arg7[%rem3A_233, %parallel_loop3A_1332, %parallel_loop3A_1333] : memref<5x16x1024xf32, #tpu.memory_space<vmem>> -> memref<1x16x1024xf32, #tpu.memory_space<vmem>>
        %parallel_loop3A_1335 = tpu.memref_squeeze %parallel_loop3A_1334 : memref<1x16x1024xf32, #tpu.memory_space<vmem>> -> memref<16x1024xf32, #tpu.memory_space<vmem>>
        %parallel_loop3A_1336 = arith.index_cast %parallel_loop3A_286 : i32 to index
        %parallel_loop3A_1337 = arith.constant 976 : index
        %parallel_loop3A_1338 = tpu.vector_load %parallel_loop3A_1335[%parallel_loop3A_1336, %parallel_loop3A_1337] {strides = array<i32>} : memref<16x1024xf32, #tpu.memory_space<vmem>>, vector<1x16xf32>,
        %parallel_loop3A_1339 = vector.shape_cast %parallel_loop3A_1338 : vector<1x16xf32> to vector<16xf32>
        %parallel_loop3A_1340 = vector.shape_cast %parallel_loop3A_1331 : vector<16xf32> to vector<1x16xf32>
        tpu.vector_store %parallel_loop3A_1335[%parallel_loop3A_1336, %parallel_loop3A_1337], %parallel_loop3A_1340 {add = true, strides = array<i32>} : memref<16x1024xf32, #tpu.memory_space<vmem>>, vector<1x16xf32>,
        %parallel_loop3A_1341 = arith.constant 0 : i32
        %parallel_loop3A_1342 = arith.constant 0 : i32
        %parallel_loop3A_1343 = tpu.memref_slice %arg8[%rem3A_235, %parallel_loop3A_1341, %parallel_loop3A_1342] : memref<2x16x1024xf32, #tpu.memory_space<vmem>> -> memref<1x16x1024xf32, #tpu.memory_space<vmem>>
        %parallel_loop3A_1344 = tpu.memref_squeeze %parallel_loop3A_1343 : memref<1x16x1024xf32, #tpu.memory_space<vmem>> -> memref<16x1024xf32, #tpu.memory_space<vmem>>
        %parallel_loop3A_1345 = arith.index_cast %parallel_loop3A_286 : i32 to index
        %parallel_loop3A_1346 = arith.constant 992 : index
        %parallel_loop3A_1347 = tpu.vector_load %parallel_loop3A_1344[%parallel_loop3A_1345, %parallel_loop3A_1346] {strides = array<i32>} : memref<16x1024xf32, #tpu.memory_space<vmem>>, vector<1x16xf32>,
        %parallel_loop3A_1348 = vector.shape_cast %parallel_loop3A_1347 : vector<1x16xf32> to vector<16xf32>
        %parallel_loop3A_1349 = arith.constant 0 : i32
        %parallel_loop3A_1350 = arith.constant 0 : i32
        %parallel_loop3A_1351 = tpu.memref_slice %arg7[%rem3A_233, %parallel_loop3A_1349, %parallel_loop3A_1350] : memref<5x16x1024xf32, #tpu.memory_space<vmem>> -> memref<1x16x1024xf32, #tpu.memory_space<vmem>>
        %parallel_loop3A_1352 = tpu.memref_squeeze %parallel_loop3A_1351 : memref<1x16x1024xf32, #tpu.memory_space<vmem>> -> memref<16x1024xf32, #tpu.memory_space<vmem>>
        %parallel_loop3A_1353 = arith.index_cast %parallel_loop3A_286 : i32 to index
        %parallel_loop3A_1354 = arith.constant 992 : index
        %parallel_loop3A_1355 = tpu.vector_load %parallel_loop3A_1352[%parallel_loop3A_1353, %parallel_loop3A_1354] {strides = array<i32>} : memref<16x1024xf32, #tpu.memory_space<vmem>>, vector<1x16xf32>,
        %parallel_loop3A_1356 = vector.shape_cast %parallel_loop3A_1355 : vector<1x16xf32> to vector<16xf32>
        %parallel_loop3A_1357 = vector.shape_cast %parallel_loop3A_1348 : vector<16xf32> to vector<1x16xf32>
        tpu.vector_store %parallel_loop3A_1352[%parallel_loop3A_1353, %parallel_loop3A_1354], %parallel_loop3A_1357 {add = true, strides = array<i32>} : memref<16x1024xf32, #tpu.memory_space<vmem>>, vector<1x16xf32>,
        %parallel_loop3A_1358 = arith.constant 0 : i32
        %parallel_loop3A_1359 = arith.constant 0 : i32
        %parallel_loop3A_1360 = tpu.memref_slice %arg8[%rem3A_235, %parallel_loop3A_1358, %parallel_loop3A_1359] : memref<2x16x1024xf32, #tpu.memory_space<vmem>> -> memref<1x16x1024xf32, #tpu.memory_space<vmem>>
        %parallel_loop3A_1361 = tpu.memref_squeeze %parallel_loop3A_1360 : memref<1x16x1024xf32, #tpu.memory_space<vmem>> -> memref<16x1024xf32, #tpu.memory_space<vmem>>
        %parallel_loop3A_1362 = arith.index_cast %parallel_loop3A_286 : i32 to index
        %parallel_loop3A_1363 = arith.constant 1008 : index
        %parallel_loop3A_1364 = tpu.vector_load %parallel_loop3A_1361[%parallel_loop3A_1362, %parallel_loop3A_1363] {strides = array<i32>} : memref<16x1024xf32, #tpu.memory_space<vmem>>, vector<1x16xf32>,
        %parallel_loop3A_1365 = vector.shape_cast %parallel_loop3A_1364 : vector<1x16xf32> to vector<16xf32>
        %parallel_loop3A_1366 = arith.constant 0 : i32
        %parallel_loop3A_1367 = arith.constant 0 : i32
        %parallel_loop3A_1368 = tpu.memref_slice %arg7[%rem3A_233, %parallel_loop3A_1366, %parallel_loop3A_1367] : memref<5x16x1024xf32, #tpu.memory_space<vmem>> -> memref<1x16x1024xf32, #tpu.memory_space<vmem>>
        %parallel_loop3A_1369 = tpu.memref_squeeze %parallel_loop3A_1368 : memref<1x16x1024xf32, #tpu.memory_space<vmem>> -> memref<16x1024xf32, #tpu.memory_space<vmem>>
        %parallel_loop3A_1370 = arith.index_cast %parallel_loop3A_286 : i32 to index
        %parallel_loop3A_1371 = arith.constant 1008 : index
        %parallel_loop3A_1372 = tpu.vector_load %parallel_loop3A_1369[%parallel_loop3A_1370, %parallel_loop3A_1371] {strides = array<i32>} : memref<16x1024xf32, #tpu.memory_space<vmem>>, vector<1x16xf32>,
        %parallel_loop3A_1373 = vector.shape_cast %parallel_loop3A_1372 : vector<1x16xf32> to vector<16xf32>
        %parallel_loop3A_1374 = vector.shape_cast %parallel_loop3A_1365 : vector<16xf32> to vector<1x16xf32>
        tpu.vector_store %parallel_loop3A_1369[%parallel_loop3A_1370, %parallel_loop3A_1371], %parallel_loop3A_1374 {add = true, strides = array<i32>} : memref<16x1024xf32, #tpu.memory_space<vmem>>, vector<1x16xf32>,
      } {sc.loop_unroll_factor = 2 : i64, sc.parallel_access}
      %jit3A_238 = arith.constant 4 : i32
      %div3A_239 = arith.divsi %scan3A_159, %jit3A_238 : i32
      %sign3A_240 = arith.constant 0 : i32
      %sign3A_241 = arith.cmpi sgt, %scan3A_159, %sign3A_240 : i32
      %sign3A_242 = arith.extui %sign3A_241 : i1 to i32
      %sign3A_243 = arith.constant 0 : i32
      %sign3A_244 = arith.cmpi slt, %scan3A_159, %sign3A_243 : i32
      %sign3A_245 = arith.extui %sign3A_244 : i1 to i32
      %sign3A_246 = arith.subi %sign3A_242, %sign3A_245 : i32
      %sign3A_247 = arith.constant 0 : i32
      %sign3A_248 = arith.cmpi sgt, %jit3A_238, %sign3A_247 : i32
      %sign3A_249 = arith.extui %sign3A_248 : i1 to i32
      %sign3A_250 = arith.constant 0 : i32
      %sign3A_251 = arith.cmpi slt, %jit3A_238, %sign3A_250 : i32
      %sign3A_252 = arith.extui %sign3A_251 : i1 to i32
      %sign3A_253 = arith.subi %sign3A_249, %sign3A_252 : i32
      %ne3A_254 = arith.cmpi ne, %sign3A_246, %sign3A_253 : i32
      %rem3A_255 = arith.remsi %scan3A_159, %jit3A_238 : i32
      %ne3A_256 = arith.constant 0 : i32
      %ne3A_257 = arith.cmpi ne, %rem3A_255, %ne3A_256 : i32
      %and3A_258 = arith.andi %ne3A_254, %ne3A_257 : i1
      %sub3A_259 = arith.constant 1 : i32
      %sub3A_260 = arith.subi %div3A_239, %sub3A_259 : i32
      %select_n3A_261 = arith.select %and3A_258, %sub3A_260, %div3A_239 : i32
      %rem3A_262 = arith.constant 4 : i32
      %rem3A_263 = arith.remsi %scan3A_159, %rem3A_262 : i32
      %rem3A_264 = arith.constant 5 : i32
      %rem3A_265 = arith.remsi %scan3A_159, %rem3A_264 : i32
      %mul3A_266 = arith.constant 8192 : i32
      %mul3A_267 = arith.muli %rem3A_263, %mul3A_266 : i32
      %add3A_268 = arith.addi %mul3A_267, %mul3A_2 : i32
      %mul3A_269 = arith.constant 16 : i32
      %mul3A_270 = arith.muli %select_n3A_261, %mul3A_269 : i32
      %add3A_271 = arith.addi %add3A_268, %mul3A_270 : i32
      %dma_start3A_272 = arith.constant 0 : i32
      %dma_start3A_273 = arith.constant 0 : i32
      %dma_start3A_274 = tpu.memref_slice %arg7[%rem3A_265, %dma_start3A_272, %dma_start3A_273] : memref<5x16x1024xf32, #tpu.memory_space<vmem>> -> memref<1x16x1024xf32, #tpu.memory_space<vmem>>
      %dma_start3A_275 = tpu.memref_squeeze %dma_start3A_274 : memref<1x16x1024xf32, #tpu.memory_space<vmem>> -> memref<16x1024xf32, #tpu.memory_space<vmem>>
      %dma_start3A_276 = arith.constant 0 : i32
      %dma_start3A_277 = tpu.memref_slice %arg5[%add3A_271, %dma_start3A_276] : memref<32768x1024xf32, #tpu.memory_space<hbm>> -> memref<16x1024xf32, #tpu.memory_space<hbm>>
      %dma_start3A_278 = tpu.memref_slice %arg10[%rem3A_265] : memref<5x!tpu.dma_semaphore, #tpu.memory_space<semaphore_mem>> -> memref<1x!tpu.dma_semaphore, #tpu.memory_space<semaphore_mem>>
      %dma_start3A_279 = tpu.memref_squeeze %dma_start3A_278 : memref<1x!tpu.dma_semaphore, #tpu.memory_space<semaphore_mem>> -> memref<!tpu.dma_semaphore, #tpu.memory_space<semaphore_mem>>
      %dma_start3A_280 = arith.constant 0 : i32
      %dma_start3A_281 = tpu.memref_slice %arg5[%add3A_271, %dma_start3A_280] : memref<32768x1024xf32, #tpu.memory_space<hbm>> -> memref<16x1024xf32, #tpu.memory_space<hbm>>
      %dma_start3A_282 = arith.constant 0 : i32
      %dma_start3A_283 = arith.constant 0 : i32
      %dma_start3A_284 = tpu.memref_slice %arg7[%rem3A_265, %dma_start3A_282, %dma_start3A_283] : memref<5x16x1024xf32, #tpu.memory_space<vmem>> -> memref<1x16x1024xf32, #tpu.memory_space<vmem>>
      %dma_start3A_285 = tpu.memref_squeeze %dma_start3A_284 : memref<1x16x1024xf32, #tpu.memory_space<vmem>> -> memref<16x1024xf32, #tpu.memory_space<vmem>>
      tpu.enqueue_dma source(%dma_start3A_285 : memref<16x1024xf32, #tpu.memory_space<vmem>>) target(%dma_start3A_281 : memref<16x1024xf32, #tpu.memory_space<hbm>>) target_semaphore(%dma_start3A_279 : memref<!tpu.dma_semaphore, #tpu.memory_space<semaphore_mem>>)
    }
    %scan3A_109 = arith.constant 64 : i32
    %rem3A_110 = arith.constant 62 : i32
    %rem3A_111 = arith.constant 4 : i32
    %rem3A_112 = arith.remsi %rem3A_110, %rem3A_111 : i32
    %rem3A_113 = arith.constant 62 : i32
    %rem3A_114 = arith.constant 5 : i32
    %rem3A_115 = arith.remsi %rem3A_113, %rem3A_114 : i32
    %mul3A_116 = arith.constant 8192 : i32
    %mul3A_117 = arith.muli %rem3A_112, %mul3A_116 : i32
    %add3A_118 = arith.addi %mul3A_117, %mul3A_2 : i32
    %add3A_119 = arith.constant 240 : i32
    %add3A_120 = arith.addi %add3A_118, %add3A_119 : i32
    %dma_wait3A = arith.constant 0 : i32
    %dma_wait3A_121 = arith.constant 0 : i32
    %dma_wait3A_122 = tpu.memref_slice %arg7[%rem3A_115, %dma_wait3A, %dma_wait3A_121] : memref<5x16x1024xf32, #tpu.memory_space<vmem>> -> memref<1x16x1024xf32, #tpu.memory_space<vmem>>
    %dma_wait3A_123 = tpu.memref_squeeze %dma_wait3A_122 : memref<1x16x1024xf32, #tpu.memory_space<vmem>> -> memref<16x1024xf32, #tpu.memory_space<vmem>>
    %dma_wait3A_124 = arith.constant 0 : i32
    %dma_wait3A_125 = tpu.memref_slice %arg5[%add3A_120, %dma_wait3A_124] : memref<32768x1024xf32, #tpu.memory_space<hbm>> -> memref<16x1024xf32, #tpu.memory_space<hbm>>
    %dma_wait3A_126 = tpu.memref_slice %arg10[%rem3A_115] : memref<5x!tpu.dma_semaphore, #tpu.memory_space<semaphore_mem>> -> memref<1x!tpu.dma_semaphore, #tpu.memory_space<semaphore_mem>>
    %dma_wait3A_127 = tpu.memref_squeeze %dma_wait3A_126 : memref<1x!tpu.dma_semaphore, #tpu.memory_space<semaphore_mem>> -> memref<!tpu.dma_semaphore, #tpu.memory_space<semaphore_mem>>
    %dma_wait3A_128 = arith.constant 0 : i32
    %dma_wait3A_129 = tpu.memref_slice %arg5[%add3A_120, %dma_wait3A_128] : memref<32768x1024xf32, #tpu.memory_space<hbm>> -> memref<16x1024xf32, #tpu.memory_space<hbm>>
    %dma_wait3A_130 = arith.constant 0 : i32
    %dma_wait3A_131 = arith.constant 0 : i32
    %dma_wait3A_132 = tpu.memref_slice %arg7[%rem3A_115, %dma_wait3A_130, %dma_wait3A_131] : memref<5x16x1024xf32, #tpu.memory_space<vmem>> -> memref<1x16x1024xf32, #tpu.memory_space<vmem>>
    %dma_wait3A_133 = tpu.memref_squeeze %dma_wait3A_132 : memref<1x16x1024xf32, #tpu.memory_space<vmem>> -> memref<16x1024xf32, #tpu.memory_space<vmem>>
    tpu.wait_dma2 semaphore(%dma_wait3A_127 : memref<!tpu.dma_semaphore, #tpu.memory_space<semaphore_mem>>) src(%dma_wait3A_133 : memref<16x1024xf32, #tpu.memory_space<vmem>>) dst(%dma_wait3A_129 : memref<16x1024xf32, #tpu.memory_space<hbm>>)
    %rem3A_134 = arith.constant 63 : i32
    %rem3A_135 = arith.constant 4 : i32
    %rem3A_136 = arith.remsi %rem3A_134, %rem3A_135 : i32
    %rem3A_137 = arith.constant 63 : i32
    %rem3A_138 = arith.constant 5 : i32
    %rem3A_139 = arith.remsi %rem3A_137, %rem3A_138 : i32
    %mul3A_140 = arith.constant 8192 : i32
    %mul3A_141 = arith.muli %rem3A_136, %mul3A_140 : i32
    %add3A_142 = arith.addi %mul3A_141, %mul3A_2 : i32
    %add3A_143 = arith.constant 240 : i32
    %add3A_144 = arith.addi %add3A_142, %add3A_143 : i32
    %dma_wait3A_145 = arith.constant 0 : i32
    %dma_wait3A_146 = arith.constant 0 : i32
    %dma_wait3A_147 = tpu.memref_slice %arg7[%rem3A_139, %dma_wait3A_145, %dma_wait3A_146] : memref<5x16x1024xf32, #tpu.memory_space<vmem>> -> memref<1x16x1024xf32, #tpu.memory_space<vmem>>
    %dma_wait3A_148 = tpu.memref_squeeze %dma_wait3A_147 : memref<1x16x1024xf32, #tpu.memory_space<vmem>> -> memref<16x1024xf32, #tpu.memory_space<vmem>>
    %dma_wait3A_149 = arith.constant 0 : i32
    %dma_wait3A_150 = tpu.memref_slice %arg5[%add3A_144, %dma_wait3A_149] : memref<32768x1024xf32, #tpu.memory_space<hbm>> -> memref<16x1024xf32, #tpu.memory_space<hbm>>
    %dma_wait3A_151 = tpu.memref_slice %arg10[%rem3A_139] : memref<5x!tpu.dma_semaphore, #tpu.memory_space<semaphore_mem>> -> memref<1x!tpu.dma_semaphore, #tpu.memory_space<semaphore_mem>>
    %dma_wait3A_152 = tpu.memref_squeeze %dma_wait3A_151 : memref<1x!tpu.dma_semaphore, #tpu.memory_space<semaphore_mem>> -> memref<!tpu.dma_semaphore, #tpu.memory_space<semaphore_mem>>
    %dma_wait3A_153 = arith.constant 0 : i32
    %dma_wait3A_154 = tpu.memref_slice %arg5[%add3A_144, %dma_wait3A_153] : memref<32768x1024xf32, #tpu.memory_space<hbm>> -> memref<16x1024xf32, #tpu.memory_space<hbm>>
    %dma_wait3A_155 = arith.constant 0 : i32
    %dma_wait3A_156 = arith.constant 0 : i32
    %dma_wait3A_157 = tpu.memref_slice %arg7[%rem3A_139, %dma_wait3A_155, %dma_wait3A_156] : memref<5x16x1024xf32, #tpu.memory_space<vmem>> -> memref<1x16x1024xf32, #tpu.memory_space<vmem>>
    %dma_wait3A_158 = tpu.memref_squeeze %dma_wait3A_157 : memref<1x16x1024xf32, #tpu.memory_space<vmem>> -> memref<16x1024xf32, #tpu.memory_space<vmem>>
    tpu.wait_dma2 semaphore(%dma_wait3A_152 : memref<!tpu.dma_semaphore, #tpu.memory_space<semaphore_mem>>) src(%dma_wait3A_158 : memref<16x1024xf32, #tpu.memory_space<vmem>>) dst(%dma_wait3A_154 : memref<16x1024xf32, #tpu.memory_space<hbm>>)
    return
  }
}

</mosaic_0001>

<sc_bundles>
// kernel: kernel.3.cloned.1.call-start
scs
__scs_entry_jumppad:
0x0: {  	(pc) =	sbr.rel $0x88, $3  }
0x1: {  	(tag) =	ssettag $0x0;
	lr =	simm.s32 $0x1  }
0x2: {  	[smem:$0x3F9E] =	sst lr;
	_ =	strace $0xD0000000  }
0x3: {  	_ = 	snop  }
0x4: {  	_ = 	snop  }
0x5: {  	_ = 	snop  }
0x6: {  	_ = 	snop  }
0x7: {  	_ = 	snop  }
__scs_overlays_trampoline_lowered:
0x8: {  	[smem:$0x3FAD] =	sst s0  }
0x9: {  	[smem:$0x3FAE] =	sst s1  }
0xa: {  	[smem:$0x3FAF] =	sst s2  }
0xb: {  	[smem:$0x3FB0] =	sst s3  }
0xc: {  	[smem:$0x3FB1] =	sst s4  }
0xd: {  	[smem:$0x3FB2] =	sst s5  }
0xe: {  	[smem:$0x3FB3] =	sst s6  }
0xf: {  	[smem:$0x3FB4] =	sst s7  }
0x10: {  	[smem:$0x3FB5] =	sst s8  }
0x11: {  	[smem:$0x3FB6] =	sst s9;
	s0 =	simm.s32 @!p0 $0x0  }
0x12: {  	s1 =	sld [smem:$0x3F9C];
	s0 =	simm.s32 @p0 $0x1  }
0x13: {  	[smem:$0x3FB7] =	sst s0;
	s0 =	simm.s32 @!p1 $0x0  }
0x14: {  	s2 =	sld [smem:$0x3F9B];
	s0 =	simm.s32 @p1 $0x1  }
0x15: {  	[smem:$0x3FB8] =	sst s0;
	s0 =	simm.s32 @!p2 $0x0  }
0x16: {  	s3 =	sld [smem:$0x3FDB];
	s0 =	simm.s32 @p2 $0x1  }
0x17: {  	s4 =	simm.s32 $0x1BF5;
	[smem:$0x3FBA] =	sst s0  }
0x18: {  	s0 =	sld [smem:$0x3F9D];
	_ =	swait.ge [sflag:s4], $0x0  }
0x19: {  	s7 =	sld [smem:$0x3F9E]  }
0x1a: {  	s8 =	sadd.s32 $0xFFFFE003, lr  }
0x1b: {  	s9 =	sadd.s32 $0xFFFFFEF7, lr;
	s5 =	simm.s32 $0xFFFFFFFF;
	p2 =	slt.u32 s8, $0xFFFFF086  }
0x1c: {  	p1 =	slt.u32 s9, $0xF7A;
	s5 =	simm.s32 @!p2 $0x0  }
0x1d: {  	s5 =	simm.s32 @p1 $0x1;
	p0 =	seq.s32 s7, s2  }
0x1e: {  	s7 =	smul.u32 @!p0 $0xF7A, s2;
	p2 =	seq.s32 @!p0 s5, $0x0  }
0x1f: {  	s9 =	smul.u32 $0xF7A, s1;
	s8 =	simm.s32 @!p0 $0x1BF5;
	p2 =	por !p2, p0  }
0x20: {  	[sflag:s8] =	ssyncset.s32 @!p0 $0xFFFFF086;
	s6 =	sadd.s32 @!p0 s3, s7;
	s7 =	simm.s32 @!p0 $0x108  }
0x21: {  	s3 =	sadd.s32 s3, s9;
	s6 =	sadd.s32 @!p0 $0x88, s6;
	s7 =	simm.s32 @p2 $0x1082  }
0x22: {  	[simem:s7], [sflag:s8] =	dma.local @!p0 [hbm:s6], $0xF7A  }
0x23: {  	s9 =	sor.u32 $0xD0000000, s2;
	s6 =	simm.s32 $0x108;
	_ =	swait.ge @!p0 [sflag:s8], $0x0  }
0x24: {  	s3 =	sadd.s32 $0x88, s3;
	s6 =	simm.s32 @!p1 $0x1082;
	[sflag:s4] =	ssyncset.s32 $0xFFFFF086  }
0x25: {  	[simem:s6], [sflag:s4] =	dma.local [hbm:s3], $0xF7A  }
0x26: {  	[smem:$0x3F9E] =	sst s1;
	(tag) =	ssettag s2;
	_ =	strace s9  }
0x27: {  	s1 =	sld [smem:$0x3FAE]  }
0x28: {  	s2 =	sld [smem:$0x3FAF]  }
0x29: {  	s4 =	sld [smem:$0x3FB1]  }
0x2a: {  	p0 =	seq.s32 s5, $0x0;
	s5 =	sld [smem:$0x3FB2]  }
0x2b: {  	s6 =	sld [smem:$0x3FB3]  }
0x2c: {  	s7 =	sld [smem:$0x3FB4]  }
0x2d: {  	s3 =	simm.s32 $0x108;
	s8 =	sld [smem:$0x3FB5]  }
0x2e: {  	s3 =	simm.s32 @!p0 $0x1082;
	s9 =	sld [smem:$0x3FB6]  }
0x2f: {  	lr =	sadd.s32 s0, s3;
	s0 =	sld [smem:$0x3FAD]  }
0x30: {  	s3 =	sld [smem:$0x3FB0]  }
0x31: {  	[smem:$0x3FB9] =	sst s10  }
0x32: {  	s10 =	sld [smem:$0x3FB7];
	_ =	sdelay $0x3  }
0x33: {  	p0 =	seq.s32 s10, $0x1;
	s10 =	sld [smem:$0x3FB9];
	_ =	sdelay $0x3  }
0x34: {  	[smem:$0x3FB9] =	sst s10  }
0x35: {  	s10 =	sld [smem:$0x3FB8];
	_ =	sdelay $0x3  }
0x36: {  	p1 =	seq.s32 s10, $0x1;
	s10 =	sld [smem:$0x3FB9];
	_ =	sdelay $0x3  }
0x37: {  	[smem:$0x3FB9] =	sst s10  }
0x38: {  	s10 =	sld [smem:$0x3FBA]  }
0x39: {  	_ = 	snop;
	(pc) =	sbr.ind lr, $3  }
0x3a: {  	_ = 	snop  }
0x3b: {  	_ = 	snop  }
0x3c: {  	p2 =	seq.s32 s10, $0x1;
	s10 =	sld [smem:$0x3FB9]  }
0x3d: {  	_ =	shalt  }
0x3e: {  	_ =	shalt  }
0x3f: {  	_ =	shalt  }
0x40: {  	_ =	shalt  }
0x41: {  	_ =	shalt  }
0x42: {  	_ =	shalt  }
0x43: {  	_ =	shalt  }
0x44: {  	_ =	shalt  }
0x45: {  	_ =	shalt  }
0x46: {  	_ =	shalt  }
0x47: {  	_ =	shalt  }
0x48: {  	_ =	shalt  }
0x49: {  	_ =	shalt  }
0x4a: {  	_ =	shalt  }
0x4b: {  	_ =	shalt  }
0x4c: {  	_ =	shalt  }
0x4d: {  	_ =	shalt  }
0x4e: {  	_ =	shalt  }
0x4f: {  	_ =	shalt  }
0x50: {  	_ =	shalt  }
0x51: {  	_ =	shalt  }
0x52: {  	_ =	shalt  }
0x53: {  	_ =	shalt  }
0x54: {  	_ =	shalt  }
0x55: {  	_ =	shalt  }
0x56: {  	_ =	shalt  }
0x57: {  	_ =	shalt  }
0x58: {  	_ =	shalt  }
0x59: {  	_ =	shalt  }
0x5a: {  	_ =	shalt  }
0x5b: {  	_ =	shalt  }
0x5c: {  	_ =	shalt  }
0x5d: {  	_ =	shalt  }
0x5e: {  	_ =	shalt  }
0x5f: {  	_ =	shalt  }
0x60: {  	_ =	shalt  }
0x61: {  	_ =	shalt  }
0x62: {  	_ =	shalt  }
0x63: {  	_ =	shalt  }
0x64: {  	_ =	shalt  }
0x65: {  	_ =	shalt  }
0x66: {  	_ =	shalt  }
0x67: {  	_ =	shalt  }
0x68: {  	_ =	shalt  }
0x69: {  	_ =	shalt  }
0x6a: {  	_ =	shalt  }
0x6b: {  	_ =	shalt  }
0x6c: {  	_ =	shalt  }
0x6d: {  	_ =	shalt  }
0x6e: {  	_ =	shalt  }
0x6f: {  	_ =	shalt  }
0x70: {  	_ =	shalt  }
0x71: {  	_ =	shalt  }
0x72: {  	_ =	shalt  }
0x73: {  	_ =	shalt  }
0x74: {  	_ =	shalt  }
0x75: {  	_ =	shalt  }
0x76: {  	_ =	shalt  }
0x77: {  	_ =	shalt  }
0x78: {  	_ =	shalt  }
0x79: {  	_ =	shalt  }
0x7a: {  	_ =	shalt  }
0x7b: {  	_ =	shalt  }
0x7c: {  	_ =	shalt  }
0x7d: {  	_ =	shalt  }
0x7e: {  	_ =	shalt  }
0x7f: {  	_ =	shalt  }
0x80: {  	_ =	shalt  }
0x81: {  	_ =	shalt  }
0x82: {  	_ =	shalt  }
0x83: {  	_ =	shalt  }
0x84: {  	_ =	shalt  }
0x85: {  	_ =	shalt  }
0x86: {  	_ =	shalt  }
0x87: {  	_ =	shalt  }
.Lfunc_end0:
.L_simem_size_0:
called_computation_lowered:
.L_overlay_start_0:
0x88: {  	s2 =	sld [smem:$0x3FD9]  }
0x89: {  	s3 =	sld [smem:$0x3FFE];
	_ =	sdelay $0x1  }
0x8a: {  	s1 =	srdreg.scid  }
0x8b: {  	s0 =	sand.u32 $0x1, s1  }
0x8c: {  	s17 =	sshll.u32 s0, $0xA;
	s2 =	sadd.s32 s3, s2  }
0x8d: {  	s2 =	sadd.s32 s2, s17  }
0x8e: {  	[smem:$0x3FC5] =	sst s2  }
0x8f: {  	_ = 	snop  }
0x90: {  	s2 =	sld [smem:$0x3FC8]  }
0x91: {  	s18 =	sld [smem:$0x3FC7]  }
0x92: {  	s4 =	sld [smem:$0x3FD0];
	(tm) =	ssettm $0x1  }
0x93: {  	s5 =	sld [smem:$0x3FFB];
	_ =	sdelay $0x3  }
0x94: {  	_ =	strace s5  }
0x95: {  	s5 =	sld [smem:$0x3FFC];
	_ =	sdelay $0x3  }
0x96: {  	_ =	strace s5  }
0x97: {  	s5 =	sld [smem:$0x3FFD];
	_ =	sdelay $0x3  }
0x98: {  	_ =	strace s5  }
0x99: {  	_ =	strace $0x8FFFFFFF  }
0x9a: {  	s19 =	sld [smem:$0x3FDB];
	_ =	sdelay $0x1  }
0x9b: {  	s6 =	simm.s32 $_scs_section_size  }
0x9c: {  	s7 =	simm.s32 $_size__tile_overlayer_lowered;
	s8 =	simm.s32 $_tile_overlayer_lowered  }
0x9d: {  	s22 =	simm.s32 $0x1BFF;
	s21 =	sshll.u32 s8, $0x1;
	s5 =	sadd.s32 s6, s19  }
0x9e: {  	s9 =	simm.s32 $0x0;
	s20 =	sshll.u32 s7, $0x1;
	s7 =	sadd.s32 s21, s5  }
0x9f: {  	[timem:s9], [sflag:s22] =	dma.local [hbm:s7], s20  }
0xa0: {  	_ =	swait.ge [sflag:s22], s20  }
0xa1: {  	s6 =	ssub.s32 $0x0, s20;
	[sflag:s22] =	ssyncset.done $0x0  }
0xa2: {  	[sflag:s22] =	ssyncadd.s32 s6;
	_ =	sdelay $0x1  }
0xa3: {  	s23 =	simm.s32 $0x1B8B  }
0xa4: {  	_ =	swait.ge [sflag:s23], $0x1  }
0xa5: {  	[sflag:s23] =	ssyncset.done $0x0  }
0xa6: {  	s25 =	simm.s32 $0x1B8E;
	s24 =	sld [smem:$0x3FFE];
	[sflag:s23] =	ssyncadd.s32 $0xFFFFFFFF  }
0xa7: {  	s26 =	simm.s32 $execute0_lowered;
	[smem:$0x3FD2] =	sst s25  }
0xa8: {  	s7 =	sshll.u32 s26, $0x1;
	_ =	strace $0x80000046;
	[dreg:$0x1] =	wrdreg $0xFFFFFFFF  }
0xa9: {  	s28 =	simm.s32 $_size_execute0_lowered;
	s5 =	sadd.s32 s5, s7;
	[dreg:$0x0] =	wrdreg $0x0  }
0xaa: {  	s7 =	sshll.u32 s28, $0x1;
	[dreg:$0x2] =	wrdreg s5  }
0xab: {  	[dreg:$0x3] =	wrdreg s7  }
0xac: {  	[dreg:$0x4] =	wrdreg $0xC0  }
0xad: {  	_ =	task [dreg:s9], $0x5FFFF  }
0xae: {  	[dreg:$0x1] =	wrdreg $0xFFFFFFFF  }
0xaf: {  	[dreg:$0x0] =	wrdreg $0x60  }
0xb0: {  	[dreg:$0x2] =	wrdreg s24  }
0xb1: {  	[dreg:$0x3] =	wrdreg s2  }
0xb2: {  	[dreg:$0x4] =	wrdreg s18  }
0xb3: {  	[dreg:$0x5] =	wrdreg s4  }
0xb4: {  	[dreg:$0x6] =	wrdreg $0x9  }
0xb5: {  	_ =	task.clear_ibuf [dreg:s9], $0x7FFFF;
	_ =	strace $0x90000046  }
0xb6: {  	s29 =	simm.s32 $0x9;
	_ =	strace $0x80000048  }
0xb7: {  	_ =	swait.ge [sflag:s29], $0x1  }
0xb8: {  	[sflag:s29] =	ssyncadd.s32 $0xFFFFFFFF  }
0xb9: {  	_ =	strace $0x90000048  }
0xba: {  	_ =	sfence  }
0xbb: {  	s30 =	sld [smem:$0x0];
	_ =	sdelay $0x2  }
0xbc: {  	s31 =	sshll.u32 s1, $0xD;
	s1 =	sshrl.u32 s1, $0x2  }
0xbd: {  	s3 =	sand.u32 $0x4000, s31;
	s1 =	sadd.s32 s1, s30  }
0xbe: {  	s0 =	sor.u32 s3, s0;
	s1 =	sshll.u32 s1, $0x11  }
0xbf: {  	s0 =	sor.u32 s1, s0  }
0xc0: {  	s0 =	sadd.s32 $0x8F2B, s0  }
0xc1: {  	[sflag:s0] =	ssyncadd.remote.s32 $0x1  }
0xc2: {  	_ =	sfence.sel $0xFFFF  }
0xc3: {  	[dreg:$0x0] =	wrdreg $0xFFFFFFFF;
	(pc) =	sbr.abs _section_cstart, $3  }
0xc4: {  	[dreg:$0x1] =	wrdreg $0xFFFFFFFF  }
0xc5: {  	_ =	task.clear_ibuf [dreg:s9], $0x2FFFF;
	_ =	strace $0x9FFFFFFF  }
0xc6: {  	(tm) =	ssettm $0x7FFFFFFF  }
0xc7: {  	_ =	shalt  }
tec
execute0_lowered:
.L_overlay_start_1:
0x0: {  	(tag) =	ssettag $0x1  }
0x1: {  	s0 =	rddreg [dreg:$0x0]  }
0x2: {  	s7 =	rddreg [dreg:$0x1]  }
0x3: {  	s1 =	rddreg [dreg:$0x2]  }
0x4: {  	s2 =	rddreg [dreg:$0x3]  }
0x5: {  	s3 =	srdreg.scid;
	s4 =	stileid.u32;
	s5 =	simm.s32 $0x0  }
0x6: {  	s3 =	sand.u32 $0x1, s3;
	s4 =	sshll.u32 s4, $0x1;
	[smem:$0x7FF] =	sst s5  }
0x7: {  	s26 =	sadd.s32 $0x100, s7;
	s28 =	sadd.s32 $0x200, s7;
	s29 =	sadd.s32 $0x300, s7  }
0x8: {  	s4 =	sor.u32 s3, s4;
	_ =	strace $0x80000047;
	[smem:$0x7F9] =	sst s26  }
0x9: {  	[smem:$0x7FA] =	sst s28;
	s22 =	sshll.u32 s4, $0x8;
	s4 =	sshll.u32 s4, $0xF  }
0xa: {  	[smem:$0x7FB] =	sst s29;
	s25 =	sadd.s32 s1, s4  }
0xb: {  	s0 =	sadd.s32 s22, s0;
	s30 =	sadd.s32 s2, s4;
	[smem:$0x7F8] =	sst s25  }
0xc: {  	s5 =	sadd.s32 $0x400, s0;
	[smem:$0x7FC] =	sst s30  }
0xd: {  	s3 =	ssub.s32 $0x2, s3;
	s23 =	sadd.s32 $0x2400, s0;
	[smem:$0x7F4] =	sst s5  }
0xe: {  	s6 =	sshrl.u32 s3, $0x1;
	s24 =	sadd.s32 $0x4400, s0;
	[smem:$0x7F5] =	sst s23  }
0xf: {  	v2 =	vlaneseq.u32;
	s3 =	ssub.s32 s3, s6;
	s0 =	sadd.s32 $0x6400, s0;
	[smem:$0x7F6] =	sst s24  }
0x10: {  	vm0 =	vmmov $0xffff;
	v1 =	vshrl.u32 v2, $0x3;
	s31 =	smax.u32 s3, $0x1;
	[smem:$0x7F7] =	sst s0  }
0x11: {  	v0 =	vand.u32 $0x7, v2;
	v2 =	vor.u32 $0x8, v2;
	v1 =	vmul.u32 $0x8, v1;
	s2 =	simm.s32 $0x0;
	[smem:$0x7FD] =	sst s31  }
.LBB2_1:
0x12: {  	s0 =	sld [smem:$0x7F4];
	_ =	sdelay $0x1  }
0x13: {  	[smem:$0x7F3] =	sst s2;
	s1 =	simm.s32 $0x0;
	s22 =	simm.s32 $0xD  }
0x14: {  	[tilespmem:s1], [sflag:$0xD] =	stream.linear.gather [hbm4b:s0+s1], $0x800, $0x38;
	[tilespmem:$0x1E000] =	vst v63  }
0x15: {  	_ =	swait.ge [sflag:s22], $0x800  }
0x16: {  	s23 =	sld [smem:$0x7F5]  }
0x17: {  	[sflag:s22] =	ssyncset.done $0x0  }
0x18: {  	s3 =	simm.s32 $0x800;
	[sflag:s22] =	ssyncadd.s32 $0xFFFFF800  }
0x19: {  	[tilespmem:s3], [sflag:$0xD] =	stream.linear.gather [hbm4b:s23+s1], $0x800, $0x38;
	[tilespmem:$0x1E000] =	vst v63  }
0x1a: {  	_ =	swait.ge [sflag:s22], $0x800  }
0x1b: {  	s24 =	sld [smem:$0x7F6]  }
0x1c: {  	[sflag:s22] =	ssyncset.done $0x0  }
0x1d: {  	s25 =	simm.s32 $0x1000;
	[sflag:s22] =	ssyncadd.s32 $0xFFFFF800  }
0x1e: {  	[tilespmem:s25], [sflag:$0xD] =	stream.linear.gather [hbm4b:s24+s1], $0x800, $0x38;
	[tilespmem:$0x1E000] =	vst v63  }
0x1f: {  	_ =	swait.ge [sflag:s22], $0x800  }
0x20: {  	s26 =	sld [smem:$0x7F7]  }
0x21: {  	[sflag:s22] =	ssyncset.done $0x0  }
0x22: {  	s28 =	simm.s32 $0x1800;
	[sflag:s22] =	ssyncadd.s32 $0xFFFFF800  }
0x23: {  	[tilespmem:s28], [sflag:$0xD] =	stream.linear.gather [hbm4b:s26+s1], $0x800, $0x38;
	[tilespmem:$0x1E000] =	vst v63  }
0x24: {  	_ =	swait.ge [sflag:s22], $0x800  }
0x25: {  	s29 =	sld [smem:$0x7F8]  }
0x26: {  	[sflag:s22] =	ssyncset.done $0x0  }
0x27: {  	s30 =	simm.s32 $0x16000;
	[sflag:s22] =	ssyncadd.s32 $0xFFFFF800  }
0x28: {  	[tilespmem:s30], [sflag:$0xB] =	stream.linear.gather [hbm4b:s29+s1], $0x4000, $0x38;
	[tilespmem:$0x1E000] =	vst v63  }
0x29: {  	v3 =	vld [tilespmem:$0x0];
	_ =	sdelay $0x4  }
0x2a: {  	v4 =	vshll.u32 v3, $0x3  }
0x2b: {  	v3 =	vand.u32 $0x7, v3;
	v4 =	vand.u32 $0xFFFFFFC0, v4  }
0x2c: {  	v3 =	vor.u32 v3, v4  }
0x2d: {  	v4 =	vperm.xlane v3, v0;
	_ =	sdelay $0x1  }
0x2e: {  	v4 =	vadd.s32 v1, v4;
	_ =	sdelay $0x2  }
0x2f: {  	s7 =	sld [smem:$0x7F9]  }
0x30: {  	s6 =	simm.s32 $0x2000;
	s31 =	rddreg [dreg:$0x1]  }
0x31: {  	[tilespmem:s6], [sflag:$0x1] =	stream.indirect_vreg.gather [hbm4b:s31+s1], $0x80, v4, vm0, $0xb8;
	[tilespmem:$0x1E000] =	vst v63  }
0x32: {  	s8 =	simm.s32 $0x2800;
	s9 =	sld [smem:$0x7FA];
	v3 =	vperm.xlane v3, v2  }
0x33: {  	[tilespmem:s8], [sflag:$0x1] =	stream.indirect_vreg.gather [hbm4b:s7+s1], $0x80, v4, vm0, $0xb8;
	[tilespmem:$0x1E000] =	vst v63  }
0x34: {  	s4 =	simm.s32 $0x3000;
	s10 =	sld [smem:$0x7FB];
	v3 =	vadd.s32 v1, v3  }
0x35: {  	[tilespmem:s4], [sflag:$0x1] =	stream.indirect_vreg.gather [hbm4b:s9+s1], $0x80, v4, vm0, $0xb8;
	[tilespmem:$0x1E000] =	vst v63  }
0x36: {  	s5 =	simm.s32 $0x3800  }
0x37: {  	[tilespmem:s5], [sflag:$0x1] =	stream.indirect_vreg.gather [hbm4b:s10+s1], $0x80, v4, vm0, $0xb8;
	[tilespmem:$0x1E000] =	vst v63  }
0x38: {  	s11 =	simm.s32 $0x4000  }
0x39: {  	[tilespmem:s11], [sflag:$0x1] =	stream.indirect_vreg.gather [hbm4b:s31+s1], $0x80, v3, vm0, $0xb8;
	[tilespmem:$0x1E000] =	vst v63  }
0x3a: {  	s12 =	simm.s32 $0x4800  }
0x3b: {  	[tilespmem:s12], [sflag:$0x1] =	stream.indirect_vreg.gather [hbm4b:s7+s1], $0x80, v3, vm0, $0xb8;
	[tilespmem:$0x1E000] =	vst v63  }
0x3c: {  	s13 =	simm.s32 $0x5000  }
0x3d: {  	[tilespmem:s13], [sflag:$0x1] =	stream.indirect_vreg.gather [hbm4b:s9+s1], $0x80, v3, vm0, $0xb8;
	[tilespmem:$0x1E000] =	vst v63  }
0x3e: {  	s14 =	simm.s32 $0x5800  }
0x3f: {  	[tilespmem:s14], [sflag:$0x1] =	stream.indirect_vreg.gather [hbm4b:s10+s1], $0x80, v3, vm0, $0xb8;
	[tilespmem:$0x1E000] =	vst v63  }
0x40: {  	v3 =	vld [tilespmem:$0x800];
	_ =	sdelay $0x4  }
0x41: {  	v62 =	vshll.u32 v3, $0x3  }
0x42: {  	v3 =	vand.u32 $0x7, v3;
	v4 =	vand.u32 $0xFFFFFFC0, v62  }
0x43: {  	v3 =	vor.u32 v3, v4  }
0x44: {  	v4 =	vperm.xlane v3, v0;
	_ =	sdelay $0x1  }
0x45: {  	v4 =	vadd.s32 v1, v4;
	_ =	sdelay $0x3  }
0x46: {  	s15 =	simm.s32 $0x6000  }
0x47: {  	[tilespmem:s15], [sflag:$0x2] =	stream.indirect_vreg.gather [hbm4b:s31+s1], $0x80, v4, vm0, $0xb8;
	[tilespmem:$0x1E000] =	vst v63  }
0x48: {  	s16 =	simm.s32 $0x6800;
	v3 =	vperm.xlane v3, v2  }
0x49: {  	[tilespmem:s16], [sflag:$0x2] =	stream.indirect_vreg.gather [hbm4b:s7+s1], $0x80, v4, vm0, $0xb8;
	[tilespmem:$0x1E000] =	vst v63  }
0x4a: {  	s17 =	simm.s32 $0x7000;
	v3 =	vadd.s32 v1, v3  }
0x4b: {  	[tilespmem:s17], [sflag:$0x2] =	stream.indirect_vreg.gather [hbm4b:s9+s1], $0x80, v4, vm0, $0xb8;
	[tilespmem:$0x1E000] =	vst v63  }
0x4c: {  	s18 =	simm.s32 $0x7800  }
0x4d: {  	[tilespmem:s18], [sflag:$0x2] =	stream.indirect_vreg.gather [hbm4b:s10+s1], $0x80, v4, vm0, $0xb8;
	[tilespmem:$0x1E000] =	vst v63  }
0x4e: {  	s19 =	simm.s32 $0x8000  }
0x4f: {  	[tilespmem:s19], [sflag:$0x2] =	stream.indirect_vreg.gather [hbm4b:s31+s1], $0x80, v3, vm0, $0xb8;
	[tilespmem:$0x1E000] =	vst v63  }
0x50: {  	s20 =	simm.s32 $0x8800  }
0x51: {  	[tilespmem:s20], [sflag:$0x2] =	stream.indirect_vreg.gather [hbm4b:s7+s1], $0x80, v3, vm0, $0xb8;
	[tilespmem:$0x1E000] =	vst v63  }
0x52: {  	s21 =	simm.s32 $0x9000  }
0x53: {  	[tilespmem:s21], [sflag:$0x2] =	stream.indirect_vreg.gather [hbm4b:s9+s1], $0x80, v3, vm0, $0xb8;
	[tilespmem:$0x1E000] =	vst v63  }
0x54: {  	s22 =	simm.s32 $0x9800  }
0x55: {  	[tilespmem:s22], [sflag:$0x2] =	stream.indirect_vreg.gather [hbm4b:s10+s1], $0x80, v3, vm0, $0xb8;
	[tilespmem:$0x1E000] =	vst v63  }
0x56: {  	v3 =	vld [tilespmem:$0x1000];
	_ =	sdelay $0x4  }
0x57: {  	v63 =	vshll.u32 v3, $0x3  }
0x58: {  	v3 =	vand.u32 $0x7, v3;
	v4 =	vand.u32 $0xFFFFFFC0, v63  }
0x59: {  	v3 =	vor.u32 v3, v4  }
0x5a: {  	v4 =	vperm.xlane v3, v0;
	_ =	sdelay $0x1  }
0x5b: {  	v4 =	vadd.s32 v1, v4;
	_ =	sdelay $0x3  }
0x5c: {  	s23 =	simm.s32 $0xA000  }
0x5d: {  	[tilespmem:s23], [sflag:$0x3] =	stream.indirect_vreg.gather [hbm4b:s31+s1], $0x80, v4, vm0, $0xb8;
	[tilespmem:$0x1E000] =	vst v63  }
0x5e: {  	s24 =	simm.s32 $0xA800;
	v3 =	vperm.xlane v3, v2  }
0x5f: {  	[tilespmem:s24], [sflag:$0x3] =	stream.indirect_vreg.gather [hbm4b:s7+s1], $0x80, v4, vm0, $0xb8;
	[tilespmem:$0x1E000] =	vst v63  }
0x60: {  	s25 =	simm.s32 $0xB000;
	v3 =	vadd.s32 v1, v3  }
0x61: {  	[tilespmem:s25], [sflag:$0x3] =	stream.indirect_vreg.gather [hbm4b:s9+s1], $0x80, v4, vm0, $0xb8;
	[tilespmem:$0x1E000] =	vst v63  }
0x62: {  	s26 =	simm.s32 $0xB800  }
0x63: {  	[tilespmem:s26], [sflag:$0x3] =	stream.indirect_vreg.gather [hbm4b:s10+s1], $0x80, v4, vm0, $0xb8;
	[tilespmem:$0x1E000] =	vst v63  }
0x64: {  	s28 =	simm.s32 $0xC000  }
0x65: {  	[tilespmem:s28], [sflag:$0x3] =	stream.indirect_vreg.gather [hbm4b:s31+s1], $0x80, v3, vm0, $0xb8;
	[tilespmem:$0x1E000] =	vst v63  }
0x66: {  	s29 =	simm.s32 $0xC800  }
0x67: {  	[tilespmem:s29], [sflag:$0x3] =	stream.indirect_vreg.gather [hbm4b:s7+s1], $0x80, v3, vm0, $0xb8;
	[tilespmem:$0x1E000] =	vst v63  }
0x68: {  	s30 =	simm.s32 $0xD000  }
0x69: {  	[tilespmem:s30], [sflag:$0x3] =	stream.indirect_vreg.gather [hbm4b:s9+s1], $0x80, v3, vm0, $0xb8;
	[tilespmem:$0x1E000] =	vst v63  }
0x6a: {  	s8 =	simm.s32 $0x0;
	s31 =	simm.s32 $0xD800  }
0x6b: {  	[tilespmem:s31], [sflag:$0x3] =	stream.indirect_vreg.gather [hbm4b:s10+s1], $0x80, v3, vm0, $0xb8;
	[tilespmem:$0x1E000] =	vst v63  }
.LBB2_2:
0x6c: {  	s0 =	sand.u32 $0x3, s8  }
0x6d: {  	p0 =	sne.s32 s0, $0x0  }
.Ltmp0:
0x6e: {  	_ = 	snop;
	(pc) =	sbr.rel @p0 .LBB2_5-.Ltmp0, $2  }
0x6f: {  	_ =	sdelay $0x2  }
0x70: {  	s9 =	sshrl.u32 s8, $0x2;
	[smem:$0x7F2] =	sst s0  }
0x71: {  	p0 =	sgt.u32 s8, $0x3B  }
.Ltmp1:
0x72: {  	s0 =	sand.u32 $0x1, s9;
	(pc) =	sbr.rel @p0 .LBB2_6-.Ltmp1, $4  }
0x73: {  	s0 =	sadd.s32 $0xB, s0  }
0x74: {  	_ =	swait.ge [sflag:s0], $0x4000  }
0x75: {  	[sflag:s0] =	ssyncset.done $0x0  }
0x76: {  	[sflag:s0] =	ssyncadd.s32 $0xFFFFC000  }
0x77: {  	s0 =	sadd.s32 $0x1, s9;
	s3 =	sld [smem:$0x7F8]  }
0x78: {  	s1 =	sand.u32 $0x1, s0  }
0x79: {  	s31 =	simm.s32 $0x0;
	s0 =	sshll.u32 s0, $0xB;
	s2 =	sshll.u32 s1, $0xE  }
0x7a: {  	s1 =	sadd.s32 $0xB, s1;
	s2 =	sadd.s32 $0x16000, s2;
	s0 =	sadd.s32 s0, s3  }
0x7b: {  	[tilespmem:s2], [sflag:s1] =	stream.linear.gather [hbm4b:s0+s31], $0x4000, $0x38;
	[tilespmem:$0x1E000] =	vst v63  }
.LBB2_5:
0x7c: {  	p0 =	sgt.u32 s8, $0x1  }
.Ltmp2:
0x7d: {  	_ = 	snop;
	(pc) =	sbr.rel @!p0 .LBB2_7-.Ltmp2, $1  }
0x7e: {  	_ =	sdelay $0x3  }
.LBB2_6:
0x7f: {  	s0 =	sadd.s32 $0xFFFFFFFE, s8  }
0x80: {  	s1 =	sand.u32 $0xFF, s0  }
0x81: {  	s1 =	smul.u32 $0xCD, s1;
	_ =	sdelay $0x1  }
0x82: {  	s1 =	sshrl.u32 s1, $0xA  }
0x83: {  	s1 =	smul.u32 $0x5, s1;
	_ =	sdelay $0x1  }
0x84: {  	p0 =	sgt.u32 s8, $0x3C;
	s0 =	ssub.s32 s0, s1  }
.Ltmp3:
0x85: {  	s0 =	sand.u32 $0xFF, s0;
	(pc) =	sbr.rel @p0 .LBB2_8-.Ltmp3, $4  }
0x86: {  	s0 =	sadd.s32 $0x6, s0  }
0x87: {  	_ =	swait.ge [sflag:s0], $0x4000  }
0x88: {  	[sflag:s0] =	ssyncset.done $0x0  }
0x89: {  	[sflag:s0] =	ssyncadd.s32 $0xFFFFC000  }
.LBB2_7:
0x8a: {  	s0 =	sadd.s32 $0x3, s8  }
0x8b: {  	s1 =	sshll.u32 s0, $0xB;
	s2 =	sshll.u32 s0, $0x5  }
0x8c: {  	s1 =	sand.u32 $0x1800, s1;
	s2 =	sand.u32 $0xF80, s2  }
0x8d: {  	s1 =	sadd.s32 s2, s1  }
0x8e: {  	v3 =	vld [tilespmem:s1+$0x0];
	_ =	sdelay $0x4  }
0x8f: {  	s22 =	smul.u32 $0xCD, s0;
	v4 =	vshll.u32 v3, $0x3  }
0x90: {  	v3 =	vand.u32 $0x7, v3;
	v4 =	vand.u32 $0xFFFFFFC0, v4  }
0x91: {  	s1 =	sshrl.u32 s22, $0xA;
	v3 =	vor.u32 v3, v4  }
0x92: {  	s1 =	sand.u32 $0x3F, s1;
	v4 =	vperm.xlane v3, v0  }
0x93: {  	s1 =	smul.u32 $0x5, s1  }
0x94: {  	v4 =	vadd.s32 v1, v4  }
0x95: {  	s0 =	ssub.s32 s0, s1  }
0x96: {  	s0 =	sand.u32 $0xFF, s0  }
0x97: {  	s3 =	rddreg [dreg:$0x1];
	s4 =	simm.s32 $0x0;
	s23 =	sshll.u32 s0, $0xE  }
0x98: {  	s5 =	sld [smem:$0x7F9];
	s0 =	sadd.s32 $0x1, s0;
	s24 =	sor.u32 $0x2000, s23  }
0x99: {  	[tilespmem:s24], [sflag:s0] =	stream.indirect_vreg.gather [hbm4b:s3+s4], $0x80, v4, vm0, $0xb8;
	[tilespmem:$0x1E000] =	vst v63  }
0x9a: {  	s6 =	sld [smem:$0x7FA];
	s25 =	sor.u32 $0x2800, s23;
	v3 =	vperm.xlane v3, v2  }
0x9b: {  	[tilespmem:s25], [sflag:s0] =	stream.indirect_vreg.gather [hbm4b:s5+s4], $0x80, v4, vm0, $0xb8;
	[tilespmem:$0x1E000] =	vst v63  }
0x9c: {  	s7 =	sld [smem:$0x7FB];
	s26 =	sor.u32 $0x3000, s23;
	v3 =	vadd.s32 v1, v3  }
0x9d: {  	[tilespmem:s26], [sflag:s0] =	stream.indirect_vreg.gather [hbm4b:s6+s4], $0x80, v4, vm0, $0xb8;
	[tilespmem:$0x1E000] =	vst v63  }
0x9e: {  	s28 =	sor.u32 $0x3800, s23  }
0x9f: {  	[tilespmem:s28], [sflag:s0] =	stream.indirect_vreg.gather [hbm4b:s7+s4], $0x80, v4, vm0, $0xb8;
	[tilespmem:$0x1E000] =	vst v63  }
0xa0: {  	s29 =	sadd.s32 $0x4000, s23  }
0xa1: {  	[tilespmem:s29], [sflag:s0] =	stream.indirect_vreg.gather [hbm4b:s3+s4], $0x80, v3, vm0, $0xb8;
	[tilespmem:$0x1E000] =	vst v63  }
0xa2: {  	s30 =	sadd.s32 $0x4800, s23  }
0xa3: {  	[tilespmem:s30], [sflag:s0] =	stream.indirect_vreg.gather [hbm4b:s5+s4], $0x80, v3, vm0, $0xb8;
	[tilespmem:$0x1E000] =	vst v63  }
0xa4: {  	s31 =	sadd.s32 $0x5000, s23  }
0xa5: {  	[tilespmem:s31], [sflag:s0] =	stream.indirect_vreg.gather [hbm4b:s6+s4], $0x80, v3, vm0, $0xb8;
	[tilespmem:$0x1E000] =	vst v63  }
0xa6: {  	s1 =	sadd.s32 $0x5800, s23  }
0xa7: {  	[tilespmem:s1], [sflag:s0] =	stream.indirect_vreg.gather [hbm4b:s7+s4], $0x80, v3, vm0, $0xb8;
	[tilespmem:$0x1E000] =	vst v63  }
.LBB2_8:
0xa8: {  	s0 =	sand.u32 $0xFF, s8  }
0xa9: {  	s0 =	smul.u32 $0xCD, s0;
	_ =	sdelay $0x1  }
0xaa: {  	s0 =	sshrl.u32 s0, $0xA  }
0xab: {  	s1 =	sshll.u32 s9, $0xE;
	s0 =	smul.u32 $0x5, s0  }
0xac: {  	s1 =	sand.u32 $0x4000, s1  }
0xad: {  	s1 =	sadd.s32 $0x16000, s1;
	s0 =	ssub.s32 s8, s0  }
0xae: {  	[smem:$0x7EE] =	sst s9;
	v3 =	vmov s1;
	s3 =	sand.u32 $0xFF, s0  }
0xaf: {  	[smem:$0x7EF] =	sst s8;
	s23 =	simm.s32 $0x0;
	s24 =	sadd.s32 $0x1, s3  }
0xb0: {  	s25 =	sand.u32 $0x2000, s23;
	s2 =	sand.u32 $0x300, s23;
	_ =	swait.ge [sflag:s24], $0x4000  }
0xb1: {  	s0 =	sor.u32 s2, s25;
	[sflag:s24] =	ssyncset.done $0x0  }
0xb2: {  	s26 =	sor.u32 $0x80, s0;
	[sflag:s24] =	ssyncadd.s32 $0xFFFFC000  }
0xb3: {  	v4 =	vld.idx.msk [tilespmem:v3+s26+$0x0 ss:$0x1], $0xffff;
	_ =	sdelay $0x1  }
0xb4: {  	s29 =	sshll.u32 s3, $0xE  }
0xb5: {  	s2 =	sor.u32 $0x2000, s29;
	[smem:$0x7F0] =	sst s3  }
0xb6: {  	s1 =	sadd.s32 s26, s2;
	v5 =	vld.idx.msk [tilespmem:v3+s0+$0x0 ss:$0x1], $0xffff  }
0xb7: {  	s30 =	sor.u32 $0x90, s0;
	[tilespmem:s1+$0x0] =	vst.add.f32.msk $0xffff, v4  }
0xb8: {  	v4 =	vld.idx.msk [tilespmem:v3+s30+$0x0 ss:$0x1], $0xffff;
	_ =	sdelay $0x1  }
0xb9: {  	s5 =	sadd.s32 s0, s2  }
0xba: {  	s4 =	sor.u32 $0x10, s0;
	[tilespmem:s5+$0x0] =	vst.add.f32.msk $0xffff, v5  }
0xbb: {  	s1 =	sadd.s32 s30, s2;
	v5 =	vld.idx.msk [tilespmem:v3+s4+$0x0 ss:$0x1], $0xffff  }
0xbc: {  	s6 =	sor.u32 $0xA0, s0;
	[tilespmem:s1+$0x0] =	vst.add.f32.msk $0xffff, v4  }
0xbd: {  	v4 =	vld.idx.msk [tilespmem:v3+s6+$0x0 ss:$0x1], $0xffff;
	_ =	sdelay $0x1  }
0xbe: {  	s7 =	sadd.s32 s4, s2  }
0xbf: {  	s8 =	sor.u32 $0x20, s0;
	[tilespmem:s7+$0x0] =	vst.add.f32.msk $0xffff, v5  }
0xc0: {  	s1 =	sadd.s32 s6, s2;
	v5 =	vld.idx.msk [tilespmem:v3+s8+$0x0 ss:$0x1], $0xffff  }
0xc1: {  	s9 =	sor.u32 $0xB0, s0;
	[tilespmem:s1+$0x0] =	vst.add.f32.msk $0xffff, v4  }
0xc2: {  	v4 =	vld.idx.msk [tilespmem:v3+s9+$0x0 ss:$0x1], $0xffff;
	_ =	sdelay $0x1  }
0xc3: {  	s10 =	sadd.s32 s8, s2  }
0xc4: {  	s11 =	sor.u32 $0x30, s0;
	[tilespmem:s10+$0x0] =	vst.add.f32.msk $0xffff, v5  }
0xc5: {  	s1 =	sadd.s32 s9, s2;
	v5 =	vld.idx.msk [tilespmem:v3+s11+$0x0 ss:$0x1], $0xffff  }
0xc6: {  	s12 =	sor.u32 $0xC0, s0;
	[tilespmem:s1+$0x0] =	vst.add.f32.msk $0xffff, v4  }
0xc7: {  	v4 =	vld.idx.msk [tilespmem:v3+s12+$0x0 ss:$0x1], $0xffff;
	_ =	sdelay $0x1  }
0xc8: {  	s13 =	sadd.s32 s11, s2  }
0xc9: {  	s14 =	sor.u32 $0x40, s0;
	[tilespmem:s13+$0x0] =	vst.add.f32.msk $0xffff, v5  }
0xca: {  	s1 =	sadd.s32 s12, s2;
	v5 =	vld.idx.msk [tilespmem:v3+s14+$0x0 ss:$0x1], $0xffff  }
0xcb: {  	s15 =	sor.u32 $0xD0, s0;
	[tilespmem:s1+$0x0] =	vst.add.f32.msk $0xffff, v4  }
0xcc: {  	v4 =	vld.idx.msk [tilespmem:v3+s15+$0x0 ss:$0x1], $0xffff;
	_ =	sdelay $0x1  }
0xcd: {  	s16 =	sadd.s32 s14, s2  }
0xce: {  	s17 =	sor.u32 $0x50, s0;
	[tilespmem:s16+$0x0] =	vst.add.f32.msk $0xffff, v5  }
0xcf: {  	s1 =	sadd.s32 s15, s2;
	v5 =	vld.idx.msk [tilespmem:v3+s17+$0x0 ss:$0x1], $0xffff  }
0xd0: {  	s18 =	sor.u32 $0xE0, s0;
	[tilespmem:s1+$0x0] =	vst.add.f32.msk $0xffff, v4  }
0xd1: {  	v4 =	vld.idx.msk [tilespmem:v3+s18+$0x0 ss:$0x1], $0xffff;
	_ =	sdelay $0x1  }
0xd2: {  	s19 =	sadd.s32 s17, s2  }
0xd3: {  	s20 =	sor.u32 $0x60, s0;
	[tilespmem:s19+$0x0] =	vst.add.f32.msk $0xffff, v5  }
0xd4: {  	s1 =	sadd.s32 s18, s2;
	v5 =	vld.idx.msk [tilespmem:v3+s20+$0x0 ss:$0x1], $0xffff  }
0xd5: {  	s21 =	sor.u32 $0xF0, s0;
	[tilespmem:s1+$0x0] =	vst.add.f32.msk $0xffff, v4  }
0xd6: {  	v4 =	vld.idx.msk [tilespmem:v3+s21+$0x0 ss:$0x1], $0xffff;
	_ =	sdelay $0x1  }
0xd7: {  	s22 =	sadd.s32 s20, s2  }
0xd8: {  	s24 =	sor.u32 $0x70, s0;
	[tilespmem:s22+$0x0] =	vst.add.f32.msk $0xffff, v5  }
0xd9: {  	s1 =	sadd.s32 s21, s2;
	v5 =	vld.idx.msk [tilespmem:v3+s24+$0x0 ss:$0x1], $0xffff  }
0xda: {  	s25 =	sor.u32 $0x480, s0;
	[tilespmem:s1+$0x0] =	vst.add.f32.msk $0xffff, v4  }
0xdb: {  	v4 =	vld.idx.msk [tilespmem:v3+s25+$0x0 ss:$0x1], $0xffff;
	_ =	sdelay $0x1  }
0xdc: {  	s26 =	sadd.s32 s24, s2  }
0xdd: {  	s29 =	sor.u32 $0x400, s0;
	[tilespmem:s26+$0x0] =	vst.add.f32.msk $0xffff, v5  }
0xde: {  	s1 =	sadd.s32 s25, s2;
	v5 =	vld.idx.msk [tilespmem:v3+s29+$0x0 ss:$0x1], $0xffff  }
0xdf: {  	s30 =	sor.u32 $0x490, s0;
	[tilespmem:s1+$0x0] =	vst.add.f32.msk $0xffff, v4  }
0xe0: {  	v4 =	vld.idx.msk [tilespmem:v3+s30+$0x0 ss:$0x1], $0xffff;
	_ =	sdelay $0x1  }
0xe1: {  	s4 =	sadd.s32 s29, s2  }
0xe2: {  	s5 =	sor.u32 $0x410, s0;
	[tilespmem:s4+$0x0] =	vst.add.f32.msk $0xffff, v5  }
0xe3: {  	s1 =	sadd.s32 s30, s2;
	v5 =	vld.idx.msk [tilespmem:v3+s5+$0x0 ss:$0x1], $0xffff  }
0xe4: {  	s6 =	sor.u32 $0x4A0, s0;
	[tilespmem:s1+$0x0] =	vst.add.f32.msk $0xffff, v4  }
0xe5: {  	v4 =	vld.idx.msk [tilespmem:v3+s6+$0x0 ss:$0x1], $0xffff;
	_ =	sdelay $0x1  }
0xe6: {  	s7 =	sadd.s32 s5, s2  }
0xe7: {  	s8 =	sor.u32 $0x420, s0;
	[tilespmem:s7+$0x0] =	vst.add.f32.msk $0xffff, v5  }
0xe8: {  	s1 =	sadd.s32 s6, s2;
	v5 =	vld.idx.msk [tilespmem:v3+s8+$0x0 ss:$0x1], $0xffff  }
0xe9: {  	s9 =	sor.u32 $0x4B0, s0;
	[tilespmem:s1+$0x0] =	vst.add.f32.msk $0xffff, v4  }
0xea: {  	v4 =	vld.idx.msk [tilespmem:v3+s9+$0x0 ss:$0x1], $0xffff;
	_ =	sdelay $0x1  }
0xeb: {  	s10 =	sadd.s32 s8, s2  }
0xec: {  	s11 =	sor.u32 $0x430, s0;
	[tilespmem:s10+$0x0] =	vst.add.f32.msk $0xffff, v5  }
0xed: {  	s1 =	sadd.s32 s9, s2;
	v5 =	vld.idx.msk [tilespmem:v3+s11+$0x0 ss:$0x1], $0xffff  }
0xee: {  	s12 =	sor.u32 $0x4C0, s0;
	[tilespmem:s1+$0x0] =	vst.add.f32.msk $0xffff, v4  }
0xef: {  	v4 =	vld.idx.msk [tilespmem:v3+s12+$0x0 ss:$0x1], $0xffff;
	_ =	sdelay $0x1  }
0xf0: {  	s13 =	sadd.s32 s11, s2  }
0xf1: {  	s14 =	sor.u32 $0x440, s0;
	[tilespmem:s13+$0x0] =	vst.add.f32.msk $0xffff, v5  }
0xf2: {  	s1 =	sadd.s32 s12, s2;
	v5 =	vld.idx.msk [tilespmem:v3+s14+$0x0 ss:$0x1], $0xffff  }
0xf3: {  	s15 =	sor.u32 $0x4D0, s0;
	[tilespmem:s1+$0x0] =	vst.add.f32.msk $0xffff, v4  }
0xf4: {  	v4 =	vld.idx.msk [tilespmem:v3+s15+$0x0 ss:$0x1], $0xffff;
	_ =	sdelay $0x1  }
0xf5: {  	s16 =	sadd.s32 s14, s2  }
0xf6: {  	s17 =	sor.u32 $0x450, s0;
	[tilespmem:s16+$0x0] =	vst.add.f32.msk $0xffff, v5  }
0xf7: {  	s1 =	sadd.s32 s15, s2;
	v5 =	vld.idx.msk [tilespmem:v3+s17+$0x0 ss:$0x1], $0xffff  }
0xf8: {  	s18 =	sor.u32 $0x4E0, s0;
	[tilespmem:s1+$0x0] =	vst.add.f32.msk $0xffff, v4  }
0xf9: {  	v4 =	vld.idx.msk [tilespmem:v3+s18+$0x0 ss:$0x1], $0xffff;
	_ =	sdelay $0x1  }
0xfa: {  	s19 =	sadd.s32 s17, s2  }
0xfb: {  	s20 =	sor.u32 $0x460, s0;
	[tilespmem:s19+$0x0] =	vst.add.f32.msk $0xffff, v5  }
0xfc: {  	s1 =	sadd.s32 s18, s2;
	v5 =	vld.idx.msk [tilespmem:v3+s20+$0x0 ss:$0x1], $0xffff  }
0xfd: {  	s21 =	sor.u32 $0x4F0, s0;
	[tilespmem:s1+$0x0] =	vst.add.f32.msk $0xffff, v4  }
0xfe: {  	v4 =	vld.idx.msk [tilespmem:v3+s21+$0x0 ss:$0x1], $0xffff;
	_ =	sdelay $0x1  }
0xff: {  	s22 =	sadd.s32 s20, s2  }
0x100: {  	s24 =	sor.u32 $0x470, s0;
	[tilespmem:s22+$0x0] =	vst.add.f32.msk $0xffff, v5  }
0x101: {  	s1 =	sadd.s32 s21, s2;
	v5 =	vld.idx.msk [tilespmem:v3+s24+$0x0 ss:$0x1], $0xffff  }
0x102: {  	s25 =	sor.u32 $0x880, s0;
	[tilespmem:s1+$0x0] =	vst.add.f32.msk $0xffff, v4  }
0x103: {  	v4 =	vld.idx.msk [tilespmem:v3+s25+$0x0 ss:$0x1], $0xffff;
	_ =	sdelay $0x1  }
0x104: {  	s26 =	sadd.s32 s24, s2  }
0x105: {  	s29 =	sor.u32 $0x800, s0;
	[tilespmem:s26+$0x0] =	vst.add.f32.msk $0xffff, v5  }
0x106: {  	s1 =	sadd.s32 s25, s2;
	v5 =	vld.idx.msk [tilespmem:v3+s29+$0x0 ss:$0x1], $0xffff  }
0x107: {  	s30 =	sor.u32 $0x890, s0;
	[tilespmem:s1+$0x0] =	vst.add.f32.msk $0xffff, v4  }
0x108: {  	v4 =	vld.idx.msk [tilespmem:v3+s30+$0x0 ss:$0x1], $0xffff;
	_ =	sdelay $0x1  }
0x109: {  	s4 =	sadd.s32 s29, s2  }
0x10a: {  	s5 =	sor.u32 $0x810, s0;
	[tilespmem:s4+$0x0] =	vst.add.f32.msk $0xffff, v5  }
0x10b: {  	s1 =	sadd.s32 s30, s2;
	v5 =	vld.idx.msk [tilespmem:v3+s5+$0x0 ss:$0x1], $0xffff  }
0x10c: {  	s6 =	sor.u32 $0x8A0, s0;
	[tilespmem:s1+$0x0] =	vst.add.f32.msk $0xffff, v4  }
0x10d: {  	v4 =	vld.idx.msk [tilespmem:v3+s6+$0x0 ss:$0x1], $0xffff;
	_ =	sdelay $0x1  }
0x10e: {  	s7 =	sadd.s32 s5, s2  }
0x10f: {  	s8 =	sor.u32 $0x820, s0;
	[tilespmem:s7+$0x0] =	vst.add.f32.msk $0xffff, v5  }
0x110: {  	s1 =	sadd.s32 s6, s2;
	v5 =	vld.idx.msk [tilespmem:v3+s8+$0x0 ss:$0x1], $0xffff  }
0x111: {  	s9 =	sor.u32 $0x8B0, s0;
	[tilespmem:s1+$0x0] =	vst.add.f32.msk $0xffff, v4  }
0x112: {  	v4 =	vld.idx.msk [tilespmem:v3+s9+$0x0 ss:$0x1], $0xffff;
	_ =	sdelay $0x1  }
0x113: {  	s10 =	sadd.s32 s8, s2  }
0x114: {  	s11 =	sor.u32 $0x830, s0;
	[tilespmem:s10+$0x0] =	vst.add.f32.msk $0xffff, v5  }
0x115: {  	s1 =	sadd.s32 s9, s2;
	v5 =	vld.idx.msk [tilespmem:v3+s11+$0x0 ss:$0x1], $0xffff  }
0x116: {  	s12 =	sor.u32 $0x8C0, s0;
	[tilespmem:s1+$0x0] =	vst.add.f32.msk $0xffff, v4  }
0x117: {  	v4 =	vld.idx.msk [tilespmem:v3+s12+$0x0 ss:$0x1], $0xffff;
	_ =	sdelay $0x1  }
0x118: {  	s13 =	sadd.s32 s11, s2  }
0x119: {  	s14 =	sor.u32 $0x840, s0;
	[tilespmem:s13+$0x0] =	vst.add.f32.msk $0xffff, v5  }
0x11a: {  	s1 =	sadd.s32 s12, s2;
	v5 =	vld.idx.msk [tilespmem:v3+s14+$0x0 ss:$0x1], $0xffff  }
0x11b: {  	s15 =	sor.u32 $0x8D0, s0;
	[tilespmem:s1+$0x0] =	vst.add.f32.msk $0xffff, v4  }
0x11c: {  	v4 =	vld.idx.msk [tilespmem:v3+s15+$0x0 ss:$0x1], $0xffff;
	_ =	sdelay $0x1  }
0x11d: {  	s16 =	sadd.s32 s14, s2  }
0x11e: {  	s17 =	sor.u32 $0x850, s0;
	[tilespmem:s16+$0x0] =	vst.add.f32.msk $0xffff, v5  }
0x11f: {  	s1 =	sadd.s32 s15, s2;
	v5 =	vld.idx.msk [tilespmem:v3+s17+$0x0 ss:$0x1], $0xffff  }
0x120: {  	s18 =	sor.u32 $0x8E0, s0;
	[tilespmem:s1+$0x0] =	vst.add.f32.msk $0xffff, v4  }
0x121: {  	v4 =	vld.idx.msk [tilespmem:v3+s18+$0x0 ss:$0x1], $0xffff;
	_ =	sdelay $0x1  }
0x122: {  	s19 =	sadd.s32 s17, s2  }
0x123: {  	s20 =	sor.u32 $0x860, s0;
	[tilespmem:s19+$0x0] =	vst.add.f32.msk $0xffff, v5  }
0x124: {  	s1 =	sadd.s32 s18, s2;
	v5 =	vld.idx.msk [tilespmem:v3+s20+$0x0 ss:$0x1], $0xffff  }
0x125: {  	s21 =	sor.u32 $0x8F0, s0;
	[tilespmem:s1+$0x0] =	vst.add.f32.msk $0xffff, v4  }
0x126: {  	v4 =	vld.idx.msk [tilespmem:v3+s21+$0x0 ss:$0x1], $0xffff;
	_ =	sdelay $0x1  }
0x127: {  	s22 =	sadd.s32 s20, s2  }
0x128: {  	s24 =	sor.u32 $0x870, s0;
	[tilespmem:s22+$0x0] =	vst.add.f32.msk $0xffff, v5  }
0x129: {  	s1 =	sadd.s32 s21, s2;
	v5 =	vld.idx.msk [tilespmem:v3+s24+$0x0 ss:$0x1], $0xffff  }
0x12a: {  	s25 =	sor.u32 $0xC80, s0;
	[tilespmem:s1+$0x0] =	vst.add.f32.msk $0xffff, v4  }
0x12b: {  	v4 =	vld.idx.msk [tilespmem:v3+s25+$0x0 ss:$0x1], $0xffff;
	_ =	sdelay $0x1  }
0x12c: {  	s26 =	sadd.s32 s24, s2  }
0x12d: {  	s29 =	sor.u32 $0xC00, s0;
	[tilespmem:s26+$0x0] =	vst.add.f32.msk $0xffff, v5  }
0x12e: {  	s1 =	sadd.s32 s25, s2;
	v5 =	vld.idx.msk [tilespmem:v3+s29+$0x0 ss:$0x1], $0xffff  }
0x12f: {  	s30 =	sor.u32 $0xC90, s0;
	[tilespmem:s1+$0x0] =	vst.add.f32.msk $0xffff, v4  }
0x130: {  	v4 =	vld.idx.msk [tilespmem:v3+s30+$0x0 ss:$0x1], $0xffff;
	_ =	sdelay $0x1  }
0x131: {  	s4 =	sadd.s32 s29, s2  }
0x132: {  	s5 =	sor.u32 $0xC10, s0;
	[tilespmem:s4+$0x0] =	vst.add.f32.msk $0xffff, v5  }
0x133: {  	s1 =	sadd.s32 s30, s2;
	v5 =	vld.idx.msk [tilespmem:v3+s5+$0x0 ss:$0x1], $0xffff  }
0x134: {  	s6 =	sor.u32 $0xCA0, s0;
	[tilespmem:s1+$0x0] =	vst.add.f32.msk $0xffff, v4  }
0x135: {  	v4 =	vld.idx.msk [tilespmem:v3+s6+$0x0 ss:$0x1], $0xffff;
	_ =	sdelay $0x1  }
0x136: {  	s7 =	sadd.s32 s5, s2  }
0x137: {  	s8 =	sor.u32 $0xC20, s0;
	[tilespmem:s7+$0x0] =	vst.add.f32.msk $0xffff, v5  }
0x138: {  	s1 =	sadd.s32 s6, s2;
	v5 =	vld.idx.msk [tilespmem:v3+s8+$0x0 ss:$0x1], $0xffff  }
0x139: {  	s9 =	sor.u32 $0xCB0, s0;
	[tilespmem:s1+$0x0] =	vst.add.f32.msk $0xffff, v4  }
0x13a: {  	v4 =	vld.idx.msk [tilespmem:v3+s9+$0x0 ss:$0x1], $0xffff;
	_ =	sdelay $0x1  }
0x13b: {  	s10 =	sadd.s32 s8, s2  }
0x13c: {  	s11 =	sor.u32 $0xC30, s0;
	[tilespmem:s10+$0x0] =	vst.add.f32.msk $0xffff, v5  }
0x13d: {  	s1 =	sadd.s32 s9, s2;
	v5 =	vld.idx.msk [tilespmem:v3+s11+$0x0 ss:$0x1], $0xffff  }
0x13e: {  	s12 =	sor.u32 $0xCC0, s0;
	[tilespmem:s1+$0x0] =	vst.add.f32.msk $0xffff, v4  }
0x13f: {  	v4 =	vld.idx.msk [tilespmem:v3+s12+$0x0 ss:$0x1], $0xffff;
	_ =	sdelay $0x1  }
0x140: {  	s13 =	sadd.s32 s11, s2  }
0x141: {  	s14 =	sor.u32 $0xC40, s0;
	[tilespmem:s13+$0x0] =	vst.add.f32.msk $0xffff, v5  }
0x142: {  	s1 =	sadd.s32 s12, s2;
	v5 =	vld.idx.msk [tilespmem:v3+s14+$0x0 ss:$0x1], $0xffff  }
0x143: {  	s15 =	sor.u32 $0xCD0, s0;
	[tilespmem:s1+$0x0] =	vst.add.f32.msk $0xffff, v4  }
0x144: {  	v4 =	vld.idx.msk [tilespmem:v3+s15+$0x0 ss:$0x1], $0xffff;
	_ =	sdelay $0x1  }
0x145: {  	s16 =	sadd.s32 s14, s2  }
0x146: {  	s17 =	sor.u32 $0xC50, s0;
	[tilespmem:s16+$0x0] =	vst.add.f32.msk $0xffff, v5  }
0x147: {  	s1 =	sadd.s32 s15, s2;
	v5 =	vld.idx.msk [tilespmem:v3+s17+$0x0 ss:$0x1], $0xffff  }
0x148: {  	s18 =	sor.u32 $0xCE0, s0;
	[tilespmem:s1+$0x0] =	vst.add.f32.msk $0xffff, v4  }
0x149: {  	v4 =	vld.idx.msk [tilespmem:v3+s18+$0x0 ss:$0x1], $0xffff;
	_ =	sdelay $0x1  }
0x14a: {  	s19 =	sadd.s32 s17, s2  }
0x14b: {  	s20 =	sor.u32 $0xC60, s0;
	[tilespmem:s19+$0x0] =	vst.add.f32.msk $0xffff, v5  }
0x14c: {  	s1 =	sadd.s32 s18, s2;
	v5 =	vld.idx.msk [tilespmem:v3+s20+$0x0 ss:$0x1], $0xffff  }
0x14d: {  	s21 =	sor.u32 $0xCF0, s0;
	[tilespmem:s1+$0x0] =	vst.add.f32.msk $0xffff, v4  }
0x14e: {  	v4 =	vld.idx.msk [tilespmem:v3+s21+$0x0 ss:$0x1], $0xffff;
	_ =	sdelay $0x1  }
0x14f: {  	s22 =	sadd.s32 s20, s2  }
0x150: {  	s24 =	sor.u32 $0xC70, s0;
	[tilespmem:s22+$0x0] =	vst.add.f32.msk $0xffff, v5  }
0x151: {  	s1 =	sadd.s32 s21, s2;
	v5 =	vld.idx.msk [tilespmem:v3+s24+$0x0 ss:$0x1], $0xffff  }
0x152: {  	s25 =	sor.u32 $0x1080, s0;
	[tilespmem:s1+$0x0] =	vst.add.f32.msk $0xffff, v4  }
0x153: {  	v4 =	vld.idx.msk [tilespmem:v3+s25+$0x0 ss:$0x1], $0xffff;
	_ =	sdelay $0x1  }
0x154: {  	s26 =	sadd.s32 s24, s2  }
0x155: {  	s29 =	sor.u32 $0x1000, s0;
	[tilespmem:s26+$0x0] =	vst.add.f32.msk $0xffff, v5  }
0x156: {  	s1 =	sadd.s32 s25, s2;
	v5 =	vld.idx.msk [tilespmem:v3+s29+$0x0 ss:$0x1], $0xffff  }
0x157: {  	s30 =	sor.u32 $0x1090, s0;
	[tilespmem:s1+$0x0] =	vst.add.f32.msk $0xffff, v4  }
0x158: {  	v4 =	vld.idx.msk [tilespmem:v3+s30+$0x0 ss:$0x1], $0xffff;
	_ =	sdelay $0x1  }
0x159: {  	s5 =	sadd.s32 s29, s2  }
0x15a: {  	s6 =	sor.u32 $0x1010, s0;
	[tilespmem:s5+$0x0] =	vst.add.f32.msk $0xffff, v5  }
0x15b: {  	s1 =	sadd.s32 s30, s2;
	v5 =	vld.idx.msk [tilespmem:v3+s6+$0x0 ss:$0x1], $0xffff  }
0x15c: {  	s7 =	sor.u32 $0x10A0, s0;
	[tilespmem:s1+$0x0] =	vst.add.f32.msk $0xffff, v4  }
0x15d: {  	v4 =	vld.idx.msk [tilespmem:v3+s7+$0x0 ss:$0x1], $0xffff;
	_ =	sdelay $0x1  }
0x15e: {  	s8 =	sadd.s32 s6, s2  }
0x15f: {  	s9 =	sor.u32 $0x1020, s0;
	[tilespmem:s8+$0x0] =	vst.add.f32.msk $0xffff, v5  }
0x160: {  	s1 =	sadd.s32 s7, s2;
	v5 =	vld.idx.msk [tilespmem:v3+s9+$0x0 ss:$0x1], $0xffff  }
0x161: {  	s10 =	sor.u32 $0x10B0, s0;
	[tilespmem:s1+$0x0] =	vst.add.f32.msk $0xffff, v4  }
0x162: {  	v4 =	vld.idx.msk [tilespmem:v3+s10+$0x0 ss:$0x1], $0xffff;
	_ =	sdelay $0x1  }
0x163: {  	s11 =	sadd.s32 s9, s2  }
0x164: {  	s12 =	sor.u32 $0x1030, s0;
	s13 =	sor.u32 $0x10C0, s0;
	[tilespmem:s11+$0x0] =	vst.add.f32.msk $0xffff, v5  }
0x165: {  	s14 =	simm.s32 $0x100;
	s6 =	simm.s32 $0x800;
	s1 =	sadd.s32 s10, s2;
	v5 =	vld.idx.msk [tilespmem:v3+s12+$0x0 ss:$0x1], $0xffff  }
0x166: {  	s3 =	sand.u32 $0x300, s14;
	s5 =	simm.s32 $0x800;
	s15 =	sand.u32 $0x2000, s6;
	[tilespmem:s1+$0x0] =	vst.add.f32.msk $0xffff, v4  }
0x167: {  	s17 =	sor.u32 s3, s15;
	v4 =	vld.idx.msk [tilespmem:v3+s13+$0x0 ss:$0x1], $0xffff;
	[smem:$0x7F1] =	sst s5  }
0x168: {  	s3 =	sor.u32 $0x80, s17;
	v6 =	vld.idx.msk [tilespmem:v3+s17+$0x0 ss:$0x1], $0xffff  }
0x169: {  	s4 =	sadd.s32 s12, s2;
	v7 =	vld.idx.msk [tilespmem:v3+s3+$0x0 ss:$0x1], $0xffff  }
0x16a: {  	s18 =	sor.u32 $0x1040, s0;
	[tilespmem:s4+$0x0] =	vst.add.f32.msk $0xffff, v5  }
0x16b: {  	s1 =	sadd.s32 s13, s2;
	v5 =	vld.idx.msk [tilespmem:v3+s18+$0x0 ss:$0x1], $0xffff  }
0x16c: {  	s16 =	sor.u32 $0x10D0, s0;
	[tilespmem:s1+$0x0] =	vst.add.f32.msk $0xffff, v4  }
0x16d: {  	s5 =	sadd.s32 s17, s2;
	v4 =	vld.idx.msk [tilespmem:v3+s16+$0x0 ss:$0x1], $0xffff  }
0x16e: {  	s3 =	sadd.s32 s3, s2;
	[tilespmem:s5+$0x0] =	vst.add.f32.msk $0xffff, v6  }
0x16f: {  	s19 =	sor.u32 $0x90, s17;
	[tilespmem:s3+$0x0] =	vst.add.f32.msk $0xffff, v7  }
0x170: {  	s20 =	sor.u32 $0x10, s17;
	v6 =	vld.idx.msk [tilespmem:v3+s19+$0x0 ss:$0x1], $0xffff  }
0x171: {  	s4 =	sadd.s32 s18, s2;
	v7 =	vld.idx.msk [tilespmem:v3+s20+$0x0 ss:$0x1], $0xffff  }
0x172: {  	s22 =	sor.u32 $0x1050, s0;
	[tilespmem:s4+$0x0] =	vst.add.f32.msk $0xffff, v5  }
0x173: {  	s1 =	sadd.s32 s16, s2;
	v5 =	vld.idx.msk [tilespmem:v3+s22+$0x0 ss:$0x1], $0xffff  }
0x174: {  	s21 =	sor.u32 $0x10E0, s0;
	[tilespmem:s1+$0x0] =	vst.add.f32.msk $0xffff, v4  }
0x175: {  	s3 =	sadd.s32 s19, s2;
	v4 =	vld.idx.msk [tilespmem:v3+s21+$0x0 ss:$0x1], $0xffff  }
0x176: {  	s25 =	sadd.s32 s20, s2;
	[tilespmem:s3+$0x0] =	vst.add.f32.msk $0xffff, v6  }
0x177: {  	s24 =	sor.u32 $0xA0, s17;
	[tilespmem:s25+$0x0] =	vst.add.f32.msk $0xffff, v7  }
0x178: {  	s29 =	sor.u32 $0x20, s17;
	v6 =	vld.idx.msk [tilespmem:v3+s24+$0x0 ss:$0x1], $0xffff  }
0x179: {  	s30 =	sadd.s32 s22, s2;
	v7 =	vld.idx.msk [tilespmem:v3+s29+$0x0 ss:$0x1], $0xffff  }
0x17a: {  	s1 =	sadd.s32 s21, s2;
	[tilespmem:s30+$0x0] =	vst.add.f32.msk $0xffff, v5  }
0x17b: {  	s26 =	sor.u32 $0x10F0, s0;
	[tilespmem:s1+$0x0] =	vst.add.f32.msk $0xffff, v4  }
0x17c: {  	s3 =	sadd.s32 s24, s2;
	v4 =	vld.idx.msk [tilespmem:v3+s26+$0x0 ss:$0x1], $0xffff  }
0x17d: {  	s7 =	sor.u32 $0x1060, s0;
	[tilespmem:s3+$0x0] =	vst.add.f32.msk $0xffff, v6  }
0x17e: {  	s4 =	sadd.s32 s29, s2;
	v6 =	vld.idx.msk [tilespmem:v3+s7+$0x0 ss:$0x1], $0xffff  }
0x17f: {  	s9 =	sor.u32 $0x30, s17;
	[tilespmem:s4+$0x0] =	vst.add.f32.msk $0xffff, v7  }
0x180: {  	s6 =	sor.u32 $0xB0, s17;
	v7 =	vld.idx.msk [tilespmem:v3+s9+$0x0 ss:$0x1], $0xffff  }
0x181: {  	s1 =	sadd.s32 s26, s2;
	v5 =	vld.idx.msk [tilespmem:v3+s6+$0x0 ss:$0x1], $0xffff  }
0x182: {  	s11 =	sadd.s32 s7, s2;
	[tilespmem:s1+$0x0] =	vst.add.f32.msk $0xffff, v4  }
0x183: {  	s8 =	sor.u32 $0x1480, s0;
	[tilespmem:s11+$0x0] =	vst.add.f32.msk $0xffff, v6  }
0x184: {  	s13 =	sadd.s32 s9, s2;
	v4 =	vld.idx.msk [tilespmem:v3+s8+$0x0 ss:$0x1], $0xffff  }
0x185: {  	s16 =	sor.u32 $0x1070, s0;
	[tilespmem:s13+$0x0] =	vst.add.f32.msk $0xffff, v7  }
0x186: {  	s3 =	sadd.s32 s6, s2;
	v7 =	vld.idx.msk [tilespmem:v3+s16+$0x0 ss:$0x1], $0xffff  }
0x187: {  	s10 =	sor.u32 $0xC0, s17;
	[tilespmem:s3+$0x0] =	vst.add.f32.msk $0xffff, v5  }
0x188: {  	s14 =	sor.u32 $0x40, s17;
	v5 =	vld.idx.msk [tilespmem:v3+s10+$0x0 ss:$0x1], $0xffff  }
0x189: {  	s1 =	sadd.s32 s8, s2;
	v6 =	vld.idx.msk [tilespmem:v3+s14+$0x0 ss:$0x1], $0xffff  }
0x18a: {  	s4 =	sadd.s32 s16, s2;
	[tilespmem:s1+$0x0] =	vst.add.f32.msk $0xffff, v4  }
0x18b: {  	s12 =	sor.u32 $0x1490, s0;
	[tilespmem:s4+$0x0] =	vst.add.f32.msk $0xffff, v7  }
0x18c: {  	s3 =	sadd.s32 s10, s2;
	v4 =	vld.idx.msk [tilespmem:v3+s12+$0x0 ss:$0x1], $0xffff  }
0x18d: {  	s5 =	sadd.s32 s14, s2;
	[tilespmem:s3+$0x0] =	vst.add.f32.msk $0xffff, v5  }
0x18e: {  	s15 =	sor.u32 $0xD0, s17;
	[tilespmem:s5+$0x0] =	vst.add.f32.msk $0xffff, v6  }
0x18f: {  	s19 =	sor.u32 $0x50, s17;
	v5 =	vld.idx.msk [tilespmem:v3+s15+$0x0 ss:$0x1], $0xffff  }
0x190: {  	s26 =	sor.u32 $0x1400, s0;
	v6 =	vld.idx.msk [tilespmem:v3+s19+$0x0 ss:$0x1], $0xffff  }
0x191: {  	s1 =	sadd.s32 s12, s2;
	v7 =	vld.idx.msk [tilespmem:v3+s26+$0x0 ss:$0x1], $0xffff  }
0x192: {  	s18 =	sor.u32 $0x14A0, s0;
	[tilespmem:s1+$0x0] =	vst.add.f32.msk $0xffff, v4  }
0x193: {  	s3 =	sadd.s32 s15, s2;
	v4 =	vld.idx.msk [tilespmem:v3+s18+$0x0 ss:$0x1], $0xffff  }
0x194: {  	s22 =	sadd.s32 s19, s2;
	[tilespmem:s3+$0x0] =	vst.add.f32.msk $0xffff, v5  }
0x195: {  	s20 =	sor.u32 $0xE0, s17;
	[tilespmem:s22+$0x0] =	vst.add.f32.msk $0xffff, v6  }
0x196: {  	s24 =	sor.u32 $0x60, s17;
	v5 =	vld.idx.msk [tilespmem:v3+s20+$0x0 ss:$0x1], $0xffff  }
0x197: {  	s4 =	sadd.s32 s26, s2;
	v6 =	vld.idx.msk [tilespmem:v3+s24+$0x0 ss:$0x1], $0xffff  }
0x198: {  	s1 =	sadd.s32 s18, s2;
	[tilespmem:s4+$0x0] =	vst.add.f32.msk $0xffff, v7  }
0x199: {  	s21 =	sor.u32 $0x14B0, s0;
	[tilespmem:s1+$0x0] =	vst.add.f32.msk $0xffff, v4  }
0x19a: {  	s3 =	sadd.s32 s20, s2;
	v4 =	vld.idx.msk [tilespmem:v3+s21+$0x0 ss:$0x1], $0xffff  }
0x19b: {  	s5 =	sadd.s32 s24, s2;
	[tilespmem:s3+$0x0] =	vst.add.f32.msk $0xffff, v5  }
0x19c: {  	s25 =	sor.u32 $0xF0, s17;
	[tilespmem:s5+$0x0] =	vst.add.f32.msk $0xffff, v6  }
0x19d: {  	s30 =	sor.u32 $0x70, s17;
	v5 =	vld.idx.msk [tilespmem:v3+s25+$0x0 ss:$0x1], $0xffff  }
0x19e: {  	s11 =	sor.u32 $0x1410, s0;
	v6 =	vld.idx.msk [tilespmem:v3+s30+$0x0 ss:$0x1], $0xffff  }
0x19f: {  	v7 =	vld.idx.msk [tilespmem:v3+s11+$0x0 ss:$0x1], $0xffff;
	s1 =	sadd.s32 s21, s2  }
0x1a0: {  	s29 =	sor.u32 $0x14C0, s0;
	[tilespmem:s1+$0x0] =	vst.add.f32.msk $0xffff, v4  }
0x1a1: {  	s3 =	sadd.s32 s25, s2;
	v4 =	vld.idx.msk [tilespmem:v3+s29+$0x0 ss:$0x1], $0xffff  }
0x1a2: {  	s8 =	sadd.s32 s30, s2;
	[tilespmem:s3+$0x0] =	vst.add.f32.msk $0xffff, v5  }
0x1a3: {  	s5 =	sor.u32 $0x480, s17;
	[tilespmem:s8+$0x0] =	vst.add.f32.msk $0xffff, v6  }
0x1a4: {  	s9 =	sor.u32 $0x400, s17;
	v5 =	vld.idx.msk [tilespmem:v3+s5+$0x0 ss:$0x1], $0xffff  }
0x1a5: {  	s4 =	sadd.s32 s11, s2;
	v6 =	vld.idx.msk [tilespmem:v3+s9+$0x0 ss:$0x1], $0xffff  }
0x1a6: {  	[tilespmem:s4+$0x0] =	vst.add.f32.msk $0xffff, v7;
	s1 =	sadd.s32 s29, s2  }
0x1a7: {  	s7 =	sor.u32 $0x14D0, s0;
	[tilespmem:s1+$0x0] =	vst.add.f32.msk $0xffff, v4  }
0x1a8: {  	s3 =	sadd.s32 s5, s2;
	v4 =	vld.idx.msk [tilespmem:v3+s7+$0x0 ss:$0x1], $0xffff  }
0x1a9: {  	s5 =	sadd.s32 s9, s2;
	[tilespmem:s3+$0x0] =	vst.add.f32.msk $0xffff, v5  }
0x1aa: {  	s10 =	sor.u32 $0x490, s17;
	[tilespmem:s5+$0x0] =	vst.add.f32.msk $0xffff, v6  }
0x1ab: {  	s13 =	sor.u32 $0x410, s17;
	v5 =	vld.idx.msk [tilespmem:v3+s10+$0x0 ss:$0x1], $0xffff  }
0x1ac: {  	s1 =	sadd.s32 s7, s2;
	s7 =	sor.u32 $0x1420, s0;
	v6 =	vld.idx.msk [tilespmem:v3+s13+$0x0 ss:$0x1], $0xffff  }
0x1ad: {  	v7 =	vld.idx.msk [tilespmem:v3+s7+$0x0 ss:$0x1], $0xffff  }
0x1ae: {  	s12 =	sor.u32 $0x14E0, s0;
	[tilespmem:s1+$0x0] =	vst.add.f32.msk $0xffff, v4  }
0x1af: {  	s3 =	sadd.s32 s10, s2;
	v4 =	vld.idx.msk [tilespmem:v3+s12+$0x0 ss:$0x1], $0xffff  }
0x1b0: {  	s16 =	sadd.s32 s13, s2;
	[tilespmem:s3+$0x0] =	vst.add.f32.msk $0xffff, v5  }
0x1b1: {  	s30 =	sadd.s32 s7, s2;
	[tilespmem:s16+$0x0] =	vst.add.f32.msk $0xffff, v6  }
0x1b2: {  	s14 =	sor.u32 $0x4A0, s17;
	[tilespmem:s30+$0x0] =	vst.add.f32.msk $0xffff, v7  }
0x1b3: {  	s18 =	sor.u32 $0x420, s17;
	v5 =	vld.idx.msk [tilespmem:v3+s14+$0x0 ss:$0x1], $0xffff  }
0x1b4: {  	s1 =	sadd.s32 s12, s2;
	s12 =	sor.u32 $0x1430, s0;
	v6 =	vld.idx.msk [tilespmem:v3+s18+$0x0 ss:$0x1], $0xffff  }
0x1b5: {  	v7 =	vld.idx.msk [tilespmem:v3+s12+$0x0 ss:$0x1], $0xffff  }
0x1b6: {  	s15 =	sor.u32 $0x14F0, s0;
	[tilespmem:s1+$0x0] =	vst.add.f32.msk $0xffff, v4  }
0x1b7: {  	s19 =	sadd.s32 s14, s2;
	v4 =	vld.idx.msk [tilespmem:v3+s15+$0x0 ss:$0x1], $0xffff  }
0x1b8: {  	s5 =	sadd.s32 s18, s2;
	[tilespmem:s19+$0x0] =	vst.add.f32.msk $0xffff, v5  }
0x1b9: {  	s6 =	sadd.s32 s12, s2;
	[tilespmem:s5+$0x0] =	vst.add.f32.msk $0xffff, v6  }
0x1ba: {  	s20 =	sand.u32 $0x3, s23;
	s21 =	sor.u32 $0x4B0, s17;
	[tilespmem:s6+$0x0] =	vst.add.f32.msk $0xffff, v7  }
0x1bb: {  	s22 =	sshll.u32 s20, $0x8;
	s25 =	sor.u32 $0x430, s17;
	v5 =	vld.idx.msk [tilespmem:v3+s21+$0x0 ss:$0x1], $0xffff  }
0x1bc: {  	s26 =	sadd.s32 s21, s2;
	s1 =	sadd.s32 $0x0, s22;
	v6 =	vld.idx.msk [tilespmem:v3+s25+$0x0 ss:$0x1], $0xffff;
	s21 =	sor.u32 $0x1440, s0  }
0x1bd: {  	s4 =	sadd.s32 s15, s2;
	s3 =	sadd.s32 $0x80, s1;
	v7 =	vld.idx.msk [tilespmem:v3+s21+$0x0 ss:$0x1], $0xffff  }
0x1be: {  	s24 =	sor.u32 $0x1800, s3;
	[tilespmem:s4+$0x0] =	vst.add.f32.msk $0xffff, v4  }
0x1bf: {  	v4 =	vld.idx.msk [tilespmem:v3+s24+$0x0 ss:$0x1], $0xffff  }
0x1c0: {  	s9 =	sadd.s32 s25, s2;
	[tilespmem:s26+$0x0] =	vst.add.f32.msk $0xffff, v5  }
0x1c1: {  	s29 =	sor.u32 $0x4C0, s17;
	[tilespmem:s9+$0x0] =	vst.add.f32.msk $0xffff, v6  }
0x1c2: {  	s10 =	sor.u32 $0x440, s17;
	v5 =	vld.idx.msk [tilespmem:v3+s29+$0x0 ss:$0x1], $0xffff  }
0x1c3: {  	s6 =	sadd.s32 s21, s2;
	v6 =	vld.idx.msk [tilespmem:v3+s10+$0x0 ss:$0x1], $0xffff  }
0x1c4: {  	s8 =	sor.u32 $0x1450, s0;
	[tilespmem:s6+$0x0] =	vst.add.f32.msk $0xffff, v7  }
0x1c5: {  	s4 =	sadd.s32 s24, s2;
	v7 =	vld.idx.msk [tilespmem:v3+s8+$0x0 ss:$0x1], $0xffff  }
0x1c6: {  	s7 =	sor.u32 $0x1810, s3;
	[tilespmem:s4+$0x0] =	vst.add.f32.msk $0xffff, v4  }
0x1c7: {  	s5 =	sadd.s32 s29, s2;
	v4 =	vld.idx.msk [tilespmem:v3+s7+$0x0 ss:$0x1], $0xffff  }
0x1c8: {  	s11 =	sor.u32 $0x4D0, s17;
	[tilespmem:s5+$0x0] =	vst.add.f32.msk $0xffff, v5  }
0x1c9: {  	s4 =	sadd.s32 s7, s2;
	s7 =	sadd.s32 s10, s2;
	v5 =	vld.idx.msk [tilespmem:v3+s11+$0x0 ss:$0x1], $0xffff  }
0x1ca: {  	s14 =	sor.u32 $0x450, s17;
	[tilespmem:s7+$0x0] =	vst.add.f32.msk $0xffff, v6  }
0x1cb: {  	v6 =	vld.idx.msk [tilespmem:v3+s14+$0x0 ss:$0x1], $0xffff  }
0x1cc: {  	s13 =	sor.u32 $0x1820, s3;
	[tilespmem:s4+$0x0] =	vst.add.f32.msk $0xffff, v4  }
0x1cd: {  	s5 =	sadd.s32 s11, s2;
	v4 =	vld.idx.msk [tilespmem:v3+s13+$0x0 ss:$0x1], $0xffff  }
0x1ce: {  	s15 =	sor.u32 $0x4E0, s17;
	[tilespmem:s5+$0x0] =	vst.add.f32.msk $0xffff, v5  }
0x1cf: {  	s18 =	sadd.s32 s14, s2;
	v5 =	vld.idx.msk [tilespmem:v3+s15+$0x0 ss:$0x1], $0xffff  }
0x1d0: {  	s19 =	sor.u32 $0x460, s17;
	[tilespmem:s18+$0x0] =	vst.add.f32.msk $0xffff, v6  }
0x1d1: {  	s4 =	sadd.s32 s13, s2;
	v6 =	vld.idx.msk [tilespmem:v3+s19+$0x0 ss:$0x1], $0xffff  }
0x1d2: {  	s16 =	sor.u32 $0x1830, s3;
	[tilespmem:s4+$0x0] =	vst.add.f32.msk $0xffff, v4  }
0x1d3: {  	s5 =	sadd.s32 s15, s2;
	v4 =	vld.idx.msk [tilespmem:v3+s16+$0x0 ss:$0x1], $0xffff  }
0x1d4: {  	s20 =	sor.u32 $0x4F0, s17;
	[tilespmem:s5+$0x0] =	vst.add.f32.msk $0xffff, v5  }
0x1d5: {  	s7 =	sadd.s32 s19, s2;
	v5 =	vld.idx.msk [tilespmem:v3+s20+$0x0 ss:$0x1], $0xffff  }
0x1d6: {  	s24 =	sor.u32 $0x470, s17;
	[tilespmem:s7+$0x0] =	vst.add.f32.msk $0xffff, v6  }
0x1d7: {  	s4 =	sadd.s32 s16, s2;
	v6 =	vld.idx.msk [tilespmem:v3+s24+$0x0 ss:$0x1], $0xffff  }
0x1d8: {  	s22 =	sor.u32 $0x1840, s3;
	[tilespmem:s4+$0x0] =	vst.add.f32.msk $0xffff, v4  }
0x1d9: {  	s5 =	sadd.s32 s20, s2;
	v4 =	vld.idx.msk [tilespmem:v3+s22+$0x0 ss:$0x1], $0xffff  }
0x1da: {  	s25 =	sor.u32 $0x880, s17;
	[tilespmem:s5+$0x0] =	vst.add.f32.msk $0xffff, v5  }
0x1db: {  	s29 =	sadd.s32 s24, s2;
	v5 =	vld.idx.msk [tilespmem:v3+s25+$0x0 ss:$0x1], $0xffff  }
0x1dc: {  	s30 =	sor.u32 $0x800, s17;
	[tilespmem:s29+$0x0] =	vst.add.f32.msk $0xffff, v6  }
0x1dd: {  	s4 =	sadd.s32 s22, s2;
	v6 =	vld.idx.msk [tilespmem:v3+s30+$0x0 ss:$0x1], $0xffff  }
0x1de: {  	s26 =	sor.u32 $0x1850, s3;
	[tilespmem:s4+$0x0] =	vst.add.f32.msk $0xffff, v4  }
0x1df: {  	s5 =	sadd.s32 s25, s2;
	v4 =	vld.idx.msk [tilespmem:v3+s26+$0x0 ss:$0x1], $0xffff  }
0x1e0: {  	s6 =	sor.u32 $0x890, s17;
	[tilespmem:s5+$0x0] =	vst.add.f32.msk $0xffff, v5  }
0x1e1: {  	s7 =	sadd.s32 s30, s2;
	v5 =	vld.idx.msk [tilespmem:v3+s6+$0x0 ss:$0x1], $0xffff  }
0x1e2: {  	s10 =	sor.u32 $0x810, s17;
	[tilespmem:s7+$0x0] =	vst.add.f32.msk $0xffff, v6  }
0x1e3: {  	s5 =	sadd.s32 s6, s2;
	s6 =	sadd.s32 s8, s2;
	v6 =	vld.idx.msk [tilespmem:v3+s10+$0x0 ss:$0x1], $0xffff  }
0x1e4: {  	s16 =	sor.u32 $0x1460, s0;
	[tilespmem:s6+$0x0] =	vst.add.f32.msk $0xffff, v7  }
0x1e5: {  	s4 =	sadd.s32 s26, s2;
	v7 =	vld.idx.msk [tilespmem:v3+s16+$0x0 ss:$0x1], $0xffff  }
0x1e6: {  	s9 =	sor.u32 $0x1860, s3;
	[tilespmem:s4+$0x0] =	vst.add.f32.msk $0xffff, v4  }
0x1e7: {  	v4 =	vld.idx.msk [tilespmem:v3+s9+$0x0 ss:$0x1], $0xffff  }
0x1e8: {  	s11 =	sor.u32 $0x8A0, s17;
	[tilespmem:s5+$0x0] =	vst.add.f32.msk $0xffff, v5  }
0x1e9: {  	s13 =	sadd.s32 s10, s2;
	v5 =	vld.idx.msk [tilespmem:v3+s11+$0x0 ss:$0x1], $0xffff  }
0x1ea: {  	s14 =	sor.u32 $0x820, s17;
	[tilespmem:s13+$0x0] =	vst.add.f32.msk $0xffff, v6  }
0x1eb: {  	s6 =	sadd.s32 s16, s2;
	v6 =	vld.idx.msk [tilespmem:v3+s14+$0x0 ss:$0x1], $0xffff  }
0x1ec: {  	s0 =	sor.u32 $0x1470, s0;
	[tilespmem:s6+$0x0] =	vst.add.f32.msk $0xffff, v7  }
0x1ed: {  	s4 =	sadd.s32 s9, s2;
	v7 =	vld.idx.msk [tilespmem:v3+s0+$0x0 ss:$0x1], $0xffff  }
0x1ee: {  	s12 =	sor.u32 $0x1870, s3;
	[tilespmem:s4+$0x0] =	vst.add.f32.msk $0xffff, v4  }
0x1ef: {  	s5 =	sadd.s32 s11, s2;
	v4 =	vld.idx.msk [tilespmem:v3+s12+$0x0 ss:$0x1], $0xffff  }
0x1f0: {  	s15 =	sor.u32 $0x8B0, s17;
	[tilespmem:s5+$0x0] =	vst.add.f32.msk $0xffff, v5  }
0x1f1: {  	s7 =	sadd.s32 s14, s2;
	v5 =	vld.idx.msk [tilespmem:v3+s15+$0x0 ss:$0x1], $0xffff  }
0x1f2: {  	s19 =	sor.u32 $0x830, s17;
	[tilespmem:s7+$0x0] =	vst.add.f32.msk $0xffff, v6  }
0x1f3: {  	s0 =	sadd.s32 s0, s2;
	v6 =	vld.idx.msk [tilespmem:v3+s19+$0x0 ss:$0x1], $0xffff  }
0x1f4: {  	s5 =	sadd.s32 s15, s2;
	s15 =	sor.u32 $0x1800, s1;
	[tilespmem:s0+$0x0] =	vst.add.f32.msk $0xffff, v7  }
0x1f5: {  	s4 =	sadd.s32 s12, s2;
	v7 =	vld.idx.msk [tilespmem:v3+s15+$0x0 ss:$0x1], $0xffff  }
0x1f6: {  	s18 =	sor.u32 $0x1C00, s3;
	[tilespmem:s4+$0x0] =	vst.add.f32.msk $0xffff, v4  }
0x1f7: {  	v4 =	vld.idx.msk [tilespmem:v3+s18+$0x0 ss:$0x1], $0xffff  }
0x1f8: {  	s20 =	sor.u32 $0x8C0, s17;
	[tilespmem:s5+$0x0] =	vst.add.f32.msk $0xffff, v5  }
0x1f9: {  	s22 =	sadd.s32 s19, s2;
	v5 =	vld.idx.msk [tilespmem:v3+s20+$0x0 ss:$0x1], $0xffff  }
0x1fa: {  	s24 =	sor.u32 $0x840, s17;
	[tilespmem:s22+$0x0] =	vst.add.f32.msk $0xffff, v6  }
0x1fb: {  	s4 =	sadd.s32 s18, s2;
	v6 =	vld.idx.msk [tilespmem:v3+s24+$0x0 ss:$0x1], $0xffff  }
0x1fc: {  	s21 =	sor.u32 $0x1C10, s3;
	[tilespmem:s4+$0x0] =	vst.add.f32.msk $0xffff, v4  }
0x1fd: {  	s5 =	sadd.s32 s20, s2;
	v4 =	vld.idx.msk [tilespmem:v3+s21+$0x0 ss:$0x1], $0xffff  }
0x1fe: {  	s25 =	sor.u32 $0x8D0, s17;
	[tilespmem:s5+$0x0] =	vst.add.f32.msk $0xffff, v5  }
0x1ff: {  	s29 =	sadd.s32 s24, s2;
	v5 =	vld.idx.msk [tilespmem:v3+s25+$0x0 ss:$0x1], $0xffff  }
0x200: {  	s30 =	sor.u32 $0x850, s17;
	[tilespmem:s29+$0x0] =	vst.add.f32.msk $0xffff, v6  }
0x201: {  	s4 =	sadd.s32 s21, s2;
	v6 =	vld.idx.msk [tilespmem:v3+s30+$0x0 ss:$0x1], $0xffff  }
0x202: {  	s26 =	sor.u32 $0x1C20, s3;
	[tilespmem:s4+$0x0] =	vst.add.f32.msk $0xffff, v4  }
0x203: {  	s5 =	sadd.s32 s25, s2;
	v4 =	vld.idx.msk [tilespmem:v3+s26+$0x0 ss:$0x1], $0xffff  }
0x204: {  	s8 =	sor.u32 $0x8E0, s17;
	[tilespmem:s5+$0x0] =	vst.add.f32.msk $0xffff, v5  }
0x205: {  	s11 =	sadd.s32 s30, s2;
	v5 =	vld.idx.msk [tilespmem:v3+s8+$0x0 ss:$0x1], $0xffff  }
0x206: {  	s5 =	sadd.s32 s15, s2;
	[tilespmem:s11+$0x0] =	vst.add.f32.msk $0xffff, v6  }
0x207: {  	s12 =	sor.u32 $0x860, s17;
	[tilespmem:s5+$0x0] =	vst.add.f32.msk $0xffff, v7  }
0x208: {  	s25 =	sor.u32 $0x1810, s1;
	v6 =	vld.idx.msk [tilespmem:v3+s12+$0x0 ss:$0x1], $0xffff  }
0x209: {  	s9 =	sadd.s32 s26, s2;
	v7 =	vld.idx.msk [tilespmem:v3+s25+$0x0 ss:$0x1], $0xffff  }
0x20a: {  	s10 =	sor.u32 $0x1C30, s3;
	[tilespmem:s9+$0x0] =	vst.add.f32.msk $0xffff, v4  }
0x20b: {  	s13 =	sadd.s32 s8, s2;
	v4 =	vld.idx.msk [tilespmem:v3+s10+$0x0 ss:$0x1], $0xffff  }
0x20c: {  	s14 =	sor.u32 $0x8F0, s17;
	[tilespmem:s13+$0x0] =	vst.add.f32.msk $0xffff, v5  }
0x20d: {  	s6 =	sadd.s32 s12, s2;
	v5 =	vld.idx.msk [tilespmem:v3+s14+$0x0 ss:$0x1], $0xffff  }
0x20e: {  	s5 =	sadd.s32 s25, s2;
	[tilespmem:s6+$0x0] =	vst.add.f32.msk $0xffff, v6  }
0x20f: {  	s18 =	sor.u32 $0x870, s17;
	[tilespmem:s5+$0x0] =	vst.add.f32.msk $0xffff, v7  }
0x210: {  	s0 =	sadd.s32 s10, s2;
	v6 =	vld.idx.msk [tilespmem:v3+s18+$0x0 ss:$0x1], $0xffff  }
0x211: {  	s16 =	sor.u32 $0x1C40, s3;
	[tilespmem:s0+$0x0] =	vst.add.f32.msk $0xffff, v4  }
0x212: {  	s4 =	sadd.s32 s14, s2;
	v4 =	vld.idx.msk [tilespmem:v3+s16+$0x0 ss:$0x1], $0xffff  }
0x213: {  	s19 =	sor.u32 $0xC80, s17;
	[tilespmem:s4+$0x0] =	vst.add.f32.msk $0xffff, v5  }
0x214: {  	s21 =	sadd.s32 s18, s2;
	v5 =	vld.idx.msk [tilespmem:v3+s19+$0x0 ss:$0x1], $0xffff  }
0x215: {  	s22 =	sor.u32 $0xC00, s17;
	[tilespmem:s21+$0x0] =	vst.add.f32.msk $0xffff, v6  }
0x216: {  	s0 =	sadd.s32 s16, s2;
	v6 =	vld.idx.msk [tilespmem:v3+s22+$0x0 ss:$0x1], $0xffff  }
0x217: {  	s20 =	sor.u32 $0x1C50, s3;
	[tilespmem:s0+$0x0] =	vst.add.f32.msk $0xffff, v4  }
0x218: {  	s4 =	sadd.s32 s19, s2;
	v4 =	vld.idx.msk [tilespmem:v3+s20+$0x0 ss:$0x1], $0xffff  }
0x219: {  	s24 =	sor.u32 $0xC90, s17;
	[tilespmem:s4+$0x0] =	vst.add.f32.msk $0xffff, v5  }
0x21a: {  	s6 =	sadd.s32 s22, s2;
	v5 =	vld.idx.msk [tilespmem:v3+s24+$0x0 ss:$0x1], $0xffff  }
0x21b: {  	s29 =	sor.u32 $0xC10, s17;
	[tilespmem:s6+$0x0] =	vst.add.f32.msk $0xffff, v6  }
0x21c: {  	s0 =	sadd.s32 s20, s2;
	v6 =	vld.idx.msk [tilespmem:v3+s29+$0x0 ss:$0x1], $0xffff  }
0x21d: {  	s26 =	sor.u32 $0x1C60, s3;
	[tilespmem:s0+$0x0] =	vst.add.f32.msk $0xffff, v4  }
0x21e: {  	s4 =	sadd.s32 s24, s2;
	v4 =	vld.idx.msk [tilespmem:v3+s26+$0x0 ss:$0x1], $0xffff  }
0x21f: {  	s30 =	sor.u32 $0xCA0, s17;
	[tilespmem:s4+$0x0] =	vst.add.f32.msk $0xffff, v5  }
0x220: {  	s7 =	sadd.s32 s29, s2;
	v5 =	vld.idx.msk [tilespmem:v3+s30+$0x0 ss:$0x1], $0xffff  }
0x221: {  	s8 =	sor.u32 $0xC20, s17;
	[tilespmem:s7+$0x0] =	vst.add.f32.msk $0xffff, v6  }
0x222: {  	s0 =	sadd.s32 s26, s2;
	v6 =	vld.idx.msk [tilespmem:v3+s8+$0x0 ss:$0x1], $0xffff  }
0x223: {  	s6 =	sor.u32 $0x1C70, s3;
	[tilespmem:s0+$0x0] =	vst.add.f32.msk $0xffff, v4  }
0x224: {  	s11 =	sor.u32 $0x1820, s1;
	v4 =	vld.idx.msk [tilespmem:v3+s6+$0x0 ss:$0x1], $0xffff  }
0x225: {  	s9 =	sadd.s32 s30, s2;
	v7 =	vld.idx.msk [tilespmem:v3+s11+$0x0 ss:$0x1], $0xffff  }
0x226: {  	s10 =	sor.u32 $0xCB0, s17;
	[tilespmem:s9+$0x0] =	vst.add.f32.msk $0xffff, v5  }
0x227: {  	s5 =	sadd.s32 s8, s2;
	v5 =	vld.idx.msk [tilespmem:v3+s10+$0x0 ss:$0x1], $0xffff  }
0x228: {  	s0 =	sadd.s32 s6, s2;
	[tilespmem:s5+$0x0] =	vst.add.f32.msk $0xffff, v6  }
0x229: {  	s12 =	sor.u32 $0xC30, s17;
	[tilespmem:s0+$0x0] =	vst.add.f32.msk $0xffff, v4  }
0x22a: {  	s4 =	sadd.s32 s11, s2;
	v4 =	vld.idx.msk [tilespmem:v3+s12+$0x0 ss:$0x1], $0xffff  }
0x22b: {  	s14 =	sor.u32 $0x1830, s1;
	[tilespmem:s4+$0x0] =	vst.add.f32.msk $0xffff, v7  }
0x22c: {  	s3 =	sadd.s32 s10, s2;
	v6 =	vld.idx.msk [tilespmem:v3+s14+$0x0 ss:$0x1], $0xffff  }
0x22d: {  	s13 =	sor.u32 $0xCC0, s17;
	[tilespmem:s3+$0x0] =	vst.add.f32.msk $0xffff, v5  }
0x22e: {  	s0 =	sadd.s32 s12, s2;
	v5 =	vld.idx.msk [tilespmem:v3+s13+$0x0 ss:$0x1], $0xffff  }
0x22f: {  	s15 =	sor.u32 $0xC40, s17;
	[tilespmem:s0+$0x0] =	vst.add.f32.msk $0xffff, v4  }
0x230: {  	s19 =	sadd.s32 s14, s2;
	v4 =	vld.idx.msk [tilespmem:v3+s15+$0x0 ss:$0x1], $0xffff  }
0x231: {  	s20 =	sor.u32 $0x1840, s1;
	[tilespmem:s19+$0x0] =	vst.add.f32.msk $0xffff, v6  }
0x232: {  	s16 =	sadd.s32 s13, s2;
	v6 =	vld.idx.msk [tilespmem:v3+s20+$0x0 ss:$0x1], $0xffff  }
0x233: {  	s18 =	sor.u32 $0xCD0, s17;
	[tilespmem:s16+$0x0] =	vst.add.f32.msk $0xffff, v5  }
0x234: {  	s21 =	sadd.s32 s15, s2;
	v5 =	vld.idx.msk [tilespmem:v3+s18+$0x0 ss:$0x1], $0xffff  }
0x235: {  	s22 =	sor.u32 $0xC50, s17;
	[tilespmem:s21+$0x0] =	vst.add.f32.msk $0xffff, v4  }
0x236: {  	s25 =	sadd.s32 s20, s2;
	v4 =	vld.idx.msk [tilespmem:v3+s22+$0x0 ss:$0x1], $0xffff  }
0x237: {  	s26 =	sor.u32 $0x1850, s1;
	[tilespmem:s25+$0x0] =	vst.add.f32.msk $0xffff, v6  }
0x238: {  	s0 =	sadd.s32 s18, s2;
	v6 =	vld.idx.msk [tilespmem:v3+s26+$0x0 ss:$0x1], $0xffff  }
0x239: {  	s24 =	sor.u32 $0xCE0, s17;
	[tilespmem:s0+$0x0] =	vst.add.f32.msk $0xffff, v5  }
0x23a: {  	s29 =	sadd.s32 s22, s2;
	v5 =	vld.idx.msk [tilespmem:v3+s24+$0x0 ss:$0x1], $0xffff  }
0x23b: {  	s30 =	sor.u32 $0xC60, s17;
	[tilespmem:s29+$0x0] =	vst.add.f32.msk $0xffff, v4  }
0x23c: {  	s7 =	sadd.s32 s26, s2;
	v4 =	vld.idx.msk [tilespmem:v3+s30+$0x0 ss:$0x1], $0xffff  }
0x23d: {  	s8 =	sor.u32 $0x1860, s1;
	[tilespmem:s7+$0x0] =	vst.add.f32.msk $0xffff, v6  }
0x23e: {  	s0 =	sadd.s32 s24, s2;
	v6 =	vld.idx.msk [tilespmem:v3+s8+$0x0 ss:$0x1], $0xffff  }
0x23f: {  	s6 =	sor.u32 $0xCF0, s17;
	[tilespmem:s0+$0x0] =	vst.add.f32.msk $0xffff, v5  }
0x240: {  	s9 =	sadd.s32 s30, s2;
	v5 =	vld.idx.msk [tilespmem:v3+s6+$0x0 ss:$0x1], $0xffff  }
0x241: {  	s10 =	sor.u32 $0xC70, s17;
	[tilespmem:s9+$0x0] =	vst.add.f32.msk $0xffff, v4  }
0x242: {  	s12 =	sadd.s32 s8, s2;
	v4 =	vld.idx.msk [tilespmem:v3+s10+$0x0 ss:$0x1], $0xffff  }
0x243: {  	s13 =	sor.u32 $0x1870, s1;
	[tilespmem:s12+$0x0] =	vst.add.f32.msk $0xffff, v6  }
0x244: {  	s0 =	sadd.s32 s6, s2;
	v6 =	vld.idx.msk [tilespmem:v3+s13+$0x0 ss:$0x1], $0xffff  }
0x245: {  	s11 =	sor.u32 $0x1080, s17;
	[tilespmem:s0+$0x0] =	vst.add.f32.msk $0xffff, v5  }
0x246: {  	s14 =	sadd.s32 s10, s2;
	v5 =	vld.idx.msk [tilespmem:v3+s11+$0x0 ss:$0x1], $0xffff  }
0x247: {  	s15 =	sor.u32 $0x1000, s17;
	[tilespmem:s14+$0x0] =	vst.add.f32.msk $0xffff, v4  }
0x248: {  	v4 =	vld.idx.msk [tilespmem:v3+s15+$0x0 ss:$0x1], $0xffff  }
0x249: {  	s19 =	sadd.s32 s13, s2  }
0x24a: {  	s0 =	sadd.s32 s11, s2;
	[tilespmem:s19+$0x0] =	vst.add.f32.msk $0xffff, v6  }
0x24b: {  	s16 =	sor.u32 $0x1090, s17;
	[tilespmem:s0+$0x0] =	vst.add.f32.msk $0xffff, v5  }
0x24c: {  	s18 =	sadd.s32 s15, s2;
	v5 =	vld.idx.msk [tilespmem:v3+s16+$0x0 ss:$0x1], $0xffff  }
0x24d: {  	s21 =	sor.u32 $0x1C00, s1;
	s10 =	sor.u32 $0x1040, s17;
	[tilespmem:s18+$0x0] =	vst.add.f32.msk $0xffff, v4  }
0x24e: {  	s26 =	sadd.s32 s10, s2;
	v6 =	vld.idx.msk [tilespmem:v3+s21+$0x0 ss:$0x1], $0xffff;
	[dreg:$0x19] =	wrdreg s10  }
0x24f: {  	s20 =	sor.u32 $0x1010, s17;
	[dreg:$0x17] =	wrdreg s26  }
0x250: {  	s0 =	sadd.s32 s16, s2;
	v4 =	vld.idx.msk [tilespmem:v3+s20+$0x0 ss:$0x1], $0xffff  }
0x251: {  	s29 =	sor.u32 $0x1070, s17;
	s30 =	sor.u32 $0x10A0, s17;
	[tilespmem:s0+$0x0] =	vst.add.f32.msk $0xffff, v5  }
0x252: {  	s15 =	sadd.s32 s21, s2;
	s21 =	sadd.s32 s29, s2;
	v5 =	vld.idx.msk [tilespmem:v3+s30+$0x0 ss:$0x1], $0xffff;
	[dreg:$0xe] =	wrdreg s29  }
0x253: {  	[dreg:$0xb] =	wrdreg s21  }
0x254: {  	s5 =	sor.u32 $0x1C70, s1;
	s7 =	sor.u32 $0x1C20, s1;
	s18 =	sor.u32 $0x1C10, s1;
	[tilespmem:s15+$0x0] =	vst.add.f32.msk $0xffff, v6  }
0x255: {  	s12 =	sor.u32 $0x1C50, s1;
	s6 =	sor.u32 $0x1020, s17;
	s11 =	sadd.s32 s20, s2;
	v6 =	vld.idx.msk [tilespmem:v3+s18+$0x0 ss:$0x1], $0xffff  }
0x256: {  	s13 =	sor.u32 $0x1C40, s1;
	s19 =	sor.u32 $0x1C30, s1;
	s26 =	sor.u32 $0x1400, s17;
	[tilespmem:s11+$0x0] =	vst.add.f32.msk $0xffff, v4  }
0x257: {  	s11 =	sor.u32 $0x1C60, s1;
	s1 =	sadd.s32 s26, s2;
	v7 =	vld.idx.msk [tilespmem:v3+s6+$0x0 ss:$0x1], $0xffff;
	[dreg:$0xf] =	wrdreg s26  }
0x258: {  	s0 =	sadd.s32 s30, s2;
	[dreg:$0x10] =	wrdreg s1  }
0x259: {  	s29 =	sor.u32 $0x10B0, s17;
	s30 =	sor.u32 $0x1410, s17;
	[tilespmem:s0+$0x0] =	vst.add.f32.msk $0xffff, v5  }
0x25a: {  	s15 =	sadd.s32 s30, s2;
	v8 =	vld.idx.msk [tilespmem:v3+s29+$0x0 ss:$0x1], $0xffff;
	[dreg:$0x11] =	wrdreg s30  }
0x25b: {  	s0 =	sor.u32 $0x1420, s17;
	[dreg:$0x12] =	wrdreg s15  }
0x25c: {  	s10 =	sadd.s32 s18, s2;
	[dreg:$0x14] =	wrdreg s0;
	s18 =	sadd.s32 s0, s2  }
0x25d: {  	[dreg:$0x13] =	wrdreg s18  }
0x25e: {  	s24 =	sor.u32 $0x1050, s17;
	s21 =	sor.u32 $0x1430, s17;
	[tilespmem:s10+$0x0] =	vst.add.f32.msk $0xffff, v6  }
0x25f: {  	s28 =	sadd.s32 s7, s2;
	s3 =	sadd.s32 s21, s2;
	[dreg:$0xd] =	wrdreg s21  }
0x260: {  	s22 =	sadd.s32 s24, s2;
	s26 =	sor.u32 $0x1440, s17;
	[dreg:$0xc] =	wrdreg s3  }
0x261: {  	s9 =	sor.u32 $0x1030, s17;
	s1 =	sadd.s32 s26, s2;
	v4 =	vld.idx.msk [tilespmem:v3+s7+$0x0 ss:$0x1], $0xffff;
	[dreg:$0x9] =	wrdreg s26  }
0x262: {  	s8 =	sadd.s32 s6, s2;
	s25 =	sadd.s32 s9, s2;
	[dreg:$0xa] =	wrdreg s1  }
0x263: {  	s14 =	simm.s32 $0x2;
	s6 =	sadd.s32 s29, s2;
	s29 =	sor.u32 $0x1450, s17;
	[tilespmem:s8+$0x0] =	vst.add.f32.msk $0xffff, v7  }
0x264: {  	s20 =	sor.u32 $0x1060, s17;
	s3 =	sadd.s32 s29, s2;
	[dreg:$0x6] =	wrdreg s29  }
0x265: {  	s16 =	sadd.s32 s20, s2;
	s30 =	sor.u32 $0x1460, s17;
	[dreg:$0x7] =	wrdreg s3  }
0x266: {  	s15 =	sadd.s32 s19, s2;
	s21 =	sor.u32 $0x1470, s17;
	[dreg:$0x5] =	wrdreg s30  }
0x267: {  	s0 =	sor.u32 $0x10C0, s17;
	s31 =	sadd.s32 s30, s2;
	s18 =	sadd.s32 s21, s2;
	v5 =	vld.idx.msk [tilespmem:v3+s9+$0x0 ss:$0x1], $0xffff  }
0x268: {  	s7 =	sadd.s32 s11, s2;
	s1 =	simm.s32 $0x200;
	s8 =	sadd.s32 s12, s2;
	[tilespmem:s6+$0x0] =	vst.add.f32.msk $0xffff, v8  }
0x269: {  	s3 =	simm.s32 $0x1000;
	s9 =	sadd.s32 s13, s2;
	s6 =	sadd.s32 s5, s2;
	v6 =	vld.idx.msk [tilespmem:v3+s0+$0x0 ss:$0x1], $0xffff  }
.LBB2_9:
0x26a: {  	[smem:$0x7B5] =	sst s21  }
0x26b: {  	[smem:$0x7D5] =	sst s12  }
0x26c: {  	[smem:$0x7B9] =	sst s18  }
0x26d: {  	[smem:$0x7C8] =	sst s15  }
0x26e: {  	[dreg:$0x1f] =	wrdreg s13  }
0x26f: {  	[dreg:$0x1e] =	wrdreg s9  }
0x270: {  	[dreg:$0x1d] =	wrdreg s8  }
0x271: {  	[dreg:$0x1c] =	wrdreg s11  }
0x272: {  	[dreg:$0x1b] =	wrdreg s7  }
0x273: {  	[dreg:$0x1a] =	wrdreg s5  }
0x274: {  	[dreg:$0x18] =	wrdreg s6  }
0x275: {  	[dreg:$0x16] =	wrdreg s3  }
0x276: {  	[dreg:$0x15] =	wrdreg s1  }
0x277: {  	s18 =	rddreg [dreg:$0x15]  }
0x278: {  	s15 =	sand.u32 $0x2000, s3;
	s14 =	sadd.s32 $0x2, s14;
	s3 =	sand.u32 $0x300, s18;
	[tilespmem:s28+$0x0] =	vst.add.f32.msk $0xffff, v4  }
0x279: {  	s21 =	sadd.s32 s0, s2;
	s12 =	rddreg [dreg:$0x19];
	s1 =	sor.u32 s3, s15;
	v4 =	vld.idx.msk [tilespmem:v3+s19+$0x0 ss:$0x1], $0xffff  }
0x27a: {  	[dreg:$0x8] =	wrdreg s14;
	p0 =	slt.u32 s14, $0xE;
	v7 =	vld.idx.msk [tilespmem:v3+s1+$0x0 ss:$0x1], $0xffff;
	s30 =	sor.u32 $0x60, s1  }
0x27b: {  	s15 =	sor.u32 $0x10D0, s17;
	s4 =	sor.u32 $0x80, s1;
	[tilespmem:s25+$0x0] =	vst.add.f32.msk $0xffff, v5;
	s25 =	sadd.s32 s30, s2  }
0x27c: {  	s3 =	sadd.s32 s1, s2;
	v8 =	vld.idx.msk [tilespmem:v3+s4+$0x0 ss:$0x1], $0xffff;
	[smem:$0x79B] =	sst s25;
	s25 =	sor.u32 $0x70, s1  }
0x27d: {  	s11 =	sor.u32 $0x10, s1;
	s19 =	sor.u32 $0x400, s1;
	[tilespmem:s21+$0x0] =	vst.add.f32.msk $0xffff, v6;
	s14 =	sadd.s32 s25, s2  }
0x27e: {  	v6 =	vld.idx.msk [tilespmem:v3+s12+$0x0 ss:$0x1], $0xffff;
	s18 =	sadd.s32 s19, s2;
	[smem:$0x79C] =	sst s14;
	s14 =	sor.u32 $0x410, s1  }
0x27f: {  	[smem:$0x79D] =	sst s18;
	[tilespmem:s3+$0x0] =	vst.add.f32.msk $0xffff, v7;
	s3 =	sor.u32 $0x420, s1;
	s21 =	sadd.s32 s14, s2  }
0x280: {  	s4 =	sadd.s32 s4, s2;
	v5 =	vld.idx.msk [tilespmem:v3+s15+$0x0 ss:$0x1], $0xffff;
	[smem:$0x79E] =	sst s21;
	s9 =	sadd.s32 s3, s2  }
0x281: {  	[tilespmem:s4+$0x0] =	vst.add.f32.msk $0xffff, v8;
	s4 =	sor.u32 $0x430, s1;
	s21 =	sor.u32 $0x450, s1;
	[smem:$0x79F] =	sst s9  }
0x282: {  	s13 =	sadd.s32 s11, s2;
	v8 =	vld.idx.msk [tilespmem:v3+s11+$0x0 ss:$0x1], $0xffff;
	s11 =	sadd.s32 s4, s2;
	[smem:$0x7A2] =	sst s21  }
0x283: {  	s9 =	sadd.s32 s21, s2;
	[smem:$0x7A0] =	sst s11  }
0x284: {  	s21 =	sor.u32 $0x470, s1;
	[smem:$0x7A4] =	sst s9  }
0x285: {  	s11 =	sor.u32 $0x440, s1;
	s9 =	sor.u32 $0x460, s1;
	[smem:$0x7A7] =	sst s21  }
0x286: {  	s12 =	sadd.s32 s11, s2;
	[smem:$0x7A5] =	sst s9  }
0x287: {  	[smem:$0x7A1] =	sst s12  }
0x288: {  	s12 =	sadd.s32 s9, s2;
	s9 =	sadd.s32 s21, s2;
	s21 =	rddreg [dreg:$0x17]  }
0x289: {  	[smem:$0x7A6] =	sst s12  }
0x28a: {  	[smem:$0x7A9] =	sst s9;
	s12 =	sor.u32 $0x800, s1  }
0x28b: {  	[tilespmem:s21+$0x0] =	vst.add.f32.msk $0xffff, v6;
	s21 =	sor.u32 $0x810, s1;
	[smem:$0x7AA] =	sst s12  }
0x28c: {  	s12 =	sadd.s32 s12, s2;
	[smem:$0x7AC] =	sst s21  }
0x28d: {  	s18 =	sor.u32 $0x90, s1;
	s9 =	sadd.s32 s21, s2;
	[smem:$0x7AB] =	sst s12  }
0x28e: {  	v7 =	vld.idx.msk [tilespmem:v3+s18+$0x0 ss:$0x1], $0xffff;
	s21 =	sor.u32 $0x830, s1;
	[smem:$0x7AE] =	sst s9  }
0x28f: {  	v6 =	vld.idx.msk [tilespmem:v3+s24+$0x0 ss:$0x1], $0xffff;
	s24 =	sor.u32 $0x840, s1;
	[smem:$0x7B1] =	sst s21  }
0x290: {  	s15 =	sadd.s32 s15, s2;
	s12 =	sor.u32 $0x820, s1;
	[smem:$0x7B4] =	sst s24  }
0x291: {  	[tilespmem:s15+$0x0] =	vst.add.f32.msk $0xffff, v5;
	s15 =	sor.u32 $0x10E0, s17;
	[smem:$0x7AF] =	sst s12;
	s9 =	sadd.s32 s12, s2  }
0x292: {  	v5 =	vld.idx.msk [tilespmem:v3+s15+$0x0 ss:$0x1], $0xffff;
	s12 =	sadd.s32 s21, s2;
	[smem:$0x7B0] =	sst s9  }
0x293: {  	s18 =	sadd.s32 s18, s2;
	s21 =	sor.u32 $0x860, s1;
	[smem:$0x7B3] =	sst s12  }
0x294: {  	[tilespmem:s18+$0x0] =	vst.add.f32.msk $0xffff, v7;
	s18 =	sor.u32 $0xA0, s1;
	s9 =	sadd.s32 s24, s2;
	[smem:$0x7BC] =	sst s21  }
0x295: {  	s12 =	sadd.s32 s15, s2;
	s15 =	sor.u32 $0x850, s1;
	[smem:$0x7B7] =	sst s9  }
0x296: {  	v7 =	vld.idx.msk [tilespmem:v3+s18+$0x0 ss:$0x1], $0xffff;
	s24 =	sor.u32 $0x870, s1;
	[smem:$0x7B8] =	sst s15  }
0x297: {  	[tilespmem:s12+$0x0] =	vst.add.f32.msk $0xffff, v5;
	s12 =	sadd.s32 s15, s2;
	[smem:$0x7BE] =	sst s24  }
0x298: {  	s9 =	sadd.s32 s21, s2;
	[smem:$0x7BB] =	sst s12  }
0x299: {  	s15 =	sor.u32 $0xC10, s1;
	[smem:$0x7BD] =	sst s9  }
0x29a: {  	s21 =	sadd.s32 s18, s2;
	s18 =	sor.u32 $0xC60, s1;
	[smem:$0x7C3] =	sst s15  }
0x29b: {  	s9 =	sadd.s32 s24, s2;
	[smem:$0x7D7] =	sst s18  }
0x29c: {  	s5 =	sor.u32 $0x20, s1;
	[tilespmem:s13+$0x0] =	vst.add.f32.msk $0xffff, v8;
	s12 =	sor.u32 $0xC00, s1;
	[smem:$0x7C0] =	sst s9  }
0x29d: {  	s10 =	sadd.s32 s5, s2;
	v8 =	vld.idx.msk [tilespmem:v3+s5+$0x0 ss:$0x1], $0xffff;
	s5 =	sadd.s32 s15, s2;
	[smem:$0x7C1] =	sst s12  }
0x29e: {  	[tilespmem:s22+$0x0] =	vst.add.f32.msk $0xffff, v6;
	s22 =	sor.u32 $0xC20, s1;
	[smem:$0x7C5] =	sst s5  }
0x29f: {  	s24 =	sor.u32 $0xC30, s1;
	[smem:$0x7C6] =	sst s22  }
0x2a0: {  	s13 =	sor.u32 $0x10F0, s17;
	s9 =	sadd.s32 s12, s2;
	[smem:$0x7CB] =	sst s24  }
0x2a1: {  	v5 =	vld.idx.msk [tilespmem:v3+s13+$0x0 ss:$0x1], $0xffff;
	s15 =	sadd.s32 s22, s2;
	[smem:$0x7C2] =	sst s9  }
0x2a2: {  	[tilespmem:s21+$0x0] =	vst.add.f32.msk $0xffff, v7;
	s12 =	sor.u32 $0xC40, s1;
	[smem:$0x7CA] =	sst s15  }
0x2a3: {  	v7 =	vld.idx.msk [tilespmem:v3+s20+$0x0 ss:$0x1], $0xffff;
	s20 =	sor.u32 $0xC70, s1;
	[smem:$0x7CE] =	sst s12  }
0x2a4: {  	s9 =	sadd.s32 s24, s2;
	[smem:$0x7DC] =	sst s20  }
0x2a5: {  	s15 =	sor.u32 $0xC50, s1;
	[smem:$0x7CD] =	sst s9  }
0x2a6: {  	s22 =	sadd.s32 s20, s2;
	[smem:$0x7D3] =	sst s15  }
0x2a7: {  	s8 =	sor.u32 $0x30, s1;
	s24 =	sor.u32 $0x1010, s1;
	[smem:$0x7DE] =	sst s22  }
0x2a8: {  	s6 =	sor.u32 $0x40, s1;
	s9 =	sadd.s32 s12, s2;
	[smem:$0x7E4] =	sst s24  }
0x2a9: {  	s7 =	sadd.s32 s8, s2;
	[tilespmem:s10+$0x0] =	vst.add.f32.msk $0xffff, v8;
	s10 =	sadd.s32 s24, s2;
	[smem:$0x7D2] =	sst s9  }
0x2aa: {  	s5 =	sor.u32 $0xB0, s1;
	s12 =	sor.u32 $0x1020, s1;
	[smem:$0x7E7] =	sst s10  }
0x2ab: {  	s13 =	sadd.s32 s13, s2;
	v6 =	vld.idx.msk [tilespmem:v3+s5+$0x0 ss:$0x1], $0xffff;
	s22 =	sor.u32 $0x1050, s1;
	[smem:$0x7E8] =	sst s12  }
0x2ac: {  	s21 =	sor.u32 $0x1000, s1;
	v8 =	vld.idx.msk [tilespmem:v3+s8+$0x0 ss:$0x1], $0xffff;
	s9 =	sadd.s32 s15, s2;
	[smem:$0x7D9] =	sst s22  }
0x2ad: {  	s8 =	sadd.s32 s12, s2;
	[smem:$0x7D6] =	sst s9;
	[tilespmem:s13+$0x0] =	vst.add.f32.msk $0xffff, v5;
	s13 =	sor.u32 $0x1480, s17  }
0x2ae: {  	s5 =	sadd.s32 s5, s2;
	s9 =	sadd.s32 s18, s2;
	[smem:$0x7EC] =	sst s8;
	v5 =	vld.idx.msk [tilespmem:v3+s13+$0x0 ss:$0x1], $0xffff  }
0x2af: {  	s18 =	sor.u32 $0xC0, s1;
	[smem:$0x7DB] =	sst s9;
	s9 =	sadd.s32 s21, s2;
	[tilespmem:s16+$0x0] =	vst.add.f32.msk $0xffff, v7  }
0x2b0: {  	s8 =	sadd.s32 s13, s2;
	[smem:$0x7E3] =	sst s9;
	[tilespmem:s5+$0x0] =	vst.add.f32.msk $0xffff, v6;
	s9 =	sor.u32 $0x1060, s1  }
0x2b1: {  	s13 =	sadd.s32 s18, s2;
	v6 =	vld.idx.msk [tilespmem:v3+s18+$0x0 ss:$0x1], $0xffff;
	s12 =	sadd.s32 s9, s2;
	s18 =	sor.u32 $0x1440, s1  }
0x2b2: {  	s26 =	sadd.s32 s6, s2;
	[tilespmem:s7+$0x0] =	vst.add.f32.msk $0xffff, v8;
	[smem:$0x7D0] =	sst s12;
	s12 =	sadd.s32 s18, s2  }
0x2b3: {  	s15 =	sor.u32 $0x1030, s1;
	s24 =	sadd.s32 s22, s2;
	v7 =	vld.idx.msk [tilespmem:v3+s6+$0x0 ss:$0x1], $0xffff;
	[smem:$0x7A8] =	sst s12  }
0x2b4: {  	s22 =	sor.u32 $0x1490, s17;
	s6 =	sor.u32 $0x1430, s1;
	s12 =	rddreg [dreg:$0xe];
	[tilespmem:s8+$0x0] =	vst.add.f32.msk $0xffff, v5  }
0x2b5: {  	[smem:$0x7ED] =	sst s15;
	s20 =	sadd.s32 s15, s2;
	s15 =	sadd.s32 s6, s2;
	v8 =	vld.idx.msk [tilespmem:v3+s12+$0x0 ss:$0x1], $0xffff  }
0x2b6: {  	[smem:$0x7A3] =	sst s15;
	s15 =	sor.u32 $0x1450, s1;
	v5 =	vld.idx.msk [tilespmem:v3+s22+$0x0 ss:$0x1], $0xffff  }
0x2b7: {  	s10 =	sor.u32 $0xD0, s1;
	[smem:$0x7E1] =	sst s20;
	[tilespmem:s13+$0x0] =	vst.add.f32.msk $0xffff, v6;
	s13 =	sadd.s32 s15, s2  }
0x2b8: {  	s0 =	sor.u32 $0x50, s1;
	v6 =	vld.idx.msk [tilespmem:v3+s10+$0x0 ss:$0x1], $0xffff;
	[smem:$0x7AD] =	sst s13;
	s13 =	sor.u32 $0x1460, s1  }
0x2b9: {  	s12 =	smov.u32 s23;
	s23 =	sadd.s32 s22, s2;
	[tilespmem:s26+$0x0] =	vst.add.f32.msk $0xffff, v7;
	s22 =	sadd.s32 s13, s2  }
0x2ba: {  	v7 =	vld.idx.msk [tilespmem:v3+s0+$0x0 ss:$0x1], $0xffff;
	[smem:$0x7B2] =	sst s22;
	s22 =	sor.u32 $0x1470, s1  }
0x2bb: {  	[smem:$0x7C7] =	sst s9;
	[tilespmem:s23+$0x0] =	vst.add.f32.msk $0xffff, v5;
	s23 =	sor.u32 $0x14A0, s17;
	s9 =	sadd.s32 s22, s2  }
0x2bc: {  	s16 =	sor.u32 $0x1070, s1;
	s10 =	sadd.s32 s10, s2;
	[smem:$0x7BA] =	sst s9;
	v5 =	vld.idx.msk [tilespmem:v3+s23+$0x0 ss:$0x1], $0xffff  }
0x2bd: {  	s20 =	sadd.s32 s16, s2;
	s9 =	smov.u32 s16;
	s16 =	rddreg [dreg:$0xb];
	[tilespmem:s10+$0x0] =	vst.add.f32.msk $0xffff, v6  }
0x2be: {  	s29 =	sadd.s32 s0, s2;
	s0 =	sor.u32 $0xE0, s1;
	[tilespmem:s16+$0x0] =	vst.add.f32.msk $0xffff, v8  }
0x2bf: {  	v6 =	vld.idx.msk [tilespmem:v3+s0+$0x0 ss:$0x1], $0xffff  }
0x2c0: {  	[dreg:$0xe] =	wrdreg s9;
	[tilespmem:s29+$0x0] =	vst.add.f32.msk $0xffff, v7  }
0x2c1: {  	s9 =	smov.u32 s20;
	s20 =	rddreg [dreg:$0xf];
	v7 =	vld.idx.msk [tilespmem:v3+s30+$0x0 ss:$0x1], $0xffff  }
0x2c2: {  	s26 =	sadd.s32 s23, s2;
	v8 =	vld.idx.msk [tilespmem:v3+s20+$0x0 ss:$0x1], $0xffff  }
0x2c3: {  	s23 =	smov.u32 s12;
	s12 =	sor.u32 $0x14B0, s17;
	[tilespmem:s26+$0x0] =	vst.add.f32.msk $0xffff, v5  }
0x2c4: {  	s0 =	sadd.s32 s0, s2;
	s30 =	sld [smem:$0x79B];
	v5 =	vld.idx.msk [tilespmem:v3+s12+$0x0 ss:$0x1], $0xffff  }
0x2c5: {  	s16 =	sor.u32 $0xF0, s1;
	[tilespmem:s0+$0x0] =	vst.add.f32.msk $0xffff, v6  }
0x2c6: {  	v6 =	vld.idx.msk [tilespmem:v3+s16+$0x0 ss:$0x1], $0xffff  }
0x2c7: {  	[tilespmem:s30+$0x0] =	vst.add.f32.msk $0xffff, v7  }
0x2c8: {  	s0 =	sadd.s32 s16, s2;
	s16 =	rddreg [dreg:$0x10];
	v7 =	vld.idx.msk [tilespmem:v3+s25+$0x0 ss:$0x1], $0xffff  }
0x2c9: {  	s10 =	sadd.s32 s12, s2;
	[tilespmem:s16+$0x0] =	vst.add.f32.msk $0xffff, v8  }
0x2ca: {  	[smem:$0x7DF] =	sst s21;
	s29 =	sor.u32 $0x14C0, s17;
	[tilespmem:s10+$0x0] =	vst.add.f32.msk $0xffff, v5  }
0x2cb: {  	s25 =	sld [smem:$0x79C];
	v5 =	vld.idx.msk [tilespmem:v3+s29+$0x0 ss:$0x1], $0xffff  }
0x2cc: {  	[smem:$0x7B6] =	sst s24;
	s21 =	sor.u32 $0x1040, s1;
	s12 =	sor.u32 $0x480, s1;
	[tilespmem:s0+$0x0] =	vst.add.f32.msk $0xffff, v6  }
0x2cd: {  	[dreg:$0x19] =	wrdreg s21;
	s5 =	sadd.s32 s21, s2;
	v6 =	vld.idx.msk [tilespmem:v3+s12+$0x0 ss:$0x1], $0xffff  }
0x2ce: {  	[dreg:$0x17] =	wrdreg s5;
	[tilespmem:s25+$0x0] =	vst.add.f32.msk $0xffff, v7  }
0x2cf: {  	s21 =	sor.u32 $0x1400, s1;
	s10 =	sadd.s32 s29, s2;
	s29 =	rddreg [dreg:$0x11];
	v7 =	vld.idx.msk [tilespmem:v3+s19+$0x0 ss:$0x1], $0xffff  }
0x2d0: {  	s28 =	sadd.s32 s21, s2;
	[dreg:$0xb] =	wrdreg s9;
	v8 =	vld.idx.msk [tilespmem:v3+s29+$0x0 ss:$0x1], $0xffff  }
0x2d1: {  	s9 =	rddreg [dreg:$0x14];
	s26 =	smov.u32 s21;
	s21 =	sor.u32 $0x14D0, s17;
	[tilespmem:s10+$0x0] =	vst.add.f32.msk $0xffff, v5  }
0x2d2: {  	s0 =	sadd.s32 s12, s2;
	s12 =	sld [smem:$0x79D];
	v5 =	vld.idx.msk [tilespmem:v3+s21+$0x0 ss:$0x1], $0xffff  }
0x2d3: {  	s20 =	smov.u32 s28;
	[dreg:$0xf] =	wrdreg s26;
	s26 =	sor.u32 $0x490, s1;
	[tilespmem:s0+$0x0] =	vst.add.f32.msk $0xffff, v6  }
0x2d4: {  	s5 =	sor.u32 $0x1410, s1;
	[dreg:$0x10] =	wrdreg s20;
	v6 =	vld.idx.msk [tilespmem:v3+s26+$0x0 ss:$0x1], $0xffff  }
0x2d5: {  	s30 =	smov.u32 s5;
	s16 =	rddreg [dreg:$0x12];
	[tilespmem:s12+$0x0] =	vst.add.f32.msk $0xffff, v7  }
0x2d6: {  	s24 =	sadd.s32 s5, s2;
	[dreg:$0x11] =	wrdreg s30;
	s10 =	sadd.s32 s21, s2;
	v7 =	vld.idx.msk [tilespmem:v3+s14+$0x0 ss:$0x1], $0xffff  }
0x2d7: {  	s19 =	smov.u32 s24;
	s29 =	rddreg [dreg:$0x16];
	[tilespmem:s10+$0x0] =	vst.add.f32.msk $0xffff, v5;
	s10 =	sor.u32 $0x14E0, s17  }
0x2d8: {  	s8 =	sor.u32 $0x1420, s1;
	[dreg:$0x12] =	wrdreg s19;
	v5 =	vld.idx.msk [tilespmem:v3+s10+$0x0 ss:$0x1], $0xffff  }
0x2d9: {  	s23 =	sadd.s32 $0x1, s23;
	s21 =	sld [smem:$0x79E];
	s0 =	sadd.s32 s26, s2;
	[tilespmem:s16+$0x0] =	vst.add.f32.msk $0xffff, v8  }
0x2da: {  	s30 =	smov.u32 s29;
	s26 =	sld [smem:$0x7F1];
	s14 =	sor.u32 $0x4A0, s1;
	[tilespmem:s0+$0x0] =	vst.add.f32.msk $0xffff, v6  }
0x2db: {  	s20 =	sor.u32 $0x14F0, s17;
	s24 =	sand.u32 $0x3, s23;
	[smem:$0x7F1] =	sst s30;
	v6 =	vld.idx.msk [tilespmem:v3+s14+$0x0 ss:$0x1], $0xffff  }
0x2dc: {  	s17 =	smov.u32 s1;
	s1 =	sshll.u32 s24, $0x8;
	s5 =	sadd.s32 s10, s2;
	[tilespmem:s21+$0x0] =	vst.add.f32.msk $0xffff, v7  }
0x2dd: {  	s16 =	sld [smem:$0x79F];
	[tilespmem:s5+$0x0] =	vst.add.f32.msk $0xffff, v5;
	s5 =	sadd.s32 s1, s26  }
0x2de: {  	s25 =	sor.u32 $0x4B0, s17;
	s10 =	sadd.s32 s20, s2;
	v7 =	vld.idx.msk [tilespmem:v3+s3+$0x0 ss:$0x1], $0xffff;
	s29 =	sor.u32 $0x1800, s5  }
0x2df: {  	s0 =	sadd.s32 s14, s2;
	v8 =	vld.idx.msk [tilespmem:v3+s9+$0x0 ss:$0x1], $0xffff;
	s30 =	sor.u32 $0x1810, s5;
	s12 =	sadd.s32 s29, s2  }
0x2e0: {  	v5 =	vld.idx.msk [tilespmem:v3+s20+$0x0 ss:$0x1], $0xffff;
	s20 =	sor.u32 $0x1820, s5;
	s14 =	sadd.s32 s30, s2;
	[smem:$0x7BF] =	sst s12  }
0x2e1: {  	s1 =	sor.u32 $0x1850, s5;
	[tilespmem:s0+$0x0] =	vst.add.f32.msk $0xffff, v6;
	s19 =	sadd.s32 s20, s2;
	[smem:$0x7C4] =	sst s14  }
0x2e2: {  	s0 =	sadd.s32 s25, s2;
	v6 =	vld.idx.msk [tilespmem:v3+s25+$0x0 ss:$0x1], $0xffff;
	[smem:$0x7CC] =	sst s19;
	s25 =	sadd.s32 s1, s2  }
0x2e3: {  	s12 =	sor.u32 $0x1830, s5;
	[tilespmem:s16+$0x0] =	vst.add.f32.msk $0xffff, v7;
	[smem:$0x7D8] =	sst s25  }
0x2e4: {  	s16 =	sor.u32 $0x1840, s5;
	s21 =	sadd.s32 s12, s2;
	v7 =	vld.idx.msk [tilespmem:v3+s4+$0x0 ss:$0x1], $0xffff;
	s4 =	rddreg [dreg:$0x13]  }
0x2e5: {  	s24 =	sadd.s32 s16, s2;
	s25 =	sor.u32 $0x1C00, s5;
	[smem:$0x7CF] =	sst s21  }
0x2e6: {  	s3 =	sadd.s32 $0x80, s5;
	[smem:$0x7D4] =	sst s24;
	s19 =	sadd.s32 s25, s2  }
0x2e7: {  	s24 =	sor.u32 $0x1860, s5;
	[tilespmem:s4+$0x0] =	vst.add.f32.msk $0xffff, v8;
	s4 =	sor.u32 $0x1C10, s5;
	[smem:$0x7E5] =	sst s19  }
0x2e8: {  	[tilespmem:s10+$0x0] =	vst.add.f32.msk $0xffff, v5;
	s10 =	sor.u32 $0x1800, s3;
	s26 =	sadd.s32 s24, s2;
	[smem:$0x7E6] =	sst s4  }
0x2e9: {  	s19 =	sadd.s32 s4, s2;
	v5 =	vld.idx.msk [tilespmem:v3+s10+$0x0 ss:$0x1], $0xffff;
	[smem:$0x7DD] =	sst s26;
	s26 =	sor.u32 $0x1870, s5  }
0x2ea: {  	[smem:$0x7E9] =	sst s19;
	s9 =	sadd.s32 s26, s2  }
0x2eb: {  	s14 =	sor.u32 $0x4C0, s17;
	[smem:$0x7E0] =	sst s9  }
0x2ec: {  	s21 =	sadd.s32 s10, s2;
	s10 =	sor.u32 $0x1C20, s5;
	[tilespmem:s0+$0x0] =	vst.add.f32.msk $0xffff, v6;
	s9 =	sld [smem:$0x7A0]  }
0x2ed: {  	s4 =	sor.u32 $0x1C40, s5;
	s19 =	sor.u32 $0x1C30, s5;
	[smem:$0x7EA] =	sst s10;
	v6 =	vld.idx.msk [tilespmem:v3+s14+$0x0 ss:$0x1], $0xffff  }
0x2ee: {  	s28 =	sadd.s32 s10, s2;
	s10 =	sadd.s32 s19, s2;
	s0 =	sor.u32 $0x1C50, s5;
	[tilespmem:s21+$0x0] =	vst.add.f32.msk $0xffff, v5  }
0x2ef: {  	[smem:$0x7C9] =	sst s10;
	s10 =	sadd.s32 s14, s2;
	s14 =	sadd.s32 s0, s2;
	[tilespmem:s9+$0x0] =	vst.add.f32.msk $0xffff, v7  }
0x2f0: {  	[smem:$0x7DA] =	sst s14;
	s21 =	sor.u32 $0x1810, s3;
	v7 =	vld.idx.msk [tilespmem:v3+s11+$0x0 ss:$0x1], $0xffff;
	s11 =	sadd.s32 s4, s2  }
0x2f1: {  	s7 =	sadd.s32 s8, s2;
	s14 =	sor.u32 $0x1C70, s5;
	v5 =	vld.idx.msk [tilespmem:v3+s21+$0x0 ss:$0x1], $0xffff;
	[smem:$0x7D1] =	sst s11  }
0x2f2: {  	[tilespmem:s10+$0x0] =	vst.add.f32.msk $0xffff, v6;
	s10 =	sor.u32 $0x1C60, s5;
	s5 =	sadd.s32 s21, s2;
	s21 =	smov.u32 s7  }
0x2f3: {  	[dreg:$0x13] =	wrdreg s21  }
0x2f4: {  	s9 =	sadd.s32 s10, s2;
	s21 =	sld [smem:$0x7A1]  }
0x2f5: {  	[smem:$0x7E2] =	sst s9;
	s9 =	sadd.s32 s14, s2  }
0x2f6: {  	s11 =	sor.u32 $0x4D0, s17;
	[smem:$0x7EB] =	sst s9;
	s9 =	smov.u32 s8  }
0x2f7: {  	v6 =	vld.idx.msk [tilespmem:v3+s11+$0x0 ss:$0x1], $0xffff;
	[dreg:$0x14] =	wrdreg s9  }
0x2f8: {  	s9 =	rddreg [dreg:$0xd];
	[tilespmem:s5+$0x0] =	vst.add.f32.msk $0xffff, v5  }
0x2f9: {  	s5 =	sor.u32 $0x1820, s3;
	v8 =	vld.idx.msk [tilespmem:v3+s9+$0x0 ss:$0x1], $0xffff  }
0x2fa: {  	v5 =	vld.idx.msk [tilespmem:v3+s5+$0x0 ss:$0x1], $0xffff  }
0x2fb: {  	s7 =	sld [smem:$0x7A2];
	s8 =	sadd.s32 s11, s2;
	[tilespmem:s21+$0x0] =	vst.add.f32.msk $0xffff, v7  }
0x2fc: {  	s9 =	smov.u32 s6;
	s6 =	sor.u32 $0x4E0, s17;
	[tilespmem:s8+$0x0] =	vst.add.f32.msk $0xffff, v6  }
0x2fd: {  	[dreg:$0xd] =	wrdreg s9;
	v6 =	vld.idx.msk [tilespmem:v3+s6+$0x0 ss:$0x1], $0xffff  }
0x2fe: {  	v7 =	vld.idx.msk [tilespmem:v3+s7+$0x0 ss:$0x1], $0xffff;
	s9 =	rddreg [dreg:$0xc]  }
0x2ff: {  	s11 =	sld [smem:$0x7A3];
	s5 =	sadd.s32 s5, s2;
	[tilespmem:s9+$0x0] =	vst.add.f32.msk $0xffff, v8  }
0x300: {  	s8 =	sor.u32 $0x1830, s3;
	[tilespmem:s5+$0x0] =	vst.add.f32.msk $0xffff, v5;
	s9 =	sld [smem:$0x7A4]  }
0x301: {  	s6 =	sadd.s32 s6, s2;
	v5 =	vld.idx.msk [tilespmem:v3+s8+$0x0 ss:$0x1], $0xffff  }
0x302: {  	s21 =	smov.u32 s11;
	s11 =	sld [smem:$0x7A5];
	[tilespmem:s6+$0x0] =	vst.add.f32.msk $0xffff, v6  }
0x303: {  	s6 =	sor.u32 $0x4F0, s17;
	[tilespmem:s9+$0x0] =	vst.add.f32.msk $0xffff, v7  }
0x304: {  	[dreg:$0xc] =	wrdreg s21;
	v6 =	vld.idx.msk [tilespmem:v3+s6+$0x0 ss:$0x1], $0xffff  }
0x305: {  	s21 =	rddreg [dreg:$0x9];
	v7 =	vld.idx.msk [tilespmem:v3+s11+$0x0 ss:$0x1], $0xffff  }
0x306: {  	s5 =	sadd.s32 s8, s2;
	v8 =	vld.idx.msk [tilespmem:v3+s21+$0x0 ss:$0x1], $0xffff  }
0x307: {  	s9 =	sor.u32 $0x1840, s3;
	s11 =	sld [smem:$0x7A6];
	[tilespmem:s5+$0x0] =	vst.add.f32.msk $0xffff, v5  }
0x308: {  	s6 =	sadd.s32 s6, s2;
	v5 =	vld.idx.msk [tilespmem:v3+s9+$0x0 ss:$0x1], $0xffff  }
0x309: {  	s8 =	smov.u32 s18;
	s18 =	sld [smem:$0x7A7];
	[tilespmem:s6+$0x0] =	vst.add.f32.msk $0xffff, v6  }
0x30a: {  	s6 =	sor.u32 $0x880, s17;
	[tilespmem:s11+$0x0] =	vst.add.f32.msk $0xffff, v7  }
0x30b: {  	v6 =	vld.idx.msk [tilespmem:v3+s6+$0x0 ss:$0x1], $0xffff  }
0x30c: {  	s21 =	rddreg [dreg:$0xa];
	v7 =	vld.idx.msk [tilespmem:v3+s18+$0x0 ss:$0x1], $0xffff  }
0x30d: {  	s7 =	sld [smem:$0x7A8];
	s5 =	sadd.s32 s9, s2;
	[tilespmem:s21+$0x0] =	vst.add.f32.msk $0xffff, v8  }
0x30e: {  	s11 =	sor.u32 $0x1850, s3;
	s18 =	sld [smem:$0x7A9];
	[tilespmem:s5+$0x0] =	vst.add.f32.msk $0xffff, v5  }
0x30f: {  	s6 =	sadd.s32 s6, s2;
	v5 =	vld.idx.msk [tilespmem:v3+s11+$0x0 ss:$0x1], $0xffff  }
0x310: {  	s21 =	sld [smem:$0x7AA];
	[tilespmem:s6+$0x0] =	vst.add.f32.msk $0xffff, v6  }
0x311: {  	[dreg:$0x9] =	wrdreg s8;
	s8 =	sor.u32 $0x890, s17;
	s9 =	smov.u32 s7;
	[tilespmem:s18+$0x0] =	vst.add.f32.msk $0xffff, v7  }
0x312: {  	[dreg:$0xa] =	wrdreg s9;
	v6 =	vld.idx.msk [tilespmem:v3+s8+$0x0 ss:$0x1], $0xffff  }
0x313: {  	s9 =	rddreg [dreg:$0x6];
	v7 =	vld.idx.msk [tilespmem:v3+s21+$0x0 ss:$0x1], $0xffff  }
0x314: {  	s5 =	sadd.s32 s11, s2;
	v8 =	vld.idx.msk [tilespmem:v3+s9+$0x0 ss:$0x1], $0xffff  }
0x315: {  	s11 =	smov.u32 s15;
	s15 =	sor.u32 $0x1860, s3;
	s18 =	sld [smem:$0x7AB];
	[tilespmem:s5+$0x0] =	vst.add.f32.msk $0xffff, v5  }
0x316: {  	s6 =	sadd.s32 s8, s2;
	v5 =	vld.idx.msk [tilespmem:v3+s15+$0x0 ss:$0x1], $0xffff  }
0x317: {  	s21 =	sld [smem:$0x7AC];
	[tilespmem:s6+$0x0] =	vst.add.f32.msk $0xffff, v6  }
0x318: {  	s6 =	sor.u32 $0x8A0, s17;
	[tilespmem:s18+$0x0] =	vst.add.f32.msk $0xffff, v7  }
0x319: {  	v6 =	vld.idx.msk [tilespmem:v3+s6+$0x0 ss:$0x1], $0xffff  }
0x31a: {  	s8 =	rddreg [dreg:$0x7];
	v7 =	vld.idx.msk [tilespmem:v3+s21+$0x0 ss:$0x1], $0xffff  }
0x31b: {  	s5 =	sadd.s32 s15, s2;
	[tilespmem:s8+$0x0] =	vst.add.f32.msk $0xffff, v8  }
0x31c: {  	s15 =	sor.u32 $0x1870, s3;
	s18 =	sld [smem:$0x7AE];
	[tilespmem:s5+$0x0] =	vst.add.f32.msk $0xffff, v5  }
0x31d: {  	s9 =	sld [smem:$0x7AD];
	s6 =	sadd.s32 s6, s2;
	v5 =	vld.idx.msk [tilespmem:v3+s15+$0x0 ss:$0x1], $0xffff  }
0x31e: {  	s21 =	sld [smem:$0x7AF];
	[tilespmem:s6+$0x0] =	vst.add.f32.msk $0xffff, v6  }
0x31f: {  	s8 =	sor.u32 $0x8B0, s17;
	[tilespmem:s18+$0x0] =	vst.add.f32.msk $0xffff, v7  }
0x320: {  	[dreg:$0x6] =	wrdreg s11;
	v6 =	vld.idx.msk [tilespmem:v3+s8+$0x0 ss:$0x1], $0xffff  }
0x321: {  	s11 =	smov.u32 s9;
	s9 =	rddreg [dreg:$0x5];
	v7 =	vld.idx.msk [tilespmem:v3+s21+$0x0 ss:$0x1], $0xffff  }
0x322: {  	s5 =	sadd.s32 s15, s2;
	v8 =	vld.idx.msk [tilespmem:v3+s9+$0x0 ss:$0x1], $0xffff  }
0x323: {  	s15 =	sor.u32 $0x1C00, s3;
	s18 =	sld [smem:$0x7B0];
	[tilespmem:s5+$0x0] =	vst.add.f32.msk $0xffff, v5  }
0x324: {  	s6 =	sadd.s32 s8, s2;
	v5 =	vld.idx.msk [tilespmem:v3+s15+$0x0 ss:$0x1], $0xffff  }
0x325: {  	s21 =	sld [smem:$0x7B1];
	[tilespmem:s6+$0x0] =	vst.add.f32.msk $0xffff, v6  }
0x326: {  	s8 =	sor.u32 $0x8C0, s17;
	[tilespmem:s18+$0x0] =	vst.add.f32.msk $0xffff, v7  }
0x327: {  	v6 =	vld.idx.msk [tilespmem:v3+s8+$0x0 ss:$0x1], $0xffff  }
0x328: {  	[dreg:$0x7] =	wrdreg s11;
	v7 =	vld.idx.msk [tilespmem:v3+s21+$0x0 ss:$0x1], $0xffff  }
0x329: {  	s11 =	smov.u32 s13;
	s13 =	sld [smem:$0x7B3];
	s5 =	sadd.s32 s15, s2;
	[tilespmem:s31+$0x0] =	vst.add.f32.msk $0xffff, v8  }
0x32a: {  	[dreg:$0x5] =	wrdreg s11;
	s11 =	sor.u32 $0x1C10, s3;
	[tilespmem:s5+$0x0] =	vst.add.f32.msk $0xffff, v5  }
0x32b: {  	s6 =	sadd.s32 s8, s2;
	v5 =	vld.idx.msk [tilespmem:v3+s11+$0x0 ss:$0x1], $0xffff  }
0x32c: {  	s15 =	sld [smem:$0x7B4];
	[tilespmem:s6+$0x0] =	vst.add.f32.msk $0xffff, v6  }
0x32d: {  	s18 =	sor.u32 $0x8D0, s17;
	s21 =	sld [smem:$0x7B5];
	[tilespmem:s13+$0x0] =	vst.add.f32.msk $0xffff, v7  }
0x32e: {  	s9 =	sld [smem:$0x7B2];
	v6 =	vld.idx.msk [tilespmem:v3+s18+$0x0 ss:$0x1], $0xffff  }
0x32f: {  	v7 =	vld.idx.msk [tilespmem:v3+s15+$0x0 ss:$0x1], $0xffff  }
0x330: {  	s5 =	sadd.s32 s11, s2;
	v8 =	vld.idx.msk [tilespmem:v3+s21+$0x0 ss:$0x1], $0xffff  }
0x331: {  	s8 =	sor.u32 $0x1C20, s3;
	s31 =	smov.u32 s9;
	s9 =	sld [smem:$0x7B7];
	[tilespmem:s5+$0x0] =	vst.add.f32.msk $0xffff, v5  }
0x332: {  	s6 =	sadd.s32 s18, s2;
	v5 =	vld.idx.msk [tilespmem:v3+s8+$0x0 ss:$0x1], $0xffff  }
0x333: {  	s11 =	sld [smem:$0x7B8];
	[tilespmem:s6+$0x0] =	vst.add.f32.msk $0xffff, v6  }
0x334: {  	s13 =	sld [smem:$0x7B9];
	s6 =	sor.u32 $0x8E0, s17;
	[tilespmem:s9+$0x0] =	vst.add.f32.msk $0xffff, v7  }
0x335: {  	v6 =	vld.idx.msk [tilespmem:v3+s6+$0x0 ss:$0x1], $0xffff  }
0x336: {  	v7 =	vld.idx.msk [tilespmem:v3+s11+$0x0 ss:$0x1], $0xffff  }
0x337: {  	s5 =	sadd.s32 s8, s2;
	[tilespmem:s13+$0x0] =	vst.add.f32.msk $0xffff, v8  }
0x338: {  	s8 =	sor.u32 $0x1C30, s3;
	s9 =	sld [smem:$0x7BB];
	[tilespmem:s5+$0x0] =	vst.add.f32.msk $0xffff, v5  }
0x339: {  	s6 =	sadd.s32 s6, s2;
	v5 =	vld.idx.msk [tilespmem:v3+s8+$0x0 ss:$0x1], $0xffff  }
0x33a: {  	s11 =	sld [smem:$0x7BC];
	[tilespmem:s6+$0x0] =	vst.add.f32.msk $0xffff, v6  }
0x33b: {  	s13 =	sor.u32 $0x8F0, s17;
	[tilespmem:s9+$0x0] =	vst.add.f32.msk $0xffff, v7  }
0x33c: {  	s15 =	sld [smem:$0x7BA];
	v6 =	vld.idx.msk [tilespmem:v3+s13+$0x0 ss:$0x1], $0xffff  }
0x33d: {  	v7 =	vld.idx.msk [tilespmem:v3+s11+$0x0 ss:$0x1], $0xffff  }
0x33e: {  	s5 =	sadd.s32 s8, s2;
	v8 =	vld.idx.msk [tilespmem:v3+s29+$0x0 ss:$0x1], $0xffff  }
0x33f: {  	s18 =	smov.u32 s15;
	s15 =	sor.u32 $0x1C40, s3;
	s29 =	sld [smem:$0x7BD];
	[tilespmem:s5+$0x0] =	vst.add.f32.msk $0xffff, v5  }
0x340: {  	s6 =	sadd.s32 s13, s2;
	v5 =	vld.idx.msk [tilespmem:v3+s15+$0x0 ss:$0x1], $0xffff  }
0x341: {  	s8 =	sld [smem:$0x7BE];
	[tilespmem:s6+$0x0] =	vst.add.f32.msk $0xffff, v6  }
0x342: {  	s9 =	sor.u32 $0xC80, s17;
	s11 =	sld [smem:$0x7BF];
	[tilespmem:s29+$0x0] =	vst.add.f32.msk $0xffff, v7  }
0x343: {  	v6 =	vld.idx.msk [tilespmem:v3+s9+$0x0 ss:$0x1], $0xffff  }
0x344: {  	v7 =	vld.idx.msk [tilespmem:v3+s8+$0x0 ss:$0x1], $0xffff  }
0x345: {  	s5 =	sadd.s32 s15, s2;
	[tilespmem:s11+$0x0] =	vst.add.f32.msk $0xffff, v8  }
0x346: {  	s13 =	sor.u32 $0x1C50, s3;
	s15 =	sld [smem:$0x7C0];
	[tilespmem:s5+$0x0] =	vst.add.f32.msk $0xffff, v5  }
0x347: {  	s6 =	sadd.s32 s9, s2;
	v5 =	vld.idx.msk [tilespmem:v3+s13+$0x0 ss:$0x1], $0xffff  }
0x348: {  	s29 =	sld [smem:$0x7C1];
	[tilespmem:s6+$0x0] =	vst.add.f32.msk $0xffff, v6  }
0x349: {  	s8 =	sor.u32 $0xC90, s17;
	[tilespmem:s15+$0x0] =	vst.add.f32.msk $0xffff, v7  }
0x34a: {  	v6 =	vld.idx.msk [tilespmem:v3+s8+$0x0 ss:$0x1], $0xffff  }
0x34b: {  	v7 =	vld.idx.msk [tilespmem:v3+s29+$0x0 ss:$0x1], $0xffff  }
0x34c: {  	s5 =	sadd.s32 s13, s2;
	v8 =	vld.idx.msk [tilespmem:v3+s30+$0x0 ss:$0x1], $0xffff  }
0x34d: {  	s9 =	sor.u32 $0x1C60, s3;
	s11 =	sld [smem:$0x7C2];
	[tilespmem:s5+$0x0] =	vst.add.f32.msk $0xffff, v5  }
0x34e: {  	s6 =	sadd.s32 s8, s2;
	v5 =	vld.idx.msk [tilespmem:v3+s9+$0x0 ss:$0x1], $0xffff  }
0x34f: {  	s13 =	sld [smem:$0x7C3];
	[tilespmem:s6+$0x0] =	vst.add.f32.msk $0xffff, v6  }
0x350: {  	s15 =	sor.u32 $0xCA0, s17;
	s29 =	sld [smem:$0x7C4];
	[tilespmem:s11+$0x0] =	vst.add.f32.msk $0xffff, v7  }
0x351: {  	v6 =	vld.idx.msk [tilespmem:v3+s15+$0x0 ss:$0x1], $0xffff  }
0x352: {  	v7 =	vld.idx.msk [tilespmem:v3+s13+$0x0 ss:$0x1], $0xffff  }
0x353: {  	s5 =	sadd.s32 s9, s2;
	[tilespmem:s29+$0x0] =	vst.add.f32.msk $0xffff, v8  }
0x354: {  	s3 =	sor.u32 $0x1C70, s3;
	s30 =	sld [smem:$0x7C5];
	[tilespmem:s5+$0x0] =	vst.add.f32.msk $0xffff, v5  }
0x355: {  	s8 =	sadd.s32 s15, s2;
	v5 =	vld.idx.msk [tilespmem:v3+s3+$0x0 ss:$0x1], $0xffff  }
0x356: {  	s7 =	sld [smem:$0x7C6];
	[tilespmem:s8+$0x0] =	vst.add.f32.msk $0xffff, v6  }
0x357: {  	s9 =	sor.u32 $0xCB0, s17;
	[tilespmem:s30+$0x0] =	vst.add.f32.msk $0xffff, v7  }
0x358: {  	s11 =	sld [smem:$0x7C8];
	v6 =	vld.idx.msk [tilespmem:v3+s9+$0x0 ss:$0x1], $0xffff  }
0x359: {  	v7 =	vld.idx.msk [tilespmem:v3+s7+$0x0 ss:$0x1], $0xffff  }
0x35a: {  	v8 =	vld.idx.msk [tilespmem:v3+s20+$0x0 ss:$0x1], $0xffff  }
0x35b: {  	s29 =	sld [smem:$0x7CA];
	s3 =	sadd.s32 s3, s2;
	[tilespmem:s11+$0x0] =	vst.add.f32.msk $0xffff, v4  }
0x35c: {  	s6 =	sadd.s32 s9, s2;
	[tilespmem:s3+$0x0] =	vst.add.f32.msk $0xffff, v5  }
0x35d: {  	s30 =	sld [smem:$0x7CB];
	[tilespmem:s6+$0x0] =	vst.add.f32.msk $0xffff, v6  }
0x35e: {  	s8 =	sld [smem:$0x7CC];
	s7 =	sor.u32 $0xCC0, s17;
	[tilespmem:s29+$0x0] =	vst.add.f32.msk $0xffff, v7  }
0x35f: {  	v5 =	vld.idx.msk [tilespmem:v3+s7+$0x0 ss:$0x1], $0xffff  }
0x360: {  	v4 =	vld.idx.msk [tilespmem:v3+s30+$0x0 ss:$0x1], $0xffff  }
0x361: {  	s9 =	rddreg [dreg:$0x1f];
	[tilespmem:s8+$0x0] =	vst.add.f32.msk $0xffff, v8  }
0x362: {  	s11 =	sld [smem:$0x7CD];
	v6 =	vld.idx.msk [tilespmem:v3+s12+$0x0 ss:$0x1], $0xffff  }
0x363: {  	s3 =	sadd.s32 s7, s2;
	v7 =	vld.idx.msk [tilespmem:v3+s9+$0x0 ss:$0x1], $0xffff  }
0x364: {  	s12 =	sld [smem:$0x7CE];
	[tilespmem:s3+$0x0] =	vst.add.f32.msk $0xffff, v5  }
0x365: {  	s29 =	sor.u32 $0xCD0, s17;
	s30 =	sld [smem:$0x7CF];
	[tilespmem:s11+$0x0] =	vst.add.f32.msk $0xffff, v4  }
0x366: {  	v5 =	vld.idx.msk [tilespmem:v3+s29+$0x0 ss:$0x1], $0xffff  }
0x367: {  	v4 =	vld.idx.msk [tilespmem:v3+s12+$0x0 ss:$0x1], $0xffff  }
0x368: {  	s5 =	rddreg [dreg:$0x1e];
	[tilespmem:s30+$0x0] =	vst.add.f32.msk $0xffff, v6  }
0x369: {  	s7 =	sld [smem:$0x7D2];
	v6 =	vld.idx.msk [tilespmem:v3+s16+$0x0 ss:$0x1], $0xffff  }
0x36a: {  	s13 =	sld [smem:$0x7C9];
	s3 =	sadd.s32 s29, s2;
	[tilespmem:s5+$0x0] =	vst.add.f32.msk $0xffff, v7  }
0x36b: {  	s8 =	sld [smem:$0x7D3];
	[tilespmem:s3+$0x0] =	vst.add.f32.msk $0xffff, v5  }
0x36c: {  	s11 =	sor.u32 $0xCE0, s17;
	s29 =	sld [smem:$0x7D4];
	[tilespmem:s7+$0x0] =	vst.add.f32.msk $0xffff, v4  }
0x36d: {  	s6 =	sld [smem:$0x7D1];
	v5 =	vld.idx.msk [tilespmem:v3+s11+$0x0 ss:$0x1], $0xffff  }
0x36e: {  	s30 =	sld [smem:$0x7D5];
	v4 =	vld.idx.msk [tilespmem:v3+s8+$0x0 ss:$0x1], $0xffff  }
0x36f: {  	[tilespmem:s29+$0x0] =	vst.add.f32.msk $0xffff, v6  }
0x370: {  	s15 =	smov.u32 s13;
	s13 =	smov.u32 s4;
	s4 =	sld [smem:$0x7D6];
	v6 =	vld.idx.msk [tilespmem:v3+s1+$0x0 ss:$0x1], $0xffff  }
0x371: {  	s9 =	smov.u32 s6;
	s6 =	sadd.s32 s11, s2;
	v7 =	vld.idx.msk [tilespmem:v3+s30+$0x0 ss:$0x1], $0xffff  }
0x372: {  	s5 =	sld [smem:$0x7D7];
	[tilespmem:s6+$0x0] =	vst.add.f32.msk $0xffff, v5  }
0x373: {  	s7 =	sor.u32 $0xCF0, s17;
	s11 =	sld [smem:$0x7D8];
	[tilespmem:s4+$0x0] =	vst.add.f32.msk $0xffff, v4  }
0x374: {  	v5 =	vld.idx.msk [tilespmem:v3+s7+$0x0 ss:$0x1], $0xffff  }
0x375: {  	v4 =	vld.idx.msk [tilespmem:v3+s5+$0x0 ss:$0x1], $0xffff  }
0x376: {  	s29 =	rddreg [dreg:$0x1d];
	[tilespmem:s11+$0x0] =	vst.add.f32.msk $0xffff, v6  }
0x377: {  	s5 =	sld [smem:$0x7DB];
	v6 =	vld.idx.msk [tilespmem:v3+s24+$0x0 ss:$0x1], $0xffff  }
0x378: {  	s12 =	smov.u32 s0;
	s0 =	sadd.s32 s7, s2;
	[tilespmem:s29+$0x0] =	vst.add.f32.msk $0xffff, v7  }
0x379: {  	s6 =	sld [smem:$0x7DC];
	[tilespmem:s0+$0x0] =	vst.add.f32.msk $0xffff, v5  }
0x37a: {  	s7 =	sor.u32 $0x1080, s17;
	s11 =	sld [smem:$0x7DD];
	[tilespmem:s5+$0x0] =	vst.add.f32.msk $0xffff, v4  }
0x37b: {  	v5 =	vld.idx.msk [tilespmem:v3+s7+$0x0 ss:$0x1], $0xffff  }
0x37c: {  	s30 =	sld [smem:$0x7DA];
	v4 =	vld.idx.msk [tilespmem:v3+s6+$0x0 ss:$0x1], $0xffff  }
0x37d: {  	s29 =	sld [smem:$0x7DE];
	[tilespmem:s11+$0x0] =	vst.add.f32.msk $0xffff, v6  }
0x37e: {  	v6 =	vld.idx.msk [tilespmem:v3+s26+$0x0 ss:$0x1], $0xffff;
	s26 =	rddreg [dreg:$0x1c]  }
0x37f: {  	s0 =	sadd.s32 s7, s2;
	v7 =	vld.idx.msk [tilespmem:v3+s26+$0x0 ss:$0x1], $0xffff  }
0x380: {  	s8 =	smov.u32 s30;
	s30 =	sld [smem:$0x7DF];
	[tilespmem:s0+$0x0] =	vst.add.f32.msk $0xffff, v5  }
0x381: {  	s5 =	sor.u32 $0x1090, s17;
	s6 =	sld [smem:$0x7E0];
	[tilespmem:s29+$0x0] =	vst.add.f32.msk $0xffff, v4  }
0x382: {  	s21 =	smov.u32 s22;
	s22 =	sld [smem:$0x7B6];
	v5 =	vld.idx.msk [tilespmem:v3+s5+$0x0 ss:$0x1], $0xffff  }
0x383: {  	s20 =	sld [smem:$0x7C7];
	v4 =	vld.idx.msk [tilespmem:v3+s30+$0x0 ss:$0x1], $0xffff  }
0x384: {  	s7 =	rddreg [dreg:$0x1b];
	[tilespmem:s6+$0x0] =	vst.add.f32.msk $0xffff, v6  }
0x385: {  	s26 =	sld [smem:$0x7E3];
	v6 =	vld.idx.msk [tilespmem:v3+s25+$0x0 ss:$0x1], $0xffff  }
0x386: {  	s11 =	smov.u32 s10;
	s10 =	sld [smem:$0x7E2];
	s0 =	sadd.s32 s5, s2;
	[tilespmem:s7+$0x0] =	vst.add.f32.msk $0xffff, v7  }
0x387: {  	s29 =	sld [smem:$0x7E4];
	[tilespmem:s0+$0x0] =	vst.add.f32.msk $0xffff, v5  }
0x388: {  	s5 =	sld [smem:$0x7E5];
	s30 =	sor.u32 $0x10A0, s17;
	[tilespmem:s26+$0x0] =	vst.add.f32.msk $0xffff, v4  }
0x389: {  	s6 =	sld [smem:$0x7E6];
	v5 =	vld.idx.msk [tilespmem:v3+s30+$0x0 ss:$0x1], $0xffff  }
0x38a: {  	s16 =	sld [smem:$0x7D0];
	v4 =	vld.idx.msk [tilespmem:v3+s29+$0x0 ss:$0x1], $0xffff  }
0x38b: {  	s7 =	smov.u32 s10;
	s10 =	rddreg [dreg:$0x1a];
	[tilespmem:s5+$0x0] =	vst.add.f32.msk $0xffff, v6  }
0x38c: {  	s26 =	sld [smem:$0x7E7];
	v6 =	vld.idx.msk [tilespmem:v3+s6+$0x0 ss:$0x1], $0xffff  }
0x38d: {  	s3 =	rddreg [dreg:$0x16];
	s0 =	sadd.s32 s30, s2;
	v7 =	vld.idx.msk [tilespmem:v3+s10+$0x0 ss:$0x1], $0xffff  }
0x38e: {  	s29 =	sld [smem:$0x7E8];
	[tilespmem:s0+$0x0] =	vst.add.f32.msk $0xffff, v5  }
0x38f: {  	s30 =	sld [smem:$0x7E9];
	s0 =	sor.u32 $0x10B0, s17;
	[tilespmem:s26+$0x0] =	vst.add.f32.msk $0xffff, v4  }
0x390: {  	s6 =	sld [smem:$0x7EA];
	v9 =	vld.idx.msk [tilespmem:v3+s0+$0x0 ss:$0x1], $0xffff  }
0x391: {  	s1 =	rddreg [dreg:$0x15];
	v8 =	vld.idx.msk [tilespmem:v3+s29+$0x0 ss:$0x1], $0xffff  }
0x392: {  	s10 =	rddreg [dreg:$0x18];
	[tilespmem:s30+$0x0] =	vst.add.f32.msk $0xffff, v6  }
0x393: {  	s29 =	sld [smem:$0x7EC];
	v4 =	vld.idx.msk [tilespmem:v3+s6+$0x0 ss:$0x1], $0xffff  }
.Ltmp4:
0x394: {  	s26 =	sld [smem:$0x7EB];
	s0 =	sadd.s32 s0, s2;
	[tilespmem:s10+$0x0] =	vst.add.f32.msk $0xffff, v7;
	(pc) =	sbr.rel @p0 .LBB2_9-.Ltmp4, $4  }
0x395: {  	s30 =	sld [smem:$0x7ED];
	[tilespmem:s0+$0x0] =	vst.add.f32.msk $0xffff, v9  }
0x396: {  	s24 =	sld [smem:$0x7D9];
	s0 =	sor.u32 $0x10C0, s17;
	[tilespmem:s29+$0x0] =	vst.add.f32.msk $0xffff, v8  }
0x397: {  	s3 =	sadd.s32 $0x800, s3;
	s1 =	sadd.s32 $0x100, s1;
	s25 =	sld [smem:$0x7E1];
	v6 =	vld.idx.msk [tilespmem:v3+s0+$0x0 ss:$0x1], $0xffff  }
0x398: {  	s5 =	smov.u32 s14;
	s14 =	rddreg [dreg:$0x8];
	s6 =	smov.u32 s26;
	v5 =	vld.idx.msk [tilespmem:v3+s30+$0x0 ss:$0x1], $0xffff  }
0x399: {  	_ =	sdelay $0x1  }
0x39a: {  	s0 =	sadd.s32 s0, s2  }
0x39b: {  	[tilespmem:s0+$0x0] =	vst.add.f32.msk $0xffff, v6  }
0x39c: {  	s10 =	sor.u32 $0x10D0, s17;
	[tilespmem:s25+$0x0] =	vst.add.f32.msk $0xffff, v5  }
0x39d: {  	v57 =	vld.idx.msk [tilespmem:v3+s10+$0x0 ss:$0x1], $0xffff  }
0x39e: {  	s1 =	rddreg [dreg:$0x19]  }
0x39f: {  	v58 =	vld.idx.msk [tilespmem:v3+s1+$0x0 ss:$0x1], $0xffff;
	_ =	sdelay $0x1  }
0x3a0: {  	s0 =	sadd.s32 s10, s2  }
0x3a1: {  	s14 =	sor.u32 $0x10E0, s17;
	[tilespmem:s0+$0x0] =	vst.add.f32.msk $0xffff, v57  }
0x3a2: {  	s0 =	rddreg [dreg:$0x17];
	v5 =	vld.idx.msk [tilespmem:v3+s14+$0x0 ss:$0x1], $0xffff  }
0x3a3: {  	[tilespmem:s0+$0x0] =	vst.add.f32.msk $0xffff, v58  }
0x3a4: {  	v6 =	vld.idx.msk [tilespmem:v3+s24+$0x0 ss:$0x1], $0xffff;
	_ =	sdelay $0x2  }
0x3a5: {  	s0 =	sadd.s32 s14, s2  }
0x3a6: {  	[tilespmem:s0+$0x0] =	vst.add.f32.msk $0xffff, v5  }
0x3a7: {  	[tilespmem:s22+$0x0] =	vst.add.f32.msk $0xffff, v6;
	s22 =	sor.u32 $0x10F0, s17  }
0x3a8: {  	v5 =	vld.idx.msk [tilespmem:v3+s22+$0x0 ss:$0x1], $0xffff  }
0x3a9: {  	v6 =	vld.idx.msk [tilespmem:v3+s20+$0x0 ss:$0x1], $0xffff;
	_ =	sdelay $0x2  }
0x3aa: {  	s0 =	sadd.s32 s22, s2  }
0x3ab: {  	[tilespmem:s0+$0x0] =	vst.add.f32.msk $0xffff, v5  }
0x3ac: {  	s24 =	sor.u32 $0x1480, s17;
	[tilespmem:s16+$0x0] =	vst.add.f32.msk $0xffff, v6  }
0x3ad: {  	v5 =	vld.idx.msk [tilespmem:v3+s24+$0x0 ss:$0x1], $0xffff  }
0x3ae: {  	s25 =	rddreg [dreg:$0xe]  }
0x3af: {  	v6 =	vld.idx.msk [tilespmem:v3+s25+$0x0 ss:$0x1], $0xffff;
	_ =	sdelay $0x1  }
0x3b0: {  	s0 =	sadd.s32 s24, s2  }
0x3b1: {  	s26 =	sor.u32 $0x1490, s17;
	[tilespmem:s0+$0x0] =	vst.add.f32.msk $0xffff, v5  }
0x3b2: {  	s0 =	rddreg [dreg:$0xb];
	v5 =	vld.idx.msk [tilespmem:v3+s26+$0x0 ss:$0x1], $0xffff  }
0x3b3: {  	[tilespmem:s0+$0x0] =	vst.add.f32.msk $0xffff, v6  }
0x3b4: {  	s29 =	rddreg [dreg:$0xf]  }
0x3b5: {  	v6 =	vld.idx.msk [tilespmem:v3+s29+$0x0 ss:$0x1], $0xffff;
	_ =	sdelay $0x1  }
0x3b6: {  	s0 =	sadd.s32 s26, s2  }
0x3b7: {  	s30 =	sor.u32 $0x14A0, s17;
	[tilespmem:s0+$0x0] =	vst.add.f32.msk $0xffff, v5  }
0x3b8: {  	s0 =	rddreg [dreg:$0x10];
	v5 =	vld.idx.msk [tilespmem:v3+s30+$0x0 ss:$0x1], $0xffff  }
0x3b9: {  	[tilespmem:s0+$0x0] =	vst.add.f32.msk $0xffff, v6  }
0x3ba: {  	s3 =	rddreg [dreg:$0x11]  }
0x3bb: {  	v6 =	vld.idx.msk [tilespmem:v3+s3+$0x0 ss:$0x1], $0xffff;
	_ =	sdelay $0x1  }
0x3bc: {  	s0 =	sadd.s32 s30, s2  }
0x3bd: {  	s4 =	sor.u32 $0x14B0, s17;
	[tilespmem:s0+$0x0] =	vst.add.f32.msk $0xffff, v5  }
0x3be: {  	s0 =	rddreg [dreg:$0x12];
	v5 =	vld.idx.msk [tilespmem:v3+s4+$0x0 ss:$0x1], $0xffff  }
0x3bf: {  	[tilespmem:s0+$0x0] =	vst.add.f32.msk $0xffff, v6  }
0x3c0: {  	s10 =	rddreg [dreg:$0x14]  }
0x3c1: {  	v6 =	vld.idx.msk [tilespmem:v3+s10+$0x0 ss:$0x1], $0xffff;
	_ =	sdelay $0x1  }
0x3c2: {  	s0 =	sadd.s32 s4, s2  }
0x3c3: {  	s14 =	sor.u32 $0x14C0, s17;
	[tilespmem:s0+$0x0] =	vst.add.f32.msk $0xffff, v5  }
0x3c4: {  	s0 =	rddreg [dreg:$0x13];
	v5 =	vld.idx.msk [tilespmem:v3+s14+$0x0 ss:$0x1], $0xffff  }
0x3c5: {  	[tilespmem:s0+$0x0] =	vst.add.f32.msk $0xffff, v6  }
0x3c6: {  	s16 =	rddreg [dreg:$0xd]  }
0x3c7: {  	v6 =	vld.idx.msk [tilespmem:v3+s16+$0x0 ss:$0x1], $0xffff;
	_ =	sdelay $0x1  }
0x3c8: {  	s0 =	sadd.s32 s14, s2  }
0x3c9: {  	s20 =	sor.u32 $0x14D0, s17;
	[tilespmem:s0+$0x0] =	vst.add.f32.msk $0xffff, v5  }
0x3ca: {  	s0 =	rddreg [dreg:$0xc];
	v5 =	vld.idx.msk [tilespmem:v3+s20+$0x0 ss:$0x1], $0xffff  }
0x3cb: {  	[tilespmem:s0+$0x0] =	vst.add.f32.msk $0xffff, v6  }
0x3cc: {  	s22 =	rddreg [dreg:$0x9]  }
0x3cd: {  	v6 =	vld.idx.msk [tilespmem:v3+s22+$0x0 ss:$0x1], $0xffff;
	_ =	sdelay $0x1  }
0x3ce: {  	s0 =	sadd.s32 s20, s2  }
0x3cf: {  	s24 =	sor.u32 $0x14E0, s17;
	[tilespmem:s0+$0x0] =	vst.add.f32.msk $0xffff, v5  }
0x3d0: {  	s0 =	rddreg [dreg:$0xa];
	v5 =	vld.idx.msk [tilespmem:v3+s24+$0x0 ss:$0x1], $0xffff  }
0x3d1: {  	[tilespmem:s0+$0x0] =	vst.add.f32.msk $0xffff, v6  }
0x3d2: {  	s25 =	rddreg [dreg:$0x6]  }
0x3d3: {  	v6 =	vld.idx.msk [tilespmem:v3+s25+$0x0 ss:$0x1], $0xffff;
	_ =	sdelay $0x1  }
0x3d4: {  	s0 =	sadd.s32 s24, s2  }
0x3d5: {  	[tilespmem:s0+$0x0] =	vst.add.f32.msk $0xffff, v5  }
0x3d6: {  	s0 =	rddreg [dreg:$0x7]  }
0x3d7: {  	[tilespmem:s0+$0x0] =	vst.add.f32.msk $0xffff, v6  }
0x3d8: {  	s0 =	rddreg [dreg:$0x5]  }
0x3d9: {  	v6 =	vld.idx.msk [tilespmem:v3+s0+$0x0 ss:$0x1], $0xffff  }
0x3da: {  	s26 =	sor.u32 $0x14F0, s17  }
0x3db: {  	v5 =	vld.idx.msk [tilespmem:v3+s26+$0x0 ss:$0x1], $0xffff  }
0x3dc: {  	s29 =	sadd.s32 $0x1, s23;
	s3 =	sld [smem:$0x7F1]  }
0x3dd: {  	s0 =	sand.u32 $0x3, s29  }
0x3de: {  	s0 =	sshll.u32 s0, $0x8;
	[tilespmem:s31+$0x0] =	vst.add.f32.msk $0xffff, v6  }
0x3df: {  	s1 =	sadd.s32 s26, s2;
	s0 =	sadd.s32 s0, s3;
	v6 =	vld.idx.msk [tilespmem:v3+s21+$0x0 ss:$0x1], $0xffff  }
0x3e0: {  	[tilespmem:s1+$0x0] =	vst.add.f32.msk $0xffff, v5;
	s1 =	sadd.s32 $0x80, s0  }
0x3e1: {  	s30 =	sor.u32 $0x1800, s1  }
0x3e2: {  	v5 =	vld.idx.msk [tilespmem:v3+s30+$0x0 ss:$0x1], $0xffff;
	_ =	sdelay $0x1  }
0x3e3: {  	s4 =	sor.u32 $0x1800, s0;
	[tilespmem:s18+$0x0] =	vst.add.f32.msk $0xffff, v6  }
0x3e4: {  	v6 =	vld.idx.msk [tilespmem:v3+s4+$0x0 ss:$0x1], $0xffff  }
0x3e5: {  	s3 =	sadd.s32 s30, s2  }
0x3e6: {  	s31 =	sor.u32 $0x1810, s1;
	[tilespmem:s3+$0x0] =	vst.add.f32.msk $0xffff, v5  }
0x3e7: {  	v5 =	vld.idx.msk [tilespmem:v3+s31+$0x0 ss:$0x1], $0xffff  }
0x3e8: {  	s4 =	sadd.s32 s4, s2  }
0x3e9: {  	s14 =	sor.u32 $0x1810, s0;
	[tilespmem:s4+$0x0] =	vst.add.f32.msk $0xffff, v6  }
0x3ea: {  	v6 =	vld.idx.msk [tilespmem:v3+s14+$0x0 ss:$0x1], $0xffff  }
0x3eb: {  	s3 =	sadd.s32 s31, s2  }
0x3ec: {  	s10 =	sor.u32 $0x1820, s1;
	[tilespmem:s3+$0x0] =	vst.add.f32.msk $0xffff, v5  }
0x3ed: {  	v5 =	vld.idx.msk [tilespmem:v3+s10+$0x0 ss:$0x1], $0xffff  }
0x3ee: {  	s4 =	sadd.s32 s14, s2  }
0x3ef: {  	s17 =	sor.u32 $0x1820, s0;
	[tilespmem:s4+$0x0] =	vst.add.f32.msk $0xffff, v6  }
0x3f0: {  	v6 =	vld.idx.msk [tilespmem:v3+s17+$0x0 ss:$0x1], $0xffff  }
0x3f1: {  	s3 =	sadd.s32 s10, s2  }
0x3f2: {  	s16 =	sor.u32 $0x1830, s1;
	[tilespmem:s3+$0x0] =	vst.add.f32.msk $0xffff, v5  }
0x3f3: {  	v5 =	vld.idx.msk [tilespmem:v3+s16+$0x0 ss:$0x1], $0xffff  }
0x3f4: {  	s4 =	sadd.s32 s17, s2  }
0x3f5: {  	s20 =	sor.u32 $0x1830, s0;
	[tilespmem:s4+$0x0] =	vst.add.f32.msk $0xffff, v6  }
0x3f6: {  	v6 =	vld.idx.msk [tilespmem:v3+s20+$0x0 ss:$0x1], $0xffff  }
0x3f7: {  	s3 =	sadd.s32 s16, s2  }
0x3f8: {  	s18 =	sor.u32 $0x1840, s1;
	[tilespmem:s3+$0x0] =	vst.add.f32.msk $0xffff, v5  }
0x3f9: {  	v5 =	vld.idx.msk [tilespmem:v3+s18+$0x0 ss:$0x1], $0xffff  }
0x3fa: {  	s4 =	sadd.s32 s20, s2  }
0x3fb: {  	s22 =	sor.u32 $0x1840, s0;
	[tilespmem:s4+$0x0] =	vst.add.f32.msk $0xffff, v6  }
0x3fc: {  	v6 =	vld.idx.msk [tilespmem:v3+s22+$0x0 ss:$0x1], $0xffff  }
0x3fd: {  	s3 =	sadd.s32 s18, s2  }
0x3fe: {  	s21 =	sor.u32 $0x1850, s1;
	[tilespmem:s3+$0x0] =	vst.add.f32.msk $0xffff, v5  }
0x3ff: {  	v5 =	vld.idx.msk [tilespmem:v3+s21+$0x0 ss:$0x1], $0xffff  }
0x400: {  	s4 =	sadd.s32 s22, s2  }
0x401: {  	s24 =	sor.u32 $0x1850, s0;
	[tilespmem:s4+$0x0] =	vst.add.f32.msk $0xffff, v6  }
0x402: {  	v6 =	vld.idx.msk [tilespmem:v3+s24+$0x0 ss:$0x1], $0xffff  }
0x403: {  	s3 =	sadd.s32 s21, s2  }
0x404: {  	s23 =	sor.u32 $0x1860, s1;
	[tilespmem:s3+$0x0] =	vst.add.f32.msk $0xffff, v5  }
0x405: {  	v5 =	vld.idx.msk [tilespmem:v3+s23+$0x0 ss:$0x1], $0xffff  }
0x406: {  	s4 =	sadd.s32 s24, s2  }
0x407: {  	s26 =	sor.u32 $0x1860, s0;
	[tilespmem:s4+$0x0] =	vst.add.f32.msk $0xffff, v6  }
0x408: {  	v6 =	vld.idx.msk [tilespmem:v3+s26+$0x0 ss:$0x1], $0xffff  }
0x409: {  	s3 =	sadd.s32 s23, s2  }
0x40a: {  	s25 =	sor.u32 $0x1870, s1;
	[tilespmem:s3+$0x0] =	vst.add.f32.msk $0xffff, v5  }
0x40b: {  	v5 =	vld.idx.msk [tilespmem:v3+s25+$0x0 ss:$0x1], $0xffff  }
0x40c: {  	s4 =	sadd.s32 s26, s2  }
0x40d: {  	s30 =	sor.u32 $0x1870, s0;
	[tilespmem:s4+$0x0] =	vst.add.f32.msk $0xffff, v6  }
0x40e: {  	v6 =	vld.idx.msk [tilespmem:v3+s30+$0x0 ss:$0x1], $0xffff  }
0x40f: {  	s3 =	sadd.s32 s25, s2  }
0x410: {  	s29 =	sor.u32 $0x1C00, s1;
	[tilespmem:s3+$0x0] =	vst.add.f32.msk $0xffff, v5  }
0x411: {  	v5 =	vld.idx.msk [tilespmem:v3+s29+$0x0 ss:$0x1], $0xffff  }
0x412: {  	s4 =	sadd.s32 s30, s2  }
0x413: {  	s10 =	sor.u32 $0x1C00, s0;
	[tilespmem:s4+$0x0] =	vst.add.f32.msk $0xffff, v6  }
0x414: {  	v6 =	vld.idx.msk [tilespmem:v3+s10+$0x0 ss:$0x1], $0xffff  }
0x415: {  	[tilespmem:s28+$0x0] =	vst.add.f32.msk $0xffff, v4;
	s3 =	sadd.s32 s29, s2  }
0x416: {  	s31 =	sor.u32 $0x1C10, s1;
	[tilespmem:s3+$0x0] =	vst.add.f32.msk $0xffff, v5  }
0x417: {  	v5 =	vld.idx.msk [tilespmem:v3+s31+$0x0 ss:$0x1], $0xffff  }
0x418: {  	v4 =	vld.idx.msk [tilespmem:v3+s19+$0x0 ss:$0x1], $0xffff;
	s4 =	sadd.s32 s10, s2  }
0x419: {  	s16 =	sor.u32 $0x1C10, s0;
	[tilespmem:s4+$0x0] =	vst.add.f32.msk $0xffff, v6  }
0x41a: {  	v6 =	vld.idx.msk [tilespmem:v3+s16+$0x0 ss:$0x1], $0xffff  }
0x41b: {  	s3 =	sadd.s32 s31, s2  }
0x41c: {  	s14 =	sor.u32 $0x1C20, s1;
	[tilespmem:s3+$0x0] =	vst.add.f32.msk $0xffff, v5  }
0x41d: {  	v5 =	vld.idx.msk [tilespmem:v3+s14+$0x0 ss:$0x1], $0xffff  }
0x41e: {  	[tilespmem:s15+$0x0] =	vst.add.f32.msk $0xffff, v4;
	s4 =	sadd.s32 s16, s2  }
0x41f: {  	s18 =	sor.u32 $0x1C20, s0;
	[tilespmem:s4+$0x0] =	vst.add.f32.msk $0xffff, v6  }
0x420: {  	v6 =	vld.idx.msk [tilespmem:v3+s18+$0x0 ss:$0x1], $0xffff  }
0x421: {  	v4 =	vld.idx.msk [tilespmem:v3+s13+$0x0 ss:$0x1], $0xffff;
	s3 =	sadd.s32 s14, s2  }
0x422: {  	s17 =	sor.u32 $0x1C30, s1;
	[tilespmem:s3+$0x0] =	vst.add.f32.msk $0xffff, v5  }
0x423: {  	v5 =	vld.idx.msk [tilespmem:v3+s17+$0x0 ss:$0x1], $0xffff  }
0x424: {  	s4 =	sadd.s32 s18, s2  }
0x425: {  	s21 =	sor.u32 $0x1C30, s0;
	[tilespmem:s4+$0x0] =	vst.add.f32.msk $0xffff, v6  }
0x426: {  	v6 =	vld.idx.msk [tilespmem:v3+s21+$0x0 ss:$0x1], $0xffff  }
0x427: {  	[tilespmem:s9+$0x0] =	vst.add.f32.msk $0xffff, v4;
	s3 =	sadd.s32 s17, s2  }
0x428: {  	s20 =	sor.u32 $0x1C40, s1;
	[tilespmem:s3+$0x0] =	vst.add.f32.msk $0xffff, v5  }
0x429: {  	v5 =	vld.idx.msk [tilespmem:v3+s20+$0x0 ss:$0x1], $0xffff  }
0x42a: {  	v4 =	vld.idx.msk [tilespmem:v3+s12+$0x0 ss:$0x1], $0xffff;
	s4 =	sadd.s32 s21, s2  }
0x42b: {  	s23 =	sor.u32 $0x1C40, s0;
	[tilespmem:s4+$0x0] =	vst.add.f32.msk $0xffff, v6  }
0x42c: {  	v6 =	vld.idx.msk [tilespmem:v3+s23+$0x0 ss:$0x1], $0xffff  }
0x42d: {  	s3 =	sadd.s32 s20, s2  }
0x42e: {  	s22 =	sor.u32 $0x1C50, s1;
	[tilespmem:s3+$0x0] =	vst.add.f32.msk $0xffff, v5  }
0x42f: {  	v5 =	vld.idx.msk [tilespmem:v3+s22+$0x0 ss:$0x1], $0xffff  }
0x430: {  	[tilespmem:s8+$0x0] =	vst.add.f32.msk $0xffff, v4;
	s24 =	sadd.s32 s23, s2  }
0x431: {  	s25 =	sor.u32 $0x1C50, s0;
	[tilespmem:s24+$0x0] =	vst.add.f32.msk $0xffff, v6  }
0x432: {  	v59 =	vld.idx.msk [tilespmem:v3+s25+$0x0 ss:$0x1], $0xffff  }
0x433: {  	v61 =	vld.idx.msk [tilespmem:v3+s11+$0x0 ss:$0x1], $0xffff;
	s3 =	sadd.s32 s22, s2  }
0x434: {  	s26 =	sor.u32 $0x1C60, s1;
	[tilespmem:s3+$0x0] =	vst.add.f32.msk $0xffff, v5  }
0x435: {  	v60 =	vld.idx.msk [tilespmem:v3+s26+$0x0 ss:$0x1], $0xffff  }
0x436: {  	s3 =	sadd.s32 s25, s2  }
0x437: {  	s28 =	sor.u32 $0x1C60, s0;
	[tilespmem:s3+$0x0] =	vst.add.f32.msk $0xffff, v59  }
0x438: {  	v5 =	vld.idx.msk [tilespmem:v3+s28+$0x0 ss:$0x1], $0xffff  }
0x439: {  	[tilespmem:s7+$0x0] =	vst.add.f32.msk $0xffff, v61;
	s4 =	sadd.s32 s26, s2  }
0x43a: {  	s1 =	sor.u32 $0x1C70, s1;
	[tilespmem:s4+$0x0] =	vst.add.f32.msk $0xffff, v60  }
0x43b: {  	v63 =	vld.idx.msk [tilespmem:v3+s1+$0x0 ss:$0x1], $0xffff  }
0x43c: {  	v62 =	vld.idx.msk [tilespmem:v3+s5+$0x0 ss:$0x1], $0xffff;
	s3 =	sadd.s32 s28, s2  }
0x43d: {  	s0 =	sor.u32 $0x1C70, s0;
	[tilespmem:s3+$0x0] =	vst.add.f32.msk $0xffff, v5  }
0x43e: {  	v3 =	vld.idx.msk [tilespmem:v3+s0+$0x0 ss:$0x1], $0xffff  }
0x43f: {  	s1 =	sadd.s32 s1, s2  }
0x440: {  	[tilespmem:s1+$0x0] =	vst.add.f32.msk $0xffff, v63  }
0x441: {  	s1 =	sld [smem:$0x7EE];
	[tilespmem:s6+$0x0] =	vst.add.f32.msk $0xffff, v62  }
0x442: {  	s0 =	sadd.s32 s0, s2;
	s3 =	sld [smem:$0x7F2]  }
0x443: {  	s4 =	sld [smem:$0x7FC];
	[tilespmem:s0+$0x0] =	vst.add.f32.msk $0xffff, v3  }
0x444: {  	s8 =	sld [smem:$0x7EF];
	_ =	sdelay $0x2  }
0x445: {  	s8 =	sadd.s32 $0x1, s8  }
0x446: {  	p0 =	sne.s32 s8, $0x40  }
.Ltmp5:
0x447: {  	s30 =	sld [smem:$0x7F0];
	(pc) =	sbr.rel @p0 .LBB2_2-.Ltmp5, $4  }
0x448: {  	s1 =	sshll.u32 s1, $0xB  }
0x449: {  	s3 =	sshll.u32 s3, $0x14;
	s1 =	sadd.s32 s1, s4  }
0x44a: {  	s31 =	simm.s32 $0x0;
	s29 =	sadd.s32 s3, s1;
	s1 =	sadd.s32 $0x6, s30  }
0x44b: {  	[hbm4b:s29+s31] =	stream.linear.scatter [tilespmem:s2], [sflag:s1], $0x4000, $0x38;
	[tilespmem:$0x1E000] =	vst v63  }
0x44c: {  	s0 =	simm.s32 $0x8  }
0x44d: {  	_ =	swait.ge [sflag:s0], $0x4000  }
0x44e: {  	[sflag:s0] =	ssyncset.done $0x0  }
0x44f: {  	s1 =	simm.s32 $0x9;
	[sflag:s0] =	ssyncadd.s32 $0xFFFFC000  }
0x450: {  	_ =	swait.ge [sflag:s1], $0x4000  }
0x451: {  	s2 =	sld [smem:$0x7F3]  }
0x452: {  	s31 =	sld [smem:$0x7FD];
	_ =	sdelay $0x1  }
0x453: {  	s2 =	sadd.s32 $0x1, s2  }
0x454: {  	p0 =	sne.s32 s2, s31  }
.Ltmp6:
0x455: {  	_ = 	snop;
	(pc) =	sbr.rel @p0 .LBB2_1-.Ltmp6, $3  }
0x456: {  	_ =	sdelay $0x1  }
0x457: {  	[sflag:s1] =	ssyncset.done $0x0  }
0x458: {  	[sflag:s1] =	ssyncadd.s32 $0xFFFFC000  }
0x459: {  	_ =	sfence.sel $0x180000  }
0x45a: {  	[bflag:$0x0] =	sbarrier.arrive $0xFFFF  }
0x45b: {  	_ =	strace $0x90000047  }
0x45c: {  	s0 =	stileid.u32;
	[bflag:$0x2] =	sbarrier.arrive $0xFFFF  }
0x45d: {  	p0 =	sne.s32 s0, $0x0;
	s0 =	rddreg [dreg:$0x4]  }
0x45e: {  	s0 =	sadd.s32 @!p0 $0x100000, s0  }
0x45f: {  	[sflag:s0] =	ssyncadd.tile.s32 @!p0 $0x1;
	_ =	shalt  }
.Lfunc_end2:
_tile_overlayer_lowered:
.L_overlay_start_2:
0x460: {  	(tag) =	ssettag $0x2  }
0x461: {  	s0 =	rddreg [dreg:$0x0];
	s2 =	stileid.u32  }
0x462: {  	s1 =	rddreg [dreg:$0x1];
	p0 =	sne.s32 s2, $0x0  }
0x463: {  	s3 =	rddreg [dreg:$0x2];
	[bflag:$0x3] =	sbarrier.arrive $0xFFFF;
	s2 =	simm.s32 @!p0 $0x1C0D  }
0x464: {  	[timem:s3], [sflag:s2] =	dma.local @!p0 [hbm:s0], s1  }
0x465: {  	s0 =	simm.s32 @!p0 $0xD  }
0x466: {  	_ =	swait.ge @!p0 [sflag:s0], s1  }
0x467: {  	s1 =	ssub.s32 @!p0 $0x0, s1;
	[sflag:s0] =	ssyncset.done @!p0 $0x0  }
0x468: {  	[sflag:s0] =	ssyncadd.s32 @!p0 s1  }
0x469: {  	[bflag:$0x3] =	sbarrier.arrive $0xFFFF  }
0x46a: {  	_ =	shalt  }

</sc_bundles>
